<compile_context>
chip_gen: v7x
topology: tpu7x:2x2x1
jax: 0.10.2.dev20260603
libtpu: 0.0.44.dev20260713+nightly
codegen_flags: <defaults>
</compile_context>

<pallas_src>
import functools

import jax
import jax.numpy as jnp
from jax import lax
from jax.experimental import pallas as pl
from jax.experimental.pallas import tpu as pltpu
from jax.experimental.pallas import tpu_sc as plsc

N = 50000
FIN = 9
E = 800000
H = 64
G = 128
C = 10
EMD = 200
DEPTH = 2

ROWS = 400
NTILES = N // ROWS

NC_SC = 2
NS_SC = 16
HW = H // 2
KCH = 256
AGGR = 50176
WR = AGGR // NS_SC
EPAD = NS_SC * AGGR
EWP = EPAD // NS_SC
NCHW = EWP // KCH
SINK = N + 16


def _scatter_round(hL, hR, srcp, dstp, zrows, out2, agg_sh, c, s,
                   sidx, didx, rb, semI, semG, semS):
    pltpu.sync_copy(zrows, agg_sh.at[pl.ds(s * WR, WR)])
    plsc.subcore_barrier()

    def run(h):
        def issue_idx(t, p):
            base = s * EWP + t * KCH
            pltpu.async_copy(srcp.at[pl.ds(base, KCH)], sidx[p], semI[p])
            pltpu.async_copy(dstp.at[pl.ds(base, KCH)], didx[p], semI[p])

        def wait_idx(t, p):
            base = s * EWP + t * KCH
            pltpu.make_async_copy(srcp.at[pl.ds(base, KCH)], sidx[p], semI[p]).wait()
            pltpu.make_async_copy(dstp.at[pl.ds(base, KCH)], didx[p], semI[p]).wait()

        issue_idx(0, 0)
        issue_idx(1, 1)
        wait_idx(0, 0)
        pltpu.async_copy(h.at[sidx[0]], rb[0], semG[0])

        def body(t, carry):
            def step(p, q):
                pltpu.make_async_copy(h.at[sidx[p]], rb[p], semG[p]).wait()

                @pl.when(t + 1 < NCHW)
                def _():
                    @pl.when(t >= 1)
                    def _():
                        pltpu.make_async_copy(rb[q], agg_sh.at[didx[q]], semS[q]).wait()
                    wait_idx(t + 1, q)
                    pltpu.async_copy(h.at[sidx[q]], rb[q], semG[q])

                pltpu.async_copy(rb[p], agg_sh.at[didx[p]], semS[p], add=True)

                @pl.when(t + 2 < NCHW)
                def _():
                    issue_idx(t + 2, p)

            @pl.when(lax.rem(t, 2) == 0)
            def _():
                step(0, 1)

            @pl.when(lax.rem(t, 2) == 1)
            def _():
                step(1, 0)

            return carry

        lax.fori_loop(0, NCHW, body, jnp.int32(0))
        pltpu.make_async_copy(rb[0], agg_sh.at[didx[0]], semS[0]).wait()
        pltpu.make_async_copy(rb[1], agg_sh.at[didx[1]], semS[1]).wait()

    @pl.when(c == 0)
    def _():
        run(hL)

    @pl.when(c == 1)
    def _():
        run(hR)

    plsc.subcore_barrier()
    pltpu.sync_copy(agg_sh.at[pl.ds(s * WR, WR)], out2.at[c, pl.ds(s * WR, WR)])
    plsc.subcore_barrier()


def _sc_scatter_body(hL, hR, srcp, dstp, zrows, out, agg_sh,
                     sidx0, sidx1, didx0, didx1, rb0, rb1,
                     semI0, semI1, semG0, semG1, semS0, semS1):
    c = lax.axis_index("c")
    s = lax.axis_index("s")
    _scatter_round(hL, hR, srcp, dstp, zrows, out, agg_sh, c, s,
                   (sidx0, sidx1), (didx0, didx1), (rb0, rb1),
                   (semI0, semI1), (semG0, semG1), (semS0, semS1))


_SC_SCATTER_CACHE = []


def _get_sc_scatter():
    if not _SC_SCATTER_CACHE:
        mesh = plsc.VectorSubcoreMesh(core_axis_name="c", subcore_axis_name="s")
        _SC_SCATTER_CACHE.append(pl.kernel(
            _sc_scatter_body,
            out_type=jax.ShapeDtypeStruct((NC_SC, AGGR, HW), jnp.float32),
            mesh=mesh,
            scratch_types=[
                pltpu.VMEM_SHARED((AGGR, HW), jnp.float32),
                pltpu.VMEM((KCH,), jnp.int32),
                pltpu.VMEM((KCH,), jnp.int32),
                pltpu.VMEM((KCH,), jnp.int32),
                pltpu.VMEM((KCH,), jnp.int32),
                pltpu.VMEM((KCH, HW), jnp.float32),
                pltpu.VMEM((KCH, HW), jnp.float32),
                pltpu.SemaphoreType.DMA,
                pltpu.SemaphoreType.DMA,
                pltpu.SemaphoreType.DMA,
                pltpu.SemaphoreType.DMA,
                pltpu.SemaphoreType.DMA,
                pltpu.SemaphoreType.DMA,
            ],
            compiler_params=pltpu.CompilerParams(use_tc_tiling_on_sc=False),
        ))
    return _SC_SCATTER_CACHE[0]


def _scatter(hL, hR, srcp, dstp, zrows):
    o2 = _get_sc_scatter()(hL, hR, srcp, dstp, zrows)
    return o2[0, :N], o2[1, :N]



def _split_body(ei_ref, src_ref, dst_ref):
    src_ref[pl.ds(0, E)] = ei_ref[0, :]
    dst_ref[pl.ds(0, E)] = ei_ref[1, :]
    src_ref[pl.ds(E, EPAD - E)] = jnp.zeros((EPAD - E,), jnp.int32)
    dst_ref[pl.ds(E, EPAD - E)] = jnp.full((EPAD - E,), SINK, jnp.int32)


def _tc_split_edges(edge_index):
    return pl.pallas_call(
        _split_body,
        out_shape=[
            jax.ShapeDtypeStruct((EPAD,), jnp.int32),
            jax.ShapeDtypeStruct((EPAD,), jnp.int32),
        ],
    )(edge_index.astype(jnp.int32))



def _emb_body(x_ref, emb_ref, xe_ref, l_ref, r_ref, z_ref, st_ref, acc_ref):
    i = pl.program_id(0)
    f32 = jnp.float32
    iota_e = lax.broadcasted_iota(jnp.int32, (ROWS, EMD), 1)
    acc = jnp.zeros((ROWS, H), f32)
    for k in range(FIN):
        oh = (x_ref[:, k][:, None] == iota_e).astype(f32)
        acc = acc + jnp.dot(oh, emb_ref[k], preferred_element_type=f32)
    xe_ref[...] = acc
    l_ref[...] = acc[:, :HW]
    r_ref[...] = acc[:, HW:]

    @pl.when(i == 0)
    def _():
        z_ref[...] = jnp.zeros_like(z_ref)
        acc_ref[...] = jnp.zeros_like(acc_ref)

    acc_ref[0, :] += jnp.sum(acc, axis=0)
    acc_ref[1, :] += jnp.sum(acc * acc, axis=0)

    @pl.when(i == NTILES - 1)
    def _():
        st_ref[...] = acc_ref[...]


def _tc_embed(x, atom_emb):
    return pl.pallas_call(
        _emb_body,
        grid=(NTILES,),
        in_specs=[
            pl.BlockSpec((ROWS, FIN), lambda i: (i, 0)),
            pl.BlockSpec((FIN, EMD, H), lambda i: (0, 0, 0)),
        ],
        out_specs=[
            pl.BlockSpec((ROWS, H), lambda i: (i, 0)),
            pl.BlockSpec((ROWS, HW), lambda i: (i, 0)),
            pl.BlockSpec((ROWS, HW), lambda i: (i, 0)),
            pl.BlockSpec((WR, HW), lambda i: (0, 0)),
            pl.BlockSpec((2, H), lambda i: (0, 0)),
        ],
        out_shape=[
            jax.ShapeDtypeStruct((N, H), jnp.float32),
            jax.ShapeDtypeStruct((N, HW), jnp.float32),
            jax.ShapeDtypeStruct((N, HW), jnp.float32),
            jax.ShapeDtypeStruct((WR, HW), jnp.float32),
            jax.ShapeDtypeStruct((2, H), jnp.float32),
        ],
        scratch_shapes=[pltpu.VMEM((2, H), jnp.float32)],
    )(x.astype(jnp.int32), atom_emb)



def _tail_body(e0_ref, e1_ref, e2_ref, b_ref, st_ref, Wg_ref, bg_ref, Wl_ref,
               bl_ref, Wc_ref, bc_ref, Wm1_ref, bm1_ref, Wm2_ref, bm2_ref,
               out_ref, kld_ref, diff_ref, mi_ref,
               segg_ref, segl_ref, M_ref, cjb_ref, ja0_ref, sm_ref):
    i = pl.program_id(0)
    f32 = jnp.float32
    dn = (((0,), (0,)), ((), ()))

    @pl.when(i == 0)
    def _():
        segg_ref[...] = jnp.zeros_like(segg_ref)
        segl_ref[...] = jnp.zeros_like(segl_ref)
        M_ref[...] = jnp.zeros_like(M_ref)
        sm_ref[0, 0] = -1e30
        sm_ref[0, 1] = 0.0
        sm_ref[0, 2] = 0.0

    e0 = e0_ref[...]
    e1 = e1_ref[...]
    e2 = e2_ref[...]
    bids = b_ref[0, 0, :]
    iota_g = lax.broadcasted_iota(jnp.int32, (ROWS, G), 1)
    oh = (bids[:, None] == iota_g).astype(f32)
    segg_ref[...] += lax.dot_general(oh, e1, dn, preferred_element_type=f32)
    segl_ref[...] += lax.dot_general(oh, e0, dn, preferred_element_type=f32)

    n0 = jnp.sqrt(jnp.sum(e0 * e0, axis=1, keepdims=True))
    n1 = jnp.sqrt(jnp.sum(e1 * e1, axis=1, keepdims=True))
    a2 = e0 / (n0 + 1e-6)
    b2 = e1 / (n1 + 1e-6)
    M_ref[...] += lax.dot_general(a2, b2, dn, preferred_element_type=f32)

    Wm1a = Wm1_ref[:H, :]
    Wm1b = Wm1_ref[H:, :]
    ja = jnp.dot(e1, Wm1a, preferred_element_type=f32)
    jb = jnp.dot(e2, Wm1b, preferred_element_type=f32)
    bm1 = bm1_ref[0, :]
    bm2 = bm2_ref[0, 0]
    joint_h = jnp.maximum(ja + jb + bm1, 0.0)
    joint_v = jnp.dot(joint_h, Wm2_ref[...], preferred_element_type=f32)[:, 0] + bm2
    sm_ref[0, 2] += jnp.sum(joint_v)

    jb_shift = jnp.concatenate([cjb_ref[...], jb[:ROWS - 1]], axis=0)
    cjb_ref[...] = jb[ROWS - 1:ROWS]

    @pl.when(i == 0)
    def _():
        ja0_ref[...] = ja[0:1]

    marg_h = jnp.maximum(ja + jb_shift + bm1, 0.0)
    marg_v = jnp.dot(marg_h, Wm2_ref[...], preferred_element_type=f32)[:, 0] + bm2
    rowid = lax.broadcasted_iota(jnp.int32, (ROWS,), 0)
    valid = (i > 0) | (rowid > 0)
    marg_v = jnp.where(valid, marg_v, -1e30)

    mold = sm_ref[0, 0]
    mnew = jnp.maximum(mold, jnp.max(marg_v))
    sm_ref[0, 1] = sm_ref[0, 1] * jnp.exp(mold - mnew) + jnp.sum(jnp.exp(marg_v - mnew))
    sm_ref[0, 0] = mnew

    @pl.when(i == NTILES - 1)
    def _():
        mh0 = jnp.maximum(ja0_ref[...] + cjb_ref[...] + bm1, 0.0)
        mv0 = jnp.dot(mh0, Wm2_ref[...], preferred_element_type=f32)[0, 0] + bm2
        m_all = jnp.maximum(sm_ref[0, 0], mv0)
        s_all = sm_ref[0, 1] * jnp.exp(sm_ref[0, 0] - m_all) + jnp.exp(mv0 - m_all)
        lse = jnp.log(s_all) + m_all
        mi_ref[...] = jnp.broadcast_to(sm_ref[0, 2] * (1.0 / N) - (lse - jnp.log(jnp.float32(N))), (1, 1))

        xg = jnp.maximum(jnp.dot(segg_ref[...], Wg_ref[...],
                                 preferred_element_type=f32) + bg_ref[0, :], 0.0)
        xl = jnp.maximum(jnp.dot(segl_ref[...], Wl_ref[...],
                                 preferred_element_type=f32) + bl_ref[0, :], 0.0)
        out_ref[...] = jnp.dot(xl + xg, Wc_ref[...],
                               preferred_element_type=f32) + bc_ref[0, :]

        Mv = M_ref[...]
        diff_ref[...] = jnp.broadcast_to(jnp.sum(Mv * Mv) * (1.0 / (H * H)), (1, 1))

        mu = st_ref[0, :] * (1.0 / N)
        var1 = (st_ref[1, :] - N * mu * mu) * (1.0 / (N - 1))
        kld_ref[...] = jnp.broadcast_to(-0.5 * jnp.mean(1.0 + jnp.log(var1) - mu * mu - var1), (1, 1))


def _tc_tail(e0, e1, e2, batch3, xstats, Wg, bg, Wl, bl, Wclf, bclf, Wm1, bm1, Wm2, bm2):
    cm = lambda i: (0, 0)
    return pl.pallas_call(
        _tail_body,
        grid=(NTILES,),
        in_specs=[
            pl.BlockSpec((ROWS, H), lambda i: (i, 0)),
            pl.BlockSpec((ROWS, H), lambda i: (i, 0)),
            pl.BlockSpec((ROWS, H), lambda i: (i, 0)),
            pl.BlockSpec((1, 1, ROWS), lambda i: (i, 0, 0)),
            pl.BlockSpec((2, H), cm),
            pl.BlockSpec((H, H), cm),
            pl.BlockSpec((1, H), cm),
            pl.BlockSpec((H, H), cm),
            pl.BlockSpec((1, H), cm),
            pl.BlockSpec((H, C), cm),
            pl.BlockSpec((1, C), cm),
            pl.BlockSpec((2 * H, H), cm),
            pl.BlockSpec((1, H), cm),
            pl.BlockSpec((H, 1), cm),
            pl.BlockSpec((1, 1), cm),
        ],
        out_specs=[
            pl.BlockSpec((G, C), cm),
            pl.BlockSpec((1, 1), cm),
            pl.BlockSpec((1, 1), cm),
            pl.BlockSpec((1, 1), cm),
        ],
        out_shape=[
            jax.ShapeDtypeStruct((G, C), jnp.float32),
            jax.ShapeDtypeStruct((1, 1), jnp.float32),
            jax.ShapeDtypeStruct((1, 1), jnp.float32),
            jax.ShapeDtypeStruct((1, 1), jnp.float32),
        ],
        scratch_shapes=[
            pltpu.VMEM((G, H), jnp.float32),
            pltpu.VMEM((G, H), jnp.float32),
            pltpu.VMEM((H, H), jnp.float32),
            pltpu.VMEM((1, H), jnp.float32),
            pltpu.VMEM((1, H), jnp.float32),
            pltpu.SMEM((1, 4), jnp.float32),
        ],
    )(e0, e1, e2, batch3, xstats, Wg, bg, Wl, bl, Wclf, bclf, Wm1, bm1, Wm2, bm2)



def _passA_gen_body(nh, *refs):
    i = pl.program_id(0)
    f32 = jnp.float32
    if nh == 1:
        h_ref, aL_ref, aR_ref, W_ref, b_ref, s_ref, stats_ref, acc_ref = refs
        ms = [h_ref[...] + jnp.concatenate([aL_ref[...], aR_ref[...]], axis=1)] * 3
    else:
        (h0, h1, h2, aL0, aR0, aL1, aR1, aL2, aR2,
         W_ref, b_ref, s_ref, stats_ref, acc_ref) = refs
        ms = [
            h0[...] + jnp.concatenate([aL0[...], aR0[...]], axis=1),
            h1[...] + jnp.concatenate([aL1[...], aR1[...]], axis=1),
            h2[...] + jnp.concatenate([aL2[...], aR2[...]], axis=1),
        ]

    @pl.when(i == 0)
    def _():
        acc_ref[...] = jnp.zeros_like(acc_ref)

    for k in range(3):
        s = jnp.dot(ms[k], W_ref[k], preferred_element_type=f32) + b_ref[k]
        s_ref[k] = s
        acc_ref[k, 0, :] += jnp.sum(s, axis=0)
        acc_ref[k, 1, :] += jnp.sum(s * s, axis=0)

    @pl.when(i == NTILES - 1)
    def _():
        stats_ref[...] = acc_ref[...]


def _passA(h, aggL, aggR, W1, b1):
    rb = lambda i: (i, 0)
    return pl.pallas_call(
        functools.partial(_passA_gen_body, 1),
        grid=(NTILES,),
        in_specs=[
            pl.BlockSpec((ROWS, H), rb),
            pl.BlockSpec((ROWS, HW), rb),
            pl.BlockSpec((ROWS, HW), rb),
            pl.BlockSpec((3, H, H), lambda i: (0, 0, 0)),
            pl.BlockSpec((3, 1, H), lambda i: (0, 0, 0)),
        ],
        out_specs=[
            pl.BlockSpec((3, ROWS, H), lambda i: (0, i, 0)),
            pl.BlockSpec((3, 2, H), lambda i: (0, 0, 0)),
        ],
        out_shape=[
            jax.ShapeDtypeStruct((3, N, H), jnp.float32),
            jax.ShapeDtypeStruct((3, 2, H), jnp.float32),
        ],
        scratch_shapes=[pltpu.VMEM((3, 2, H), jnp.float32)],
    )(h, aggL, aggR, W1, b1)


def _passA3(hs, aggs, W1, b1):
    rb = lambda i: (i, 0)
    h0, h1, h2 = hs
    (aL0, aR0), (aL1, aR1), (aL2, aR2) = aggs
    return pl.pallas_call(
        functools.partial(_passA_gen_body, 3),
        grid=(NTILES,),
        in_specs=[
            pl.BlockSpec((ROWS, H), rb),
            pl.BlockSpec((ROWS, H), rb),
            pl.BlockSpec((ROWS, H), rb),
        ] + [pl.BlockSpec((ROWS, HW), rb)] * 6 + [
            pl.BlockSpec((3, H, H), lambda i: (0, 0, 0)),
            pl.BlockSpec((3, 1, H), lambda i: (0, 0, 0)),
        ],
        out_specs=[
            pl.BlockSpec((3, ROWS, H), lambda i: (0, i, 0)),
            pl.BlockSpec((3, 2, H), lambda i: (0, 0, 0)),
        ],
        out_shape=[
            jax.ShapeDtypeStruct((3, N, H), jnp.float32),
            jax.ShapeDtypeStruct((3, 2, H), jnp.float32),
        ],
        scratch_shapes=[pltpu.VMEM((3, 2, H), jnp.float32)],
    )(h0, h1, h2, aL0, aR0, aL1, aR1, aL2, aR2, W1, b1)



def _passB3_body(relu_out, split, s_ref, stats_ref, gamma_ref, beta_ref, W2_ref, b2_ref,
                 *out_refs):
    f32 = jnp.float32
    for k in range(3):
        mu = stats_ref[k, 0, :] * (1.0 / N)
        var = stats_ref[k, 1, :] * (1.0 / N) - mu * mu
        inv = lax.rsqrt(var + 1e-5)
        m = (s_ref[k] - mu) * (inv * gamma_ref[k, 0, :]) + beta_ref[k, 0, :]
        m = jnp.maximum(m, 0.0)
        o = jnp.dot(m, W2_ref[k], preferred_element_type=f32) + b2_ref[k, 0, :]
        if relu_out:
            o = jnp.maximum(o, 0.0)
        out_refs[k][...] = o
        if split:
            out_refs[3 + 2 * k][...] = o[:, :HW]
            out_refs[4 + 2 * k][...] = o[:, HW:]


def _passB3(s3, stats3, gamma, beta, W2, b2, relu_out, split):
    rb = lambda i: (i, 0)
    cm = lambda i: (0, 0, 0)
    out_specs = [pl.BlockSpec((ROWS, H), rb)] * 3
    out_shape = [jax.ShapeDtypeStruct((N, H), jnp.float32)] * 3
    if split:
        out_specs += [pl.BlockSpec((ROWS, HW), rb)] * 6
        out_shape += [jax.ShapeDtypeStruct((N, HW), jnp.float32)] * 6
    return pl.pallas_call(
        functools.partial(_passB3_body, relu_out, split),
        grid=(NTILES,),
        in_specs=[
            pl.BlockSpec((3, ROWS, H), lambda i: (0, i, 0)),
            pl.BlockSpec((3, 2, H), cm),
            pl.BlockSpec((3, 1, H), cm),
            pl.BlockSpec((3, 1, H), cm),
            pl.BlockSpec((3, H, H), cm),
            pl.BlockSpec((3, 1, H), cm),
        ],
        out_specs=out_specs,
        out_shape=out_shape,
    )(s3, stats3, gamma, beta, W2, b2)



def kernel(x, edge_index, batch, atom_emb, gin_W1, gin_b1, gin_gamma, gin_beta,
           gin_W2, gin_b2, Wg, bg, Wl, bl, Wclf, bclf, Wm1, bm1, Wm2, bm2):
    f32 = jnp.float32
    srcp, dstp = _tc_split_edges(edge_index)
    xe, xeL, xeR, zrows, xstats = _tc_embed(x, atom_emb)

    b1r = gin_b1.reshape(3, DEPTH, 1, H)
    b2r = gin_b2.reshape(3, DEPTH, 1, H)
    gmr = gin_gamma.reshape(3, DEPTH, 1, H)
    btr = gin_beta.reshape(3, DEPTH, 1, H)

    aL0, aR0 = _scatter(xeL, xeR, srcp, dstp, zrows)
    s_all, stats_all = _passA(xe, aL0, aR0, gin_W1[:, 0], b1r[:, 0])
    (h0, h1, h2, hL0, hR0, hL1, hR1, hL2, hR2) = _passB3(
        s_all, stats_all, gmr[:, 0], btr[:, 0], gin_W2[:, 0], b2r[:, 0],
        relu_out=True, split=True)

    aggs = [_scatter(hL0, hR0, srcp, dstp, zrows),
            _scatter(hL1, hR1, srcp, dstp, zrows),
            _scatter(hL2, hR2, srcp, dstp, zrows)]
    s3, st3 = _passA3((h0, h1, h2), aggs, gin_W1[:, 1], b1r[:, 1])
    encs = _passB3(s3, st3, gmr[:, 1], btr[:, 1], gin_W2[:, 1], b2r[:, 1],
                   relu_out=False, split=False)

    batch3 = batch.astype(jnp.int32).reshape(NTILES, 1, ROWS)
    out, kld2, diff2, mi2 = _tc_tail(
        encs[0], encs[1], encs[2], batch3, xstats,
        Wg, bg.reshape(1, H), Wl, bl.reshape(1, H),
        Wclf, bclf.reshape(1, C), Wm1, bm1.reshape(1, H),
        Wm2, bm2.reshape(1, 1))
    return (out, kld2[0, 0], jnp.float32(0.0), diff2[0, 0], mi2[0, 0])

# --- scband reference (transcript-rebuilt; emitter-appended) ---
"""Pipeline reference for scband-gnn-net-graph-27943057228160 (READ-ONLY COPY).

The authoritative reference and input builder live on the scoring server;
editing this copy changes nothing except your own understanding.
"""

import jax, jax.numpy as jnp
import numpy as np

N = 50000
FIN = 9
E = 800000
H = 64
G = 128
C = 10
EMD = 200
DEPTH = 2


def setup_inputs(seed: int = 0):
    key = jax.random.key(seed)
    ks = jax.random.split(key, 16)
    s = 1.0 / np.sqrt(H)
    inp = {}
    inp["x"] = jax.random.randint(ks[0], (N, FIN), 0, EMD)
    inp["edge_index"] = jax.random.randint(ks[1], (2, E), 0, N)
    inp["batch"] = jnp.sort(jax.random.randint(ks[2], (N,), 0, G))
    inp["atom_emb"] = jax.random.normal(ks[3], (FIN, EMD, H), dtype=jnp.float32) * s
    inp["gin_W1"] = jax.random.normal(ks[4], (3, DEPTH, H, H), dtype=jnp.float32) * s
    inp["gin_b1"] = jnp.zeros((3, DEPTH, H), dtype=jnp.float32)
    inp["gin_gamma"] = jnp.ones((3, DEPTH, H), dtype=jnp.float32)
    inp["gin_beta"] = jnp.zeros((3, DEPTH, H), dtype=jnp.float32)
    inp["gin_W2"] = jax.random.normal(ks[5], (3, DEPTH, H, H), dtype=jnp.float32) * s
    inp["gin_b2"] = jnp.zeros((3, DEPTH, H), dtype=jnp.float32)
    inp["Wg"] = jax.random.normal(ks[6], (H, H), dtype=jnp.float32) * s
    inp["bg"] = jnp.zeros((H,), dtype=jnp.float32)
    inp["Wl"] = jax.random.normal(ks[7], (H, H), dtype=jnp.float32) * s
    inp["bl"] = jnp.zeros((H,), dtype=jnp.float32)
    inp["Wclf"] = jax.random.normal(ks[8], (H, C), dtype=jnp.float32) * s
    inp["bclf"] = jnp.zeros((C,), dtype=jnp.float32)
    inp["Wm1"] = jax.random.normal(ks[9], (2 * H, H), dtype=jnp.float32) * (1.0 / np.sqrt(2 * H))
    inp["bm1"] = jnp.zeros((H,), dtype=jnp.float32)
    inp["Wm2"] = jax.random.normal(ks[10], (H, 1), dtype=jnp.float32) * s
    inp["bm2"] = jnp.zeros((1,), dtype=jnp.float32)
    return inp


def _bn(h, gamma, beta):
    mu = jnp.mean(h, axis=0)
    var = jnp.var(h, axis=0)
    return (h - mu) / jnp.sqrt(var + 1e-5) * gamma + beta


def _gin_net(x, src, dst, W1, b1, gamma, beta, W2, b2):
    h = x
    for l in range(DEPTH):
        agg = jnp.zeros_like(h).at[dst].add(h[src])
        m = h + agg
        m = m @ W1[l] + b1[l]
        m = jax.nn.relu(_bn(m, gamma[l], beta[l]))
        h = m @ W2[l] + b2[l]
        if l + 1 < DEPTH:
            h = jax.nn.relu(h)
    return h


def _diff_loss(a, b):
    n1 = jax.lax.stop_gradient(jnp.linalg.norm(a, axis=1, keepdims=True))
    n2 = jax.lax.stop_gradient(jnp.linalg.norm(b, axis=1, keepdims=True))
    a2 = a / (n1 + 1e-6)
    b2 = b / (n2 + 1e-6)
    return jnp.mean((a2.T @ b2) ** 2)


def _mine(a, b, Wm1, bm1, Wm2, bm2):
    def T(u, v):
        h = jax.nn.relu(jnp.concatenate([u, v], axis=1) @ Wm1 + bm1)
        return (h @ Wm2 + bm2)[:, 0]
    joint = T(a, b)
    marg = T(a, jnp.roll(b, 1, axis=0))
    return jnp.mean(joint) - (jax.scipy.special.logsumexp(marg) - jnp.log(jnp.float32(marg.shape[0])))


def _forward(x, edge_index, batch, atom_emb, gin_W1, gin_b1, gin_gamma, gin_beta, gin_W2, gin_b2, Wg, bg, Wl, bl, Wclf, bclf, Wm1, bm1, Wm2, bm2):
    src, dst = edge_index[0], edge_index[1]
    xe = jnp.zeros((x.shape[0], H), dtype=jnp.float32)
    for i in range(FIN):
        xe = xe + atom_emb[i][x[:, i]]
    mu = jnp.mean(xe, axis=0)
    std = jnp.std(xe, axis=0, ddof=1)
    log_var = jnp.log(std) * 2.0
    kld = -0.5 * jnp.mean(1.0 + log_var - mu ** 2 - jnp.exp(log_var))
    x_local_enc = _gin_net(xe, src, dst, gin_W1[0], gin_b1[0], gin_gamma[0], gin_beta[0], gin_W2[0], gin_b2[0])
    x_global_enc = _gin_net(xe, src, dst, gin_W1[1], gin_b1[1], gin_gamma[1], gin_beta[1], gin_W2[1], gin_b2[1])
    sg = jax.lax.stop_gradient
    x_fixed_enc = _gin_net(xe, src, dst, sg(gin_W1[2]), sg(gin_b1[2]), sg(gin_gamma[2]), sg(gin_beta[2]), sg(gin_W2[2]), sg(gin_b2[2]))
    x_global = jax.ops.segment_sum(x_global_enc, batch, num_segments=G)
    x_global = jax.nn.relu(x_global @ Wg + bg)
    x_local = jax.ops.segment_sum(x_local_enc, batch, num_segments=G)
    x_local = jax.nn.relu(x_local @ Wl + bl)
    diff = _diff_loss(x_local_enc, x_global_enc)
    mi = _mine(x_global_enc, x_fixed_enc, Wm1, bm1, Wm2, bm2)
    out = (x_local + x_global) @ Wclf + bclf
    return out, kld, diff, mi


def reference(x, edge_index, batch, atom_emb, gin_W1, gin_b1, gin_gamma, gin_beta, gin_W2, gin_b2, Wg, bg, Wl, bl, Wclf, bclf, Wm1, bm1, Wm2, bm2):
    out, kld, diff, mi = _forward(x, edge_index, batch, atom_emb, gin_W1, gin_b1, gin_gamma, gin_beta, gin_W2, gin_b2, Wg, bg, Wl, bl, Wclf, bclf, Wm1, bm1, Wm2, bm2)
    return (out, kld, jnp.float32(0.0), diff, mi)

if __name__ == "__main__":
    import jax
    _d = setup_inputs()
    print(jax.jit(kernel)(*tuple(_d.values())))

</pallas_src>

<mosaic_0001>
#map = affine_map<(d0, d1) -> (0, 0)>
#map1 = affine_map<(d0, d1) -> (0)>
#map2 = affine_map<(d0, d1) -> (0, 0, 0)>
module attributes {stable_mosaic.version = 14 : i64} {
  func.func @_sc_scatter_body(%arg0: i32, %arg1: i32, %arg2: memref<50000x32xf32, #tpu.memory_space<hbm>>, %arg3: memref<50000x32xf32, #tpu.memory_space<hbm>>, %arg4: memref<802816xi32, #tpu.memory_space<hbm>>, %arg5: memref<802816xi32, #tpu.memory_space<hbm>>, %arg6: memref<3136x32xf32, #tpu.memory_space<hbm>>, %arg7: memref<2x50176x32xf32, #tpu.memory_space<hbm>>, %arg8: memref<50176x32xf32, #tpu.memory_space<vmem_shared>>, %arg9: memref<256xi32, #tpu.memory_space<vmem>>, %arg10: memref<256xi32, #tpu.memory_space<vmem>>, %arg11: memref<256xi32, #tpu.memory_space<vmem>>, %arg12: memref<256xi32, #tpu.memory_space<vmem>>, %arg13: memref<256x32xf32, #tpu.memory_space<vmem>>, %arg14: memref<256x32xf32, #tpu.memory_space<vmem>>, %arg15: memref<!tpu.dma_semaphore, #tpu.memory_space<semaphore_mem>>, %arg16: memref<!tpu.dma_semaphore, #tpu.memory_space<semaphore_mem>>, %arg17: memref<!tpu.dma_semaphore, #tpu.memory_space<semaphore_mem>>, %arg18: memref<!tpu.dma_semaphore, #tpu.memory_space<semaphore_mem>>, %arg19: memref<!tpu.dma_semaphore, #tpu.memory_space<semaphore_mem>>, %arg20: memref<!tpu.dma_semaphore, #tpu.memory_space<semaphore_mem>>) attributes {dimension_semantics = [#tpu.dimension_semantics<core_parallel>, #tpu.dimension_semantics<subcore_parallel>], iteration_bounds = array<i64: 2, 16>, scalar_prefetch = 0 : i64, scratch_operands = 13 : i64, tpu.core_type = #tpu.core_type<sc_vector_subcore>, window_params = [{transform_indices = #map}, {transform_indices = #map}, {transform_indices = #map1}, {transform_indices = #map1}, {transform_indices = #map}, {transform_indices = #map2}]} {
    %mul3A = arith.constant 3136 : i32
    %mul3A_0 = arith.muli %arg1, %mul3A : i32
    "tpu.region"() ({
      %run_scoped3A = tpu.sem_alloc : memref<!tpu.dma_semaphore, #tpu.memory_space<semaphore_mem>>
      %dma_start3A = arith.constant 0 : i32
      %dma_start3A_14 = tpu.memref_slice %arg8[%mul3A_0, %dma_start3A] : memref<50176x32xf32, #tpu.memory_space<vmem_shared>> -> memref<3136x32xf32, #tpu.memory_space<vmem_shared>>
      tpu.enqueue_dma source(%arg6 : memref<3136x32xf32, #tpu.memory_space<hbm>>) target(%dma_start3A_14 : memref<3136x32xf32, #tpu.memory_space<vmem_shared>>) target_semaphore(%run_scoped3A : memref<!tpu.dma_semaphore, #tpu.memory_space<semaphore_mem>>)
      %dma_wait3A = arith.constant 0 : i32
      %dma_wait3A_15 = tpu.memref_slice %arg8[%mul3A_0, %dma_wait3A] : memref<50176x32xf32, #tpu.memory_space<vmem_shared>> -> memref<3136x32xf32, #tpu.memory_space<vmem_shared>>
      tpu.wait_dma2 semaphore(%run_scoped3A : memref<!tpu.dma_semaphore, #tpu.memory_space<semaphore_mem>>) src(%arg6 : memref<3136x32xf32, #tpu.memory_space<hbm>>) dst(%dma_wait3A_15 : memref<3136x32xf32, #tpu.memory_space<vmem_shared>>)
      tpu.yield
    }) : () -> ()
    %barrier3A = arith.constant 0 : index
    tpu.barrier barrier_id(%barrier3A)
    %eq3A = arith.constant 0 : i32
    %eq3A_1 = arith.cmpi eq, %arg0, %eq3A : i32
    %convert_element_type3A = arith.extui %eq3A_1 : i1 to i32
    %cond3A = arith.constant 0 : i32
    %cond3A_2 = arith.cmpi ne, %convert_element_type3A, %cond3A : i32
    scf.if %cond3A_2 {
      %mul3A_14 = arith.constant 50176 : i32
      %mul3A_15 = arith.muli %arg1, %mul3A_14 : i32
      %add3A = arith.constant 0 : i32
      %add3A_16 = arith.addi %mul3A_15, %add3A : i32
      %dma_start3A = tpu.memref_slice %arg4[%add3A_16] : memref<802816xi32, #tpu.memory_space<hbm>> -> memref<256xi32, #tpu.memory_space<hbm>>
      %dma_start3A_17 = tpu.memref_slice %arg4[%add3A_16] : memref<802816xi32, #tpu.memory_space<hbm>> -> memref<256xi32, #tpu.memory_space<hbm>>
      tpu.enqueue_dma source(%dma_start3A_17 : memref<256xi32, #tpu.memory_space<hbm>>) target(%arg9 : memref<256xi32, #tpu.memory_space<vmem>>) target_semaphore(%arg15 : memref<!tpu.dma_semaphore, #tpu.memory_space<semaphore_mem>>)
      %dma_start3A_18 = tpu.memref_slice %arg5[%add3A_16] : memref<802816xi32, #tpu.memory_space<hbm>> -> memref<256xi32, #tpu.memory_space<hbm>>
      %dma_start3A_19 = tpu.memref_slice %arg5[%add3A_16] : memref<802816xi32, #tpu.memory_space<hbm>> -> memref<256xi32, #tpu.memory_space<hbm>>
      tpu.enqueue_dma source(%dma_start3A_19 : memref<256xi32, #tpu.memory_space<hbm>>) target(%arg11 : memref<256xi32, #tpu.memory_space<vmem>>) target_semaphore(%arg15 : memref<!tpu.dma_semaphore, #tpu.memory_space<semaphore_mem>>)
      %mul3A_20 = arith.constant 50176 : i32
      %mul3A_21 = arith.muli %arg1, %mul3A_20 : i32
      %add3A_22 = arith.constant 256 : i32
      %add3A_23 = arith.addi %mul3A_21, %add3A_22 : i32
      %dma_start3A_24 = tpu.memref_slice %arg4[%add3A_23] : memref<802816xi32, #tpu.memory_space<hbm>> -> memref<256xi32, #tpu.memory_space<hbm>>
      %dma_start3A_25 = tpu.memref_slice %arg4[%add3A_23] : memref<802816xi32, #tpu.memory_space<hbm>> -> memref<256xi32, #tpu.memory_space<hbm>>
      tpu.enqueue_dma source(%dma_start3A_25 : memref<256xi32, #tpu.memory_space<hbm>>) target(%arg10 : memref<256xi32, #tpu.memory_space<vmem>>) target_semaphore(%arg16 : memref<!tpu.dma_semaphore, #tpu.memory_space<semaphore_mem>>)
      %dma_start3A_26 = tpu.memref_slice %arg5[%add3A_23] : memref<802816xi32, #tpu.memory_space<hbm>> -> memref<256xi32, #tpu.memory_space<hbm>>
      %dma_start3A_27 = tpu.memref_slice %arg5[%add3A_23] : memref<802816xi32, #tpu.memory_space<hbm>> -> memref<256xi32, #tpu.memory_space<hbm>>
      tpu.enqueue_dma source(%dma_start3A_27 : memref<256xi32, #tpu.memory_space<hbm>>) target(%arg12 : memref<256xi32, #tpu.memory_space<vmem>>) target_semaphore(%arg16 : memref<!tpu.dma_semaphore, #tpu.memory_space<semaphore_mem>>)
      %mul3A_28 = arith.constant 50176 : i32
      %mul3A_29 = arith.muli %arg1, %mul3A_28 : i32
      %add3A_30 = arith.constant 0 : i32
      %add3A_31 = arith.addi %mul3A_29, %add3A_30 : i32
      %dma_wait3A = tpu.memref_slice %arg4[%add3A_31] : memref<802816xi32, #tpu.memory_space<hbm>> -> memref<256xi32, #tpu.memory_space<hbm>>
      %dma_wait3A_32 = tpu.memref_slice %arg4[%add3A_31] : memref<802816xi32, #tpu.memory_space<hbm>> -> memref<256xi32, #tpu.memory_space<hbm>>
      tpu.wait_dma2 semaphore(%arg15 : memref<!tpu.dma_semaphore, #tpu.memory_space<semaphore_mem>>) src(%dma_wait3A_32 : memref<256xi32, #tpu.memory_space<hbm>>) dst(%arg9 : memref<256xi32, #tpu.memory_space<vmem>>)
      %dma_wait3A_33 = tpu.memref_slice %arg5[%add3A_31] : memref<802816xi32, #tpu.memory_space<hbm>> -> memref<256xi32, #tpu.memory_space<hbm>>
      %dma_wait3A_34 = tpu.memref_slice %arg5[%add3A_31] : memref<802816xi32, #tpu.memory_space<hbm>> -> memref<256xi32, #tpu.memory_space<hbm>>
      tpu.wait_dma2 semaphore(%arg15 : memref<!tpu.dma_semaphore, #tpu.memory_space<semaphore_mem>>) src(%dma_wait3A_34 : memref<256xi32, #tpu.memory_space<hbm>>) dst(%arg11 : memref<256xi32, #tpu.memory_space<vmem>>)
      %dma_start3A_35 = arith.constant 0 : i32
      %dma_start3A_36 = arith.constant 0 : i32
      %dma_start3A_37 = tpu.memref_slice %arg2[%dma_start3A_35, %dma_start3A_36] : memref<50000x32xf32, #tpu.memory_space<hbm>> -> memref<50000x32xf32, #tpu.memory_space<hbm>>
      tpu.enqueue_indirect_dma source(%dma_start3A_37 : memref<50000x32xf32, #tpu.memory_space<hbm>>) target(%arg13 : memref<256x32xf32, #tpu.memory_space<vmem>>) offsets(%arg9 : memref<256xi32, #tpu.memory_space<vmem>>) semaphore(%arg17 : memref<!tpu.dma_semaphore, #tpu.memory_space<semaphore_mem>>)
      %scan3A = arith.constant 0 : i32
      %scan3A_38 = arith.constant 0 : i32
      %scan3A_39 = arith.constant 196 : i32
      %scan3A_40 = arith.addi %scan3A_38, %scan3A_39 : i32
      %scan3A_41 = arith.constant 1 : i32
      scf.for %scan3A_49 = %scan3A_38 to %scan3A_40 step %scan3A_41  : i32 {
        %rem3A = arith.constant 2 : i32
        %rem3A_50 = arith.remsi %scan3A_49, %rem3A : i32
        %eq3A_51 = arith.constant 0 : i32
        %eq3A_52 = arith.cmpi eq, %rem3A_50, %eq3A_51 : i32
        %convert_element_type3A_53 = arith.extui %eq3A_52 : i1 to i32
        %cond3A_54 = arith.constant 0 : i32
        %cond3A_55 = arith.cmpi ne, %convert_element_type3A_53, %cond3A_54 : i32
        scf.if %cond3A_55 {
          %dma_wait3A_63 = arith.constant 0 : i32
          %dma_wait3A_64 = arith.constant 0 : i32
          %dma_wait3A_65 = tpu.memref_slice %arg2[%dma_wait3A_63, %dma_wait3A_64] : memref<50000x32xf32, #tpu.memory_space<hbm>> -> memref<50000x32xf32, #tpu.memory_space<hbm>>
          tpu.wait_indirect_dma semaphore(%arg17 : memref<!tpu.dma_semaphore, #tpu.memory_space<semaphore_mem>>) src(%dma_wait3A_65 : memref<50000x32xf32, #tpu.memory_space<hbm>>) dst(%arg13 : memref<256x32xf32, #tpu.memory_space<vmem>>)
          %add3A_66 = arith.constant 1 : i32
          %add3A_67 = arith.addi %scan3A_49, %add3A_66 : i32
          %lt3A = arith.constant 196 : i32
          %lt3A_68 = arith.cmpi slt, %add3A_67, %lt3A : i32
          %convert_element_type3A_69 = arith.extui %lt3A_68 : i1 to i32
          %cond3A_70 = arith.constant 0 : i32
          %cond3A_71 = arith.cmpi ne, %convert_element_type3A_69, %cond3A_70 : i32
          scf.if %cond3A_71 {
            %ge3A = arith.constant 1 : i32
            %ge3A_82 = arith.cmpi sge, %scan3A_49, %ge3A : i32
            %convert_element_type3A_83 = arith.extui %ge3A_82 : i1 to i32
            %cond3A_84 = arith.constant 0 : i32
            %cond3A_85 = arith.cmpi ne, %convert_element_type3A_83, %cond3A_84 : i32
            scf.if %cond3A_85 {
              %dma_wait3A_100 = arith.constant 0 : i32
              %dma_wait3A_101 = arith.constant 0 : i32
              %dma_wait3A_102 = tpu.memref_slice %arg8[%dma_wait3A_100, %dma_wait3A_101] : memref<50176x32xf32, #tpu.memory_space<vmem_shared>> -> memref<50176x32xf32, #tpu.memory_space<vmem_shared>>
              tpu.wait_indirect_dma semaphore(%arg20 : memref<!tpu.dma_semaphore, #tpu.memory_space<semaphore_mem>>) src(%arg14 : memref<256x32xf32, #tpu.memory_space<vmem>>) dst(%dma_wait3A_102 : memref<50176x32xf32, #tpu.memory_space<vmem_shared>>)
            } else {
            }
            %add3A_86 = arith.constant 1 : i32
            %add3A_87 = arith.addi %scan3A_49, %add3A_86 : i32
            %mul3A_88 = arith.constant 50176 : i32
            %mul3A_89 = arith.muli %arg1, %mul3A_88 : i32
            %mul3A_90 = arith.constant 256 : i32
            %mul3A_91 = arith.muli %add3A_87, %mul3A_90 : i32
            %add3A_92 = arith.addi %mul3A_89, %mul3A_91 : i32
            %dma_wait3A_93 = tpu.memref_slice %arg4[%add3A_92] : memref<802816xi32, #tpu.memory_space<hbm>> -> memref<256xi32, #tpu.memory_space<hbm>>
            %dma_wait3A_94 = tpu.memref_slice %arg4[%add3A_92] : memref<802816xi32, #tpu.memory_space<hbm>> -> memref<256xi32, #tpu.memory_space<hbm>>
            tpu.wait_dma2 semaphore(%arg16 : memref<!tpu.dma_semaphore, #tpu.memory_space<semaphore_mem>>) src(%dma_wait3A_94 : memref<256xi32, #tpu.memory_space<hbm>>) dst(%arg10 : memref<256xi32, #tpu.memory_space<vmem>>)
            %dma_wait3A_95 = tpu.memref_slice %arg5[%add3A_92] : memref<802816xi32, #tpu.memory_space<hbm>> -> memref<256xi32, #tpu.memory_space<hbm>>
            %dma_wait3A_96 = tpu.memref_slice %arg5[%add3A_92] : memref<802816xi32, #tpu.memory_space<hbm>> -> memref<256xi32, #tpu.memory_space<hbm>>
            tpu.wait_dma2 semaphore(%arg16 : memref<!tpu.dma_semaphore, #tpu.memory_space<semaphore_mem>>) src(%dma_wait3A_96 : memref<256xi32, #tpu.memory_space<hbm>>) dst(%arg12 : memref<256xi32, #tpu.memory_space<vmem>>)
            %dma_start3A_97 = arith.constant 0 : i32
            %dma_start3A_98 = arith.constant 0 : i32
            %dma_start3A_99 = tpu.memref_slice %arg2[%dma_start3A_97, %dma_start3A_98] : memref<50000x32xf32, #tpu.memory_space<hbm>> -> memref<50000x32xf32, #tpu.memory_space<hbm>>
            tpu.enqueue_indirect_dma source(%dma_start3A_99 : memref<50000x32xf32, #tpu.memory_space<hbm>>) target(%arg14 : memref<256x32xf32, #tpu.memory_space<vmem>>) offsets(%arg10 : memref<256xi32, #tpu.memory_space<vmem>>) semaphore(%arg18 : memref<!tpu.dma_semaphore, #tpu.memory_space<semaphore_mem>>)
          } else {
          }
          %dma_start3A_72 = arith.constant 0 : i32
          %dma_start3A_73 = arith.constant 0 : i32
          %dma_start3A_74 = tpu.memref_slice %arg8[%dma_start3A_72, %dma_start3A_73] : memref<50176x32xf32, #tpu.memory_space<vmem_shared>> -> memref<50176x32xf32, #tpu.memory_space<vmem_shared>>
          tpu.enqueue_indirect_dma source(%arg13 : memref<256x32xf32, #tpu.memory_space<vmem>>) target(%dma_start3A_74 : memref<50176x32xf32, #tpu.memory_space<vmem_shared>>) offsets(%arg11 : memref<256xi32, #tpu.memory_space<vmem>>) semaphore(%arg19 : memref<!tpu.dma_semaphore, #tpu.memory_space<semaphore_mem>>) {add = true}
          %add3A_75 = arith.constant 2 : i32
          %add3A_76 = arith.addi %scan3A_49, %add3A_75 : i32
          %lt3A_77 = arith.constant 196 : i32
          %lt3A_78 = arith.cmpi slt, %add3A_76, %lt3A_77 : i32
          %convert_element_type3A_79 = arith.extui %lt3A_78 : i1 to i32
          %cond3A_80 = arith.constant 0 : i32
          %cond3A_81 = arith.cmpi ne, %convert_element_type3A_79, %cond3A_80 : i32
          scf.if %cond3A_81 {
            %add3A_82 = arith.constant 2 : i32
            %add3A_83 = arith.addi %scan3A_49, %add3A_82 : i32
            %mul3A_84 = arith.constant 50176 : i32
            %mul3A_85 = arith.muli %arg1, %mul3A_84 : i32
            %mul3A_86 = arith.constant 256 : i32
            %mul3A_87 = arith.muli %add3A_83, %mul3A_86 : i32
            %add3A_88 = arith.addi %mul3A_85, %mul3A_87 : i32
            %dma_start3A_89 = tpu.memref_slice %arg4[%add3A_88] : memref<802816xi32, #tpu.memory_space<hbm>> -> memref<256xi32, #tpu.memory_space<hbm>>
            %dma_start3A_90 = tpu.memref_slice %arg4[%add3A_88] : memref<802816xi32, #tpu.memory_space<hbm>> -> memref<256xi32, #tpu.memory_space<hbm>>
            tpu.enqueue_dma source(%dma_start3A_90 : memref<256xi32, #tpu.memory_space<hbm>>) target(%arg9 : memref<256xi32, #tpu.memory_space<vmem>>) target_semaphore(%arg15 : memref<!tpu.dma_semaphore, #tpu.memory_space<semaphore_mem>>)
            %dma_start3A_91 = tpu.memref_slice %arg5[%add3A_88] : memref<802816xi32, #tpu.memory_space<hbm>> -> memref<256xi32, #tpu.memory_space<hbm>>
            %dma_start3A_92 = tpu.memref_slice %arg5[%add3A_88] : memref<802816xi32, #tpu.memory_space<hbm>> -> memref<256xi32, #tpu.memory_space<hbm>>
            tpu.enqueue_dma source(%dma_start3A_92 : memref<256xi32, #tpu.memory_space<hbm>>) target(%arg11 : memref<256xi32, #tpu.memory_space<vmem>>) target_semaphore(%arg15 : memref<!tpu.dma_semaphore, #tpu.memory_space<semaphore_mem>>)
          } else {
          }
        } else {
        }
        %rem3A_56 = arith.constant 2 : i32
        %rem3A_57 = arith.remsi %scan3A_49, %rem3A_56 : i32
        %eq3A_58 = arith.constant 1 : i32
        %eq3A_59 = arith.cmpi eq, %rem3A_57, %eq3A_58 : i32
        %convert_element_type3A_60 = arith.extui %eq3A_59 : i1 to i32
        %cond3A_61 = arith.constant 0 : i32
        %cond3A_62 = arith.cmpi ne, %convert_element_type3A_60, %cond3A_61 : i32
        scf.if %cond3A_62 {
          %dma_wait3A_63 = arith.constant 0 : i32
          %dma_wait3A_64 = arith.constant 0 : i32
          %dma_wait3A_65 = tpu.memref_slice %arg2[%dma_wait3A_63, %dma_wait3A_64] : memref<50000x32xf32, #tpu.memory_space<hbm>> -> memref<50000x32xf32, #tpu.memory_space<hbm>>
          tpu.wait_indirect_dma semaphore(%arg18 : memref<!tpu.dma_semaphore, #tpu.memory_space<semaphore_mem>>) src(%dma_wait3A_65 : memref<50000x32xf32, #tpu.memory_space<hbm>>) dst(%arg14 : memref<256x32xf32, #tpu.memory_space<vmem>>)
          %add3A_66 = arith.constant 1 : i32
          %add3A_67 = arith.addi %scan3A_49, %add3A_66 : i32
          %lt3A = arith.constant 196 : i32
          %lt3A_68 = arith.cmpi slt, %add3A_67, %lt3A : i32
          %convert_element_type3A_69 = arith.extui %lt3A_68 : i1 to i32
          %cond3A_70 = arith.constant 0 : i32
          %cond3A_71 = arith.cmpi ne, %convert_element_type3A_69, %cond3A_70 : i32
          scf.if %cond3A_71 {
            %ge3A = arith.constant 1 : i32
            %ge3A_82 = arith.cmpi sge, %scan3A_49, %ge3A : i32
            %convert_element_type3A_83 = arith.extui %ge3A_82 : i1 to i32
            %cond3A_84 = arith.constant 0 : i32
            %cond3A_85 = arith.cmpi ne, %convert_element_type3A_83, %cond3A_84 : i32
            scf.if %cond3A_85 {
              %dma_wait3A_100 = arith.constant 0 : i32
              %dma_wait3A_101 = arith.constant 0 : i32
              %dma_wait3A_102 = tpu.memref_slice %arg8[%dma_wait3A_100, %dma_wait3A_101] : memref<50176x32xf32, #tpu.memory_space<vmem_shared>> -> memref<50176x32xf32, #tpu.memory_space<vmem_shared>>
              tpu.wait_indirect_dma semaphore(%arg19 : memref<!tpu.dma_semaphore, #tpu.memory_space<semaphore_mem>>) src(%arg13 : memref<256x32xf32, #tpu.memory_space<vmem>>) dst(%dma_wait3A_102 : memref<50176x32xf32, #tpu.memory_space<vmem_shared>>)
            } else {
            }
            %add3A_86 = arith.constant 1 : i32
            %add3A_87 = arith.addi %scan3A_49, %add3A_86 : i32
            %mul3A_88 = arith.constant 50176 : i32
            %mul3A_89 = arith.muli %arg1, %mul3A_88 : i32
            %mul3A_90 = arith.constant 256 : i32
            %mul3A_91 = arith.muli %add3A_87, %mul3A_90 : i32
            %add3A_92 = arith.addi %mul3A_89, %mul3A_91 : i32
            %dma_wait3A_93 = tpu.memref_slice %arg4[%add3A_92] : memref<802816xi32, #tpu.memory_space<hbm>> -> memref<256xi32, #tpu.memory_space<hbm>>
            %dma_wait3A_94 = tpu.memref_slice %arg4[%add3A_92] : memref<802816xi32, #tpu.memory_space<hbm>> -> memref<256xi32, #tpu.memory_space<hbm>>
            tpu.wait_dma2 semaphore(%arg15 : memref<!tpu.dma_semaphore, #tpu.memory_space<semaphore_mem>>) src(%dma_wait3A_94 : memref<256xi32, #tpu.memory_space<hbm>>) dst(%arg9 : memref<256xi32, #tpu.memory_space<vmem>>)
            %dma_wait3A_95 = tpu.memref_slice %arg5[%add3A_92] : memref<802816xi32, #tpu.memory_space<hbm>> -> memref<256xi32, #tpu.memory_space<hbm>>
            %dma_wait3A_96 = tpu.memref_slice %arg5[%add3A_92] : memref<802816xi32, #tpu.memory_space<hbm>> -> memref<256xi32, #tpu.memory_space<hbm>>
            tpu.wait_dma2 semaphore(%arg15 : memref<!tpu.dma_semaphore, #tpu.memory_space<semaphore_mem>>) src(%dma_wait3A_96 : memref<256xi32, #tpu.memory_space<hbm>>) dst(%arg11 : memref<256xi32, #tpu.memory_space<vmem>>)
            %dma_start3A_97 = arith.constant 0 : i32
            %dma_start3A_98 = arith.constant 0 : i32
            %dma_start3A_99 = tpu.memref_slice %arg2[%dma_start3A_97, %dma_start3A_98] : memref<50000x32xf32, #tpu.memory_space<hbm>> -> memref<50000x32xf32, #tpu.memory_space<hbm>>
            tpu.enqueue_indirect_dma source(%dma_start3A_99 : memref<50000x32xf32, #tpu.memory_space<hbm>>) target(%arg13 : memref<256x32xf32, #tpu.memory_space<vmem>>) offsets(%arg9 : memref<256xi32, #tpu.memory_space<vmem>>) semaphore(%arg17 : memref<!tpu.dma_semaphore, #tpu.memory_space<semaphore_mem>>)
          } else {
          }
          %dma_start3A_72 = arith.constant 0 : i32
          %dma_start3A_73 = arith.constant 0 : i32
          %dma_start3A_74 = tpu.memref_slice %arg8[%dma_start3A_72, %dma_start3A_73] : memref<50176x32xf32, #tpu.memory_space<vmem_shared>> -> memref<50176x32xf32, #tpu.memory_space<vmem_shared>>
          tpu.enqueue_indirect_dma source(%arg14 : memref<256x32xf32, #tpu.memory_space<vmem>>) target(%dma_start3A_74 : memref<50176x32xf32, #tpu.memory_space<vmem_shared>>) offsets(%arg12 : memref<256xi32, #tpu.memory_space<vmem>>) semaphore(%arg20 : memref<!tpu.dma_semaphore, #tpu.memory_space<semaphore_mem>>) {add = true}
          %add3A_75 = arith.constant 2 : i32
          %add3A_76 = arith.addi %scan3A_49, %add3A_75 : i32
          %lt3A_77 = arith.constant 196 : i32
          %lt3A_78 = arith.cmpi slt, %add3A_76, %lt3A_77 : i32
          %convert_element_type3A_79 = arith.extui %lt3A_78 : i1 to i32
          %cond3A_80 = arith.constant 0 : i32
          %cond3A_81 = arith.cmpi ne, %convert_element_type3A_79, %cond3A_80 : i32
          scf.if %cond3A_81 {
            %add3A_82 = arith.constant 2 : i32
            %add3A_83 = arith.addi %scan3A_49, %add3A_82 : i32
            %mul3A_84 = arith.constant 50176 : i32
            %mul3A_85 = arith.muli %arg1, %mul3A_84 : i32
            %mul3A_86 = arith.constant 256 : i32
            %mul3A_87 = arith.muli %add3A_83, %mul3A_86 : i32
            %add3A_88 = arith.addi %mul3A_85, %mul3A_87 : i32
            %dma_start3A_89 = tpu.memref_slice %arg4[%add3A_88] : memref<802816xi32, #tpu.memory_space<hbm>> -> memref<256xi32, #tpu.memory_space<hbm>>
            %dma_start3A_90 = tpu.memref_slice %arg4[%add3A_88] : memref<802816xi32, #tpu.memory_space<hbm>> -> memref<256xi32, #tpu.memory_space<hbm>>
            tpu.enqueue_dma source(%dma_start3A_90 : memref<256xi32, #tpu.memory_space<hbm>>) target(%arg10 : memref<256xi32, #tpu.memory_space<vmem>>) target_semaphore(%arg16 : memref<!tpu.dma_semaphore, #tpu.memory_space<semaphore_mem>>)
            %dma_start3A_91 = tpu.memref_slice %arg5[%add3A_88] : memref<802816xi32, #tpu.memory_space<hbm>> -> memref<256xi32, #tpu.memory_space<hbm>>
            %dma_start3A_92 = tpu.memref_slice %arg5[%add3A_88] : memref<802816xi32, #tpu.memory_space<hbm>> -> memref<256xi32, #tpu.memory_space<hbm>>
            tpu.enqueue_dma source(%dma_start3A_92 : memref<256xi32, #tpu.memory_space<hbm>>) target(%arg12 : memref<256xi32, #tpu.memory_space<vmem>>) target_semaphore(%arg16 : memref<!tpu.dma_semaphore, #tpu.memory_space<semaphore_mem>>)
          } else {
          }
        } else {
        }
      }
      %scan3A_42 = arith.constant 196 : i32
      %dma_wait3A_43 = arith.constant 0 : i32
      %dma_wait3A_44 = arith.constant 0 : i32
      %dma_wait3A_45 = tpu.memref_slice %arg8[%dma_wait3A_43, %dma_wait3A_44] : memref<50176x32xf32, #tpu.memory_space<vmem_shared>> -> memref<50176x32xf32, #tpu.memory_space<vmem_shared>>
      tpu.wait_indirect_dma semaphore(%arg19 : memref<!tpu.dma_semaphore, #tpu.memory_space<semaphore_mem>>) src(%arg13 : memref<256x32xf32, #tpu.memory_space<vmem>>) dst(%dma_wait3A_45 : memref<50176x32xf32, #tpu.memory_space<vmem_shared>>)
      %dma_wait3A_46 = arith.constant 0 : i32
      %dma_wait3A_47 = arith.constant 0 : i32
      %dma_wait3A_48 = tpu.memref_slice %arg8[%dma_wait3A_46, %dma_wait3A_47] : memref<50176x32xf32, #tpu.memory_space<vmem_shared>> -> memref<50176x32xf32, #tpu.memory_space<vmem_shared>>
      tpu.wait_indirect_dma semaphore(%arg20 : memref<!tpu.dma_semaphore, #tpu.memory_space<semaphore_mem>>) src(%arg14 : memref<256x32xf32, #tpu.memory_space<vmem>>) dst(%dma_wait3A_48 : memref<50176x32xf32, #tpu.memory_space<vmem_shared>>)
    } else {
    }
    %eq3A_3 = arith.constant 1 : i32
    %eq3A_4 = arith.cmpi eq, %arg0, %eq3A_3 : i32
    %convert_element_type3A_5 = arith.extui %eq3A_4 : i1 to i32
    %cond3A_6 = arith.constant 0 : i32
    %cond3A_7 = arith.cmpi ne, %convert_element_type3A_5, %cond3A_6 : i32
    scf.if %cond3A_7 {
      %mul3A_14 = arith.constant 50176 : i32
      %mul3A_15 = arith.muli %arg1, %mul3A_14 : i32
      %add3A = arith.constant 0 : i32
      %add3A_16 = arith.addi %mul3A_15, %add3A : i32
      %dma_start3A = tpu.memref_slice %arg4[%add3A_16] : memref<802816xi32, #tpu.memory_space<hbm>> -> memref<256xi32, #tpu.memory_space<hbm>>
      %dma_start3A_17 = tpu.memref_slice %arg4[%add3A_16] : memref<802816xi32, #tpu.memory_space<hbm>> -> memref<256xi32, #tpu.memory_space<hbm>>
      tpu.enqueue_dma source(%dma_start3A_17 : memref<256xi32, #tpu.memory_space<hbm>>) target(%arg9 : memref<256xi32, #tpu.memory_space<vmem>>) target_semaphore(%arg15 : memref<!tpu.dma_semaphore, #tpu.memory_space<semaphore_mem>>)
      %dma_start3A_18 = tpu.memref_slice %arg5[%add3A_16] : memref<802816xi32, #tpu.memory_space<hbm>> -> memref<256xi32, #tpu.memory_space<hbm>>
      %dma_start3A_19 = tpu.memref_slice %arg5[%add3A_16] : memref<802816xi32, #tpu.memory_space<hbm>> -> memref<256xi32, #tpu.memory_space<hbm>>
      tpu.enqueue_dma source(%dma_start3A_19 : memref<256xi32, #tpu.memory_space<hbm>>) target(%arg11 : memref<256xi32, #tpu.memory_space<vmem>>) target_semaphore(%arg15 : memref<!tpu.dma_semaphore, #tpu.memory_space<semaphore_mem>>)
      %mul3A_20 = arith.constant 50176 : i32
      %mul3A_21 = arith.muli %arg1, %mul3A_20 : i32
      %add3A_22 = arith.constant 256 : i32
      %add3A_23 = arith.addi %mul3A_21, %add3A_22 : i32
      %dma_start3A_24 = tpu.memref_slice %arg4[%add3A_23] : memref<802816xi32, #tpu.memory_space<hbm>> -> memref<256xi32, #tpu.memory_space<hbm>>
      %dma_start3A_25 = tpu.memref_slice %arg4[%add3A_23] : memref<802816xi32, #tpu.memory_space<hbm>> -> memref<256xi32, #tpu.memory_space<hbm>>
      tpu.enqueue_dma source(%dma_start3A_25 : memref<256xi32, #tpu.memory_space<hbm>>) target(%arg10 : memref<256xi32, #tpu.memory_space<vmem>>) target_semaphore(%arg16 : memref<!tpu.dma_semaphore, #tpu.memory_space<semaphore_mem>>)
      %dma_start3A_26 = tpu.memref_slice %arg5[%add3A_23] : memref<802816xi32, #tpu.memory_space<hbm>> -> memref<256xi32, #tpu.memory_space<hbm>>
      %dma_start3A_27 = tpu.memref_slice %arg5[%add3A_23] : memref<802816xi32, #tpu.memory_space<hbm>> -> memref<256xi32, #tpu.memory_space<hbm>>
      tpu.enqueue_dma source(%dma_start3A_27 : memref<256xi32, #tpu.memory_space<hbm>>) target(%arg12 : memref<256xi32, #tpu.memory_space<vmem>>) target_semaphore(%arg16 : memref<!tpu.dma_semaphore, #tpu.memory_space<semaphore_mem>>)
      %mul3A_28 = arith.constant 50176 : i32
      %mul3A_29 = arith.muli %arg1, %mul3A_28 : i32
      %add3A_30 = arith.constant 0 : i32
      %add3A_31 = arith.addi %mul3A_29, %add3A_30 : i32
      %dma_wait3A = tpu.memref_slice %arg4[%add3A_31] : memref<802816xi32, #tpu.memory_space<hbm>> -> memref<256xi32, #tpu.memory_space<hbm>>
      %dma_wait3A_32 = tpu.memref_slice %arg4[%add3A_31] : memref<802816xi32, #tpu.memory_space<hbm>> -> memref<256xi32, #tpu.memory_space<hbm>>
      tpu.wait_dma2 semaphore(%arg15 : memref<!tpu.dma_semaphore, #tpu.memory_space<semaphore_mem>>) src(%dma_wait3A_32 : memref<256xi32, #tpu.memory_space<hbm>>) dst(%arg9 : memref<256xi32, #tpu.memory_space<vmem>>)
      %dma_wait3A_33 = tpu.memref_slice %arg5[%add3A_31] : memref<802816xi32, #tpu.memory_space<hbm>> -> memref<256xi32, #tpu.memory_space<hbm>>
      %dma_wait3A_34 = tpu.memref_slice %arg5[%add3A_31] : memref<802816xi32, #tpu.memory_space<hbm>> -> memref<256xi32, #tpu.memory_space<hbm>>
      tpu.wait_dma2 semaphore(%arg15 : memref<!tpu.dma_semaphore, #tpu.memory_space<semaphore_mem>>) src(%dma_wait3A_34 : memref<256xi32, #tpu.memory_space<hbm>>) dst(%arg11 : memref<256xi32, #tpu.memory_space<vmem>>)
      %dma_start3A_35 = arith.constant 0 : i32
      %dma_start3A_36 = arith.constant 0 : i32
      %dma_start3A_37 = tpu.memref_slice %arg3[%dma_start3A_35, %dma_start3A_36] : memref<50000x32xf32, #tpu.memory_space<hbm>> -> memref<50000x32xf32, #tpu.memory_space<hbm>>
      tpu.enqueue_indirect_dma source(%dma_start3A_37 : memref<50000x32xf32, #tpu.memory_space<hbm>>) target(%arg13 : memref<256x32xf32, #tpu.memory_space<vmem>>) offsets(%arg9 : memref<256xi32, #tpu.memory_space<vmem>>) semaphore(%arg17 : memref<!tpu.dma_semaphore, #tpu.memory_space<semaphore_mem>>)
      %scan3A = arith.constant 0 : i32
      %scan3A_38 = arith.constant 0 : i32
      %scan3A_39 = arith.constant 196 : i32
      %scan3A_40 = arith.addi %scan3A_38, %scan3A_39 : i32
      %scan3A_41 = arith.constant 1 : i32
      scf.for %scan3A_49 = %scan3A_38 to %scan3A_40 step %scan3A_41  : i32 {
        %rem3A = arith.constant 2 : i32
        %rem3A_50 = arith.remsi %scan3A_49, %rem3A : i32
        %eq3A_51 = arith.constant 0 : i32
        %eq3A_52 = arith.cmpi eq, %rem3A_50, %eq3A_51 : i32
        %convert_element_type3A_53 = arith.extui %eq3A_52 : i1 to i32
        %cond3A_54 = arith.constant 0 : i32
        %cond3A_55 = arith.cmpi ne, %convert_element_type3A_53, %cond3A_54 : i32
        scf.if %cond3A_55 {
          %dma_wait3A_63 = arith.constant 0 : i32
          %dma_wait3A_64 = arith.constant 0 : i32
          %dma_wait3A_65 = tpu.memref_slice %arg3[%dma_wait3A_63, %dma_wait3A_64] : memref<50000x32xf32, #tpu.memory_space<hbm>> -> memref<50000x32xf32, #tpu.memory_space<hbm>>
          tpu.wait_indirect_dma semaphore(%arg17 : memref<!tpu.dma_semaphore, #tpu.memory_space<semaphore_mem>>) src(%dma_wait3A_65 : memref<50000x32xf32, #tpu.memory_space<hbm>>) dst(%arg13 : memref<256x32xf32, #tpu.memory_space<vmem>>)
          %add3A_66 = arith.constant 1 : i32
          %add3A_67 = arith.addi %scan3A_49, %add3A_66 : i32
          %lt3A = arith.constant 196 : i32
          %lt3A_68 = arith.cmpi slt, %add3A_67, %lt3A : i32
          %convert_element_type3A_69 = arith.extui %lt3A_68 : i1 to i32
          %cond3A_70 = arith.constant 0 : i32
          %cond3A_71 = arith.cmpi ne, %convert_element_type3A_69, %cond3A_70 : i32
          scf.if %cond3A_71 {
            %ge3A = arith.constant 1 : i32
            %ge3A_82 = arith.cmpi sge, %scan3A_49, %ge3A : i32
            %convert_element_type3A_83 = arith.extui %ge3A_82 : i1 to i32
            %cond3A_84 = arith.constant 0 : i32
            %cond3A_85 = arith.cmpi ne, %convert_element_type3A_83, %cond3A_84 : i32
            scf.if %cond3A_85 {
              %dma_wait3A_100 = arith.constant 0 : i32
              %dma_wait3A_101 = arith.constant 0 : i32
              %dma_wait3A_102 = tpu.memref_slice %arg8[%dma_wait3A_100, %dma_wait3A_101] : memref<50176x32xf32, #tpu.memory_space<vmem_shared>> -> memref<50176x32xf32, #tpu.memory_space<vmem_shared>>
              tpu.wait_indirect_dma semaphore(%arg20 : memref<!tpu.dma_semaphore, #tpu.memory_space<semaphore_mem>>) src(%arg14 : memref<256x32xf32, #tpu.memory_space<vmem>>) dst(%dma_wait3A_102 : memref<50176x32xf32, #tpu.memory_space<vmem_shared>>)
            } else {
            }
            %add3A_86 = arith.constant 1 : i32
            %add3A_87 = arith.addi %scan3A_49, %add3A_86 : i32
            %mul3A_88 = arith.constant 50176 : i32
            %mul3A_89 = arith.muli %arg1, %mul3A_88 : i32
            %mul3A_90 = arith.constant 256 : i32
            %mul3A_91 = arith.muli %add3A_87, %mul3A_90 : i32
            %add3A_92 = arith.addi %mul3A_89, %mul3A_91 : i32
            %dma_wait3A_93 = tpu.memref_slice %arg4[%add3A_92] : memref<802816xi32, #tpu.memory_space<hbm>> -> memref<256xi32, #tpu.memory_space<hbm>>
            %dma_wait3A_94 = tpu.memref_slice %arg4[%add3A_92] : memref<802816xi32, #tpu.memory_space<hbm>> -> memref<256xi32, #tpu.memory_space<hbm>>
            tpu.wait_dma2 semaphore(%arg16 : memref<!tpu.dma_semaphore, #tpu.memory_space<semaphore_mem>>) src(%dma_wait3A_94 : memref<256xi32, #tpu.memory_space<hbm>>) dst(%arg10 : memref<256xi32, #tpu.memory_space<vmem>>)
            %dma_wait3A_95 = tpu.memref_slice %arg5[%add3A_92] : memref<802816xi32, #tpu.memory_space<hbm>> -> memref<256xi32, #tpu.memory_space<hbm>>
            %dma_wait3A_96 = tpu.memref_slice %arg5[%add3A_92] : memref<802816xi32, #tpu.memory_space<hbm>> -> memref<256xi32, #tpu.memory_space<hbm>>
            tpu.wait_dma2 semaphore(%arg16 : memref<!tpu.dma_semaphore, #tpu.memory_space<semaphore_mem>>) src(%dma_wait3A_96 : memref<256xi32, #tpu.memory_space<hbm>>) dst(%arg12 : memref<256xi32, #tpu.memory_space<vmem>>)
            %dma_start3A_97 = arith.constant 0 : i32
            %dma_start3A_98 = arith.constant 0 : i32
            %dma_start3A_99 = tpu.memref_slice %arg3[%dma_start3A_97, %dma_start3A_98] : memref<50000x32xf32, #tpu.memory_space<hbm>> -> memref<50000x32xf32, #tpu.memory_space<hbm>>
            tpu.enqueue_indirect_dma source(%dma_start3A_99 : memref<50000x32xf32, #tpu.memory_space<hbm>>) target(%arg14 : memref<256x32xf32, #tpu.memory_space<vmem>>) offsets(%arg10 : memref<256xi32, #tpu.memory_space<vmem>>) semaphore(%arg18 : memref<!tpu.dma_semaphore, #tpu.memory_space<semaphore_mem>>)
          } else {
          }
          %dma_start3A_72 = arith.constant 0 : i32
          %dma_start3A_73 = arith.constant 0 : i32
          %dma_start3A_74 = tpu.memref_slice %arg8[%dma_start3A_72, %dma_start3A_73] : memref<50176x32xf32, #tpu.memory_space<vmem_shared>> -> memref<50176x32xf32, #tpu.memory_space<vmem_shared>>
          tpu.enqueue_indirect_dma source(%arg13 : memref<256x32xf32, #tpu.memory_space<vmem>>) target(%dma_start3A_74 : memref<50176x32xf32, #tpu.memory_space<vmem_shared>>) offsets(%arg11 : memref<256xi32, #tpu.memory_space<vmem>>) semaphore(%arg19 : memref<!tpu.dma_semaphore, #tpu.memory_space<semaphore_mem>>) {add = true}
          %add3A_75 = arith.constant 2 : i32
          %add3A_76 = arith.addi %scan3A_49, %add3A_75 : i32
          %lt3A_77 = arith.constant 196 : i32
          %lt3A_78 = arith.cmpi slt, %add3A_76, %lt3A_77 : i32
          %convert_element_type3A_79 = arith.extui %lt3A_78 : i1 to i32
          %cond3A_80 = arith.constant 0 : i32
          %cond3A_81 = arith.cmpi ne, %convert_element_type3A_79, %cond3A_80 : i32
          scf.if %cond3A_81 {
            %add3A_82 = arith.constant 2 : i32
            %add3A_83 = arith.addi %scan3A_49, %add3A_82 : i32
            %mul3A_84 = arith.constant 50176 : i32
            %mul3A_85 = arith.muli %arg1, %mul3A_84 : i32
            %mul3A_86 = arith.constant 256 : i32
            %mul3A_87 = arith.muli %add3A_83, %mul3A_86 : i32
            %add3A_88 = arith.addi %mul3A_85, %mul3A_87 : i32
            %dma_start3A_89 = tpu.memref_slice %arg4[%add3A_88] : memref<802816xi32, #tpu.memory_space<hbm>> -> memref<256xi32, #tpu.memory_space<hbm>>
            %dma_start3A_90 = tpu.memref_slice %arg4[%add3A_88] : memref<802816xi32, #tpu.memory_space<hbm>> -> memref<256xi32, #tpu.memory_space<hbm>>
            tpu.enqueue_dma source(%dma_start3A_90 : memref<256xi32, #tpu.memory_space<hbm>>) target(%arg9 : memref<256xi32, #tpu.memory_space<vmem>>) target_semaphore(%arg15 : memref<!tpu.dma_semaphore, #tpu.memory_space<semaphore_mem>>)
            %dma_start3A_91 = tpu.memref_slice %arg5[%add3A_88] : memref<802816xi32, #tpu.memory_space<hbm>> -> memref<256xi32, #tpu.memory_space<hbm>>
            %dma_start3A_92 = tpu.memref_slice %arg5[%add3A_88] : memref<802816xi32, #tpu.memory_space<hbm>> -> memref<256xi32, #tpu.memory_space<hbm>>
            tpu.enqueue_dma source(%dma_start3A_92 : memref<256xi32, #tpu.memory_space<hbm>>) target(%arg11 : memref<256xi32, #tpu.memory_space<vmem>>) target_semaphore(%arg15 : memref<!tpu.dma_semaphore, #tpu.memory_space<semaphore_mem>>)
          } else {
          }
        } else {
        }
        %rem3A_56 = arith.constant 2 : i32
        %rem3A_57 = arith.remsi %scan3A_49, %rem3A_56 : i32
        %eq3A_58 = arith.constant 1 : i32
        %eq3A_59 = arith.cmpi eq, %rem3A_57, %eq3A_58 : i32
        %convert_element_type3A_60 = arith.extui %eq3A_59 : i1 to i32
        %cond3A_61 = arith.constant 0 : i32
        %cond3A_62 = arith.cmpi ne, %convert_element_type3A_60, %cond3A_61 : i32
        scf.if %cond3A_62 {
          %dma_wait3A_63 = arith.constant 0 : i32
          %dma_wait3A_64 = arith.constant 0 : i32
          %dma_wait3A_65 = tpu.memref_slice %arg3[%dma_wait3A_63, %dma_wait3A_64] : memref<50000x32xf32, #tpu.memory_space<hbm>> -> memref<50000x32xf32, #tpu.memory_space<hbm>>
          tpu.wait_indirect_dma semaphore(%arg18 : memref<!tpu.dma_semaphore, #tpu.memory_space<semaphore_mem>>) src(%dma_wait3A_65 : memref<50000x32xf32, #tpu.memory_space<hbm>>) dst(%arg14 : memref<256x32xf32, #tpu.memory_space<vmem>>)
          %add3A_66 = arith.constant 1 : i32
          %add3A_67 = arith.addi %scan3A_49, %add3A_66 : i32
          %lt3A = arith.constant 196 : i32
          %lt3A_68 = arith.cmpi slt, %add3A_67, %lt3A : i32
          %convert_element_type3A_69 = arith.extui %lt3A_68 : i1 to i32
          %cond3A_70 = arith.constant 0 : i32
          %cond3A_71 = arith.cmpi ne, %convert_element_type3A_69, %cond3A_70 : i32
          scf.if %cond3A_71 {
            %ge3A = arith.constant 1 : i32
            %ge3A_82 = arith.cmpi sge, %scan3A_49, %ge3A : i32
            %convert_element_type3A_83 = arith.extui %ge3A_82 : i1 to i32
            %cond3A_84 = arith.constant 0 : i32
            %cond3A_85 = arith.cmpi ne, %convert_element_type3A_83, %cond3A_84 : i32
            scf.if %cond3A_85 {
              %dma_wait3A_100 = arith.constant 0 : i32
              %dma_wait3A_101 = arith.constant 0 : i32
              %dma_wait3A_102 = tpu.memref_slice %arg8[%dma_wait3A_100, %dma_wait3A_101] : memref<50176x32xf32, #tpu.memory_space<vmem_shared>> -> memref<50176x32xf32, #tpu.memory_space<vmem_shared>>
              tpu.wait_indirect_dma semaphore(%arg19 : memref<!tpu.dma_semaphore, #tpu.memory_space<semaphore_mem>>) src(%arg13 : memref<256x32xf32, #tpu.memory_space<vmem>>) dst(%dma_wait3A_102 : memref<50176x32xf32, #tpu.memory_space<vmem_shared>>)
            } else {
            }
            %add3A_86 = arith.constant 1 : i32
            %add3A_87 = arith.addi %scan3A_49, %add3A_86 : i32
            %mul3A_88 = arith.constant 50176 : i32
            %mul3A_89 = arith.muli %arg1, %mul3A_88 : i32
            %mul3A_90 = arith.constant 256 : i32
            %mul3A_91 = arith.muli %add3A_87, %mul3A_90 : i32
            %add3A_92 = arith.addi %mul3A_89, %mul3A_91 : i32
            %dma_wait3A_93 = tpu.memref_slice %arg4[%add3A_92] : memref<802816xi32, #tpu.memory_space<hbm>> -> memref<256xi32, #tpu.memory_space<hbm>>
            %dma_wait3A_94 = tpu.memref_slice %arg4[%add3A_92] : memref<802816xi32, #tpu.memory_space<hbm>> -> memref<256xi32, #tpu.memory_space<hbm>>
            tpu.wait_dma2 semaphore(%arg15 : memref<!tpu.dma_semaphore, #tpu.memory_space<semaphore_mem>>) src(%dma_wait3A_94 : memref<256xi32, #tpu.memory_space<hbm>>) dst(%arg9 : memref<256xi32, #tpu.memory_space<vmem>>)
            %dma_wait3A_95 = tpu.memref_slice %arg5[%add3A_92] : memref<802816xi32, #tpu.memory_space<hbm>> -> memref<256xi32, #tpu.memory_space<hbm>>
            %dma_wait3A_96 = tpu.memref_slice %arg5[%add3A_92] : memref<802816xi32, #tpu.memory_space<hbm>> -> memref<256xi32, #tpu.memory_space<hbm>>
            tpu.wait_dma2 semaphore(%arg15 : memref<!tpu.dma_semaphore, #tpu.memory_space<semaphore_mem>>) src(%dma_wait3A_96 : memref<256xi32, #tpu.memory_space<hbm>>) dst(%arg11 : memref<256xi32, #tpu.memory_space<vmem>>)
            %dma_start3A_97 = arith.constant 0 : i32
            %dma_start3A_98 = arith.constant 0 : i32
            %dma_start3A_99 = tpu.memref_slice %arg3[%dma_start3A_97, %dma_start3A_98] : memref<50000x32xf32, #tpu.memory_space<hbm>> -> memref<50000x32xf32, #tpu.memory_space<hbm>>
            tpu.enqueue_indirect_dma source(%dma_start3A_99 : memref<50000x32xf32, #tpu.memory_space<hbm>>) target(%arg13 : memref<256x32xf32, #tpu.memory_space<vmem>>) offsets(%arg9 : memref<256xi32, #tpu.memory_space<vmem>>) semaphore(%arg17 : memref<!tpu.dma_semaphore, #tpu.memory_space<semaphore_mem>>)
          } else {
          }
          %dma_start3A_72 = arith.constant 0 : i32
          %dma_start3A_73 = arith.constant 0 : i32
          %dma_start3A_74 = tpu.memref_slice %arg8[%dma_start3A_72, %dma_start3A_73] : memref<50176x32xf32, #tpu.memory_space<vmem_shared>> -> memref<50176x32xf32, #tpu.memory_space<vmem_shared>>
          tpu.enqueue_indirect_dma source(%arg14 : memref<256x32xf32, #tpu.memory_space<vmem>>) target(%dma_start3A_74 : memref<50176x32xf32, #tpu.memory_space<vmem_shared>>) offsets(%arg12 : memref<256xi32, #tpu.memory_space<vmem>>) semaphore(%arg20 : memref<!tpu.dma_semaphore, #tpu.memory_space<semaphore_mem>>) {add = true}
          %add3A_75 = arith.constant 2 : i32
          %add3A_76 = arith.addi %scan3A_49, %add3A_75 : i32
          %lt3A_77 = arith.constant 196 : i32
          %lt3A_78 = arith.cmpi slt, %add3A_76, %lt3A_77 : i32
          %convert_element_type3A_79 = arith.extui %lt3A_78 : i1 to i32
          %cond3A_80 = arith.constant 0 : i32
          %cond3A_81 = arith.cmpi ne, %convert_element_type3A_79, %cond3A_80 : i32
          scf.if %cond3A_81 {
            %add3A_82 = arith.constant 2 : i32
            %add3A_83 = arith.addi %scan3A_49, %add3A_82 : i32
            %mul3A_84 = arith.constant 50176 : i32
            %mul3A_85 = arith.muli %arg1, %mul3A_84 : i32
            %mul3A_86 = arith.constant 256 : i32
            %mul3A_87 = arith.muli %add3A_83, %mul3A_86 : i32
            %add3A_88 = arith.addi %mul3A_85, %mul3A_87 : i32
            %dma_start3A_89 = tpu.memref_slice %arg4[%add3A_88] : memref<802816xi32, #tpu.memory_space<hbm>> -> memref<256xi32, #tpu.memory_space<hbm>>
            %dma_start3A_90 = tpu.memref_slice %arg4[%add3A_88] : memref<802816xi32, #tpu.memory_space<hbm>> -> memref<256xi32, #tpu.memory_space<hbm>>
            tpu.enqueue_dma source(%dma_start3A_90 : memref<256xi32, #tpu.memory_space<hbm>>) target(%arg10 : memref<256xi32, #tpu.memory_space<vmem>>) target_semaphore(%arg16 : memref<!tpu.dma_semaphore, #tpu.memory_space<semaphore_mem>>)
            %dma_start3A_91 = tpu.memref_slice %arg5[%add3A_88] : memref<802816xi32, #tpu.memory_space<hbm>> -> memref<256xi32, #tpu.memory_space<hbm>>
            %dma_start3A_92 = tpu.memref_slice %arg5[%add3A_88] : memref<802816xi32, #tpu.memory_space<hbm>> -> memref<256xi32, #tpu.memory_space<hbm>>
            tpu.enqueue_dma source(%dma_start3A_92 : memref<256xi32, #tpu.memory_space<hbm>>) target(%arg12 : memref<256xi32, #tpu.memory_space<vmem>>) target_semaphore(%arg16 : memref<!tpu.dma_semaphore, #tpu.memory_space<semaphore_mem>>)
          } else {
          }
        } else {
        }
      }
      %scan3A_42 = arith.constant 196 : i32
      %dma_wait3A_43 = arith.constant 0 : i32
      %dma_wait3A_44 = arith.constant 0 : i32
      %dma_wait3A_45 = tpu.memref_slice %arg8[%dma_wait3A_43, %dma_wait3A_44] : memref<50176x32xf32, #tpu.memory_space<vmem_shared>> -> memref<50176x32xf32, #tpu.memory_space<vmem_shared>>
      tpu.wait_indirect_dma semaphore(%arg19 : memref<!tpu.dma_semaphore, #tpu.memory_space<semaphore_mem>>) src(%arg13 : memref<256x32xf32, #tpu.memory_space<vmem>>) dst(%dma_wait3A_45 : memref<50176x32xf32, #tpu.memory_space<vmem_shared>>)
      %dma_wait3A_46 = arith.constant 0 : i32
      %dma_wait3A_47 = arith.constant 0 : i32
      %dma_wait3A_48 = tpu.memref_slice %arg8[%dma_wait3A_46, %dma_wait3A_47] : memref<50176x32xf32, #tpu.memory_space<vmem_shared>> -> memref<50176x32xf32, #tpu.memory_space<vmem_shared>>
      tpu.wait_indirect_dma semaphore(%arg20 : memref<!tpu.dma_semaphore, #tpu.memory_space<semaphore_mem>>) src(%arg14 : memref<256x32xf32, #tpu.memory_space<vmem>>) dst(%dma_wait3A_48 : memref<50176x32xf32, #tpu.memory_space<vmem_shared>>)
    } else {
    }
    %barrier3A_8 = arith.constant 0 : index
    tpu.barrier barrier_id(%barrier3A_8)
    %mul3A_9 = arith.constant 3136 : i32
    %mul3A_10 = arith.muli %arg1, %mul3A_9 : i32
    %mul3A_11 = arith.constant 3136 : i32
    %mul3A_12 = arith.muli %arg1, %mul3A_11 : i32
    "tpu.region"() ({
      %run_scoped3A = tpu.sem_alloc : memref<!tpu.dma_semaphore, #tpu.memory_space<semaphore_mem>>
      %dma_start3A = arith.constant 0 : i32
      %dma_start3A_14 = tpu.memref_slice %arg7[%arg0, %mul3A_12, %dma_start3A] : memref<2x50176x32xf32, #tpu.memory_space<hbm>> -> memref<1x3136x32xf32, #tpu.memory_space<hbm>>
      %dma_start3A_15 = tpu.memref_squeeze %dma_start3A_14 : memref<1x3136x32xf32, #tpu.memory_space<hbm>> -> memref<3136x32xf32, #tpu.memory_space<hbm>>
      %dma_start3A_16 = arith.constant 0 : i32
      %dma_start3A_17 = tpu.memref_slice %arg8[%mul3A_10, %dma_start3A_16] : memref<50176x32xf32, #tpu.memory_space<vmem_shared>> -> memref<3136x32xf32, #tpu.memory_space<vmem_shared>>
      tpu.enqueue_dma source(%dma_start3A_17 : memref<3136x32xf32, #tpu.memory_space<vmem_shared>>) target(%dma_start3A_15 : memref<3136x32xf32, #tpu.memory_space<hbm>>) target_semaphore(%run_scoped3A : memref<!tpu.dma_semaphore, #tpu.memory_space<semaphore_mem>>)
      %dma_wait3A = arith.constant 0 : i32
      %dma_wait3A_18 = tpu.memref_slice %arg7[%arg0, %mul3A_12, %dma_wait3A] : memref<2x50176x32xf32, #tpu.memory_space<hbm>> -> memref<1x3136x32xf32, #tpu.memory_space<hbm>>
      %dma_wait3A_19 = tpu.memref_squeeze %dma_wait3A_18 : memref<1x3136x32xf32, #tpu.memory_space<hbm>> -> memref<3136x32xf32, #tpu.memory_space<hbm>>
      %dma_wait3A_20 = arith.constant 0 : i32
      %dma_wait3A_21 = tpu.memref_slice %arg8[%mul3A_10, %dma_wait3A_20] : memref<50176x32xf32, #tpu.memory_space<vmem_shared>> -> memref<3136x32xf32, #tpu.memory_space<vmem_shared>>
      tpu.wait_dma2 semaphore(%run_scoped3A : memref<!tpu.dma_semaphore, #tpu.memory_space<semaphore_mem>>) src(%dma_wait3A_21 : memref<3136x32xf32, #tpu.memory_space<vmem_shared>>) dst(%dma_wait3A_19 : memref<3136x32xf32, #tpu.memory_space<hbm>>)
      tpu.yield
    }) : () -> ()
    %barrier3A_13 = arith.constant 0 : index
    tpu.barrier barrier_id(%barrier3A_13)
    return
  }
}

#map = affine_map<(d0, d1) -> (0, 0)>
#map1 = affine_map<(d0, d1) -> (0)>
#map2 = affine_map<(d0, d1) -> (0, 0, 0)>
module attributes {stable_mosaic.version = 14 : i64} {
  func.func @_sc_scatter_body(%arg0: i32, %arg1: i32, %arg2: memref<50000x32xf32, #tpu.memory_space<hbm>>, %arg3: memref<50000x32xf32, #tpu.memory_space<hbm>>, %arg4: memref<802816xi32, #tpu.memory_space<hbm>>, %arg5: memref<802816xi32, #tpu.memory_space<hbm>>, %arg6: memref<3136x32xf32, #tpu.memory_space<hbm>>, %arg7: memref<2x50176x32xf32, #tpu.memory_space<hbm>>, %arg8: memref<50176x32xf32, #tpu.memory_space<vmem_shared>>, %arg9: memref<256xi32, #tpu.memory_space<vmem>>, %arg10: memref<256xi32, #tpu.memory_space<vmem>>, %arg11: memref<256xi32, #tpu.memory_space<vmem>>, %arg12: memref<256xi32, #tpu.memory_space<vmem>>, %arg13: memref<256x32xf32, #tpu.memory_space<vmem>>, %arg14: memref<256x32xf32, #tpu.memory_space<vmem>>, %arg15: memref<!tpu.dma_semaphore, #tpu.memory_space<semaphore_mem>>, %arg16: memref<!tpu.dma_semaphore, #tpu.memory_space<semaphore_mem>>, %arg17: memref<!tpu.dma_semaphore, #tpu.memory_space<semaphore_mem>>, %arg18: memref<!tpu.dma_semaphore, #tpu.memory_space<semaphore_mem>>, %arg19: memref<!tpu.dma_semaphore, #tpu.memory_space<semaphore_mem>>, %arg20: memref<!tpu.dma_semaphore, #tpu.memory_space<semaphore_mem>>) attributes {dimension_semantics = [#tpu.dimension_semantics<core_parallel>, #tpu.dimension_semantics<subcore_parallel>], iteration_bounds = array<i64: 2, 16>, scalar_prefetch = 0 : i64, scratch_operands = 13 : i64, tpu.core_type = #tpu.core_type<sc_vector_subcore>, window_params = [{transform_indices = #map}, {transform_indices = #map}, {transform_indices = #map1}, {transform_indices = #map1}, {transform_indices = #map}, {transform_indices = #map2}]} {
    %mul3A = arith.constant 3136 : i32
    %mul3A_0 = arith.muli %arg1, %mul3A : i32
    "tpu.region"() ({
      %run_scoped3A = tpu.sem_alloc : memref<!tpu.dma_semaphore, #tpu.memory_space<semaphore_mem>>
      %dma_start3A = arith.constant 0 : i32
      %dma_start3A_14 = tpu.memref_slice %arg8[%mul3A_0, %dma_start3A] : memref<50176x32xf32, #tpu.memory_space<vmem_shared>> -> memref<3136x32xf32, #tpu.memory_space<vmem_shared>>
      tpu.enqueue_dma source(%arg6 : memref<3136x32xf32, #tpu.memory_space<hbm>>) target(%dma_start3A_14 : memref<3136x32xf32, #tpu.memory_space<vmem_shared>>) target_semaphore(%run_scoped3A : memref<!tpu.dma_semaphore, #tpu.memory_space<semaphore_mem>>)
      %dma_wait3A = arith.constant 0 : i32
      %dma_wait3A_15 = tpu.memref_slice %arg8[%mul3A_0, %dma_wait3A] : memref<50176x32xf32, #tpu.memory_space<vmem_shared>> -> memref<3136x32xf32, #tpu.memory_space<vmem_shared>>
      tpu.wait_dma2 semaphore(%run_scoped3A : memref<!tpu.dma_semaphore, #tpu.memory_space<semaphore_mem>>) src(%arg6 : memref<3136x32xf32, #tpu.memory_space<hbm>>) dst(%dma_wait3A_15 : memref<3136x32xf32, #tpu.memory_space<vmem_shared>>)
      tpu.yield
    }) : () -> ()
    %barrier3A = arith.constant 0 : index
    tpu.barrier barrier_id(%barrier3A)
    %eq3A = arith.constant 0 : i32
    %eq3A_1 = arith.cmpi eq, %arg0, %eq3A : i32
    %convert_element_type3A = arith.extui %eq3A_1 : i1 to i32
    %cond3A = arith.constant 0 : i32
    %cond3A_2 = arith.cmpi ne, %convert_element_type3A, %cond3A : i32
    scf.if %cond3A_2 {
      %mul3A_14 = arith.constant 50176 : i32
      %mul3A_15 = arith.muli %arg1, %mul3A_14 : i32
      %add3A = arith.constant 0 : i32
      %add3A_16 = arith.addi %mul3A_15, %add3A : i32
      %dma_start3A = tpu.memref_slice %arg4[%add3A_16] : memref<802816xi32, #tpu.memory_space<hbm>> -> memref<256xi32, #tpu.memory_space<hbm>>
      %dma_start3A_17 = tpu.memref_slice %arg4[%add3A_16] : memref<802816xi32, #tpu.memory_space<hbm>> -> memref<256xi32, #tpu.memory_space<hbm>>
      tpu.enqueue_dma source(%dma_start3A_17 : memref<256xi32, #tpu.memory_space<hbm>>) target(%arg9 : memref<256xi32, #tpu.memory_space<vmem>>) target_semaphore(%arg15 : memref<!tpu.dma_semaphore, #tpu.memory_space<semaphore_mem>>)
      %dma_start3A_18 = tpu.memref_slice %arg5[%add3A_16] : memref<802816xi32, #tpu.memory_space<hbm>> -> memref<256xi32, #tpu.memory_space<hbm>>
      %dma_start3A_19 = tpu.memref_slice %arg5[%add3A_16] : memref<802816xi32, #tpu.memory_space<hbm>> -> memref<256xi32, #tpu.memory_space<hbm>>
      tpu.enqueue_dma source(%dma_start3A_19 : memref<256xi32, #tpu.memory_space<hbm>>) target(%arg11 : memref<256xi32, #tpu.memory_space<vmem>>) target_semaphore(%arg15 : memref<!tpu.dma_semaphore, #tpu.memory_space<semaphore_mem>>)
      %mul3A_20 = arith.constant 50176 : i32
      %mul3A_21 = arith.muli %arg1, %mul3A_20 : i32
      %add3A_22 = arith.constant 256 : i32
      %add3A_23 = arith.addi %mul3A_21, %add3A_22 : i32
      %dma_start3A_24 = tpu.memref_slice %arg4[%add3A_23] : memref<802816xi32, #tpu.memory_space<hbm>> -> memref<256xi32, #tpu.memory_space<hbm>>
      %dma_start3A_25 = tpu.memref_slice %arg4[%add3A_23] : memref<802816xi32, #tpu.memory_space<hbm>> -> memref<256xi32, #tpu.memory_space<hbm>>
      tpu.enqueue_dma source(%dma_start3A_25 : memref<256xi32, #tpu.memory_space<hbm>>) target(%arg10 : memref<256xi32, #tpu.memory_space<vmem>>) target_semaphore(%arg16 : memref<!tpu.dma_semaphore, #tpu.memory_space<semaphore_mem>>)
      %dma_start3A_26 = tpu.memref_slice %arg5[%add3A_23] : memref<802816xi32, #tpu.memory_space<hbm>> -> memref<256xi32, #tpu.memory_space<hbm>>
      %dma_start3A_27 = tpu.memref_slice %arg5[%add3A_23] : memref<802816xi32, #tpu.memory_space<hbm>> -> memref<256xi32, #tpu.memory_space<hbm>>
      tpu.enqueue_dma source(%dma_start3A_27 : memref<256xi32, #tpu.memory_space<hbm>>) target(%arg12 : memref<256xi32, #tpu.memory_space<vmem>>) target_semaphore(%arg16 : memref<!tpu.dma_semaphore, #tpu.memory_space<semaphore_mem>>)
      %mul3A_28 = arith.constant 50176 : i32
      %mul3A_29 = arith.muli %arg1, %mul3A_28 : i32
      %add3A_30 = arith.constant 0 : i32
      %add3A_31 = arith.addi %mul3A_29, %add3A_30 : i32
      %dma_wait3A = tpu.memref_slice %arg4[%add3A_31] : memref<802816xi32, #tpu.memory_space<hbm>> -> memref<256xi32, #tpu.memory_space<hbm>>
      %dma_wait3A_32 = tpu.memref_slice %arg4[%add3A_31] : memref<802816xi32, #tpu.memory_space<hbm>> -> memref<256xi32, #tpu.memory_space<hbm>>
      tpu.wait_dma2 semaphore(%arg15 : memref<!tpu.dma_semaphore, #tpu.memory_space<semaphore_mem>>) src(%dma_wait3A_32 : memref<256xi32, #tpu.memory_space<hbm>>) dst(%arg9 : memref<256xi32, #tpu.memory_space<vmem>>)
      %dma_wait3A_33 = tpu.memref_slice %arg5[%add3A_31] : memref<802816xi32, #tpu.memory_space<hbm>> -> memref<256xi32, #tpu.memory_space<hbm>>
      %dma_wait3A_34 = tpu.memref_slice %arg5[%add3A_31] : memref<802816xi32, #tpu.memory_space<hbm>> -> memref<256xi32, #tpu.memory_space<hbm>>
      tpu.wait_dma2 semaphore(%arg15 : memref<!tpu.dma_semaphore, #tpu.memory_space<semaphore_mem>>) src(%dma_wait3A_34 : memref<256xi32, #tpu.memory_space<hbm>>) dst(%arg11 : memref<256xi32, #tpu.memory_space<vmem>>)
      %dma_start3A_35 = arith.constant 0 : i32
      %dma_start3A_36 = arith.constant 0 : i32
      %dma_start3A_37 = tpu.memref_slice %arg2[%dma_start3A_35, %dma_start3A_36] : memref<50000x32xf32, #tpu.memory_space<hbm>> -> memref<50000x32xf32, #tpu.memory_space<hbm>>
      tpu.enqueue_indirect_dma source(%dma_start3A_37 : memref<50000x32xf32, #tpu.memory_space<hbm>>) target(%arg13 : memref<256x32xf32, #tpu.memory_space<vmem>>) offsets(%arg9 : memref<256xi32, #tpu.memory_space<vmem>>) semaphore(%arg17 : memref<!tpu.dma_semaphore, #tpu.memory_space<semaphore_mem>>)
      %scan3A = arith.constant 0 : i32
      %scan3A_38 = arith.constant 0 : i32
      %scan3A_39 = arith.constant 196 : i32
      %scan3A_40 = arith.addi %scan3A_38, %scan3A_39 : i32
      %scan3A_41 = arith.constant 1 : i32
      scf.for %scan3A_49 = %scan3A_38 to %scan3A_40 step %scan3A_41  : i32 {
        %rem3A = arith.constant 2 : i32
        %rem3A_50 = arith.remsi %scan3A_49, %rem3A : i32
        %eq3A_51 = arith.constant 0 : i32
        %eq3A_52 = arith.cmpi eq, %rem3A_50, %eq3A_51 : i32
        %convert_element_type3A_53 = arith.extui %eq3A_52 : i1 to i32
        %cond3A_54 = arith.constant 0 : i32
        %cond3A_55 = arith.cmpi ne, %convert_element_type3A_53, %cond3A_54 : i32
        scf.if %cond3A_55 {
          %dma_wait3A_63 = arith.constant 0 : i32
          %dma_wait3A_64 = arith.constant 0 : i32
          %dma_wait3A_65 = tpu.memref_slice %arg2[%dma_wait3A_63, %dma_wait3A_64] : memref<50000x32xf32, #tpu.memory_space<hbm>> -> memref<50000x32xf32, #tpu.memory_space<hbm>>
          tpu.wait_indirect_dma semaphore(%arg17 : memref<!tpu.dma_semaphore, #tpu.memory_space<semaphore_mem>>) src(%dma_wait3A_65 : memref<50000x32xf32, #tpu.memory_space<hbm>>) dst(%arg13 : memref<256x32xf32, #tpu.memory_space<vmem>>)
          %add3A_66 = arith.constant 1 : i32
          %add3A_67 = arith.addi %scan3A_49, %add3A_66 : i32
          %lt3A = arith.constant 196 : i32
          %lt3A_68 = arith.cmpi slt, %add3A_67, %lt3A : i32
          %convert_element_type3A_69 = arith.extui %lt3A_68 : i1 to i32
          %cond3A_70 = arith.constant 0 : i32
          %cond3A_71 = arith.cmpi ne, %convert_element_type3A_69, %cond3A_70 : i32
          scf.if %cond3A_71 {
            %ge3A = arith.constant 1 : i32
            %ge3A_82 = arith.cmpi sge, %scan3A_49, %ge3A : i32
            %convert_element_type3A_83 = arith.extui %ge3A_82 : i1 to i32
            %cond3A_84 = arith.constant 0 : i32
            %cond3A_85 = arith.cmpi ne, %convert_element_type3A_83, %cond3A_84 : i32
            scf.if %cond3A_85 {
              %dma_wait3A_100 = arith.constant 0 : i32
              %dma_wait3A_101 = arith.constant 0 : i32
              %dma_wait3A_102 = tpu.memref_slice %arg8[%dma_wait3A_100, %dma_wait3A_101] : memref<50176x32xf32, #tpu.memory_space<vmem_shared>> -> memref<50176x32xf32, #tpu.memory_space<vmem_shared>>
              tpu.wait_indirect_dma semaphore(%arg20 : memref<!tpu.dma_semaphore, #tpu.memory_space<semaphore_mem>>) src(%arg14 : memref<256x32xf32, #tpu.memory_space<vmem>>) dst(%dma_wait3A_102 : memref<50176x32xf32, #tpu.memory_space<vmem_shared>>)
            } else {
            }
            %add3A_86 = arith.constant 1 : i32
            %add3A_87 = arith.addi %scan3A_49, %add3A_86 : i32
            %mul3A_88 = arith.constant 50176 : i32
            %mul3A_89 = arith.muli %arg1, %mul3A_88 : i32
            %mul3A_90 = arith.constant 256 : i32
            %mul3A_91 = arith.muli %add3A_87, %mul3A_90 : i32
            %add3A_92 = arith.addi %mul3A_89, %mul3A_91 : i32
            %dma_wait3A_93 = tpu.memref_slice %arg4[%add3A_92] : memref<802816xi32, #tpu.memory_space<hbm>> -> memref<256xi32, #tpu.memory_space<hbm>>
            %dma_wait3A_94 = tpu.memref_slice %arg4[%add3A_92] : memref<802816xi32, #tpu.memory_space<hbm>> -> memref<256xi32, #tpu.memory_space<hbm>>
            tpu.wait_dma2 semaphore(%arg16 : memref<!tpu.dma_semaphore, #tpu.memory_space<semaphore_mem>>) src(%dma_wait3A_94 : memref<256xi32, #tpu.memory_space<hbm>>) dst(%arg10 : memref<256xi32, #tpu.memory_space<vmem>>)
            %dma_wait3A_95 = tpu.memref_slice %arg5[%add3A_92] : memref<802816xi32, #tpu.memory_space<hbm>> -> memref<256xi32, #tpu.memory_space<hbm>>
            %dma_wait3A_96 = tpu.memref_slice %arg5[%add3A_92] : memref<802816xi32, #tpu.memory_space<hbm>> -> memref<256xi32, #tpu.memory_space<hbm>>
            tpu.wait_dma2 semaphore(%arg16 : memref<!tpu.dma_semaphore, #tpu.memory_space<semaphore_mem>>) src(%dma_wait3A_96 : memref<256xi32, #tpu.memory_space<hbm>>) dst(%arg12 : memref<256xi32, #tpu.memory_space<vmem>>)
            %dma_start3A_97 = arith.constant 0 : i32
            %dma_start3A_98 = arith.constant 0 : i32
            %dma_start3A_99 = tpu.memref_slice %arg2[%dma_start3A_97, %dma_start3A_98] : memref<50000x32xf32, #tpu.memory_space<hbm>> -> memref<50000x32xf32, #tpu.memory_space<hbm>>
            tpu.enqueue_indirect_dma source(%dma_start3A_99 : memref<50000x32xf32, #tpu.memory_space<hbm>>) target(%arg14 : memref<256x32xf32, #tpu.memory_space<vmem>>) offsets(%arg10 : memref<256xi32, #tpu.memory_space<vmem>>) semaphore(%arg18 : memref<!tpu.dma_semaphore, #tpu.memory_space<semaphore_mem>>)
          } else {
          }
          %dma_start3A_72 = arith.constant 0 : i32
          %dma_start3A_73 = arith.constant 0 : i32
          %dma_start3A_74 = tpu.memref_slice %arg8[%dma_start3A_72, %dma_start3A_73] : memref<50176x32xf32, #tpu.memory_space<vmem_shared>> -> memref<50176x32xf32, #tpu.memory_space<vmem_shared>>
          tpu.enqueue_indirect_dma source(%arg13 : memref<256x32xf32, #tpu.memory_space<vmem>>) target(%dma_start3A_74 : memref<50176x32xf32, #tpu.memory_space<vmem_shared>>) offsets(%arg11 : memref<256xi32, #tpu.memory_space<vmem>>) semaphore(%arg19 : memref<!tpu.dma_semaphore, #tpu.memory_space<semaphore_mem>>) {add = true}
          %add3A_75 = arith.constant 2 : i32
          %add3A_76 = arith.addi %scan3A_49, %add3A_75 : i32
          %lt3A_77 = arith.constant 196 : i32
          %lt3A_78 = arith.cmpi slt, %add3A_76, %lt3A_77 : i32
          %convert_element_type3A_79 = arith.extui %lt3A_78 : i1 to i32
          %cond3A_80 = arith.constant 0 : i32
          %cond3A_81 = arith.cmpi ne, %convert_element_type3A_79, %cond3A_80 : i32
          scf.if %cond3A_81 {
            %add3A_82 = arith.constant 2 : i32
            %add3A_83 = arith.addi %scan3A_49, %add3A_82 : i32
            %mul3A_84 = arith.constant 50176 : i32
            %mul3A_85 = arith.muli %arg1, %mul3A_84 : i32
            %mul3A_86 = arith.constant 256 : i32
            %mul3A_87 = arith.muli %add3A_83, %mul3A_86 : i32
            %add3A_88 = arith.addi %mul3A_85, %mul3A_87 : i32
            %dma_start3A_89 = tpu.memref_slice %arg4[%add3A_88] : memref<802816xi32, #tpu.memory_space<hbm>> -> memref<256xi32, #tpu.memory_space<hbm>>
            %dma_start3A_90 = tpu.memref_slice %arg4[%add3A_88] : memref<802816xi32, #tpu.memory_space<hbm>> -> memref<256xi32, #tpu.memory_space<hbm>>
            tpu.enqueue_dma source(%dma_start3A_90 : memref<256xi32, #tpu.memory_space<hbm>>) target(%arg9 : memref<256xi32, #tpu.memory_space<vmem>>) target_semaphore(%arg15 : memref<!tpu.dma_semaphore, #tpu.memory_space<semaphore_mem>>)
            %dma_start3A_91 = tpu.memref_slice %arg5[%add3A_88] : memref<802816xi32, #tpu.memory_space<hbm>> -> memref<256xi32, #tpu.memory_space<hbm>>
            %dma_start3A_92 = tpu.memref_slice %arg5[%add3A_88] : memref<802816xi32, #tpu.memory_space<hbm>> -> memref<256xi32, #tpu.memory_space<hbm>>
            tpu.enqueue_dma source(%dma_start3A_92 : memref<256xi32, #tpu.memory_space<hbm>>) target(%arg11 : memref<256xi32, #tpu.memory_space<vmem>>) target_semaphore(%arg15 : memref<!tpu.dma_semaphore, #tpu.memory_space<semaphore_mem>>)
          } else {
          }
        } else {
        }
        %rem3A_56 = arith.constant 2 : i32
        %rem3A_57 = arith.remsi %scan3A_49, %rem3A_56 : i32
        %eq3A_58 = arith.constant 1 : i32
        %eq3A_59 = arith.cmpi eq, %rem3A_57, %eq3A_58 : i32
        %convert_element_type3A_60 = arith.extui %eq3A_59 : i1 to i32
        %cond3A_61 = arith.constant 0 : i32
        %cond3A_62 = arith.cmpi ne, %convert_element_type3A_60, %cond3A_61 : i32
        scf.if %cond3A_62 {
          %dma_wait3A_63 = arith.constant 0 : i32
          %dma_wait3A_64 = arith.constant 0 : i32
          %dma_wait3A_65 = tpu.memref_slice %arg2[%dma_wait3A_63, %dma_wait3A_64] : memref<50000x32xf32, #tpu.memory_space<hbm>> -> memref<50000x32xf32, #tpu.memory_space<hbm>>
          tpu.wait_indirect_dma semaphore(%arg18 : memref<!tpu.dma_semaphore, #tpu.memory_space<semaphore_mem>>) src(%dma_wait3A_65 : memref<50000x32xf32, #tpu.memory_space<hbm>>) dst(%arg14 : memref<256x32xf32, #tpu.memory_space<vmem>>)
          %add3A_66 = arith.constant 1 : i32
          %add3A_67 = arith.addi %scan3A_49, %add3A_66 : i32
          %lt3A = arith.constant 196 : i32
          %lt3A_68 = arith.cmpi slt, %add3A_67, %lt3A : i32
          %convert_element_type3A_69 = arith.extui %lt3A_68 : i1 to i32
          %cond3A_70 = arith.constant 0 : i32
          %cond3A_71 = arith.cmpi ne, %convert_element_type3A_69, %cond3A_70 : i32
          scf.if %cond3A_71 {
            %ge3A = arith.constant 1 : i32
            %ge3A_82 = arith.cmpi sge, %scan3A_49, %ge3A : i32
            %convert_element_type3A_83 = arith.extui %ge3A_82 : i1 to i32
            %cond3A_84 = arith.constant 0 : i32
            %cond3A_85 = arith.cmpi ne, %convert_element_type3A_83, %cond3A_84 : i32
            scf.if %cond3A_85 {
              %dma_wait3A_100 = arith.constant 0 : i32
              %dma_wait3A_101 = arith.constant 0 : i32
              %dma_wait3A_102 = tpu.memref_slice %arg8[%dma_wait3A_100, %dma_wait3A_101] : memref<50176x32xf32, #tpu.memory_space<vmem_shared>> -> memref<50176x32xf32, #tpu.memory_space<vmem_shared>>
              tpu.wait_indirect_dma semaphore(%arg19 : memref<!tpu.dma_semaphore, #tpu.memory_space<semaphore_mem>>) src(%arg13 : memref<256x32xf32, #tpu.memory_space<vmem>>) dst(%dma_wait3A_102 : memref<50176x32xf32, #tpu.memory_space<vmem_shared>>)
            } else {
            }
            %add3A_86 = arith.constant 1 : i32
            %add3A_87 = arith.addi %scan3A_49, %add3A_86 : i32
            %mul3A_88 = arith.constant 50176 : i32
            %mul3A_89 = arith.muli %arg1, %mul3A_88 : i32
            %mul3A_90 = arith.constant 256 : i32
            %mul3A_91 = arith.muli %add3A_87, %mul3A_90 : i32
            %add3A_92 = arith.addi %mul3A_89, %mul3A_91 : i32
            %dma_wait3A_93 = tpu.memref_slice %arg4[%add3A_92] : memref<802816xi32, #tpu.memory_space<hbm>> -> memref<256xi32, #tpu.memory_space<hbm>>
            %dma_wait3A_94 = tpu.memref_slice %arg4[%add3A_92] : memref<802816xi32, #tpu.memory_space<hbm>> -> memref<256xi32, #tpu.memory_space<hbm>>
            tpu.wait_dma2 semaphore(%arg15 : memref<!tpu.dma_semaphore, #tpu.memory_space<semaphore_mem>>) src(%dma_wait3A_94 : memref<256xi32, #tpu.memory_space<hbm>>) dst(%arg9 : memref<256xi32, #tpu.memory_space<vmem>>)
            %dma_wait3A_95 = tpu.memref_slice %arg5[%add3A_92] : memref<802816xi32, #tpu.memory_space<hbm>> -> memref<256xi32, #tpu.memory_space<hbm>>
            %dma_wait3A_96 = tpu.memref_slice %arg5[%add3A_92] : memref<802816xi32, #tpu.memory_space<hbm>> -> memref<256xi32, #tpu.memory_space<hbm>>
            tpu.wait_dma2 semaphore(%arg15 : memref<!tpu.dma_semaphore, #tpu.memory_space<semaphore_mem>>) src(%dma_wait3A_96 : memref<256xi32, #tpu.memory_space<hbm>>) dst(%arg11 : memref<256xi32, #tpu.memory_space<vmem>>)
            %dma_start3A_97 = arith.constant 0 : i32
            %dma_start3A_98 = arith.constant 0 : i32
            %dma_start3A_99 = tpu.memref_slice %arg2[%dma_start3A_97, %dma_start3A_98] : memref<50000x32xf32, #tpu.memory_space<hbm>> -> memref<50000x32xf32, #tpu.memory_space<hbm>>
            tpu.enqueue_indirect_dma source(%dma_start3A_99 : memref<50000x32xf32, #tpu.memory_space<hbm>>) target(%arg13 : memref<256x32xf32, #tpu.memory_space<vmem>>) offsets(%arg9 : memref<256xi32, #tpu.memory_space<vmem>>) semaphore(%arg17 : memref<!tpu.dma_semaphore, #tpu.memory_space<semaphore_mem>>)
          } else {
          }
          %dma_start3A_72 = arith.constant 0 : i32
          %dma_start3A_73 = arith.constant 0 : i32
          %dma_start3A_74 = tpu.memref_slice %arg8[%dma_start3A_72, %dma_start3A_73] : memref<50176x32xf32, #tpu.memory_space<vmem_shared>> -> memref<50176x32xf32, #tpu.memory_space<vmem_shared>>
          tpu.enqueue_indirect_dma source(%arg14 : memref<256x32xf32, #tpu.memory_space<vmem>>) target(%dma_start3A_74 : memref<50176x32xf32, #tpu.memory_space<vmem_shared>>) offsets(%arg12 : memref<256xi32, #tpu.memory_space<vmem>>) semaphore(%arg20 : memref<!tpu.dma_semaphore, #tpu.memory_space<semaphore_mem>>) {add = true}
          %add3A_75 = arith.constant 2 : i32
          %add3A_76 = arith.addi %scan3A_49, %add3A_75 : i32
          %lt3A_77 = arith.constant 196 : i32
          %lt3A_78 = arith.cmpi slt, %add3A_76, %lt3A_77 : i32
          %convert_element_type3A_79 = arith.extui %lt3A_78 : i1 to i32
          %cond3A_80 = arith.constant 0 : i32
          %cond3A_81 = arith.cmpi ne, %convert_element_type3A_79, %cond3A_80 : i32
          scf.if %cond3A_81 {
            %add3A_82 = arith.constant 2 : i32
            %add3A_83 = arith.addi %scan3A_49, %add3A_82 : i32
            %mul3A_84 = arith.constant 50176 : i32
            %mul3A_85 = arith.muli %arg1, %mul3A_84 : i32
            %mul3A_86 = arith.constant 256 : i32
            %mul3A_87 = arith.muli %add3A_83, %mul3A_86 : i32
            %add3A_88 = arith.addi %mul3A_85, %mul3A_87 : i32
            %dma_start3A_89 = tpu.memref_slice %arg4[%add3A_88] : memref<802816xi32, #tpu.memory_space<hbm>> -> memref<256xi32, #tpu.memory_space<hbm>>
            %dma_start3A_90 = tpu.memref_slice %arg4[%add3A_88] : memref<802816xi32, #tpu.memory_space<hbm>> -> memref<256xi32, #tpu.memory_space<hbm>>
            tpu.enqueue_dma source(%dma_start3A_90 : memref<256xi32, #tpu.memory_space<hbm>>) target(%arg10 : memref<256xi32, #tpu.memory_space<vmem>>) target_semaphore(%arg16 : memref<!tpu.dma_semaphore, #tpu.memory_space<semaphore_mem>>)
            %dma_start3A_91 = tpu.memref_slice %arg5[%add3A_88] : memref<802816xi32, #tpu.memory_space<hbm>> -> memref<256xi32, #tpu.memory_space<hbm>>
            %dma_start3A_92 = tpu.memref_slice %arg5[%add3A_88] : memref<802816xi32, #tpu.memory_space<hbm>> -> memref<256xi32, #tpu.memory_space<hbm>>
            tpu.enqueue_dma source(%dma_start3A_92 : memref<256xi32, #tpu.memory_space<hbm>>) target(%arg12 : memref<256xi32, #tpu.memory_space<vmem>>) target_semaphore(%arg16 : memref<!tpu.dma_semaphore, #tpu.memory_space<semaphore_mem>>)
          } else {
          }
        } else {
        }
      }
      %scan3A_42 = arith.constant 196 : i32
      %dma_wait3A_43 = arith.constant 0 : i32
      %dma_wait3A_44 = arith.constant 0 : i32
      %dma_wait3A_45 = tpu.memref_slice %arg8[%dma_wait3A_43, %dma_wait3A_44] : memref<50176x32xf32, #tpu.memory_space<vmem_shared>> -> memref<50176x32xf32, #tpu.memory_space<vmem_shared>>
      tpu.wait_indirect_dma semaphore(%arg19 : memref<!tpu.dma_semaphore, #tpu.memory_space<semaphore_mem>>) src(%arg13 : memref<256x32xf32, #tpu.memory_space<vmem>>) dst(%dma_wait3A_45 : memref<50176x32xf32, #tpu.memory_space<vmem_shared>>)
      %dma_wait3A_46 = arith.constant 0 : i32
      %dma_wait3A_47 = arith.constant 0 : i32
      %dma_wait3A_48 = tpu.memref_slice %arg8[%dma_wait3A_46, %dma_wait3A_47] : memref<50176x32xf32, #tpu.memory_space<vmem_shared>> -> memref<50176x32xf32, #tpu.memory_space<vmem_shared>>
      tpu.wait_indirect_dma semaphore(%arg20 : memref<!tpu.dma_semaphore, #tpu.memory_space<semaphore_mem>>) src(%arg14 : memref<256x32xf32, #tpu.memory_space<vmem>>) dst(%dma_wait3A_48 : memref<50176x32xf32, #tpu.memory_space<vmem_shared>>)
    } else {
    }
    %eq3A_3 = arith.constant 1 : i32
    %eq3A_4 = arith.cmpi eq, %arg0, %eq3A_3 : i32
    %convert_element_type3A_5 = arith.extui %eq3A_4 : i1 to i32
    %cond3A_6 = arith.constant 0 : i32
    %cond3A_7 = arith.cmpi ne, %convert_element_type3A_5, %cond3A_6 : i32
    scf.if %cond3A_7 {
      %mul3A_14 = arith.constant 50176 : i32
      %mul3A_15 = arith.muli %arg1, %mul3A_14 : i32
      %add3A = arith.constant 0 : i32
      %add3A_16 = arith.addi %mul3A_15, %add3A : i32
      %dma_start3A = tpu.memref_slice %arg4[%add3A_16] : memref<802816xi32, #tpu.memory_space<hbm>> -> memref<256xi32, #tpu.memory_space<hbm>>
      %dma_start3A_17 = tpu.memref_slice %arg4[%add3A_16] : memref<802816xi32, #tpu.memory_space<hbm>> -> memref<256xi32, #tpu.memory_space<hbm>>
      tpu.enqueue_dma source(%dma_start3A_17 : memref<256xi32, #tpu.memory_space<hbm>>) target(%arg9 : memref<256xi32, #tpu.memory_space<vmem>>) target_semaphore(%arg15 : memref<!tpu.dma_semaphore, #tpu.memory_space<semaphore_mem>>)
      %dma_start3A_18 = tpu.memref_slice %arg5[%add3A_16] : memref<802816xi32, #tpu.memory_space<hbm>> -> memref<256xi32, #tpu.memory_space<hbm>>
      %dma_start3A_19 = tpu.memref_slice %arg5[%add3A_16] : memref<802816xi32, #tpu.memory_space<hbm>> -> memref<256xi32, #tpu.memory_space<hbm>>
      tpu.enqueue_dma source(%dma_start3A_19 : memref<256xi32, #tpu.memory_space<hbm>>) target(%arg11 : memref<256xi32, #tpu.memory_space<vmem>>) target_semaphore(%arg15 : memref<!tpu.dma_semaphore, #tpu.memory_space<semaphore_mem>>)
      %mul3A_20 = arith.constant 50176 : i32
      %mul3A_21 = arith.muli %arg1, %mul3A_20 : i32
      %add3A_22 = arith.constant 256 : i32
      %add3A_23 = arith.addi %mul3A_21, %add3A_22 : i32
      %dma_start3A_24 = tpu.memref_slice %arg4[%add3A_23] : memref<802816xi32, #tpu.memory_space<hbm>> -> memref<256xi32, #tpu.memory_space<hbm>>
      %dma_start3A_25 = tpu.memref_slice %arg4[%add3A_23] : memref<802816xi32, #tpu.memory_space<hbm>> -> memref<256xi32, #tpu.memory_space<hbm>>
      tpu.enqueue_dma source(%dma_start3A_25 : memref<256xi32, #tpu.memory_space<hbm>>) target(%arg10 : memref<256xi32, #tpu.memory_space<vmem>>) target_semaphore(%arg16 : memref<!tpu.dma_semaphore, #tpu.memory_space<semaphore_mem>>)
      %dma_start3A_26 = tpu.memref_slice %arg5[%add3A_23] : memref<802816xi32, #tpu.memory_space<hbm>> -> memref<256xi32, #tpu.memory_space<hbm>>
      %dma_start3A_27 = tpu.memref_slice %arg5[%add3A_23] : memref<802816xi32, #tpu.memory_space<hbm>> -> memref<256xi32, #tpu.memory_space<hbm>>
      tpu.enqueue_dma source(%dma_start3A_27 : memref<256xi32, #tpu.memory_space<hbm>>) target(%arg12 : memref<256xi32, #tpu.memory_space<vmem>>) target_semaphore(%arg16 : memref<!tpu.dma_semaphore, #tpu.memory_space<semaphore_mem>>)
      %mul3A_28 = arith.constant 50176 : i32
      %mul3A_29 = arith.muli %arg1, %mul3A_28 : i32
      %add3A_30 = arith.constant 0 : i32
      %add3A_31 = arith.addi %mul3A_29, %add3A_30 : i32
      %dma_wait3A = tpu.memref_slice %arg4[%add3A_31] : memref<802816xi32, #tpu.memory_space<hbm>> -> memref<256xi32, #tpu.memory_space<hbm>>
      %dma_wait3A_32 = tpu.memref_slice %arg4[%add3A_31] : memref<802816xi32, #tpu.memory_space<hbm>> -> memref<256xi32, #tpu.memory_space<hbm>>
      tpu.wait_dma2 semaphore(%arg15 : memref<!tpu.dma_semaphore, #tpu.memory_space<semaphore_mem>>) src(%dma_wait3A_32 : memref<256xi32, #tpu.memory_space<hbm>>) dst(%arg9 : memref<256xi32, #tpu.memory_space<vmem>>)
      %dma_wait3A_33 = tpu.memref_slice %arg5[%add3A_31] : memref<802816xi32, #tpu.memory_space<hbm>> -> memref<256xi32, #tpu.memory_space<hbm>>
      %dma_wait3A_34 = tpu.memref_slice %arg5[%add3A_31] : memref<802816xi32, #tpu.memory_space<hbm>> -> memref<256xi32, #tpu.memory_space<hbm>>
      tpu.wait_dma2 semaphore(%arg15 : memref<!tpu.dma_semaphore, #tpu.memory_space<semaphore_mem>>) src(%dma_wait3A_34 : memref<256xi32, #tpu.memory_space<hbm>>) dst(%arg11 : memref<256xi32, #tpu.memory_space<vmem>>)
      %dma_start3A_35 = arith.constant 0 : i32
      %dma_start3A_36 = arith.constant 0 : i32
      %dma_start3A_37 = tpu.memref_slice %arg3[%dma_start3A_35, %dma_start3A_36] : memref<50000x32xf32, #tpu.memory_space<hbm>> -> memref<50000x32xf32, #tpu.memory_space<hbm>>
      tpu.enqueue_indirect_dma source(%dma_start3A_37 : memref<50000x32xf32, #tpu.memory_space<hbm>>) target(%arg13 : memref<256x32xf32, #tpu.memory_space<vmem>>) offsets(%arg9 : memref<256xi32, #tpu.memory_space<vmem>>) semaphore(%arg17 : memref<!tpu.dma_semaphore, #tpu.memory_space<semaphore_mem>>)
      %scan3A = arith.constant 0 : i32
      %scan3A_38 = arith.constant 0 : i32
      %scan3A_39 = arith.constant 196 : i32
      %scan3A_40 = arith.addi %scan3A_38, %scan3A_39 : i32
      %scan3A_41 = arith.constant 1 : i32
      scf.for %scan3A_49 = %scan3A_38 to %scan3A_40 step %scan3A_41  : i32 {
        %rem3A = arith.constant 2 : i32
        %rem3A_50 = arith.remsi %scan3A_49, %rem3A : i32
        %eq3A_51 = arith.constant 0 : i32
        %eq3A_52 = arith.cmpi eq, %rem3A_50, %eq3A_51 : i32
        %convert_element_type3A_53 = arith.extui %eq3A_52 : i1 to i32
        %cond3A_54 = arith.constant 0 : i32
        %cond3A_55 = arith.cmpi ne, %convert_element_type3A_53, %cond3A_54 : i32
        scf.if %cond3A_55 {
          %dma_wait3A_63 = arith.constant 0 : i32
          %dma_wait3A_64 = arith.constant 0 : i32
          %dma_wait3A_65 = tpu.memref_slice %arg3[%dma_wait3A_63, %dma_wait3A_64] : memref<50000x32xf32, #tpu.memory_space<hbm>> -> memref<50000x32xf32, #tpu.memory_space<hbm>>
          tpu.wait_indirect_dma semaphore(%arg17 : memref<!tpu.dma_semaphore, #tpu.memory_space<semaphore_mem>>) src(%dma_wait3A_65 : memref<50000x32xf32, #tpu.memory_space<hbm>>) dst(%arg13 : memref<256x32xf32, #tpu.memory_space<vmem>>)
          %add3A_66 = arith.constant 1 : i32
          %add3A_67 = arith.addi %scan3A_49, %add3A_66 : i32
          %lt3A = arith.constant 196 : i32
          %lt3A_68 = arith.cmpi slt, %add3A_67, %lt3A : i32
          %convert_element_type3A_69 = arith.extui %lt3A_68 : i1 to i32
          %cond3A_70 = arith.constant 0 : i32
          %cond3A_71 = arith.cmpi ne, %convert_element_type3A_69, %cond3A_70 : i32
          scf.if %cond3A_71 {
            %ge3A = arith.constant 1 : i32
            %ge3A_82 = arith.cmpi sge, %scan3A_49, %ge3A : i32
            %convert_element_type3A_83 = arith.extui %ge3A_82 : i1 to i32
            %cond3A_84 = arith.constant 0 : i32
            %cond3A_85 = arith.cmpi ne, %convert_element_type3A_83, %cond3A_84 : i32
            scf.if %cond3A_85 {
              %dma_wait3A_100 = arith.constant 0 : i32
              %dma_wait3A_101 = arith.constant 0 : i32
              %dma_wait3A_102 = tpu.memref_slice %arg8[%dma_wait3A_100, %dma_wait3A_101] : memref<50176x32xf32, #tpu.memory_space<vmem_shared>> -> memref<50176x32xf32, #tpu.memory_space<vmem_shared>>
              tpu.wait_indirect_dma semaphore(%arg20 : memref<!tpu.dma_semaphore, #tpu.memory_space<semaphore_mem>>) src(%arg14 : memref<256x32xf32, #tpu.memory_space<vmem>>) dst(%dma_wait3A_102 : memref<50176x32xf32, #tpu.memory_space<vmem_shared>>)
            } else {
            }
            %add3A_86 = arith.constant 1 : i32
            %add3A_87 = arith.addi %scan3A_49, %add3A_86 : i32
            %mul3A_88 = arith.constant 50176 : i32
            %mul3A_89 = arith.muli %arg1, %mul3A_88 : i32
            %mul3A_90 = arith.constant 256 : i32
            %mul3A_91 = arith.muli %add3A_87, %mul3A_90 : i32
            %add3A_92 = arith.addi %mul3A_89, %mul3A_91 : i32
            %dma_wait3A_93 = tpu.memref_slice %arg4[%add3A_92] : memref<802816xi32, #tpu.memory_space<hbm>> -> memref<256xi32, #tpu.memory_space<hbm>>
            %dma_wait3A_94 = tpu.memref_slice %arg4[%add3A_92] : memref<802816xi32, #tpu.memory_space<hbm>> -> memref<256xi32, #tpu.memory_space<hbm>>
            tpu.wait_dma2 semaphore(%arg16 : memref<!tpu.dma_semaphore, #tpu.memory_space<semaphore_mem>>) src(%dma_wait3A_94 : memref<256xi32, #tpu.memory_space<hbm>>) dst(%arg10 : memref<256xi32, #tpu.memory_space<vmem>>)
            %dma_wait3A_95 = tpu.memref_slice %arg5[%add3A_92] : memref<802816xi32, #tpu.memory_space<hbm>> -> memref<256xi32, #tpu.memory_space<hbm>>
            %dma_wait3A_96 = tpu.memref_slice %arg5[%add3A_92] : memref<802816xi32, #tpu.memory_space<hbm>> -> memref<256xi32, #tpu.memory_space<hbm>>
            tpu.wait_dma2 semaphore(%arg16 : memref<!tpu.dma_semaphore, #tpu.memory_space<semaphore_mem>>) src(%dma_wait3A_96 : memref<256xi32, #tpu.memory_space<hbm>>) dst(%arg12 : memref<256xi32, #tpu.memory_space<vmem>>)
            %dma_start3A_97 = arith.constant 0 : i32
            %dma_start3A_98 = arith.constant 0 : i32
            %dma_start3A_99 = tpu.memref_slice %arg3[%dma_start3A_97, %dma_start3A_98] : memref<50000x32xf32, #tpu.memory_space<hbm>> -> memref<50000x32xf32, #tpu.memory_space<hbm>>
            tpu.enqueue_indirect_dma source(%dma_start3A_99 : memref<50000x32xf32, #tpu.memory_space<hbm>>) target(%arg14 : memref<256x32xf32, #tpu.memory_space<vmem>>) offsets(%arg10 : memref<256xi32, #tpu.memory_space<vmem>>) semaphore(%arg18 : memref<!tpu.dma_semaphore, #tpu.memory_space<semaphore_mem>>)
          } else {
          }
          %dma_start3A_72 = arith.constant 0 : i32
          %dma_start3A_73 = arith.constant 0 : i32
          %dma_start3A_74 = tpu.memref_slice %arg8[%dma_start3A_72, %dma_start3A_73] : memref<50176x32xf32, #tpu.memory_space<vmem_shared>> -> memref<50176x32xf32, #tpu.memory_space<vmem_shared>>
          tpu.enqueue_indirect_dma source(%arg13 : memref<256x32xf32, #tpu.memory_space<vmem>>) target(%dma_start3A_74 : memref<50176x32xf32, #tpu.memory_space<vmem_shared>>) offsets(%arg11 : memref<256xi32, #tpu.memory_space<vmem>>) semaphore(%arg19 : memref<!tpu.dma_semaphore, #tpu.memory_space<semaphore_mem>>) {add = true}
          %add3A_75 = arith.constant 2 : i32
          %add3A_76 = arith.addi %scan3A_49, %add3A_75 : i32
          %lt3A_77 = arith.constant 196 : i32
          %lt3A_78 = arith.cmpi slt, %add3A_76, %lt3A_77 : i32
          %convert_element_type3A_79 = arith.extui %lt3A_78 : i1 to i32
          %cond3A_80 = arith.constant 0 : i32
          %cond3A_81 = arith.cmpi ne, %convert_element_type3A_79, %cond3A_80 : i32
          scf.if %cond3A_81 {
            %add3A_82 = arith.constant 2 : i32
            %add3A_83 = arith.addi %scan3A_49, %add3A_82 : i32
            %mul3A_84 = arith.constant 50176 : i32
            %mul3A_85 = arith.muli %arg1, %mul3A_84 : i32
            %mul3A_86 = arith.constant 256 : i32
            %mul3A_87 = arith.muli %add3A_83, %mul3A_86 : i32
            %add3A_88 = arith.addi %mul3A_85, %mul3A_87 : i32
            %dma_start3A_89 = tpu.memref_slice %arg4[%add3A_88] : memref<802816xi32, #tpu.memory_space<hbm>> -> memref<256xi32, #tpu.memory_space<hbm>>
            %dma_start3A_90 = tpu.memref_slice %arg4[%add3A_88] : memref<802816xi32, #tpu.memory_space<hbm>> -> memref<256xi32, #tpu.memory_space<hbm>>
            tpu.enqueue_dma source(%dma_start3A_90 : memref<256xi32, #tpu.memory_space<hbm>>) target(%arg9 : memref<256xi32, #tpu.memory_space<vmem>>) target_semaphore(%arg15 : memref<!tpu.dma_semaphore, #tpu.memory_space<semaphore_mem>>)
            %dma_start3A_91 = tpu.memref_slice %arg5[%add3A_88] : memref<802816xi32, #tpu.memory_space<hbm>> -> memref<256xi32, #tpu.memory_space<hbm>>
            %dma_start3A_92 = tpu.memref_slice %arg5[%add3A_88] : memref<802816xi32, #tpu.memory_space<hbm>> -> memref<256xi32, #tpu.memory_space<hbm>>
            tpu.enqueue_dma source(%dma_start3A_92 : memref<256xi32, #tpu.memory_space<hbm>>) target(%arg11 : memref<256xi32, #tpu.memory_space<vmem>>) target_semaphore(%arg15 : memref<!tpu.dma_semaphore, #tpu.memory_space<semaphore_mem>>)
          } else {
          }
        } else {
        }
        %rem3A_56 = arith.constant 2 : i32
        %rem3A_57 = arith.remsi %scan3A_49, %rem3A_56 : i32
        %eq3A_58 = arith.constant 1 : i32
        %eq3A_59 = arith.cmpi eq, %rem3A_57, %eq3A_58 : i32
        %convert_element_type3A_60 = arith.extui %eq3A_59 : i1 to i32
        %cond3A_61 = arith.constant 0 : i32
        %cond3A_62 = arith.cmpi ne, %convert_element_type3A_60, %cond3A_61 : i32
        scf.if %cond3A_62 {
          %dma_wait3A_63 = arith.constant 0 : i32
          %dma_wait3A_64 = arith.constant 0 : i32
          %dma_wait3A_65 = tpu.memref_slice %arg3[%dma_wait3A_63, %dma_wait3A_64] : memref<50000x32xf32, #tpu.memory_space<hbm>> -> memref<50000x32xf32, #tpu.memory_space<hbm>>
          tpu.wait_indirect_dma semaphore(%arg18 : memref<!tpu.dma_semaphore, #tpu.memory_space<semaphore_mem>>) src(%dma_wait3A_65 : memref<50000x32xf32, #tpu.memory_space<hbm>>) dst(%arg14 : memref<256x32xf32, #tpu.memory_space<vmem>>)
          %add3A_66 = arith.constant 1 : i32
          %add3A_67 = arith.addi %scan3A_49, %add3A_66 : i32
          %lt3A = arith.constant 196 : i32
          %lt3A_68 = arith.cmpi slt, %add3A_67, %lt3A : i32
          %convert_element_type3A_69 = arith.extui %lt3A_68 : i1 to i32
          %cond3A_70 = arith.constant 0 : i32
          %cond3A_71 = arith.cmpi ne, %convert_element_type3A_69, %cond3A_70 : i32
          scf.if %cond3A_71 {
            %ge3A = arith.constant 1 : i32
            %ge3A_82 = arith.cmpi sge, %scan3A_49, %ge3A : i32
            %convert_element_type3A_83 = arith.extui %ge3A_82 : i1 to i32
            %cond3A_84 = arith.constant 0 : i32
            %cond3A_85 = arith.cmpi ne, %convert_element_type3A_83, %cond3A_84 : i32
            scf.if %cond3A_85 {
              %dma_wait3A_100 = arith.constant 0 : i32
              %dma_wait3A_101 = arith.constant 0 : i32
              %dma_wait3A_102 = tpu.memref_slice %arg8[%dma_wait3A_100, %dma_wait3A_101] : memref<50176x32xf32, #tpu.memory_space<vmem_shared>> -> memref<50176x32xf32, #tpu.memory_space<vmem_shared>>
              tpu.wait_indirect_dma semaphore(%arg19 : memref<!tpu.dma_semaphore, #tpu.memory_space<semaphore_mem>>) src(%arg13 : memref<256x32xf32, #tpu.memory_space<vmem>>) dst(%dma_wait3A_102 : memref<50176x32xf32, #tpu.memory_space<vmem_shared>>)
            } else {
            }
            %add3A_86 = arith.constant 1 : i32
            %add3A_87 = arith.addi %scan3A_49, %add3A_86 : i32
            %mul3A_88 = arith.constant 50176 : i32
            %mul3A_89 = arith.muli %arg1, %mul3A_88 : i32
            %mul3A_90 = arith.constant 256 : i32
            %mul3A_91 = arith.muli %add3A_87, %mul3A_90 : i32
            %add3A_92 = arith.addi %mul3A_89, %mul3A_91 : i32
            %dma_wait3A_93 = tpu.memref_slice %arg4[%add3A_92] : memref<802816xi32, #tpu.memory_space<hbm>> -> memref<256xi32, #tpu.memory_space<hbm>>
            %dma_wait3A_94 = tpu.memref_slice %arg4[%add3A_92] : memref<802816xi32, #tpu.memory_space<hbm>> -> memref<256xi32, #tpu.memory_space<hbm>>
            tpu.wait_dma2 semaphore(%arg15 : memref<!tpu.dma_semaphore, #tpu.memory_space<semaphore_mem>>) src(%dma_wait3A_94 : memref<256xi32, #tpu.memory_space<hbm>>) dst(%arg9 : memref<256xi32, #tpu.memory_space<vmem>>)
            %dma_wait3A_95 = tpu.memref_slice %arg5[%add3A_92] : memref<802816xi32, #tpu.memory_space<hbm>> -> memref<256xi32, #tpu.memory_space<hbm>>
            %dma_wait3A_96 = tpu.memref_slice %arg5[%add3A_92] : memref<802816xi32, #tpu.memory_space<hbm>> -> memref<256xi32, #tpu.memory_space<hbm>>
            tpu.wait_dma2 semaphore(%arg15 : memref<!tpu.dma_semaphore, #tpu.memory_space<semaphore_mem>>) src(%dma_wait3A_96 : memref<256xi32, #tpu.memory_space<hbm>>) dst(%arg11 : memref<256xi32, #tpu.memory_space<vmem>>)
            %dma_start3A_97 = arith.constant 0 : i32
            %dma_start3A_98 = arith.constant 0 : i32
            %dma_start3A_99 = tpu.memref_slice %arg3[%dma_start3A_97, %dma_start3A_98] : memref<50000x32xf32, #tpu.memory_space<hbm>> -> memref<50000x32xf32, #tpu.memory_space<hbm>>
            tpu.enqueue_indirect_dma source(%dma_start3A_99 : memref<50000x32xf32, #tpu.memory_space<hbm>>) target(%arg13 : memref<256x32xf32, #tpu.memory_space<vmem>>) offsets(%arg9 : memref<256xi32, #tpu.memory_space<vmem>>) semaphore(%arg17 : memref<!tpu.dma_semaphore, #tpu.memory_space<semaphore_mem>>)
          } else {
          }
          %dma_start3A_72 = arith.constant 0 : i32
          %dma_start3A_73 = arith.constant 0 : i32
          %dma_start3A_74 = tpu.memref_slice %arg8[%dma_start3A_72, %dma_start3A_73] : memref<50176x32xf32, #tpu.memory_space<vmem_shared>> -> memref<50176x32xf32, #tpu.memory_space<vmem_shared>>
          tpu.enqueue_indirect_dma source(%arg14 : memref<256x32xf32, #tpu.memory_space<vmem>>) target(%dma_start3A_74 : memref<50176x32xf32, #tpu.memory_space<vmem_shared>>) offsets(%arg12 : memref<256xi32, #tpu.memory_space<vmem>>) semaphore(%arg20 : memref<!tpu.dma_semaphore, #tpu.memory_space<semaphore_mem>>) {add = true}
          %add3A_75 = arith.constant 2 : i32
          %add3A_76 = arith.addi %scan3A_49, %add3A_75 : i32
          %lt3A_77 = arith.constant 196 : i32
          %lt3A_78 = arith.cmpi slt, %add3A_76, %lt3A_77 : i32
          %convert_element_type3A_79 = arith.extui %lt3A_78 : i1 to i32
          %cond3A_80 = arith.constant 0 : i32
          %cond3A_81 = arith.cmpi ne, %convert_element_type3A_79, %cond3A_80 : i32
          scf.if %cond3A_81 {
            %add3A_82 = arith.constant 2 : i32
            %add3A_83 = arith.addi %scan3A_49, %add3A_82 : i32
            %mul3A_84 = arith.constant 50176 : i32
            %mul3A_85 = arith.muli %arg1, %mul3A_84 : i32
            %mul3A_86 = arith.constant 256 : i32
            %mul3A_87 = arith.muli %add3A_83, %mul3A_86 : i32
            %add3A_88 = arith.addi %mul3A_85, %mul3A_87 : i32
            %dma_start3A_89 = tpu.memref_slice %arg4[%add3A_88] : memref<802816xi32, #tpu.memory_space<hbm>> -> memref<256xi32, #tpu.memory_space<hbm>>
            %dma_start3A_90 = tpu.memref_slice %arg4[%add3A_88] : memref<802816xi32, #tpu.memory_space<hbm>> -> memref<256xi32, #tpu.memory_space<hbm>>
            tpu.enqueue_dma source(%dma_start3A_90 : memref<256xi32, #tpu.memory_space<hbm>>) target(%arg10 : memref<256xi32, #tpu.memory_space<vmem>>) target_semaphore(%arg16 : memref<!tpu.dma_semaphore, #tpu.memory_space<semaphore_mem>>)
            %dma_start3A_91 = tpu.memref_slice %arg5[%add3A_88] : memref<802816xi32, #tpu.memory_space<hbm>> -> memref<256xi32, #tpu.memory_space<hbm>>
            %dma_start3A_92 = tpu.memref_slice %arg5[%add3A_88] : memref<802816xi32, #tpu.memory_space<hbm>> -> memref<256xi32, #tpu.memory_space<hbm>>
            tpu.enqueue_dma source(%dma_start3A_92 : memref<256xi32, #tpu.memory_space<hbm>>) target(%arg12 : memref<256xi32, #tpu.memory_space<vmem>>) target_semaphore(%arg16 : memref<!tpu.dma_semaphore, #tpu.memory_space<semaphore_mem>>)
          } else {
          }
        } else {
        }
      }
      %scan3A_42 = arith.constant 196 : i32
      %dma_wait3A_43 = arith.constant 0 : i32
      %dma_wait3A_44 = arith.constant 0 : i32
      %dma_wait3A_45 = tpu.memref_slice %arg8[%dma_wait3A_43, %dma_wait3A_44] : memref<50176x32xf32, #tpu.memory_space<vmem_shared>> -> memref<50176x32xf32, #tpu.memory_space<vmem_shared>>
      tpu.wait_indirect_dma semaphore(%arg19 : memref<!tpu.dma_semaphore, #tpu.memory_space<semaphore_mem>>) src(%arg13 : memref<256x32xf32, #tpu.memory_space<vmem>>) dst(%dma_wait3A_45 : memref<50176x32xf32, #tpu.memory_space<vmem_shared>>)
      %dma_wait3A_46 = arith.constant 0 : i32
      %dma_wait3A_47 = arith.constant 0 : i32
      %dma_wait3A_48 = tpu.memref_slice %arg8[%dma_wait3A_46, %dma_wait3A_47] : memref<50176x32xf32, #tpu.memory_space<vmem_shared>> -> memref<50176x32xf32, #tpu.memory_space<vmem_shared>>
      tpu.wait_indirect_dma semaphore(%arg20 : memref<!tpu.dma_semaphore, #tpu.memory_space<semaphore_mem>>) src(%arg14 : memref<256x32xf32, #tpu.memory_space<vmem>>) dst(%dma_wait3A_48 : memref<50176x32xf32, #tpu.memory_space<vmem_shared>>)
    } else {
    }
    %barrier3A_8 = arith.constant 0 : index
    tpu.barrier barrier_id(%barrier3A_8)
    %mul3A_9 = arith.constant 3136 : i32
    %mul3A_10 = arith.muli %arg1, %mul3A_9 : i32
    %mul3A_11 = arith.constant 3136 : i32
    %mul3A_12 = arith.muli %arg1, %mul3A_11 : i32
    "tpu.region"() ({
      %run_scoped3A = tpu.sem_alloc : memref<!tpu.dma_semaphore, #tpu.memory_space<semaphore_mem>>
      %dma_start3A = arith.constant 0 : i32
      %dma_start3A_14 = tpu.memref_slice %arg7[%arg0, %mul3A_12, %dma_start3A] : memref<2x50176x32xf32, #tpu.memory_space<hbm>> -> memref<1x3136x32xf32, #tpu.memory_space<hbm>>
      %dma_start3A_15 = tpu.memref_squeeze %dma_start3A_14 : memref<1x3136x32xf32, #tpu.memory_space<hbm>> -> memref<3136x32xf32, #tpu.memory_space<hbm>>
      %dma_start3A_16 = arith.constant 0 : i32
      %dma_start3A_17 = tpu.memref_slice %arg8[%mul3A_10, %dma_start3A_16] : memref<50176x32xf32, #tpu.memory_space<vmem_shared>> -> memref<3136x32xf32, #tpu.memory_space<vmem_shared>>
      tpu.enqueue_dma source(%dma_start3A_17 : memref<3136x32xf32, #tpu.memory_space<vmem_shared>>) target(%dma_start3A_15 : memref<3136x32xf32, #tpu.memory_space<hbm>>) target_semaphore(%run_scoped3A : memref<!tpu.dma_semaphore, #tpu.memory_space<semaphore_mem>>)
      %dma_wait3A = arith.constant 0 : i32
      %dma_wait3A_18 = tpu.memref_slice %arg7[%arg0, %mul3A_12, %dma_wait3A] : memref<2x50176x32xf32, #tpu.memory_space<hbm>> -> memref<1x3136x32xf32, #tpu.memory_space<hbm>>
      %dma_wait3A_19 = tpu.memref_squeeze %dma_wait3A_18 : memref<1x3136x32xf32, #tpu.memory_space<hbm>> -> memref<3136x32xf32, #tpu.memory_space<hbm>>
      %dma_wait3A_20 = arith.constant 0 : i32
      %dma_wait3A_21 = tpu.memref_slice %arg8[%mul3A_10, %dma_wait3A_20] : memref<50176x32xf32, #tpu.memory_space<vmem_shared>> -> memref<3136x32xf32, #tpu.memory_space<vmem_shared>>
      tpu.wait_dma2 semaphore(%run_scoped3A : memref<!tpu.dma_semaphore, #tpu.memory_space<semaphore_mem>>) src(%dma_wait3A_21 : memref<3136x32xf32, #tpu.memory_space<vmem_shared>>) dst(%dma_wait3A_19 : memref<3136x32xf32, #tpu.memory_space<hbm>>)
      tpu.yield
    }) : () -> ()
    %barrier3A_13 = arith.constant 0 : index
    tpu.barrier barrier_id(%barrier3A_13)
    return
  }
}

#map = affine_map<(d0, d1) -> (0, 0)>
#map1 = affine_map<(d0, d1) -> (0)>
#map2 = affine_map<(d0, d1) -> (0, 0, 0)>
module attributes {stable_mosaic.version = 14 : i64} {
  func.func @_sc_scatter_body(%arg0: i32, %arg1: i32, %arg2: memref<50000x32xf32, #tpu.memory_space<hbm>>, %arg3: memref<50000x32xf32, #tpu.memory_space<hbm>>, %arg4: memref<802816xi32, #tpu.memory_space<hbm>>, %arg5: memref<802816xi32, #tpu.memory_space<hbm>>, %arg6: memref<3136x32xf32, #tpu.memory_space<hbm>>, %arg7: memref<2x50176x32xf32, #tpu.memory_space<hbm>>, %arg8: memref<50176x32xf32, #tpu.memory_space<vmem_shared>>, %arg9: memref<256xi32, #tpu.memory_space<vmem>>, %arg10: memref<256xi32, #tpu.memory_space<vmem>>, %arg11: memref<256xi32, #tpu.memory_space<vmem>>, %arg12: memref<256xi32, #tpu.memory_space<vmem>>, %arg13: memref<256x32xf32, #tpu.memory_space<vmem>>, %arg14: memref<256x32xf32, #tpu.memory_space<vmem>>, %arg15: memref<!tpu.dma_semaphore, #tpu.memory_space<semaphore_mem>>, %arg16: memref<!tpu.dma_semaphore, #tpu.memory_space<semaphore_mem>>, %arg17: memref<!tpu.dma_semaphore, #tpu.memory_space<semaphore_mem>>, %arg18: memref<!tpu.dma_semaphore, #tpu.memory_space<semaphore_mem>>, %arg19: memref<!tpu.dma_semaphore, #tpu.memory_space<semaphore_mem>>, %arg20: memref<!tpu.dma_semaphore, #tpu.memory_space<semaphore_mem>>) attributes {dimension_semantics = [#tpu.dimension_semantics<core_parallel>, #tpu.dimension_semantics<subcore_parallel>], iteration_bounds = array<i64: 2, 16>, scalar_prefetch = 0 : i64, scratch_operands = 13 : i64, tpu.core_type = #tpu.core_type<sc_vector_subcore>, window_params = [{transform_indices = #map}, {transform_indices = #map}, {transform_indices = #map1}, {transform_indices = #map1}, {transform_indices = #map}, {transform_indices = #map2}]} {
    %mul3A = arith.constant 3136 : i32
    %mul3A_0 = arith.muli %arg1, %mul3A : i32
    "tpu.region"() ({
      %run_scoped3A = tpu.sem_alloc : memref<!tpu.dma_semaphore, #tpu.memory_space<semaphore_mem>>
      %dma_start3A = arith.constant 0 : i32
      %dma_start3A_14 = tpu.memref_slice %arg8[%mul3A_0, %dma_start3A] : memref<50176x32xf32, #tpu.memory_space<vmem_shared>> -> memref<3136x32xf32, #tpu.memory_space<vmem_shared>>
      tpu.enqueue_dma source(%arg6 : memref<3136x32xf32, #tpu.memory_space<hbm>>) target(%dma_start3A_14 : memref<3136x32xf32, #tpu.memory_space<vmem_shared>>) target_semaphore(%run_scoped3A : memref<!tpu.dma_semaphore, #tpu.memory_space<semaphore_mem>>)
      %dma_wait3A = arith.constant 0 : i32
      %dma_wait3A_15 = tpu.memref_slice %arg8[%mul3A_0, %dma_wait3A] : memref<50176x32xf32, #tpu.memory_space<vmem_shared>> -> memref<3136x32xf32, #tpu.memory_space<vmem_shared>>
      tpu.wait_dma2 semaphore(%run_scoped3A : memref<!tpu.dma_semaphore, #tpu.memory_space<semaphore_mem>>) src(%arg6 : memref<3136x32xf32, #tpu.memory_space<hbm>>) dst(%dma_wait3A_15 : memref<3136x32xf32, #tpu.memory_space<vmem_shared>>)
      tpu.yield
    }) : () -> ()
    %barrier3A = arith.constant 0 : index
    tpu.barrier barrier_id(%barrier3A)
    %eq3A = arith.constant 0 : i32
    %eq3A_1 = arith.cmpi eq, %arg0, %eq3A : i32
    %convert_element_type3A = arith.extui %eq3A_1 : i1 to i32
    %cond3A = arith.constant 0 : i32
    %cond3A_2 = arith.cmpi ne, %convert_element_type3A, %cond3A : i32
    scf.if %cond3A_2 {
      %mul3A_14 = arith.constant 50176 : i32
      %mul3A_15 = arith.muli %arg1, %mul3A_14 : i32
      %add3A = arith.constant 0 : i32
      %add3A_16 = arith.addi %mul3A_15, %add3A : i32
      %dma_start3A = tpu.memref_slice %arg4[%add3A_16] : memref<802816xi32, #tpu.memory_space<hbm>> -> memref<256xi32, #tpu.memory_space<hbm>>
      %dma_start3A_17 = tpu.memref_slice %arg4[%add3A_16] : memref<802816xi32, #tpu.memory_space<hbm>> -> memref<256xi32, #tpu.memory_space<hbm>>
      tpu.enqueue_dma source(%dma_start3A_17 : memref<256xi32, #tpu.memory_space<hbm>>) target(%arg9 : memref<256xi32, #tpu.memory_space<vmem>>) target_semaphore(%arg15 : memref<!tpu.dma_semaphore, #tpu.memory_space<semaphore_mem>>)
      %dma_start3A_18 = tpu.memref_slice %arg5[%add3A_16] : memref<802816xi32, #tpu.memory_space<hbm>> -> memref<256xi32, #tpu.memory_space<hbm>>
      %dma_start3A_19 = tpu.memref_slice %arg5[%add3A_16] : memref<802816xi32, #tpu.memory_space<hbm>> -> memref<256xi32, #tpu.memory_space<hbm>>
      tpu.enqueue_dma source(%dma_start3A_19 : memref<256xi32, #tpu.memory_space<hbm>>) target(%arg11 : memref<256xi32, #tpu.memory_space<vmem>>) target_semaphore(%arg15 : memref<!tpu.dma_semaphore, #tpu.memory_space<semaphore_mem>>)
      %mul3A_20 = arith.constant 50176 : i32
      %mul3A_21 = arith.muli %arg1, %mul3A_20 : i32
      %add3A_22 = arith.constant 256 : i32
      %add3A_23 = arith.addi %mul3A_21, %add3A_22 : i32
      %dma_start3A_24 = tpu.memref_slice %arg4[%add3A_23] : memref<802816xi32, #tpu.memory_space<hbm>> -> memref<256xi32, #tpu.memory_space<hbm>>
      %dma_start3A_25 = tpu.memref_slice %arg4[%add3A_23] : memref<802816xi32, #tpu.memory_space<hbm>> -> memref<256xi32, #tpu.memory_space<hbm>>
      tpu.enqueue_dma source(%dma_start3A_25 : memref<256xi32, #tpu.memory_space<hbm>>) target(%arg10 : memref<256xi32, #tpu.memory_space<vmem>>) target_semaphore(%arg16 : memref<!tpu.dma_semaphore, #tpu.memory_space<semaphore_mem>>)
      %dma_start3A_26 = tpu.memref_slice %arg5[%add3A_23] : memref<802816xi32, #tpu.memory_space<hbm>> -> memref<256xi32, #tpu.memory_space<hbm>>
      %dma_start3A_27 = tpu.memref_slice %arg5[%add3A_23] : memref<802816xi32, #tpu.memory_space<hbm>> -> memref<256xi32, #tpu.memory_space<hbm>>
      tpu.enqueue_dma source(%dma_start3A_27 : memref<256xi32, #tpu.memory_space<hbm>>) target(%arg12 : memref<256xi32, #tpu.memory_space<vmem>>) target_semaphore(%arg16 : memref<!tpu.dma_semaphore, #tpu.memory_space<semaphore_mem>>)
      %mul3A_28 = arith.constant 50176 : i32
      %mul3A_29 = arith.muli %arg1, %mul3A_28 : i32
      %add3A_30 = arith.constant 0 : i32
      %add3A_31 = arith.addi %mul3A_29, %add3A_30 : i32
      %dma_wait3A = tpu.memref_slice %arg4[%add3A_31] : memref<802816xi32, #tpu.memory_space<hbm>> -> memref<256xi32, #tpu.memory_space<hbm>>
      %dma_wait3A_32 = tpu.memref_slice %arg4[%add3A_31] : memref<802816xi32, #tpu.memory_space<hbm>> -> memref<256xi32, #tpu.memory_space<hbm>>
      tpu.wait_dma2 semaphore(%arg15 : memref<!tpu.dma_semaphore, #tpu.memory_space<semaphore_mem>>) src(%dma_wait3A_32 : memref<256xi32, #tpu.memory_space<hbm>>) dst(%arg9 : memref<256xi32, #tpu.memory_space<vmem>>)
      %dma_wait3A_33 = tpu.memref_slice %arg5[%add3A_31] : memref<802816xi32, #tpu.memory_space<hbm>> -> memref<256xi32, #tpu.memory_space<hbm>>
      %dma_wait3A_34 = tpu.memref_slice %arg5[%add3A_31] : memref<802816xi32, #tpu.memory_space<hbm>> -> memref<256xi32, #tpu.memory_space<hbm>>
      tpu.wait_dma2 semaphore(%arg15 : memref<!tpu.dma_semaphore, #tpu.memory_space<semaphore_mem>>) src(%dma_wait3A_34 : memref<256xi32, #tpu.memory_space<hbm>>) dst(%arg11 : memref<256xi32, #tpu.memory_space<vmem>>)
      %dma_start3A_35 = arith.constant 0 : i32
      %dma_start3A_36 = arith.constant 0 : i32
      %dma_start3A_37 = tpu.memref_slice %arg2[%dma_start3A_35, %dma_start3A_36] : memref<50000x32xf32, #tpu.memory_space<hbm>> -> memref<50000x32xf32, #tpu.memory_space<hbm>>
      tpu.enqueue_indirect_dma source(%dma_start3A_37 : memref<50000x32xf32, #tpu.memory_space<hbm>>) target(%arg13 : memref<256x32xf32, #tpu.memory_space<vmem>>) offsets(%arg9 : memref<256xi32, #tpu.memory_space<vmem>>) semaphore(%arg17 : memref<!tpu.dma_semaphore, #tpu.memory_space<semaphore_mem>>)
      %scan3A = arith.constant 0 : i32
      %scan3A_38 = arith.constant 0 : i32
      %scan3A_39 = arith.constant 196 : i32
      %scan3A_40 = arith.addi %scan3A_38, %scan3A_39 : i32
      %scan3A_41 = arith.constant 1 : i32
      scf.for %scan3A_49 = %scan3A_38 to %scan3A_40 step %scan3A_41  : i32 {
        %rem3A = arith.constant 2 : i32
        %rem3A_50 = arith.remsi %scan3A_49, %rem3A : i32
        %eq3A_51 = arith.constant 0 : i32
        %eq3A_52 = arith.cmpi eq, %rem3A_50, %eq3A_51 : i32
        %convert_element_type3A_53 = arith.extui %eq3A_52 : i1 to i32
        %cond3A_54 = arith.constant 0 : i32
        %cond3A_55 = arith.cmpi ne, %convert_element_type3A_53, %cond3A_54 : i32
        scf.if %cond3A_55 {
          %dma_wait3A_63 = arith.constant 0 : i32
          %dma_wait3A_64 = arith.constant 0 : i32
          %dma_wait3A_65 = tpu.memref_slice %arg2[%dma_wait3A_63, %dma_wait3A_64] : memref<50000x32xf32, #tpu.memory_space<hbm>> -> memref<50000x32xf32, #tpu.memory_space<hbm>>
          tpu.wait_indirect_dma semaphore(%arg17 : memref<!tpu.dma_semaphore, #tpu.memory_space<semaphore_mem>>) src(%dma_wait3A_65 : memref<50000x32xf32, #tpu.memory_space<hbm>>) dst(%arg13 : memref<256x32xf32, #tpu.memory_space<vmem>>)
          %add3A_66 = arith.constant 1 : i32
          %add3A_67 = arith.addi %scan3A_49, %add3A_66 : i32
          %lt3A = arith.constant 196 : i32
          %lt3A_68 = arith.cmpi slt, %add3A_67, %lt3A : i32
          %convert_element_type3A_69 = arith.extui %lt3A_68 : i1 to i32
          %cond3A_70 = arith.constant 0 : i32
          %cond3A_71 = arith.cmpi ne, %convert_element_type3A_69, %cond3A_70 : i32
          scf.if %cond3A_71 {
            %ge3A = arith.constant 1 : i32
            %ge3A_82 = arith.cmpi sge, %scan3A_49, %ge3A : i32
            %convert_element_type3A_83 = arith.extui %ge3A_82 : i1 to i32
            %cond3A_84 = arith.constant 0 : i32
            %cond3A_85 = arith.cmpi ne, %convert_element_type3A_83, %cond3A_84 : i32
            scf.if %cond3A_85 {
              %dma_wait3A_100 = arith.constant 0 : i32
              %dma_wait3A_101 = arith.constant 0 : i32
              %dma_wait3A_102 = tpu.memref_slice %arg8[%dma_wait3A_100, %dma_wait3A_101] : memref<50176x32xf32, #tpu.memory_space<vmem_shared>> -> memref<50176x32xf32, #tpu.memory_space<vmem_shared>>
              tpu.wait_indirect_dma semaphore(%arg20 : memref<!tpu.dma_semaphore, #tpu.memory_space<semaphore_mem>>) src(%arg14 : memref<256x32xf32, #tpu.memory_space<vmem>>) dst(%dma_wait3A_102 : memref<50176x32xf32, #tpu.memory_space<vmem_shared>>)
            } else {
            }
            %add3A_86 = arith.constant 1 : i32
            %add3A_87 = arith.addi %scan3A_49, %add3A_86 : i32
            %mul3A_88 = arith.constant 50176 : i32
            %mul3A_89 = arith.muli %arg1, %mul3A_88 : i32
            %mul3A_90 = arith.constant 256 : i32
            %mul3A_91 = arith.muli %add3A_87, %mul3A_90 : i32
            %add3A_92 = arith.addi %mul3A_89, %mul3A_91 : i32
            %dma_wait3A_93 = tpu.memref_slice %arg4[%add3A_92] : memref<802816xi32, #tpu.memory_space<hbm>> -> memref<256xi32, #tpu.memory_space<hbm>>
            %dma_wait3A_94 = tpu.memref_slice %arg4[%add3A_92] : memref<802816xi32, #tpu.memory_space<hbm>> -> memref<256xi32, #tpu.memory_space<hbm>>
            tpu.wait_dma2 semaphore(%arg16 : memref<!tpu.dma_semaphore, #tpu.memory_space<semaphore_mem>>) src(%dma_wait3A_94 : memref<256xi32, #tpu.memory_space<hbm>>) dst(%arg10 : memref<256xi32, #tpu.memory_space<vmem>>)
            %dma_wait3A_95 = tpu.memref_slice %arg5[%add3A_92] : memref<802816xi32, #tpu.memory_space<hbm>> -> memref<256xi32, #tpu.memory_space<hbm>>
            %dma_wait3A_96 = tpu.memref_slice %arg5[%add3A_92] : memref<802816xi32, #tpu.memory_space<hbm>> -> memref<256xi32, #tpu.memory_space<hbm>>
            tpu.wait_dma2 semaphore(%arg16 : memref<!tpu.dma_semaphore, #tpu.memory_space<semaphore_mem>>) src(%dma_wait3A_96 : memref<256xi32, #tpu.memory_space<hbm>>) dst(%arg12 : memref<256xi32, #tpu.memory_space<vmem>>)
            %dma_start3A_97 = arith.constant 0 : i32
            %dma_start3A_98 = arith.constant 0 : i32
            %dma_start3A_99 = tpu.memref_slice %arg2[%dma_start3A_97, %dma_start3A_98] : memref<50000x32xf32, #tpu.memory_space<hbm>> -> memref<50000x32xf32, #tpu.memory_space<hbm>>
            tpu.enqueue_indirect_dma source(%dma_start3A_99 : memref<50000x32xf32, #tpu.memory_space<hbm>>) target(%arg14 : memref<256x32xf32, #tpu.memory_space<vmem>>) offsets(%arg10 : memref<256xi32, #tpu.memory_space<vmem>>) semaphore(%arg18 : memref<!tpu.dma_semaphore, #tpu.memory_space<semaphore_mem>>)
          } else {
          }
          %dma_start3A_72 = arith.constant 0 : i32
          %dma_start3A_73 = arith.constant 0 : i32
          %dma_start3A_74 = tpu.memref_slice %arg8[%dma_start3A_72, %dma_start3A_73] : memref<50176x32xf32, #tpu.memory_space<vmem_shared>> -> memref<50176x32xf32, #tpu.memory_space<vmem_shared>>
          tpu.enqueue_indirect_dma source(%arg13 : memref<256x32xf32, #tpu.memory_space<vmem>>) target(%dma_start3A_74 : memref<50176x32xf32, #tpu.memory_space<vmem_shared>>) offsets(%arg11 : memref<256xi32, #tpu.memory_space<vmem>>) semaphore(%arg19 : memref<!tpu.dma_semaphore, #tpu.memory_space<semaphore_mem>>) {add = true}
          %add3A_75 = arith.constant 2 : i32
          %add3A_76 = arith.addi %scan3A_49, %add3A_75 : i32
          %lt3A_77 = arith.constant 196 : i32
          %lt3A_78 = arith.cmpi slt, %add3A_76, %lt3A_77 : i32
          %convert_element_type3A_79 = arith.extui %lt3A_78 : i1 to i32
          %cond3A_80 = arith.constant 0 : i32
          %cond3A_81 = arith.cmpi ne, %convert_element_type3A_79, %cond3A_80 : i32
          scf.if %cond3A_81 {
            %add3A_82 = arith.constant 2 : i32
            %add3A_83 = arith.addi %scan3A_49, %add3A_82 : i32
            %mul3A_84 = arith.constant 50176 : i32
            %mul3A_85 = arith.muli %arg1, %mul3A_84 : i32
            %mul3A_86 = arith.constant 256 : i32
            %mul3A_87 = arith.muli %add3A_83, %mul3A_86 : i32
            %add3A_88 = arith.addi %mul3A_85, %mul3A_87 : i32
            %dma_start3A_89 = tpu.memref_slice %arg4[%add3A_88] : memref<802816xi32, #tpu.memory_space<hbm>> -> memref<256xi32, #tpu.memory_space<hbm>>
            %dma_start3A_90 = tpu.memref_slice %arg4[%add3A_88] : memref<802816xi32, #tpu.memory_space<hbm>> -> memref<256xi32, #tpu.memory_space<hbm>>
            tpu.enqueue_dma source(%dma_start3A_90 : memref<256xi32, #tpu.memory_space<hbm>>) target(%arg9 : memref<256xi32, #tpu.memory_space<vmem>>) target_semaphore(%arg15 : memref<!tpu.dma_semaphore, #tpu.memory_space<semaphore_mem>>)
            %dma_start3A_91 = tpu.memref_slice %arg5[%add3A_88] : memref<802816xi32, #tpu.memory_space<hbm>> -> memref<256xi32, #tpu.memory_space<hbm>>
            %dma_start3A_92 = tpu.memref_slice %arg5[%add3A_88] : memref<802816xi32, #tpu.memory_space<hbm>> -> memref<256xi32, #tpu.memory_space<hbm>>
            tpu.enqueue_dma source(%dma_start3A_92 : memref<256xi32, #tpu.memory_space<hbm>>) target(%arg11 : memref<256xi32, #tpu.memory_space<vmem>>) target_semaphore(%arg15 : memref<!tpu.dma_semaphore, #tpu.memory_space<semaphore_mem>>)
          } else {
          }
        } else {
        }
        %rem3A_56 = arith.constant 2 : i32
        %rem3A_57 = arith.remsi %scan3A_49, %rem3A_56 : i32
        %eq3A_58 = arith.constant 1 : i32
        %eq3A_59 = arith.cmpi eq, %rem3A_57, %eq3A_58 : i32
        %convert_element_type3A_60 = arith.extui %eq3A_59 : i1 to i32
        %cond3A_61 = arith.constant 0 : i32
        %cond3A_62 = arith.cmpi ne, %convert_element_type3A_60, %cond3A_61 : i32
        scf.if %cond3A_62 {
          %dma_wait3A_63 = arith.constant 0 : i32
          %dma_wait3A_64 = arith.constant 0 : i32
          %dma_wait3A_65 = tpu.memref_slice %arg2[%dma_wait3A_63, %dma_wait3A_64] : memref<50000x32xf32, #tpu.memory_space<hbm>> -> memref<50000x32xf32, #tpu.memory_space<hbm>>
          tpu.wait_indirect_dma semaphore(%arg18 : memref<!tpu.dma_semaphore, #tpu.memory_space<semaphore_mem>>) src(%dma_wait3A_65 : memref<50000x32xf32, #tpu.memory_space<hbm>>) dst(%arg14 : memref<256x32xf32, #tpu.memory_space<vmem>>)
          %add3A_66 = arith.constant 1 : i32
          %add3A_67 = arith.addi %scan3A_49, %add3A_66 : i32
          %lt3A = arith.constant 196 : i32
          %lt3A_68 = arith.cmpi slt, %add3A_67, %lt3A : i32
          %convert_element_type3A_69 = arith.extui %lt3A_68 : i1 to i32
          %cond3A_70 = arith.constant 0 : i32
          %cond3A_71 = arith.cmpi ne, %convert_element_type3A_69, %cond3A_70 : i32
          scf.if %cond3A_71 {
            %ge3A = arith.constant 1 : i32
            %ge3A_82 = arith.cmpi sge, %scan3A_49, %ge3A : i32
            %convert_element_type3A_83 = arith.extui %ge3A_82 : i1 to i32
            %cond3A_84 = arith.constant 0 : i32
            %cond3A_85 = arith.cmpi ne, %convert_element_type3A_83, %cond3A_84 : i32
            scf.if %cond3A_85 {
              %dma_wait3A_100 = arith.constant 0 : i32
              %dma_wait3A_101 = arith.constant 0 : i32
              %dma_wait3A_102 = tpu.memref_slice %arg8[%dma_wait3A_100, %dma_wait3A_101] : memref<50176x32xf32, #tpu.memory_space<vmem_shared>> -> memref<50176x32xf32, #tpu.memory_space<vmem_shared>>
              tpu.wait_indirect_dma semaphore(%arg19 : memref<!tpu.dma_semaphore, #tpu.memory_space<semaphore_mem>>) src(%arg13 : memref<256x32xf32, #tpu.memory_space<vmem>>) dst(%dma_wait3A_102 : memref<50176x32xf32, #tpu.memory_space<vmem_shared>>)
            } else {
            }
            %add3A_86 = arith.constant 1 : i32
            %add3A_87 = arith.addi %scan3A_49, %add3A_86 : i32
            %mul3A_88 = arith.constant 50176 : i32
            %mul3A_89 = arith.muli %arg1, %mul3A_88 : i32
            %mul3A_90 = arith.constant 256 : i32
            %mul3A_91 = arith.muli %add3A_87, %mul3A_90 : i32
            %add3A_92 = arith.addi %mul3A_89, %mul3A_91 : i32
            %dma_wait3A_93 = tpu.memref_slice %arg4[%add3A_92] : memref<802816xi32, #tpu.memory_space<hbm>> -> memref<256xi32, #tpu.memory_space<hbm>>
            %dma_wait3A_94 = tpu.memref_slice %arg4[%add3A_92] : memref<802816xi32, #tpu.memory_space<hbm>> -> memref<256xi32, #tpu.memory_space<hbm>>
            tpu.wait_dma2 semaphore(%arg15 : memref<!tpu.dma_semaphore, #tpu.memory_space<semaphore_mem>>) src(%dma_wait3A_94 : memref<256xi32, #tpu.memory_space<hbm>>) dst(%arg9 : memref<256xi32, #tpu.memory_space<vmem>>)
            %dma_wait3A_95 = tpu.memref_slice %arg5[%add3A_92] : memref<802816xi32, #tpu.memory_space<hbm>> -> memref<256xi32, #tpu.memory_space<hbm>>
            %dma_wait3A_96 = tpu.memref_slice %arg5[%add3A_92] : memref<802816xi32, #tpu.memory_space<hbm>> -> memref<256xi32, #tpu.memory_space<hbm>>
            tpu.wait_dma2 semaphore(%arg15 : memref<!tpu.dma_semaphore, #tpu.memory_space<semaphore_mem>>) src(%dma_wait3A_96 : memref<256xi32, #tpu.memory_space<hbm>>) dst(%arg11 : memref<256xi32, #tpu.memory_space<vmem>>)
            %dma_start3A_97 = arith.constant 0 : i32
            %dma_start3A_98 = arith.constant 0 : i32
            %dma_start3A_99 = tpu.memref_slice %arg2[%dma_start3A_97, %dma_start3A_98] : memref<50000x32xf32, #tpu.memory_space<hbm>> -> memref<50000x32xf32, #tpu.memory_space<hbm>>
            tpu.enqueue_indirect_dma source(%dma_start3A_99 : memref<50000x32xf32, #tpu.memory_space<hbm>>) target(%arg13 : memref<256x32xf32, #tpu.memory_space<vmem>>) offsets(%arg9 : memref<256xi32, #tpu.memory_space<vmem>>) semaphore(%arg17 : memref<!tpu.dma_semaphore, #tpu.memory_space<semaphore_mem>>)
          } else {
          }
          %dma_start3A_72 = arith.constant 0 : i32
          %dma_start3A_73 = arith.constant 0 : i32
          %dma_start3A_74 = tpu.memref_slice %arg8[%dma_start3A_72, %dma_start3A_73] : memref<50176x32xf32, #tpu.memory_space<vmem_shared>> -> memref<50176x32xf32, #tpu.memory_space<vmem_shared>>
          tpu.enqueue_indirect_dma source(%arg14 : memref<256x32xf32, #tpu.memory_space<vmem>>) target(%dma_start3A_74 : memref<50176x32xf32, #tpu.memory_space<vmem_shared>>) offsets(%arg12 : memref<256xi32, #tpu.memory_space<vmem>>) semaphore(%arg20 : memref<!tpu.dma_semaphore, #tpu.memory_space<semaphore_mem>>) {add = true}
          %add3A_75 = arith.constant 2 : i32
          %add3A_76 = arith.addi %scan3A_49, %add3A_75 : i32
          %lt3A_77 = arith.constant 196 : i32
          %lt3A_78 = arith.cmpi slt, %add3A_76, %lt3A_77 : i32
          %convert_element_type3A_79 = arith.extui %lt3A_78 : i1 to i32
          %cond3A_80 = arith.constant 0 : i32
          %cond3A_81 = arith.cmpi ne, %convert_element_type3A_79, %cond3A_80 : i32
          scf.if %cond3A_81 {
            %add3A_82 = arith.constant 2 : i32
            %add3A_83 = arith.addi %scan3A_49, %add3A_82 : i32
            %mul3A_84 = arith.constant 50176 : i32
            %mul3A_85 = arith.muli %arg1, %mul3A_84 : i32
            %mul3A_86 = arith.constant 256 : i32
            %mul3A_87 = arith.muli %add3A_83, %mul3A_86 : i32
            %add3A_88 = arith.addi %mul3A_85, %mul3A_87 : i32
            %dma_start3A_89 = tpu.memref_slice %arg4[%add3A_88] : memref<802816xi32, #tpu.memory_space<hbm>> -> memref<256xi32, #tpu.memory_space<hbm>>
            %dma_start3A_90 = tpu.memref_slice %arg4[%add3A_88] : memref<802816xi32, #tpu.memory_space<hbm>> -> memref<256xi32, #tpu.memory_space<hbm>>
            tpu.enqueue_dma source(%dma_start3A_90 : memref<256xi32, #tpu.memory_space<hbm>>) target(%arg10 : memref<256xi32, #tpu.memory_space<vmem>>) target_semaphore(%arg16 : memref<!tpu.dma_semaphore, #tpu.memory_space<semaphore_mem>>)
            %dma_start3A_91 = tpu.memref_slice %arg5[%add3A_88] : memref<802816xi32, #tpu.memory_space<hbm>> -> memref<256xi32, #tpu.memory_space<hbm>>
            %dma_start3A_92 = tpu.memref_slice %arg5[%add3A_88] : memref<802816xi32, #tpu.memory_space<hbm>> -> memref<256xi32, #tpu.memory_space<hbm>>
            tpu.enqueue_dma source(%dma_start3A_92 : memref<256xi32, #tpu.memory_space<hbm>>) target(%arg12 : memref<256xi32, #tpu.memory_space<vmem>>) target_semaphore(%arg16 : memref<!tpu.dma_semaphore, #tpu.memory_space<semaphore_mem>>)
          } else {
          }
        } else {
        }
      }
      %scan3A_42 = arith.constant 196 : i32
      %dma_wait3A_43 = arith.constant 0 : i32
      %dma_wait3A_44 = arith.constant 0 : i32
      %dma_wait3A_45 = tpu.memref_slice %arg8[%dma_wait3A_43, %dma_wait3A_44] : memref<50176x32xf32, #tpu.memory_space<vmem_shared>> -> memref<50176x32xf32, #tpu.memory_space<vmem_shared>>
      tpu.wait_indirect_dma semaphore(%arg19 : memref<!tpu.dma_semaphore, #tpu.memory_space<semaphore_mem>>) src(%arg13 : memref<256x32xf32, #tpu.memory_space<vmem>>) dst(%dma_wait3A_45 : memref<50176x32xf32, #tpu.memory_space<vmem_shared>>)
      %dma_wait3A_46 = arith.constant 0 : i32
      %dma_wait3A_47 = arith.constant 0 : i32
      %dma_wait3A_48 = tpu.memref_slice %arg8[%dma_wait3A_46, %dma_wait3A_47] : memref<50176x32xf32, #tpu.memory_space<vmem_shared>> -> memref<50176x32xf32, #tpu.memory_space<vmem_shared>>
      tpu.wait_indirect_dma semaphore(%arg20 : memref<!tpu.dma_semaphore, #tpu.memory_space<semaphore_mem>>) src(%arg14 : memref<256x32xf32, #tpu.memory_space<vmem>>) dst(%dma_wait3A_48 : memref<50176x32xf32, #tpu.memory_space<vmem_shared>>)
    } else {
    }
    %eq3A_3 = arith.constant 1 : i32
    %eq3A_4 = arith.cmpi eq, %arg0, %eq3A_3 : i32
    %convert_element_type3A_5 = arith.extui %eq3A_4 : i1 to i32
    %cond3A_6 = arith.constant 0 : i32
    %cond3A_7 = arith.cmpi ne, %convert_element_type3A_5, %cond3A_6 : i32
    scf.if %cond3A_7 {
      %mul3A_14 = arith.constant 50176 : i32
      %mul3A_15 = arith.muli %arg1, %mul3A_14 : i32
      %add3A = arith.constant 0 : i32
      %add3A_16 = arith.addi %mul3A_15, %add3A : i32
      %dma_start3A = tpu.memref_slice %arg4[%add3A_16] : memref<802816xi32, #tpu.memory_space<hbm>> -> memref<256xi32, #tpu.memory_space<hbm>>
      %dma_start3A_17 = tpu.memref_slice %arg4[%add3A_16] : memref<802816xi32, #tpu.memory_space<hbm>> -> memref<256xi32, #tpu.memory_space<hbm>>
      tpu.enqueue_dma source(%dma_start3A_17 : memref<256xi32, #tpu.memory_space<hbm>>) target(%arg9 : memref<256xi32, #tpu.memory_space<vmem>>) target_semaphore(%arg15 : memref<!tpu.dma_semaphore, #tpu.memory_space<semaphore_mem>>)
      %dma_start3A_18 = tpu.memref_slice %arg5[%add3A_16] : memref<802816xi32, #tpu.memory_space<hbm>> -> memref<256xi32, #tpu.memory_space<hbm>>
      %dma_start3A_19 = tpu.memref_slice %arg5[%add3A_16] : memref<802816xi32, #tpu.memory_space<hbm>> -> memref<256xi32, #tpu.memory_space<hbm>>
      tpu.enqueue_dma source(%dma_start3A_19 : memref<256xi32, #tpu.memory_space<hbm>>) target(%arg11 : memref<256xi32, #tpu.memory_space<vmem>>) target_semaphore(%arg15 : memref<!tpu.dma_semaphore, #tpu.memory_space<semaphore_mem>>)
      %mul3A_20 = arith.constant 50176 : i32
      %mul3A_21 = arith.muli %arg1, %mul3A_20 : i32
      %add3A_22 = arith.constant 256 : i32
      %add3A_23 = arith.addi %mul3A_21, %add3A_22 : i32
      %dma_start3A_24 = tpu.memref_slice %arg4[%add3A_23] : memref<802816xi32, #tpu.memory_space<hbm>> -> memref<256xi32, #tpu.memory_space<hbm>>
      %dma_start3A_25 = tpu.memref_slice %arg4[%add3A_23] : memref<802816xi32, #tpu.memory_space<hbm>> -> memref<256xi32, #tpu.memory_space<hbm>>
      tpu.enqueue_dma source(%dma_start3A_25 : memref<256xi32, #tpu.memory_space<hbm>>) target(%arg10 : memref<256xi32, #tpu.memory_space<vmem>>) target_semaphore(%arg16 : memref<!tpu.dma_semaphore, #tpu.memory_space<semaphore_mem>>)
      %dma_start3A_26 = tpu.memref_slice %arg5[%add3A_23] : memref<802816xi32, #tpu.memory_space<hbm>> -> memref<256xi32, #tpu.memory_space<hbm>>
      %dma_start3A_27 = tpu.memref_slice %arg5[%add3A_23] : memref<802816xi32, #tpu.memory_space<hbm>> -> memref<256xi32, #tpu.memory_space<hbm>>
      tpu.enqueue_dma source(%dma_start3A_27 : memref<256xi32, #tpu.memory_space<hbm>>) target(%arg12 : memref<256xi32, #tpu.memory_space<vmem>>) target_semaphore(%arg16 : memref<!tpu.dma_semaphore, #tpu.memory_space<semaphore_mem>>)
      %mul3A_28 = arith.constant 50176 : i32
      %mul3A_29 = arith.muli %arg1, %mul3A_28 : i32
      %add3A_30 = arith.constant 0 : i32
      %add3A_31 = arith.addi %mul3A_29, %add3A_30 : i32
      %dma_wait3A = tpu.memref_slice %arg4[%add3A_31] : memref<802816xi32, #tpu.memory_space<hbm>> -> memref<256xi32, #tpu.memory_space<hbm>>
      %dma_wait3A_32 = tpu.memref_slice %arg4[%add3A_31] : memref<802816xi32, #tpu.memory_space<hbm>> -> memref<256xi32, #tpu.memory_space<hbm>>
      tpu.wait_dma2 semaphore(%arg15 : memref<!tpu.dma_semaphore, #tpu.memory_space<semaphore_mem>>) src(%dma_wait3A_32 : memref<256xi32, #tpu.memory_space<hbm>>) dst(%arg9 : memref<256xi32, #tpu.memory_space<vmem>>)
      %dma_wait3A_33 = tpu.memref_slice %arg5[%add3A_31] : memref<802816xi32, #tpu.memory_space<hbm>> -> memref<256xi32, #tpu.memory_space<hbm>>
      %dma_wait3A_34 = tpu.memref_slice %arg5[%add3A_31] : memref<802816xi32, #tpu.memory_space<hbm>> -> memref<256xi32, #tpu.memory_space<hbm>>
      tpu.wait_dma2 semaphore(%arg15 : memref<!tpu.dma_semaphore, #tpu.memory_space<semaphore_mem>>) src(%dma_wait3A_34 : memref<256xi32, #tpu.memory_space<hbm>>) dst(%arg11 : memref<256xi32, #tpu.memory_space<vmem>>)
      %dma_start3A_35 = arith.constant 0 : i32
      %dma_start3A_36 = arith.constant 0 : i32
      %dma_start3A_37 = tpu.memref_slice %arg3[%dma_start3A_35, %dma_start3A_36] : memref<50000x32xf32, #tpu.memory_space<hbm>> -> memref<50000x32xf32, #tpu.memory_space<hbm>>
      tpu.enqueue_indirect_dma source(%dma_start3A_37 : memref<50000x32xf32, #tpu.memory_space<hbm>>) target(%arg13 : memref<256x32xf32, #tpu.memory_space<vmem>>) offsets(%arg9 : memref<256xi32, #tpu.memory_space<vmem>>) semaphore(%arg17 : memref<!tpu.dma_semaphore, #tpu.memory_space<semaphore_mem>>)
      %scan3A = arith.constant 0 : i32
      %scan3A_38 = arith.constant 0 : i32
      %scan3A_39 = arith.constant 196 : i32
      %scan3A_40 = arith.addi %scan3A_38, %scan3A_39 : i32
      %scan3A_41 = arith.constant 1 : i32
      scf.for %scan3A_49 = %scan3A_38 to %scan3A_40 step %scan3A_41  : i32 {
        %rem3A = arith.constant 2 : i32
        %rem3A_50 = arith.remsi %scan3A_49, %rem3A : i32
        %eq3A_51 = arith.constant 0 : i32
        %eq3A_52 = arith.cmpi eq, %rem3A_50, %eq3A_51 : i32
        %convert_element_type3A_53 = arith.extui %eq3A_52 : i1 to i32
        %cond3A_54 = arith.constant 0 : i32
        %cond3A_55 = arith.cmpi ne, %convert_element_type3A_53, %cond3A_54 : i32
        scf.if %cond3A_55 {
          %dma_wait3A_63 = arith.constant 0 : i32
          %dma_wait3A_64 = arith.constant 0 : i32
          %dma_wait3A_65 = tpu.memref_slice %arg3[%dma_wait3A_63, %dma_wait3A_64] : memref<50000x32xf32, #tpu.memory_space<hbm>> -> memref<50000x32xf32, #tpu.memory_space<hbm>>
          tpu.wait_indirect_dma semaphore(%arg17 : memref<!tpu.dma_semaphore, #tpu.memory_space<semaphore_mem>>) src(%dma_wait3A_65 : memref<50000x32xf32, #tpu.memory_space<hbm>>) dst(%arg13 : memref<256x32xf32, #tpu.memory_space<vmem>>)
          %add3A_66 = arith.constant 1 : i32
          %add3A_67 = arith.addi %scan3A_49, %add3A_66 : i32
          %lt3A = arith.constant 196 : i32
          %lt3A_68 = arith.cmpi slt, %add3A_67, %lt3A : i32
          %convert_element_type3A_69 = arith.extui %lt3A_68 : i1 to i32
          %cond3A_70 = arith.constant 0 : i32
          %cond3A_71 = arith.cmpi ne, %convert_element_type3A_69, %cond3A_70 : i32
          scf.if %cond3A_71 {
            %ge3A = arith.constant 1 : i32
            %ge3A_82 = arith.cmpi sge, %scan3A_49, %ge3A : i32
            %convert_element_type3A_83 = arith.extui %ge3A_82 : i1 to i32
            %cond3A_84 = arith.constant 0 : i32
            %cond3A_85 = arith.cmpi ne, %convert_element_type3A_83, %cond3A_84 : i32
            scf.if %cond3A_85 {
              %dma_wait3A_100 = arith.constant 0 : i32
              %dma_wait3A_101 = arith.constant 0 : i32
              %dma_wait3A_102 = tpu.memref_slice %arg8[%dma_wait3A_100, %dma_wait3A_101] : memref<50176x32xf32, #tpu.memory_space<vmem_shared>> -> memref<50176x32xf32, #tpu.memory_space<vmem_shared>>
              tpu.wait_indirect_dma semaphore(%arg20 : memref<!tpu.dma_semaphore, #tpu.memory_space<semaphore_mem>>) src(%arg14 : memref<256x32xf32, #tpu.memory_space<vmem>>) dst(%dma_wait3A_102 : memref<50176x32xf32, #tpu.memory_space<vmem_shared>>)
            } else {
            }
            %add3A_86 = arith.constant 1 : i32
            %add3A_87 = arith.addi %scan3A_49, %add3A_86 : i32
            %mul3A_88 = arith.constant 50176 : i32
            %mul3A_89 = arith.muli %arg1, %mul3A_88 : i32
            %mul3A_90 = arith.constant 256 : i32
            %mul3A_91 = arith.muli %add3A_87, %mul3A_90 : i32
            %add3A_92 = arith.addi %mul3A_89, %mul3A_91 : i32
            %dma_wait3A_93 = tpu.memref_slice %arg4[%add3A_92] : memref<802816xi32, #tpu.memory_space<hbm>> -> memref<256xi32, #tpu.memory_space<hbm>>
            %dma_wait3A_94 = tpu.memref_slice %arg4[%add3A_92] : memref<802816xi32, #tpu.memory_space<hbm>> -> memref<256xi32, #tpu.memory_space<hbm>>
            tpu.wait_dma2 semaphore(%arg16 : memref<!tpu.dma_semaphore, #tpu.memory_space<semaphore_mem>>) src(%dma_wait3A_94 : memref<256xi32, #tpu.memory_space<hbm>>) dst(%arg10 : memref<256xi32, #tpu.memory_space<vmem>>)
            %dma_wait3A_95 = tpu.memref_slice %arg5[%add3A_92] : memref<802816xi32, #tpu.memory_space<hbm>> -> memref<256xi32, #tpu.memory_space<hbm>>
            %dma_wait3A_96 = tpu.memref_slice %arg5[%add3A_92] : memref<802816xi32, #tpu.memory_space<hbm>> -> memref<256xi32, #tpu.memory_space<hbm>>
            tpu.wait_dma2 semaphore(%arg16 : memref<!tpu.dma_semaphore, #tpu.memory_space<semaphore_mem>>) src(%dma_wait3A_96 : memref<256xi32, #tpu.memory_space<hbm>>) dst(%arg12 : memref<256xi32, #tpu.memory_space<vmem>>)
            %dma_start3A_97 = arith.constant 0 : i32
            %dma_start3A_98 = arith.constant 0 : i32
            %dma_start3A_99 = tpu.memref_slice %arg3[%dma_start3A_97, %dma_start3A_98] : memref<50000x32xf32, #tpu.memory_space<hbm>> -> memref<50000x32xf32, #tpu.memory_space<hbm>>
            tpu.enqueue_indirect_dma source(%dma_start3A_99 : memref<50000x32xf32, #tpu.memory_space<hbm>>) target(%arg14 : memref<256x32xf32, #tpu.memory_space<vmem>>) offsets(%arg10 : memref<256xi32, #tpu.memory_space<vmem>>) semaphore(%arg18 : memref<!tpu.dma_semaphore, #tpu.memory_space<semaphore_mem>>)
          } else {
          }
          %dma_start3A_72 = arith.constant 0 : i32
          %dma_start3A_73 = arith.constant 0 : i32
          %dma_start3A_74 = tpu.memref_slice %arg8[%dma_start3A_72, %dma_start3A_73] : memref<50176x32xf32, #tpu.memory_space<vmem_shared>> -> memref<50176x32xf32, #tpu.memory_space<vmem_shared>>
          tpu.enqueue_indirect_dma source(%arg13 : memref<256x32xf32, #tpu.memory_space<vmem>>) target(%dma_start3A_74 : memref<50176x32xf32, #tpu.memory_space<vmem_shared>>) offsets(%arg11 : memref<256xi32, #tpu.memory_space<vmem>>) semaphore(%arg19 : memref<!tpu.dma_semaphore, #tpu.memory_space<semaphore_mem>>) {add = true}
          %add3A_75 = arith.constant 2 : i32
          %add3A_76 = arith.addi %scan3A_49, %add3A_75 : i32
          %lt3A_77 = arith.constant 196 : i32
          %lt3A_78 = arith.cmpi slt, %add3A_76, %lt3A_77 : i32
          %convert_element_type3A_79 = arith.extui %lt3A_78 : i1 to i32
          %cond3A_80 = arith.constant 0 : i32
          %cond3A_81 = arith.cmpi ne, %convert_element_type3A_79, %cond3A_80 : i32
          scf.if %cond3A_81 {
            %add3A_82 = arith.constant 2 : i32
            %add3A_83 = arith.addi %scan3A_49, %add3A_82 : i32
            %mul3A_84 = arith.constant 50176 : i32
            %mul3A_85 = arith.muli %arg1, %mul3A_84 : i32
            %mul3A_86 = arith.constant 256 : i32
            %mul3A_87 = arith.muli %add3A_83, %mul3A_86 : i32
            %add3A_88 = arith.addi %mul3A_85, %mul3A_87 : i32
            %dma_start3A_89 = tpu.memref_slice %arg4[%add3A_88] : memref<802816xi32, #tpu.memory_space<hbm>> -> memref<256xi32, #tpu.memory_space<hbm>>
            %dma_start3A_90 = tpu.memref_slice %arg4[%add3A_88] : memref<802816xi32, #tpu.memory_space<hbm>> -> memref<256xi32, #tpu.memory_space<hbm>>
            tpu.enqueue_dma source(%dma_start3A_90 : memref<256xi32, #tpu.memory_space<hbm>>) target(%arg9 : memref<256xi32, #tpu.memory_space<vmem>>) target_semaphore(%arg15 : memref<!tpu.dma_semaphore, #tpu.memory_space<semaphore_mem>>)
            %dma_start3A_91 = tpu.memref_slice %arg5[%add3A_88] : memref<802816xi32, #tpu.memory_space<hbm>> -> memref<256xi32, #tpu.memory_space<hbm>>
            %dma_start3A_92 = tpu.memref_slice %arg5[%add3A_88] : memref<802816xi32, #tpu.memory_space<hbm>> -> memref<256xi32, #tpu.memory_space<hbm>>
            tpu.enqueue_dma source(%dma_start3A_92 : memref<256xi32, #tpu.memory_space<hbm>>) target(%arg11 : memref<256xi32, #tpu.memory_space<vmem>>) target_semaphore(%arg15 : memref<!tpu.dma_semaphore, #tpu.memory_space<semaphore_mem>>)
          } else {
          }
        } else {
        }
        %rem3A_56 = arith.constant 2 : i32
        %rem3A_57 = arith.remsi %scan3A_49, %rem3A_56 : i32
        %eq3A_58 = arith.constant 1 : i32
        %eq3A_59 = arith.cmpi eq, %rem3A_57, %eq3A_58 : i32
        %convert_element_type3A_60 = arith.extui %eq3A_59 : i1 to i32
        %cond3A_61 = arith.constant 0 : i32
        %cond3A_62 = arith.cmpi ne, %convert_element_type3A_60, %cond3A_61 : i32
        scf.if %cond3A_62 {
          %dma_wait3A_63 = arith.constant 0 : i32
          %dma_wait3A_64 = arith.constant 0 : i32
          %dma_wait3A_65 = tpu.memref_slice %arg3[%dma_wait3A_63, %dma_wait3A_64] : memref<50000x32xf32, #tpu.memory_space<hbm>> -> memref<50000x32xf32, #tpu.memory_space<hbm>>
          tpu.wait_indirect_dma semaphore(%arg18 : memref<!tpu.dma_semaphore, #tpu.memory_space<semaphore_mem>>) src(%dma_wait3A_65 : memref<50000x32xf32, #tpu.memory_space<hbm>>) dst(%arg14 : memref<256x32xf32, #tpu.memory_space<vmem>>)
          %add3A_66 = arith.constant 1 : i32
          %add3A_67 = arith.addi %scan3A_49, %add3A_66 : i32
          %lt3A = arith.constant 196 : i32
          %lt3A_68 = arith.cmpi slt, %add3A_67, %lt3A : i32
          %convert_element_type3A_69 = arith.extui %lt3A_68 : i1 to i32
          %cond3A_70 = arith.constant 0 : i32
          %cond3A_71 = arith.cmpi ne, %convert_element_type3A_69, %cond3A_70 : i32
          scf.if %cond3A_71 {
            %ge3A = arith.constant 1 : i32
            %ge3A_82 = arith.cmpi sge, %scan3A_49, %ge3A : i32
            %convert_element_type3A_83 = arith.extui %ge3A_82 : i1 to i32
            %cond3A_84 = arith.constant 0 : i32
            %cond3A_85 = arith.cmpi ne, %convert_element_type3A_83, %cond3A_84 : i32
            scf.if %cond3A_85 {
              %dma_wait3A_100 = arith.constant 0 : i32
              %dma_wait3A_101 = arith.constant 0 : i32
              %dma_wait3A_102 = tpu.memref_slice %arg8[%dma_wait3A_100, %dma_wait3A_101] : memref<50176x32xf32, #tpu.memory_space<vmem_shared>> -> memref<50176x32xf32, #tpu.memory_space<vmem_shared>>
              tpu.wait_indirect_dma semaphore(%arg19 : memref<!tpu.dma_semaphore, #tpu.memory_space<semaphore_mem>>) src(%arg13 : memref<256x32xf32, #tpu.memory_space<vmem>>) dst(%dma_wait3A_102 : memref<50176x32xf32, #tpu.memory_space<vmem_shared>>)
            } else {
            }
            %add3A_86 = arith.constant 1 : i32
            %add3A_87 = arith.addi %scan3A_49, %add3A_86 : i32
            %mul3A_88 = arith.constant 50176 : i32
            %mul3A_89 = arith.muli %arg1, %mul3A_88 : i32
            %mul3A_90 = arith.constant 256 : i32
            %mul3A_91 = arith.muli %add3A_87, %mul3A_90 : i32
            %add3A_92 = arith.addi %mul3A_89, %mul3A_91 : i32
            %dma_wait3A_93 = tpu.memref_slice %arg4[%add3A_92] : memref<802816xi32, #tpu.memory_space<hbm>> -> memref<256xi32, #tpu.memory_space<hbm>>
            %dma_wait3A_94 = tpu.memref_slice %arg4[%add3A_92] : memref<802816xi32, #tpu.memory_space<hbm>> -> memref<256xi32, #tpu.memory_space<hbm>>
            tpu.wait_dma2 semaphore(%arg15 : memref<!tpu.dma_semaphore, #tpu.memory_space<semaphore_mem>>) src(%dma_wait3A_94 : memref<256xi32, #tpu.memory_space<hbm>>) dst(%arg9 : memref<256xi32, #tpu.memory_space<vmem>>)
            %dma_wait3A_95 = tpu.memref_slice %arg5[%add3A_92] : memref<802816xi32, #tpu.memory_space<hbm>> -> memref<256xi32, #tpu.memory_space<hbm>>
            %dma_wait3A_96 = tpu.memref_slice %arg5[%add3A_92] : memref<802816xi32, #tpu.memory_space<hbm>> -> memref<256xi32, #tpu.memory_space<hbm>>
            tpu.wait_dma2 semaphore(%arg15 : memref<!tpu.dma_semaphore, #tpu.memory_space<semaphore_mem>>) src(%dma_wait3A_96 : memref<256xi32, #tpu.memory_space<hbm>>) dst(%arg11 : memref<256xi32, #tpu.memory_space<vmem>>)
            %dma_start3A_97 = arith.constant 0 : i32
            %dma_start3A_98 = arith.constant 0 : i32
            %dma_start3A_99 = tpu.memref_slice %arg3[%dma_start3A_97, %dma_start3A_98] : memref<50000x32xf32, #tpu.memory_space<hbm>> -> memref<50000x32xf32, #tpu.memory_space<hbm>>
            tpu.enqueue_indirect_dma source(%dma_start3A_99 : memref<50000x32xf32, #tpu.memory_space<hbm>>) target(%arg13 : memref<256x32xf32, #tpu.memory_space<vmem>>) offsets(%arg9 : memref<256xi32, #tpu.memory_space<vmem>>) semaphore(%arg17 : memref<!tpu.dma_semaphore, #tpu.memory_space<semaphore_mem>>)
          } else {
          }
          %dma_start3A_72 = arith.constant 0 : i32
          %dma_start3A_73 = arith.constant 0 : i32
          %dma_start3A_74 = tpu.memref_slice %arg8[%dma_start3A_72, %dma_start3A_73] : memref<50176x32xf32, #tpu.memory_space<vmem_shared>> -> memref<50176x32xf32, #tpu.memory_space<vmem_shared>>
          tpu.enqueue_indirect_dma source(%arg14 : memref<256x32xf32, #tpu.memory_space<vmem>>) target(%dma_start3A_74 : memref<50176x32xf32, #tpu.memory_space<vmem_shared>>) offsets(%arg12 : memref<256xi32, #tpu.memory_space<vmem>>) semaphore(%arg20 : memref<!tpu.dma_semaphore, #tpu.memory_space<semaphore_mem>>) {add = true}
          %add3A_75 = arith.constant 2 : i32
          %add3A_76 = arith.addi %scan3A_49, %add3A_75 : i32
          %lt3A_77 = arith.constant 196 : i32
          %lt3A_78 = arith.cmpi slt, %add3A_76, %lt3A_77 : i32
          %convert_element_type3A_79 = arith.extui %lt3A_78 : i1 to i32
          %cond3A_80 = arith.constant 0 : i32
          %cond3A_81 = arith.cmpi ne, %convert_element_type3A_79, %cond3A_80 : i32
          scf.if %cond3A_81 {
            %add3A_82 = arith.constant 2 : i32
            %add3A_83 = arith.addi %scan3A_49, %add3A_82 : i32
            %mul3A_84 = arith.constant 50176 : i32
            %mul3A_85 = arith.muli %arg1, %mul3A_84 : i32
            %mul3A_86 = arith.constant 256 : i32
            %mul3A_87 = arith.muli %add3A_83, %mul3A_86 : i32
            %add3A_88 = arith.addi %mul3A_85, %mul3A_87 : i32
            %dma_start3A_89 = tpu.memref_slice %arg4[%add3A_88] : memref<802816xi32, #tpu.memory_space<hbm>> -> memref<256xi32, #tpu.memory_space<hbm>>
            %dma_start3A_90 = tpu.memref_slice %arg4[%add3A_88] : memref<802816xi32, #tpu.memory_space<hbm>> -> memref<256xi32, #tpu.memory_space<hbm>>
            tpu.enqueue_dma source(%dma_start3A_90 : memref<256xi32, #tpu.memory_space<hbm>>) target(%arg10 : memref<256xi32, #tpu.memory_space<vmem>>) target_semaphore(%arg16 : memref<!tpu.dma_semaphore, #tpu.memory_space<semaphore_mem>>)
            %dma_start3A_91 = tpu.memref_slice %arg5[%add3A_88] : memref<802816xi32, #tpu.memory_space<hbm>> -> memref<256xi32, #tpu.memory_space<hbm>>
            %dma_start3A_92 = tpu.memref_slice %arg5[%add3A_88] : memref<802816xi32, #tpu.memory_space<hbm>> -> memref<256xi32, #tpu.memory_space<hbm>>
            tpu.enqueue_dma source(%dma_start3A_92 : memref<256xi32, #tpu.memory_space<hbm>>) target(%arg12 : memref<256xi32, #tpu.memory_space<vmem>>) target_semaphore(%arg16 : memref<!tpu.dma_semaphore, #tpu.memory_space<semaphore_mem>>)
          } else {
          }
        } else {
        }
      }
      %scan3A_42 = arith.constant 196 : i32
      %dma_wait3A_43 = arith.constant 0 : i32
      %dma_wait3A_44 = arith.constant 0 : i32
      %dma_wait3A_45 = tpu.memref_slice %arg8[%dma_wait3A_43, %dma_wait3A_44] : memref<50176x32xf32, #tpu.memory_space<vmem_shared>> -> memref<50176x32xf32, #tpu.memory_space<vmem_shared>>
      tpu.wait_indirect_dma semaphore(%arg19 : memref<!tpu.dma_semaphore, #tpu.memory_space<semaphore_mem>>) src(%arg13 : memref<256x32xf32, #tpu.memory_space<vmem>>) dst(%dma_wait3A_45 : memref<50176x32xf32, #tpu.memory_space<vmem_shared>>)
      %dma_wait3A_46 = arith.constant 0 : i32
      %dma_wait3A_47 = arith.constant 0 : i32
      %dma_wait3A_48 = tpu.memref_slice %arg8[%dma_wait3A_46, %dma_wait3A_47] : memref<50176x32xf32, #tpu.memory_space<vmem_shared>> -> memref<50176x32xf32, #tpu.memory_space<vmem_shared>>
      tpu.wait_indirect_dma semaphore(%arg20 : memref<!tpu.dma_semaphore, #tpu.memory_space<semaphore_mem>>) src(%arg14 : memref<256x32xf32, #tpu.memory_space<vmem>>) dst(%dma_wait3A_48 : memref<50176x32xf32, #tpu.memory_space<vmem_shared>>)
    } else {
    }
    %barrier3A_8 = arith.constant 0 : index
    tpu.barrier barrier_id(%barrier3A_8)
    %mul3A_9 = arith.constant 3136 : i32
    %mul3A_10 = arith.muli %arg1, %mul3A_9 : i32
    %mul3A_11 = arith.constant 3136 : i32
    %mul3A_12 = arith.muli %arg1, %mul3A_11 : i32
    "tpu.region"() ({
      %run_scoped3A = tpu.sem_alloc : memref<!tpu.dma_semaphore, #tpu.memory_space<semaphore_mem>>
      %dma_start3A = arith.constant 0 : i32
      %dma_start3A_14 = tpu.memref_slice %arg7[%arg0, %mul3A_12, %dma_start3A] : memref<2x50176x32xf32, #tpu.memory_space<hbm>> -> memref<1x3136x32xf32, #tpu.memory_space<hbm>>
      %dma_start3A_15 = tpu.memref_squeeze %dma_start3A_14 : memref<1x3136x32xf32, #tpu.memory_space<hbm>> -> memref<3136x32xf32, #tpu.memory_space<hbm>>
      %dma_start3A_16 = arith.constant 0 : i32
      %dma_start3A_17 = tpu.memref_slice %arg8[%mul3A_10, %dma_start3A_16] : memref<50176x32xf32, #tpu.memory_space<vmem_shared>> -> memref<3136x32xf32, #tpu.memory_space<vmem_shared>>
      tpu.enqueue_dma source(%dma_start3A_17 : memref<3136x32xf32, #tpu.memory_space<vmem_shared>>) target(%dma_start3A_15 : memref<3136x32xf32, #tpu.memory_space<hbm>>) target_semaphore(%run_scoped3A : memref<!tpu.dma_semaphore, #tpu.memory_space<semaphore_mem>>)
      %dma_wait3A = arith.constant 0 : i32
      %dma_wait3A_18 = tpu.memref_slice %arg7[%arg0, %mul3A_12, %dma_wait3A] : memref<2x50176x32xf32, #tpu.memory_space<hbm>> -> memref<1x3136x32xf32, #tpu.memory_space<hbm>>
      %dma_wait3A_19 = tpu.memref_squeeze %dma_wait3A_18 : memref<1x3136x32xf32, #tpu.memory_space<hbm>> -> memref<3136x32xf32, #tpu.memory_space<hbm>>
      %dma_wait3A_20 = arith.constant 0 : i32
      %dma_wait3A_21 = tpu.memref_slice %arg8[%mul3A_10, %dma_wait3A_20] : memref<50176x32xf32, #tpu.memory_space<vmem_shared>> -> memref<3136x32xf32, #tpu.memory_space<vmem_shared>>
      tpu.wait_dma2 semaphore(%run_scoped3A : memref<!tpu.dma_semaphore, #tpu.memory_space<semaphore_mem>>) src(%dma_wait3A_21 : memref<3136x32xf32, #tpu.memory_space<vmem_shared>>) dst(%dma_wait3A_19 : memref<3136x32xf32, #tpu.memory_space<hbm>>)
      tpu.yield
    }) : () -> ()
    %barrier3A_13 = arith.constant 0 : index
    tpu.barrier barrier_id(%barrier3A_13)
    return
  }
}

#map = affine_map<(d0, d1) -> (0, 0)>
#map1 = affine_map<(d0, d1) -> (0)>
#map2 = affine_map<(d0, d1) -> (0, 0, 0)>
module attributes {stable_mosaic.version = 14 : i64} {
  func.func @_sc_scatter_body(%arg0: i32, %arg1: i32, %arg2: memref<50000x32xf32, #tpu.memory_space<hbm>>, %arg3: memref<50000x32xf32, #tpu.memory_space<hbm>>, %arg4: memref<802816xi32, #tpu.memory_space<hbm>>, %arg5: memref<802816xi32, #tpu.memory_space<hbm>>, %arg6: memref<3136x32xf32, #tpu.memory_space<hbm>>, %arg7: memref<2x50176x32xf32, #tpu.memory_space<hbm>>, %arg8: memref<50176x32xf32, #tpu.memory_space<vmem_shared>>, %arg9: memref<256xi32, #tpu.memory_space<vmem>>, %arg10: memref<256xi32, #tpu.memory_space<vmem>>, %arg11: memref<256xi32, #tpu.memory_space<vmem>>, %arg12: memref<256xi32, #tpu.memory_space<vmem>>, %arg13: memref<256x32xf32, #tpu.memory_space<vmem>>, %arg14: memref<256x32xf32, #tpu.memory_space<vmem>>, %arg15: memref<!tpu.dma_semaphore, #tpu.memory_space<semaphore_mem>>, %arg16: memref<!tpu.dma_semaphore, #tpu.memory_space<semaphore_mem>>, %arg17: memref<!tpu.dma_semaphore, #tpu.memory_space<semaphore_mem>>, %arg18: memref<!tpu.dma_semaphore, #tpu.memory_space<semaphore_mem>>, %arg19: memref<!tpu.dma_semaphore, #tpu.memory_space<semaphore_mem>>, %arg20: memref<!tpu.dma_semaphore, #tpu.memory_space<semaphore_mem>>) attributes {dimension_semantics = [#tpu.dimension_semantics<core_parallel>, #tpu.dimension_semantics<subcore_parallel>], iteration_bounds = array<i64: 2, 16>, scalar_prefetch = 0 : i64, scratch_operands = 13 : i64, tpu.core_type = #tpu.core_type<sc_vector_subcore>, window_params = [{transform_indices = #map}, {transform_indices = #map}, {transform_indices = #map1}, {transform_indices = #map1}, {transform_indices = #map}, {transform_indices = #map2}]} {
    %mul3A = arith.constant 3136 : i32
    %mul3A_0 = arith.muli %arg1, %mul3A : i32
    "tpu.region"() ({
      %run_scoped3A = tpu.sem_alloc : memref<!tpu.dma_semaphore, #tpu.memory_space<semaphore_mem>>
      %dma_start3A = arith.constant 0 : i32
      %dma_start3A_14 = tpu.memref_slice %arg8[%mul3A_0, %dma_start3A] : memref<50176x32xf32, #tpu.memory_space<vmem_shared>> -> memref<3136x32xf32, #tpu.memory_space<vmem_shared>>
      tpu.enqueue_dma source(%arg6 : memref<3136x32xf32, #tpu.memory_space<hbm>>) target(%dma_start3A_14 : memref<3136x32xf32, #tpu.memory_space<vmem_shared>>) target_semaphore(%run_scoped3A : memref<!tpu.dma_semaphore, #tpu.memory_space<semaphore_mem>>)
      %dma_wait3A = arith.constant 0 : i32
      %dma_wait3A_15 = tpu.memref_slice %arg8[%mul3A_0, %dma_wait3A] : memref<50176x32xf32, #tpu.memory_space<vmem_shared>> -> memref<3136x32xf32, #tpu.memory_space<vmem_shared>>
      tpu.wait_dma2 semaphore(%run_scoped3A : memref<!tpu.dma_semaphore, #tpu.memory_space<semaphore_mem>>) src(%arg6 : memref<3136x32xf32, #tpu.memory_space<hbm>>) dst(%dma_wait3A_15 : memref<3136x32xf32, #tpu.memory_space<vmem_shared>>)
      tpu.yield
    }) : () -> ()
    %barrier3A = arith.constant 0 : index
    tpu.barrier barrier_id(%barrier3A)
    %eq3A = arith.constant 0 : i32
    %eq3A_1 = arith.cmpi eq, %arg0, %eq3A : i32
    %convert_element_type3A = arith.extui %eq3A_1 : i1 to i32
    %cond3A = arith.constant 0 : i32
    %cond3A_2 = arith.cmpi ne, %convert_element_type3A, %cond3A : i32
    scf.if %cond3A_2 {
      %mul3A_14 = arith.constant 50176 : i32
      %mul3A_15 = arith.muli %arg1, %mul3A_14 : i32
      %add3A = arith.constant 0 : i32
      %add3A_16 = arith.addi %mul3A_15, %add3A : i32
      %dma_start3A = tpu.memref_slice %arg4[%add3A_16] : memref<802816xi32, #tpu.memory_space<hbm>> -> memref<256xi32, #tpu.memory_space<hbm>>
      %dma_start3A_17 = tpu.memref_slice %arg4[%add3A_16] : memref<802816xi32, #tpu.memory_space<hbm>> -> memref<256xi32, #tpu.memory_space<hbm>>
      tpu.enqueue_dma source(%dma_start3A_17 : memref<256xi32, #tpu.memory_space<hbm>>) target(%arg9 : memref<256xi32, #tpu.memory_space<vmem>>) target_semaphore(%arg15 : memref<!tpu.dma_semaphore, #tpu.memory_space<semaphore_mem>>)
      %dma_start3A_18 = tpu.memref_slice %arg5[%add3A_16] : memref<802816xi32, #tpu.memory_space<hbm>> -> memref<256xi32, #tpu.memory_space<hbm>>
      %dma_start3A_19 = tpu.memref_slice %arg5[%add3A_16] : memref<802816xi32, #tpu.memory_space<hbm>> -> memref<256xi32, #tpu.memory_space<hbm>>
      tpu.enqueue_dma source(%dma_start3A_19 : memref<256xi32, #tpu.memory_space<hbm>>) target(%arg11 : memref<256xi32, #tpu.memory_space<vmem>>) target_semaphore(%arg15 : memref<!tpu.dma_semaphore, #tpu.memory_space<semaphore_mem>>)
      %mul3A_20 = arith.constant 50176 : i32
      %mul3A_21 = arith.muli %arg1, %mul3A_20 : i32
      %add3A_22 = arith.constant 256 : i32
      %add3A_23 = arith.addi %mul3A_21, %add3A_22 : i32
      %dma_start3A_24 = tpu.memref_slice %arg4[%add3A_23] : memref<802816xi32, #tpu.memory_space<hbm>> -> memref<256xi32, #tpu.memory_space<hbm>>
      %dma_start3A_25 = tpu.memref_slice %arg4[%add3A_23] : memref<802816xi32, #tpu.memory_space<hbm>> -> memref<256xi32, #tpu.memory_space<hbm>>
      tpu.enqueue_dma source(%dma_start3A_25 : memref<256xi32, #tpu.memory_space<hbm>>) target(%arg10 : memref<256xi32, #tpu.memory_space<vmem>>) target_semaphore(%arg16 : memref<!tpu.dma_semaphore, #tpu.memory_space<semaphore_mem>>)
      %dma_start3A_26 = tpu.memref_slice %arg5[%add3A_23] : memref<802816xi32, #tpu.memory_space<hbm>> -> memref<256xi32, #tpu.memory_space<hbm>>
      %dma_start3A_27 = tpu.memref_slice %arg5[%add3A_23] : memref<802816xi32, #tpu.memory_space<hbm>> -> memref<256xi32, #tpu.memory_space<hbm>>
      tpu.enqueue_dma source(%dma_start3A_27 : memref<256xi32, #tpu.memory_space<hbm>>) target(%arg12 : memref<256xi32, #tpu.memory_space<vmem>>) target_semaphore(%arg16 : memref<!tpu.dma_semaphore, #tpu.memory_space<semaphore_mem>>)
      %mul3A_28 = arith.constant 50176 : i32
      %mul3A_29 = arith.muli %arg1, %mul3A_28 : i32
      %add3A_30 = arith.constant 0 : i32
      %add3A_31 = arith.addi %mul3A_29, %add3A_30 : i32
      %dma_wait3A = tpu.memref_slice %arg4[%add3A_31] : memref<802816xi32, #tpu.memory_space<hbm>> -> memref<256xi32, #tpu.memory_space<hbm>>
      %dma_wait3A_32 = tpu.memref_slice %arg4[%add3A_31] : memref<802816xi32, #tpu.memory_space<hbm>> -> memref<256xi32, #tpu.memory_space<hbm>>
      tpu.wait_dma2 semaphore(%arg15 : memref<!tpu.dma_semaphore, #tpu.memory_space<semaphore_mem>>) src(%dma_wait3A_32 : memref<256xi32, #tpu.memory_space<hbm>>) dst(%arg9 : memref<256xi32, #tpu.memory_space<vmem>>)
      %dma_wait3A_33 = tpu.memref_slice %arg5[%add3A_31] : memref<802816xi32, #tpu.memory_space<hbm>> -> memref<256xi32, #tpu.memory_space<hbm>>
      %dma_wait3A_34 = tpu.memref_slice %arg5[%add3A_31] : memref<802816xi32, #tpu.memory_space<hbm>> -> memref<256xi32, #tpu.memory_space<hbm>>
      tpu.wait_dma2 semaphore(%arg15 : memref<!tpu.dma_semaphore, #tpu.memory_space<semaphore_mem>>) src(%dma_wait3A_34 : memref<256xi32, #tpu.memory_space<hbm>>) dst(%arg11 : memref<256xi32, #tpu.memory_space<vmem>>)
      %dma_start3A_35 = arith.constant 0 : i32
      %dma_start3A_36 = arith.constant 0 : i32
      %dma_start3A_37 = tpu.memref_slice %arg2[%dma_start3A_35, %dma_start3A_36] : memref<50000x32xf32, #tpu.memory_space<hbm>> -> memref<50000x32xf32, #tpu.memory_space<hbm>>
      tpu.enqueue_indirect_dma source(%dma_start3A_37 : memref<50000x32xf32, #tpu.memory_space<hbm>>) target(%arg13 : memref<256x32xf32, #tpu.memory_space<vmem>>) offsets(%arg9 : memref<256xi32, #tpu.memory_space<vmem>>) semaphore(%arg17 : memref<!tpu.dma_semaphore, #tpu.memory_space<semaphore_mem>>)
      %scan3A = arith.constant 0 : i32
      %scan3A_38 = arith.constant 0 : i32
      %scan3A_39 = arith.constant 196 : i32
      %scan3A_40 = arith.addi %scan3A_38, %scan3A_39 : i32
      %scan3A_41 = arith.constant 1 : i32
      scf.for %scan3A_49 = %scan3A_38 to %scan3A_40 step %scan3A_41  : i32 {
        %rem3A = arith.constant 2 : i32
        %rem3A_50 = arith.remsi %scan3A_49, %rem3A : i32
        %eq3A_51 = arith.constant 0 : i32
        %eq3A_52 = arith.cmpi eq, %rem3A_50, %eq3A_51 : i32
        %convert_element_type3A_53 = arith.extui %eq3A_52 : i1 to i32
        %cond3A_54 = arith.constant 0 : i32
        %cond3A_55 = arith.cmpi ne, %convert_element_type3A_53, %cond3A_54 : i32
        scf.if %cond3A_55 {
          %dma_wait3A_63 = arith.constant 0 : i32
          %dma_wait3A_64 = arith.constant 0 : i32
          %dma_wait3A_65 = tpu.memref_slice %arg2[%dma_wait3A_63, %dma_wait3A_64] : memref<50000x32xf32, #tpu.memory_space<hbm>> -> memref<50000x32xf32, #tpu.memory_space<hbm>>
          tpu.wait_indirect_dma semaphore(%arg17 : memref<!tpu.dma_semaphore, #tpu.memory_space<semaphore_mem>>) src(%dma_wait3A_65 : memref<50000x32xf32, #tpu.memory_space<hbm>>) dst(%arg13 : memref<256x32xf32, #tpu.memory_space<vmem>>)
          %add3A_66 = arith.constant 1 : i32
          %add3A_67 = arith.addi %scan3A_49, %add3A_66 : i32
          %lt3A = arith.constant 196 : i32
          %lt3A_68 = arith.cmpi slt, %add3A_67, %lt3A : i32
          %convert_element_type3A_69 = arith.extui %lt3A_68 : i1 to i32
          %cond3A_70 = arith.constant 0 : i32
          %cond3A_71 = arith.cmpi ne, %convert_element_type3A_69, %cond3A_70 : i32
          scf.if %cond3A_71 {
            %ge3A = arith.constant 1 : i32
            %ge3A_82 = arith.cmpi sge, %scan3A_49, %ge3A : i32
            %convert_element_type3A_83 = arith.extui %ge3A_82 : i1 to i32
            %cond3A_84 = arith.constant 0 : i32
            %cond3A_85 = arith.cmpi ne, %convert_element_type3A_83, %cond3A_84 : i32
            scf.if %cond3A_85 {
              %dma_wait3A_100 = arith.constant 0 : i32
              %dma_wait3A_101 = arith.constant 0 : i32
              %dma_wait3A_102 = tpu.memref_slice %arg8[%dma_wait3A_100, %dma_wait3A_101] : memref<50176x32xf32, #tpu.memory_space<vmem_shared>> -> memref<50176x32xf32, #tpu.memory_space<vmem_shared>>
              tpu.wait_indirect_dma semaphore(%arg20 : memref<!tpu.dma_semaphore, #tpu.memory_space<semaphore_mem>>) src(%arg14 : memref<256x32xf32, #tpu.memory_space<vmem>>) dst(%dma_wait3A_102 : memref<50176x32xf32, #tpu.memory_space<vmem_shared>>)
            } else {
            }
            %add3A_86 = arith.constant 1 : i32
            %add3A_87 = arith.addi %scan3A_49, %add3A_86 : i32
            %mul3A_88 = arith.constant 50176 : i32
            %mul3A_89 = arith.muli %arg1, %mul3A_88 : i32
            %mul3A_90 = arith.constant 256 : i32
            %mul3A_91 = arith.muli %add3A_87, %mul3A_90 : i32
            %add3A_92 = arith.addi %mul3A_89, %mul3A_91 : i32
            %dma_wait3A_93 = tpu.memref_slice %arg4[%add3A_92] : memref<802816xi32, #tpu.memory_space<hbm>> -> memref<256xi32, #tpu.memory_space<hbm>>
            %dma_wait3A_94 = tpu.memref_slice %arg4[%add3A_92] : memref<802816xi32, #tpu.memory_space<hbm>> -> memref<256xi32, #tpu.memory_space<hbm>>
            tpu.wait_dma2 semaphore(%arg16 : memref<!tpu.dma_semaphore, #tpu.memory_space<semaphore_mem>>) src(%dma_wait3A_94 : memref<256xi32, #tpu.memory_space<hbm>>) dst(%arg10 : memref<256xi32, #tpu.memory_space<vmem>>)
            %dma_wait3A_95 = tpu.memref_slice %arg5[%add3A_92] : memref<802816xi32, #tpu.memory_space<hbm>> -> memref<256xi32, #tpu.memory_space<hbm>>
            %dma_wait3A_96 = tpu.memref_slice %arg5[%add3A_92] : memref<802816xi32, #tpu.memory_space<hbm>> -> memref<256xi32, #tpu.memory_space<hbm>>
            tpu.wait_dma2 semaphore(%arg16 : memref<!tpu.dma_semaphore, #tpu.memory_space<semaphore_mem>>) src(%dma_wait3A_96 : memref<256xi32, #tpu.memory_space<hbm>>) dst(%arg12 : memref<256xi32, #tpu.memory_space<vmem>>)
            %dma_start3A_97 = arith.constant 0 : i32
            %dma_start3A_98 = arith.constant 0 : i32
            %dma_start3A_99 = tpu.memref_slice %arg2[%dma_start3A_97, %dma_start3A_98] : memref<50000x32xf32, #tpu.memory_space<hbm>> -> memref<50000x32xf32, #tpu.memory_space<hbm>>
            tpu.enqueue_indirect_dma source(%dma_start3A_99 : memref<50000x32xf32, #tpu.memory_space<hbm>>) target(%arg14 : memref<256x32xf32, #tpu.memory_space<vmem>>) offsets(%arg10 : memref<256xi32, #tpu.memory_space<vmem>>) semaphore(%arg18 : memref<!tpu.dma_semaphore, #tpu.memory_space<semaphore_mem>>)
          } else {
          }
          %dma_start3A_72 = arith.constant 0 : i32
          %dma_start3A_73 = arith.constant 0 : i32
          %dma_start3A_74 = tpu.memref_slice %arg8[%dma_start3A_72, %dma_start3A_73] : memref<50176x32xf32, #tpu.memory_space<vmem_shared>> -> memref<50176x32xf32, #tpu.memory_space<vmem_shared>>
          tpu.enqueue_indirect_dma source(%arg13 : memref<256x32xf32, #tpu.memory_space<vmem>>) target(%dma_start3A_74 : memref<50176x32xf32, #tpu.memory_space<vmem_shared>>) offsets(%arg11 : memref<256xi32, #tpu.memory_space<vmem>>) semaphore(%arg19 : memref<!tpu.dma_semaphore, #tpu.memory_space<semaphore_mem>>) {add = true}
          %add3A_75 = arith.constant 2 : i32
          %add3A_76 = arith.addi %scan3A_49, %add3A_75 : i32
          %lt3A_77 = arith.constant 196 : i32
          %lt3A_78 = arith.cmpi slt, %add3A_76, %lt3A_77 : i32
          %convert_element_type3A_79 = arith.extui %lt3A_78 : i1 to i32
          %cond3A_80 = arith.constant 0 : i32
          %cond3A_81 = arith.cmpi ne, %convert_element_type3A_79, %cond3A_80 : i32
          scf.if %cond3A_81 {
            %add3A_82 = arith.constant 2 : i32
            %add3A_83 = arith.addi %scan3A_49, %add3A_82 : i32
            %mul3A_84 = arith.constant 50176 : i32
            %mul3A_85 = arith.muli %arg1, %mul3A_84 : i32
            %mul3A_86 = arith.constant 256 : i32
            %mul3A_87 = arith.muli %add3A_83, %mul3A_86 : i32
            %add3A_88 = arith.addi %mul3A_85, %mul3A_87 : i32
            %dma_start3A_89 = tpu.memref_slice %arg4[%add3A_88] : memref<802816xi32, #tpu.memory_space<hbm>> -> memref<256xi32, #tpu.memory_space<hbm>>
            %dma_start3A_90 = tpu.memref_slice %arg4[%add3A_88] : memref<802816xi32, #tpu.memory_space<hbm>> -> memref<256xi32, #tpu.memory_space<hbm>>
            tpu.enqueue_dma source(%dma_start3A_90 : memref<256xi32, #tpu.memory_space<hbm>>) target(%arg9 : memref<256xi32, #tpu.memory_space<vmem>>) target_semaphore(%arg15 : memref<!tpu.dma_semaphore, #tpu.memory_space<semaphore_mem>>)
            %dma_start3A_91 = tpu.memref_slice %arg5[%add3A_88] : memref<802816xi32, #tpu.memory_space<hbm>> -> memref<256xi32, #tpu.memory_space<hbm>>
            %dma_start3A_92 = tpu.memref_slice %arg5[%add3A_88] : memref<802816xi32, #tpu.memory_space<hbm>> -> memref<256xi32, #tpu.memory_space<hbm>>
            tpu.enqueue_dma source(%dma_start3A_92 : memref<256xi32, #tpu.memory_space<hbm>>) target(%arg11 : memref<256xi32, #tpu.memory_space<vmem>>) target_semaphore(%arg15 : memref<!tpu.dma_semaphore, #tpu.memory_space<semaphore_mem>>)
          } else {
          }
        } else {
        }
        %rem3A_56 = arith.constant 2 : i32
        %rem3A_57 = arith.remsi %scan3A_49, %rem3A_56 : i32
        %eq3A_58 = arith.constant 1 : i32
        %eq3A_59 = arith.cmpi eq, %rem3A_57, %eq3A_58 : i32
        %convert_element_type3A_60 = arith.extui %eq3A_59 : i1 to i32
        %cond3A_61 = arith.constant 0 : i32
        %cond3A_62 = arith.cmpi ne, %convert_element_type3A_60, %cond3A_61 : i32
        scf.if %cond3A_62 {
          %dma_wait3A_63 = arith.constant 0 : i32
          %dma_wait3A_64 = arith.constant 0 : i32
          %dma_wait3A_65 = tpu.memref_slice %arg2[%dma_wait3A_63, %dma_wait3A_64] : memref<50000x32xf32, #tpu.memory_space<hbm>> -> memref<50000x32xf32, #tpu.memory_space<hbm>>
          tpu.wait_indirect_dma semaphore(%arg18 : memref<!tpu.dma_semaphore, #tpu.memory_space<semaphore_mem>>) src(%dma_wait3A_65 : memref<50000x32xf32, #tpu.memory_space<hbm>>) dst(%arg14 : memref<256x32xf32, #tpu.memory_space<vmem>>)
          %add3A_66 = arith.constant 1 : i32
          %add3A_67 = arith.addi %scan3A_49, %add3A_66 : i32
          %lt3A = arith.constant 196 : i32
          %lt3A_68 = arith.cmpi slt, %add3A_67, %lt3A : i32
          %convert_element_type3A_69 = arith.extui %lt3A_68 : i1 to i32
          %cond3A_70 = arith.constant 0 : i32
          %cond3A_71 = arith.cmpi ne, %convert_element_type3A_69, %cond3A_70 : i32
          scf.if %cond3A_71 {
            %ge3A = arith.constant 1 : i32
            %ge3A_82 = arith.cmpi sge, %scan3A_49, %ge3A : i32
            %convert_element_type3A_83 = arith.extui %ge3A_82 : i1 to i32
            %cond3A_84 = arith.constant 0 : i32
            %cond3A_85 = arith.cmpi ne, %convert_element_type3A_83, %cond3A_84 : i32
            scf.if %cond3A_85 {
              %dma_wait3A_100 = arith.constant 0 : i32
              %dma_wait3A_101 = arith.constant 0 : i32
              %dma_wait3A_102 = tpu.memref_slice %arg8[%dma_wait3A_100, %dma_wait3A_101] : memref<50176x32xf32, #tpu.memory_space<vmem_shared>> -> memref<50176x32xf32, #tpu.memory_space<vmem_shared>>
              tpu.wait_indirect_dma semaphore(%arg19 : memref<!tpu.dma_semaphore, #tpu.memory_space<semaphore_mem>>) src(%arg13 : memref<256x32xf32, #tpu.memory_space<vmem>>) dst(%dma_wait3A_102 : memref<50176x32xf32, #tpu.memory_space<vmem_shared>>)
            } else {
            }
            %add3A_86 = arith.constant 1 : i32
            %add3A_87 = arith.addi %scan3A_49, %add3A_86 : i32
            %mul3A_88 = arith.constant 50176 : i32
            %mul3A_89 = arith.muli %arg1, %mul3A_88 : i32
            %mul3A_90 = arith.constant 256 : i32
            %mul3A_91 = arith.muli %add3A_87, %mul3A_90 : i32
            %add3A_92 = arith.addi %mul3A_89, %mul3A_91 : i32
            %dma_wait3A_93 = tpu.memref_slice %arg4[%add3A_92] : memref<802816xi32, #tpu.memory_space<hbm>> -> memref<256xi32, #tpu.memory_space<hbm>>
            %dma_wait3A_94 = tpu.memref_slice %arg4[%add3A_92] : memref<802816xi32, #tpu.memory_space<hbm>> -> memref<256xi32, #tpu.memory_space<hbm>>
            tpu.wait_dma2 semaphore(%arg15 : memref<!tpu.dma_semaphore, #tpu.memory_space<semaphore_mem>>) src(%dma_wait3A_94 : memref<256xi32, #tpu.memory_space<hbm>>) dst(%arg9 : memref<256xi32, #tpu.memory_space<vmem>>)
            %dma_wait3A_95 = tpu.memref_slice %arg5[%add3A_92] : memref<802816xi32, #tpu.memory_space<hbm>> -> memref<256xi32, #tpu.memory_space<hbm>>
            %dma_wait3A_96 = tpu.memref_slice %arg5[%add3A_92] : memref<802816xi32, #tpu.memory_space<hbm>> -> memref<256xi32, #tpu.memory_space<hbm>>
            tpu.wait_dma2 semaphore(%arg15 : memref<!tpu.dma_semaphore, #tpu.memory_space<semaphore_mem>>) src(%dma_wait3A_96 : memref<256xi32, #tpu.memory_space<hbm>>) dst(%arg11 : memref<256xi32, #tpu.memory_space<vmem>>)
            %dma_start3A_97 = arith.constant 0 : i32
            %dma_start3A_98 = arith.constant 0 : i32
            %dma_start3A_99 = tpu.memref_slice %arg2[%dma_start3A_97, %dma_start3A_98] : memref<50000x32xf32, #tpu.memory_space<hbm>> -> memref<50000x32xf32, #tpu.memory_space<hbm>>
            tpu.enqueue_indirect_dma source(%dma_start3A_99 : memref<50000x32xf32, #tpu.memory_space<hbm>>) target(%arg13 : memref<256x32xf32, #tpu.memory_space<vmem>>) offsets(%arg9 : memref<256xi32, #tpu.memory_space<vmem>>) semaphore(%arg17 : memref<!tpu.dma_semaphore, #tpu.memory_space<semaphore_mem>>)
          } else {
          }
          %dma_start3A_72 = arith.constant 0 : i32
          %dma_start3A_73 = arith.constant 0 : i32
          %dma_start3A_74 = tpu.memref_slice %arg8[%dma_start3A_72, %dma_start3A_73] : memref<50176x32xf32, #tpu.memory_space<vmem_shared>> -> memref<50176x32xf32, #tpu.memory_space<vmem_shared>>
          tpu.enqueue_indirect_dma source(%arg14 : memref<256x32xf32, #tpu.memory_space<vmem>>) target(%dma_start3A_74 : memref<50176x32xf32, #tpu.memory_space<vmem_shared>>) offsets(%arg12 : memref<256xi32, #tpu.memory_space<vmem>>) semaphore(%arg20 : memref<!tpu.dma_semaphore, #tpu.memory_space<semaphore_mem>>) {add = true}
          %add3A_75 = arith.constant 2 : i32
          %add3A_76 = arith.addi %scan3A_49, %add3A_75 : i32
          %lt3A_77 = arith.constant 196 : i32
          %lt3A_78 = arith.cmpi slt, %add3A_76, %lt3A_77 : i32
          %convert_element_type3A_79 = arith.extui %lt3A_78 : i1 to i32
          %cond3A_80 = arith.constant 0 : i32
          %cond3A_81 = arith.cmpi ne, %convert_element_type3A_79, %cond3A_80 : i32
          scf.if %cond3A_81 {
            %add3A_82 = arith.constant 2 : i32
            %add3A_83 = arith.addi %scan3A_49, %add3A_82 : i32
            %mul3A_84 = arith.constant 50176 : i32
            %mul3A_85 = arith.muli %arg1, %mul3A_84 : i32
            %mul3A_86 = arith.constant 256 : i32
            %mul3A_87 = arith.muli %add3A_83, %mul3A_86 : i32
            %add3A_88 = arith.addi %mul3A_85, %mul3A_87 : i32
            %dma_start3A_89 = tpu.memref_slice %arg4[%add3A_88] : memref<802816xi32, #tpu.memory_space<hbm>> -> memref<256xi32, #tpu.memory_space<hbm>>
            %dma_start3A_90 = tpu.memref_slice %arg4[%add3A_88] : memref<802816xi32, #tpu.memory_space<hbm>> -> memref<256xi32, #tpu.memory_space<hbm>>
            tpu.enqueue_dma source(%dma_start3A_90 : memref<256xi32, #tpu.memory_space<hbm>>) target(%arg10 : memref<256xi32, #tpu.memory_space<vmem>>) target_semaphore(%arg16 : memref<!tpu.dma_semaphore, #tpu.memory_space<semaphore_mem>>)
            %dma_start3A_91 = tpu.memref_slice %arg5[%add3A_88] : memref<802816xi32, #tpu.memory_space<hbm>> -> memref<256xi32, #tpu.memory_space<hbm>>
            %dma_start3A_92 = tpu.memref_slice %arg5[%add3A_88] : memref<802816xi32, #tpu.memory_space<hbm>> -> memref<256xi32, #tpu.memory_space<hbm>>
            tpu.enqueue_dma source(%dma_start3A_92 : memref<256xi32, #tpu.memory_space<hbm>>) target(%arg12 : memref<256xi32, #tpu.memory_space<vmem>>) target_semaphore(%arg16 : memref<!tpu.dma_semaphore, #tpu.memory_space<semaphore_mem>>)
          } else {
          }
        } else {
        }
      }
      %scan3A_42 = arith.constant 196 : i32
      %dma_wait3A_43 = arith.constant 0 : i32
      %dma_wait3A_44 = arith.constant 0 : i32
      %dma_wait3A_45 = tpu.memref_slice %arg8[%dma_wait3A_43, %dma_wait3A_44] : memref<50176x32xf32, #tpu.memory_space<vmem_shared>> -> memref<50176x32xf32, #tpu.memory_space<vmem_shared>>
      tpu.wait_indirect_dma semaphore(%arg19 : memref<!tpu.dma_semaphore, #tpu.memory_space<semaphore_mem>>) src(%arg13 : memref<256x32xf32, #tpu.memory_space<vmem>>) dst(%dma_wait3A_45 : memref<50176x32xf32, #tpu.memory_space<vmem_shared>>)
      %dma_wait3A_46 = arith.constant 0 : i32
      %dma_wait3A_47 = arith.constant 0 : i32
      %dma_wait3A_48 = tpu.memref_slice %arg8[%dma_wait3A_46, %dma_wait3A_47] : memref<50176x32xf32, #tpu.memory_space<vmem_shared>> -> memref<50176x32xf32, #tpu.memory_space<vmem_shared>>
      tpu.wait_indirect_dma semaphore(%arg20 : memref<!tpu.dma_semaphore, #tpu.memory_space<semaphore_mem>>) src(%arg14 : memref<256x32xf32, #tpu.memory_space<vmem>>) dst(%dma_wait3A_48 : memref<50176x32xf32, #tpu.memory_space<vmem_shared>>)
    } else {
    }
    %eq3A_3 = arith.constant 1 : i32
    %eq3A_4 = arith.cmpi eq, %arg0, %eq3A_3 : i32
    %convert_element_type3A_5 = arith.extui %eq3A_4 : i1 to i32
    %cond3A_6 = arith.constant 0 : i32
    %cond3A_7 = arith.cmpi ne, %convert_element_type3A_5, %cond3A_6 : i32
    scf.if %cond3A_7 {
      %mul3A_14 = arith.constant 50176 : i32
      %mul3A_15 = arith.muli %arg1, %mul3A_14 : i32
      %add3A = arith.constant 0 : i32
      %add3A_16 = arith.addi %mul3A_15, %add3A : i32
      %dma_start3A = tpu.memref_slice %arg4[%add3A_16] : memref<802816xi32, #tpu.memory_space<hbm>> -> memref<256xi32, #tpu.memory_space<hbm>>
      %dma_start3A_17 = tpu.memref_slice %arg4[%add3A_16] : memref<802816xi32, #tpu.memory_space<hbm>> -> memref<256xi32, #tpu.memory_space<hbm>>
      tpu.enqueue_dma source(%dma_start3A_17 : memref<256xi32, #tpu.memory_space<hbm>>) target(%arg9 : memref<256xi32, #tpu.memory_space<vmem>>) target_semaphore(%arg15 : memref<!tpu.dma_semaphore, #tpu.memory_space<semaphore_mem>>)
      %dma_start3A_18 = tpu.memref_slice %arg5[%add3A_16] : memref<802816xi32, #tpu.memory_space<hbm>> -> memref<256xi32, #tpu.memory_space<hbm>>
      %dma_start3A_19 = tpu.memref_slice %arg5[%add3A_16] : memref<802816xi32, #tpu.memory_space<hbm>> -> memref<256xi32, #tpu.memory_space<hbm>>
      tpu.enqueue_dma source(%dma_start3A_19 : memref<256xi32, #tpu.memory_space<hbm>>) target(%arg11 : memref<256xi32, #tpu.memory_space<vmem>>) target_semaphore(%arg15 : memref<!tpu.dma_semaphore, #tpu.memory_space<semaphore_mem>>)
      %mul3A_20 = arith.constant 50176 : i32
      %mul3A_21 = arith.muli %arg1, %mul3A_20 : i32
      %add3A_22 = arith.constant 256 : i32
      %add3A_23 = arith.addi %mul3A_21, %add3A_22 : i32
      %dma_start3A_24 = tpu.memref_slice %arg4[%add3A_23] : memref<802816xi32, #tpu.memory_space<hbm>> -> memref<256xi32, #tpu.memory_space<hbm>>
      %dma_start3A_25 = tpu.memref_slice %arg4[%add3A_23] : memref<802816xi32, #tpu.memory_space<hbm>> -> memref<256xi32, #tpu.memory_space<hbm>>
      tpu.enqueue_dma source(%dma_start3A_25 : memref<256xi32, #tpu.memory_space<hbm>>) target(%arg10 : memref<256xi32, #tpu.memory_space<vmem>>) target_semaphore(%arg16 : memref<!tpu.dma_semaphore, #tpu.memory_space<semaphore_mem>>)
      %dma_start3A_26 = tpu.memref_slice %arg5[%add3A_23] : memref<802816xi32, #tpu.memory_space<hbm>> -> memref<256xi32, #tpu.memory_space<hbm>>
      %dma_start3A_27 = tpu.memref_slice %arg5[%add3A_23] : memref<802816xi32, #tpu.memory_space<hbm>> -> memref<256xi32, #tpu.memory_space<hbm>>
      tpu.enqueue_dma source(%dma_start3A_27 : memref<256xi32, #tpu.memory_space<hbm>>) target(%arg12 : memref<256xi32, #tpu.memory_space<vmem>>) target_semaphore(%arg16 : memref<!tpu.dma_semaphore, #tpu.memory_space<semaphore_mem>>)
      %mul3A_28 = arith.constant 50176 : i32
      %mul3A_29 = arith.muli %arg1, %mul3A_28 : i32
      %add3A_30 = arith.constant 0 : i32
      %add3A_31 = arith.addi %mul3A_29, %add3A_30 : i32
      %dma_wait3A = tpu.memref_slice %arg4[%add3A_31] : memref<802816xi32, #tpu.memory_space<hbm>> -> memref<256xi32, #tpu.memory_space<hbm>>
      %dma_wait3A_32 = tpu.memref_slice %arg4[%add3A_31] : memref<802816xi32, #tpu.memory_space<hbm>> -> memref<256xi32, #tpu.memory_space<hbm>>
      tpu.wait_dma2 semaphore(%arg15 : memref<!tpu.dma_semaphore, #tpu.memory_space<semaphore_mem>>) src(%dma_wait3A_32 : memref<256xi32, #tpu.memory_space<hbm>>) dst(%arg9 : memref<256xi32, #tpu.memory_space<vmem>>)
      %dma_wait3A_33 = tpu.memref_slice %arg5[%add3A_31] : memref<802816xi32, #tpu.memory_space<hbm>> -> memref<256xi32, #tpu.memory_space<hbm>>
      %dma_wait3A_34 = tpu.memref_slice %arg5[%add3A_31] : memref<802816xi32, #tpu.memory_space<hbm>> -> memref<256xi32, #tpu.memory_space<hbm>>
      tpu.wait_dma2 semaphore(%arg15 : memref<!tpu.dma_semaphore, #tpu.memory_space<semaphore_mem>>) src(%dma_wait3A_34 : memref<256xi32, #tpu.memory_space<hbm>>) dst(%arg11 : memref<256xi32, #tpu.memory_space<vmem>>)
      %dma_start3A_35 = arith.constant 0 : i32
      %dma_start3A_36 = arith.constant 0 : i32
      %dma_start3A_37 = tpu.memref_slice %arg3[%dma_start3A_35, %dma_start3A_36] : memref<50000x32xf32, #tpu.memory_space<hbm>> -> memref<50000x32xf32, #tpu.memory_space<hbm>>
      tpu.enqueue_indirect_dma source(%dma_start3A_37 : memref<50000x32xf32, #tpu.memory_space<hbm>>) target(%arg13 : memref<256x32xf32, #tpu.memory_space<vmem>>) offsets(%arg9 : memref<256xi32, #tpu.memory_space<vmem>>) semaphore(%arg17 : memref<!tpu.dma_semaphore, #tpu.memory_space<semaphore_mem>>)
      %scan3A = arith.constant 0 : i32
      %scan3A_38 = arith.constant 0 : i32
      %scan3A_39 = arith.constant 196 : i32
      %scan3A_40 = arith.addi %scan3A_38, %scan3A_39 : i32
      %scan3A_41 = arith.constant 1 : i32
      scf.for %scan3A_49 = %scan3A_38 to %scan3A_40 step %scan3A_41  : i32 {
        %rem3A = arith.constant 2 : i32
        %rem3A_50 = arith.remsi %scan3A_49, %rem3A : i32
        %eq3A_51 = arith.constant 0 : i32
        %eq3A_52 = arith.cmpi eq, %rem3A_50, %eq3A_51 : i32
        %convert_element_type3A_53 = arith.extui %eq3A_52 : i1 to i32
        %cond3A_54 = arith.constant 0 : i32
        %cond3A_55 = arith.cmpi ne, %convert_element_type3A_53, %cond3A_54 : i32
        scf.if %cond3A_55 {
          %dma_wait3A_63 = arith.constant 0 : i32
          %dma_wait3A_64 = arith.constant 0 : i32
          %dma_wait3A_65 = tpu.memref_slice %arg3[%dma_wait3A_63, %dma_wait3A_64] : memref<50000x32xf32, #tpu.memory_space<hbm>> -> memref<50000x32xf32, #tpu.memory_space<hbm>>
          tpu.wait_indirect_dma semaphore(%arg17 : memref<!tpu.dma_semaphore, #tpu.memory_space<semaphore_mem>>) src(%dma_wait3A_65 : memref<50000x32xf32, #tpu.memory_space<hbm>>) dst(%arg13 : memref<256x32xf32, #tpu.memory_space<vmem>>)
          %add3A_66 = arith.constant 1 : i32
          %add3A_67 = arith.addi %scan3A_49, %add3A_66 : i32
          %lt3A = arith.constant 196 : i32
          %lt3A_68 = arith.cmpi slt, %add3A_67, %lt3A : i32
          %convert_element_type3A_69 = arith.extui %lt3A_68 : i1 to i32
          %cond3A_70 = arith.constant 0 : i32
          %cond3A_71 = arith.cmpi ne, %convert_element_type3A_69, %cond3A_70 : i32
          scf.if %cond3A_71 {
            %ge3A = arith.constant 1 : i32
            %ge3A_82 = arith.cmpi sge, %scan3A_49, %ge3A : i32
            %convert_element_type3A_83 = arith.extui %ge3A_82 : i1 to i32
            %cond3A_84 = arith.constant 0 : i32
            %cond3A_85 = arith.cmpi ne, %convert_element_type3A_83, %cond3A_84 : i32
            scf.if %cond3A_85 {
              %dma_wait3A_100 = arith.constant 0 : i32
              %dma_wait3A_101 = arith.constant 0 : i32
              %dma_wait3A_102 = tpu.memref_slice %arg8[%dma_wait3A_100, %dma_wait3A_101] : memref<50176x32xf32, #tpu.memory_space<vmem_shared>> -> memref<50176x32xf32, #tpu.memory_space<vmem_shared>>
              tpu.wait_indirect_dma semaphore(%arg20 : memref<!tpu.dma_semaphore, #tpu.memory_space<semaphore_mem>>) src(%arg14 : memref<256x32xf32, #tpu.memory_space<vmem>>) dst(%dma_wait3A_102 : memref<50176x32xf32, #tpu.memory_space<vmem_shared>>)
            } else {
            }
            %add3A_86 = arith.constant 1 : i32
            %add3A_87 = arith.addi %scan3A_49, %add3A_86 : i32
            %mul3A_88 = arith.constant 50176 : i32
            %mul3A_89 = arith.muli %arg1, %mul3A_88 : i32
            %mul3A_90 = arith.constant 256 : i32
            %mul3A_91 = arith.muli %add3A_87, %mul3A_90 : i32
            %add3A_92 = arith.addi %mul3A_89, %mul3A_91 : i32
            %dma_wait3A_93 = tpu.memref_slice %arg4[%add3A_92] : memref<802816xi32, #tpu.memory_space<hbm>> -> memref<256xi32, #tpu.memory_space<hbm>>
            %dma_wait3A_94 = tpu.memref_slice %arg4[%add3A_92] : memref<802816xi32, #tpu.memory_space<hbm>> -> memref<256xi32, #tpu.memory_space<hbm>>
            tpu.wait_dma2 semaphore(%arg16 : memref<!tpu.dma_semaphore, #tpu.memory_space<semaphore_mem>>) src(%dma_wait3A_94 : memref<256xi32, #tpu.memory_space<hbm>>) dst(%arg10 : memref<256xi32, #tpu.memory_space<vmem>>)
            %dma_wait3A_95 = tpu.memref_slice %arg5[%add3A_92] : memref<802816xi32, #tpu.memory_space<hbm>> -> memref<256xi32, #tpu.memory_space<hbm>>
            %dma_wait3A_96 = tpu.memref_slice %arg5[%add3A_92] : memref<802816xi32, #tpu.memory_space<hbm>> -> memref<256xi32, #tpu.memory_space<hbm>>
            tpu.wait_dma2 semaphore(%arg16 : memref<!tpu.dma_semaphore, #tpu.memory_space<semaphore_mem>>) src(%dma_wait3A_96 : memref<256xi32, #tpu.memory_space<hbm>>) dst(%arg12 : memref<256xi32, #tpu.memory_space<vmem>>)
            %dma_start3A_97 = arith.constant 0 : i32
            %dma_start3A_98 = arith.constant 0 : i32
            %dma_start3A_99 = tpu.memref_slice %arg3[%dma_start3A_97, %dma_start3A_98] : memref<50000x32xf32, #tpu.memory_space<hbm>> -> memref<50000x32xf32, #tpu.memory_space<hbm>>
            tpu.enqueue_indirect_dma source(%dma_start3A_99 : memref<50000x32xf32, #tpu.memory_space<hbm>>) target(%arg14 : memref<256x32xf32, #tpu.memory_space<vmem>>) offsets(%arg10 : memref<256xi32, #tpu.memory_space<vmem>>) semaphore(%arg18 : memref<!tpu.dma_semaphore, #tpu.memory_space<semaphore_mem>>)
          } else {
          }
          %dma_start3A_72 = arith.constant 0 : i32
          %dma_start3A_73 = arith.constant 0 : i32
          %dma_start3A_74 = tpu.memref_slice %arg8[%dma_start3A_72, %dma_start3A_73] : memref<50176x32xf32, #tpu.memory_space<vmem_shared>> -> memref<50176x32xf32, #tpu.memory_space<vmem_shared>>
          tpu.enqueue_indirect_dma source(%arg13 : memref<256x32xf32, #tpu.memory_space<vmem>>) target(%dma_start3A_74 : memref<50176x32xf32, #tpu.memory_space<vmem_shared>>) offsets(%arg11 : memref<256xi32, #tpu.memory_space<vmem>>) semaphore(%arg19 : memref<!tpu.dma_semaphore, #tpu.memory_space<semaphore_mem>>) {add = true}
          %add3A_75 = arith.constant 2 : i32
          %add3A_76 = arith.addi %scan3A_49, %add3A_75 : i32
          %lt3A_77 = arith.constant 196 : i32
          %lt3A_78 = arith.cmpi slt, %add3A_76, %lt3A_77 : i32
          %convert_element_type3A_79 = arith.extui %lt3A_78 : i1 to i32
          %cond3A_80 = arith.constant 0 : i32
          %cond3A_81 = arith.cmpi ne, %convert_element_type3A_79, %cond3A_80 : i32
          scf.if %cond3A_81 {
            %add3A_82 = arith.constant 2 : i32
            %add3A_83 = arith.addi %scan3A_49, %add3A_82 : i32
            %mul3A_84 = arith.constant 50176 : i32
            %mul3A_85 = arith.muli %arg1, %mul3A_84 : i32
            %mul3A_86 = arith.constant 256 : i32
            %mul3A_87 = arith.muli %add3A_83, %mul3A_86 : i32
            %add3A_88 = arith.addi %mul3A_85, %mul3A_87 : i32
            %dma_start3A_89 = tpu.memref_slice %arg4[%add3A_88] : memref<802816xi32, #tpu.memory_space<hbm>> -> memref<256xi32, #tpu.memory_space<hbm>>
            %dma_start3A_90 = tpu.memref_slice %arg4[%add3A_88] : memref<802816xi32, #tpu.memory_space<hbm>> -> memref<256xi32, #tpu.memory_space<hbm>>
            tpu.enqueue_dma source(%dma_start3A_90 : memref<256xi32, #tpu.memory_space<hbm>>) target(%arg9 : memref<256xi32, #tpu.memory_space<vmem>>) target_semaphore(%arg15 : memref<!tpu.dma_semaphore, #tpu.memory_space<semaphore_mem>>)
            %dma_start3A_91 = tpu.memref_slice %arg5[%add3A_88] : memref<802816xi32, #tpu.memory_space<hbm>> -> memref<256xi32, #tpu.memory_space<hbm>>
            %dma_start3A_92 = tpu.memref_slice %arg5[%add3A_88] : memref<802816xi32, #tpu.memory_space<hbm>> -> memref<256xi32, #tpu.memory_space<hbm>>
            tpu.enqueue_dma source(%dma_start3A_92 : memref<256xi32, #tpu.memory_space<hbm>>) target(%arg11 : memref<256xi32, #tpu.memory_space<vmem>>) target_semaphore(%arg15 : memref<!tpu.dma_semaphore, #tpu.memory_space<semaphore_mem>>)
          } else {
          }
        } else {
        }
        %rem3A_56 = arith.constant 2 : i32
        %rem3A_57 = arith.remsi %scan3A_49, %rem3A_56 : i32
        %eq3A_58 = arith.constant 1 : i32
        %eq3A_59 = arith.cmpi eq, %rem3A_57, %eq3A_58 : i32
        %convert_element_type3A_60 = arith.extui %eq3A_59 : i1 to i32
        %cond3A_61 = arith.constant 0 : i32
        %cond3A_62 = arith.cmpi ne, %convert_element_type3A_60, %cond3A_61 : i32
        scf.if %cond3A_62 {
          %dma_wait3A_63 = arith.constant 0 : i32
          %dma_wait3A_64 = arith.constant 0 : i32
          %dma_wait3A_65 = tpu.memref_slice %arg3[%dma_wait3A_63, %dma_wait3A_64] : memref<50000x32xf32, #tpu.memory_space<hbm>> -> memref<50000x32xf32, #tpu.memory_space<hbm>>
          tpu.wait_indirect_dma semaphore(%arg18 : memref<!tpu.dma_semaphore, #tpu.memory_space<semaphore_mem>>) src(%dma_wait3A_65 : memref<50000x32xf32, #tpu.memory_space<hbm>>) dst(%arg14 : memref<256x32xf32, #tpu.memory_space<vmem>>)
          %add3A_66 = arith.constant 1 : i32
          %add3A_67 = arith.addi %scan3A_49, %add3A_66 : i32
          %lt3A = arith.constant 196 : i32
          %lt3A_68 = arith.cmpi slt, %add3A_67, %lt3A : i32
          %convert_element_type3A_69 = arith.extui %lt3A_68 : i1 to i32
          %cond3A_70 = arith.constant 0 : i32
          %cond3A_71 = arith.cmpi ne, %convert_element_type3A_69, %cond3A_70 : i32
          scf.if %cond3A_71 {
            %ge3A = arith.constant 1 : i32
            %ge3A_82 = arith.cmpi sge, %scan3A_49, %ge3A : i32
            %convert_element_type3A_83 = arith.extui %ge3A_82 : i1 to i32
            %cond3A_84 = arith.constant 0 : i32
            %cond3A_85 = arith.cmpi ne, %convert_element_type3A_83, %cond3A_84 : i32
            scf.if %cond3A_85 {
              %dma_wait3A_100 = arith.constant 0 : i32
              %dma_wait3A_101 = arith.constant 0 : i32
              %dma_wait3A_102 = tpu.memref_slice %arg8[%dma_wait3A_100, %dma_wait3A_101] : memref<50176x32xf32, #tpu.memory_space<vmem_shared>> -> memref<50176x32xf32, #tpu.memory_space<vmem_shared>>
              tpu.wait_indirect_dma semaphore(%arg19 : memref<!tpu.dma_semaphore, #tpu.memory_space<semaphore_mem>>) src(%arg13 : memref<256x32xf32, #tpu.memory_space<vmem>>) dst(%dma_wait3A_102 : memref<50176x32xf32, #tpu.memory_space<vmem_shared>>)
            } else {
            }
            %add3A_86 = arith.constant 1 : i32
            %add3A_87 = arith.addi %scan3A_49, %add3A_86 : i32
            %mul3A_88 = arith.constant 50176 : i32
            %mul3A_89 = arith.muli %arg1, %mul3A_88 : i32
            %mul3A_90 = arith.constant 256 : i32
            %mul3A_91 = arith.muli %add3A_87, %mul3A_90 : i32
            %add3A_92 = arith.addi %mul3A_89, %mul3A_91 : i32
            %dma_wait3A_93 = tpu.memref_slice %arg4[%add3A_92] : memref<802816xi32, #tpu.memory_space<hbm>> -> memref<256xi32, #tpu.memory_space<hbm>>
            %dma_wait3A_94 = tpu.memref_slice %arg4[%add3A_92] : memref<802816xi32, #tpu.memory_space<hbm>> -> memref<256xi32, #tpu.memory_space<hbm>>
            tpu.wait_dma2 semaphore(%arg15 : memref<!tpu.dma_semaphore, #tpu.memory_space<semaphore_mem>>) src(%dma_wait3A_94 : memref<256xi32, #tpu.memory_space<hbm>>) dst(%arg9 : memref<256xi32, #tpu.memory_space<vmem>>)
            %dma_wait3A_95 = tpu.memref_slice %arg5[%add3A_92] : memref<802816xi32, #tpu.memory_space<hbm>> -> memref<256xi32, #tpu.memory_space<hbm>>
            %dma_wait3A_96 = tpu.memref_slice %arg5[%add3A_92] : memref<802816xi32, #tpu.memory_space<hbm>> -> memref<256xi32, #tpu.memory_space<hbm>>
            tpu.wait_dma2 semaphore(%arg15 : memref<!tpu.dma_semaphore, #tpu.memory_space<semaphore_mem>>) src(%dma_wait3A_96 : memref<256xi32, #tpu.memory_space<hbm>>) dst(%arg11 : memref<256xi32, #tpu.memory_space<vmem>>)
            %dma_start3A_97 = arith.constant 0 : i32
            %dma_start3A_98 = arith.constant 0 : i32
            %dma_start3A_99 = tpu.memref_slice %arg3[%dma_start3A_97, %dma_start3A_98] : memref<50000x32xf32, #tpu.memory_space<hbm>> -> memref<50000x32xf32, #tpu.memory_space<hbm>>
            tpu.enqueue_indirect_dma source(%dma_start3A_99 : memref<50000x32xf32, #tpu.memory_space<hbm>>) target(%arg13 : memref<256x32xf32, #tpu.memory_space<vmem>>) offsets(%arg9 : memref<256xi32, #tpu.memory_space<vmem>>) semaphore(%arg17 : memref<!tpu.dma_semaphore, #tpu.memory_space<semaphore_mem>>)
          } else {
          }
          %dma_start3A_72 = arith.constant 0 : i32
          %dma_start3A_73 = arith.constant 0 : i32
          %dma_start3A_74 = tpu.memref_slice %arg8[%dma_start3A_72, %dma_start3A_73] : memref<50176x32xf32, #tpu.memory_space<vmem_shared>> -> memref<50176x32xf32, #tpu.memory_space<vmem_shared>>
          tpu.enqueue_indirect_dma source(%arg14 : memref<256x32xf32, #tpu.memory_space<vmem>>) target(%dma_start3A_74 : memref<50176x32xf32, #tpu.memory_space<vmem_shared>>) offsets(%arg12 : memref<256xi32, #tpu.memory_space<vmem>>) semaphore(%arg20 : memref<!tpu.dma_semaphore, #tpu.memory_space<semaphore_mem>>) {add = true}
          %add3A_75 = arith.constant 2 : i32
          %add3A_76 = arith.addi %scan3A_49, %add3A_75 : i32
          %lt3A_77 = arith.constant 196 : i32
          %lt3A_78 = arith.cmpi slt, %add3A_76, %lt3A_77 : i32
          %convert_element_type3A_79 = arith.extui %lt3A_78 : i1 to i32
          %cond3A_80 = arith.constant 0 : i32
          %cond3A_81 = arith.cmpi ne, %convert_element_type3A_79, %cond3A_80 : i32
          scf.if %cond3A_81 {
            %add3A_82 = arith.constant 2 : i32
            %add3A_83 = arith.addi %scan3A_49, %add3A_82 : i32
            %mul3A_84 = arith.constant 50176 : i32
            %mul3A_85 = arith.muli %arg1, %mul3A_84 : i32
            %mul3A_86 = arith.constant 256 : i32
            %mul3A_87 = arith.muli %add3A_83, %mul3A_86 : i32
            %add3A_88 = arith.addi %mul3A_85, %mul3A_87 : i32
            %dma_start3A_89 = tpu.memref_slice %arg4[%add3A_88] : memref<802816xi32, #tpu.memory_space<hbm>> -> memref<256xi32, #tpu.memory_space<hbm>>
            %dma_start3A_90 = tpu.memref_slice %arg4[%add3A_88] : memref<802816xi32, #tpu.memory_space<hbm>> -> memref<256xi32, #tpu.memory_space<hbm>>
            tpu.enqueue_dma source(%dma_start3A_90 : memref<256xi32, #tpu.memory_space<hbm>>) target(%arg10 : memref<256xi32, #tpu.memory_space<vmem>>) target_semaphore(%arg16 : memref<!tpu.dma_semaphore, #tpu.memory_space<semaphore_mem>>)
            %dma_start3A_91 = tpu.memref_slice %arg5[%add3A_88] : memref<802816xi32, #tpu.memory_space<hbm>> -> memref<256xi32, #tpu.memory_space<hbm>>
            %dma_start3A_92 = tpu.memref_slice %arg5[%add3A_88] : memref<802816xi32, #tpu.memory_space<hbm>> -> memref<256xi32, #tpu.memory_space<hbm>>
            tpu.enqueue_dma source(%dma_start3A_92 : memref<256xi32, #tpu.memory_space<hbm>>) target(%arg12 : memref<256xi32, #tpu.memory_space<vmem>>) target_semaphore(%arg16 : memref<!tpu.dma_semaphore, #tpu.memory_space<semaphore_mem>>)
          } else {
          }
        } else {
        }
      }
      %scan3A_42 = arith.constant 196 : i32
      %dma_wait3A_43 = arith.constant 0 : i32
      %dma_wait3A_44 = arith.constant 0 : i32
      %dma_wait3A_45 = tpu.memref_slice %arg8[%dma_wait3A_43, %dma_wait3A_44] : memref<50176x32xf32, #tpu.memory_space<vmem_shared>> -> memref<50176x32xf32, #tpu.memory_space<vmem_shared>>
      tpu.wait_indirect_dma semaphore(%arg19 : memref<!tpu.dma_semaphore, #tpu.memory_space<semaphore_mem>>) src(%arg13 : memref<256x32xf32, #tpu.memory_space<vmem>>) dst(%dma_wait3A_45 : memref<50176x32xf32, #tpu.memory_space<vmem_shared>>)
      %dma_wait3A_46 = arith.constant 0 : i32
      %dma_wait3A_47 = arith.constant 0 : i32
      %dma_wait3A_48 = tpu.memref_slice %arg8[%dma_wait3A_46, %dma_wait3A_47] : memref<50176x32xf32, #tpu.memory_space<vmem_shared>> -> memref<50176x32xf32, #tpu.memory_space<vmem_shared>>
      tpu.wait_indirect_dma semaphore(%arg20 : memref<!tpu.dma_semaphore, #tpu.memory_space<semaphore_mem>>) src(%arg14 : memref<256x32xf32, #tpu.memory_space<vmem>>) dst(%dma_wait3A_48 : memref<50176x32xf32, #tpu.memory_space<vmem_shared>>)
    } else {
    }
    %barrier3A_8 = arith.constant 0 : index
    tpu.barrier barrier_id(%barrier3A_8)
    %mul3A_9 = arith.constant 3136 : i32
    %mul3A_10 = arith.muli %arg1, %mul3A_9 : i32
    %mul3A_11 = arith.constant 3136 : i32
    %mul3A_12 = arith.muli %arg1, %mul3A_11 : i32
    "tpu.region"() ({
      %run_scoped3A = tpu.sem_alloc : memref<!tpu.dma_semaphore, #tpu.memory_space<semaphore_mem>>
      %dma_start3A = arith.constant 0 : i32
      %dma_start3A_14 = tpu.memref_slice %arg7[%arg0, %mul3A_12, %dma_start3A] : memref<2x50176x32xf32, #tpu.memory_space<hbm>> -> memref<1x3136x32xf32, #tpu.memory_space<hbm>>
      %dma_start3A_15 = tpu.memref_squeeze %dma_start3A_14 : memref<1x3136x32xf32, #tpu.memory_space<hbm>> -> memref<3136x32xf32, #tpu.memory_space<hbm>>
      %dma_start3A_16 = arith.constant 0 : i32
      %dma_start3A_17 = tpu.memref_slice %arg8[%mul3A_10, %dma_start3A_16] : memref<50176x32xf32, #tpu.memory_space<vmem_shared>> -> memref<3136x32xf32, #tpu.memory_space<vmem_shared>>
      tpu.enqueue_dma source(%dma_start3A_17 : memref<3136x32xf32, #tpu.memory_space<vmem_shared>>) target(%dma_start3A_15 : memref<3136x32xf32, #tpu.memory_space<hbm>>) target_semaphore(%run_scoped3A : memref<!tpu.dma_semaphore, #tpu.memory_space<semaphore_mem>>)
      %dma_wait3A = arith.constant 0 : i32
      %dma_wait3A_18 = tpu.memref_slice %arg7[%arg0, %mul3A_12, %dma_wait3A] : memref<2x50176x32xf32, #tpu.memory_space<hbm>> -> memref<1x3136x32xf32, #tpu.memory_space<hbm>>
      %dma_wait3A_19 = tpu.memref_squeeze %dma_wait3A_18 : memref<1x3136x32xf32, #tpu.memory_space<hbm>> -> memref<3136x32xf32, #tpu.memory_space<hbm>>
      %dma_wait3A_20 = arith.constant 0 : i32
      %dma_wait3A_21 = tpu.memref_slice %arg8[%mul3A_10, %dma_wait3A_20] : memref<50176x32xf32, #tpu.memory_space<vmem_shared>> -> memref<3136x32xf32, #tpu.memory_space<vmem_shared>>
      tpu.wait_dma2 semaphore(%run_scoped3A : memref<!tpu.dma_semaphore, #tpu.memory_space<semaphore_mem>>) src(%dma_wait3A_21 : memref<3136x32xf32, #tpu.memory_space<vmem_shared>>) dst(%dma_wait3A_19 : memref<3136x32xf32, #tpu.memory_space<hbm>>)
      tpu.yield
    }) : () -> ()
    %barrier3A_13 = arith.constant 0 : index
    tpu.barrier barrier_id(%barrier3A_13)
    return
  }
}

module attributes {stable_mosaic.version = 14 : i64} {
  func.func @_emb_body(%arg0: i32, %arg1: memref<400x9xi32, #tpu.memory_space<vmem>>, %arg2: memref<9x200x64xf32, #tpu.memory_space<vmem>>, %arg3: memref<400x64xf32, #tpu.memory_space<vmem>>, %arg4: memref<400x32xf32, #tpu.memory_space<vmem>>, %arg5: memref<400x32xf32, #tpu.memory_space<vmem>>, %arg6: memref<3136x32xf32, #tpu.memory_space<vmem>>, %arg7: memref<2x64xf32, #tpu.memory_space<vmem>>, %arg8: memref<2x64xf32, #tpu.memory_space<vmem>>) attributes {dimension_semantics = [#tpu.dimension_semantics<arbitrary>], iteration_bounds = array<i64: 125>, scalar_prefetch = 0 : i64, scratch_operands = 1 : i64, tpu.core_type = #tpu.core_type<tc>, window_params = [{transform_indices = @transform_0, window_bounds = array<i64: 400, 9>}, {pipeline_mode = #tpu.pipeline_mode<synchronous>, transform_indices = @transform_1, window_bounds = array<i64: 9, 200, 64>}, {transform_indices = @transform_2, window_bounds = array<i64: 400, 64>}, {transform_indices = @transform_3, window_bounds = array<i64: 400, 32>}, {transform_indices = @transform_4, window_bounds = array<i64: 400, 32>}, {pipeline_mode = #tpu.pipeline_mode<synchronous>, transform_indices = @transform_5, window_bounds = array<i64: 3136, 32>}, {pipeline_mode = #tpu.pipeline_mode<synchronous>, transform_indices = @transform_6, window_bounds = array<i64: 2, 64>}]} {
    %iota3A = tpu.iota {dimensions = array<i32: 1>} : vector<400x200xi32>
    %broadcast_in_dim3A = arith.constant 0.000000e+00 : f32
    %broadcast_in_dim3A_0 = vector.broadcast %broadcast_in_dim3A : f32 to vector<400x64xf32>
    %get3A = arith.constant 0 : index
    %get3A_1 = arith.constant 0 : index
    %get3A_2 = vector.load %arg1[%get3A, %get3A_1] : memref<400x9xi32, #tpu.memory_space<vmem>>, vector<400x1xi32>
    %get3A_3 = vector.shape_cast %get3A_2 : vector<400x1xi32> to vector<400xi32>
    %broadcast_in_dim3A_4 = vector.shape_cast %get3A_3 : vector<400xi32> to vector<400x1xi32>
    %eq3A = vector.broadcast %broadcast_in_dim3A_4 : vector<400x1xi32> to vector<400x200xi32>
    %eq3A_5 = arith.cmpi eq, %eq3A, %iota3A : vector<400x200xi32>
    %convert_element_type3A = arith.extui %eq3A_5 : vector<400x200xi1> to vector<400x200xi32>
    %convert_element_type3A_6 = arith.sitofp %convert_element_type3A : vector<400x200xi32> to vector<400x200xf32>
    %get3A_7 = arith.constant 0 : index
    %get3A_8 = arith.constant 0 : index
    %get3A_9 = arith.constant 0 : index
    %get3A_10 = vector.load %arg2[%get3A_7, %get3A_8, %get3A_9] : memref<9x200x64xf32, #tpu.memory_space<vmem>>, vector<1x200x64xf32>
    %get3A_11 = vector.shape_cast %get3A_10 : vector<1x200x64xf32> to vector<200x64xf32>
    %dot_general3A = arith.constant dense<0.000000e+00> : vector<400x64xf32>
    %dot_general3A_12 = tpu.matmul %convert_element_type3A_6, %get3A_11, %dot_general3A {dimension_numbers = #tpu.dot_dimension_numbers<[1], [0], [0], [1], [0, 0, 1, 1], [], []>, transpose_lhs_hint = false} : vector<400x200xf32>, vector<200x64xf32>, vector<400x64xf32> -> vector<400x64xf32>
    %add3A = arith.addf %broadcast_in_dim3A_0, %dot_general3A_12 : vector<400x64xf32>
    %get3A_13 = arith.constant 0 : index
    %get3A_14 = arith.constant 1 : index
    %get3A_15 = vector.load %arg1[%get3A_13, %get3A_14] : memref<400x9xi32, #tpu.memory_space<vmem>>, vector<400x1xi32>
    %get3A_16 = vector.shape_cast %get3A_15 : vector<400x1xi32> to vector<400xi32>
    %broadcast_in_dim3A_17 = vector.shape_cast %get3A_16 : vector<400xi32> to vector<400x1xi32>
    %eq3A_18 = vector.broadcast %broadcast_in_dim3A_17 : vector<400x1xi32> to vector<400x200xi32>
    %eq3A_19 = arith.cmpi eq, %eq3A_18, %iota3A : vector<400x200xi32>
    %convert_element_type3A_20 = arith.extui %eq3A_19 : vector<400x200xi1> to vector<400x200xi32>
    %convert_element_type3A_21 = arith.sitofp %convert_element_type3A_20 : vector<400x200xi32> to vector<400x200xf32>
    %get3A_22 = arith.constant 1 : index
    %get3A_23 = arith.constant 0 : index
    %get3A_24 = arith.constant 0 : index
    %get3A_25 = vector.load %arg2[%get3A_22, %get3A_23, %get3A_24] : memref<9x200x64xf32, #tpu.memory_space<vmem>>, vector<1x200x64xf32>
    %get3A_26 = vector.shape_cast %get3A_25 : vector<1x200x64xf32> to vector<200x64xf32>
    %dot_general3A_27 = arith.constant dense<0.000000e+00> : vector<400x64xf32>
    %dot_general3A_28 = tpu.matmul %convert_element_type3A_21, %get3A_26, %dot_general3A_27 {dimension_numbers = #tpu.dot_dimension_numbers<[1], [0], [0], [1], [0, 0, 1, 1], [], []>, transpose_lhs_hint = false} : vector<400x200xf32>, vector<200x64xf32>, vector<400x64xf32> -> vector<400x64xf32>
    %add3A_29 = arith.addf %add3A, %dot_general3A_28 : vector<400x64xf32>
    %get3A_30 = arith.constant 0 : index
    %get3A_31 = arith.constant 2 : index
    %get3A_32 = vector.load %arg1[%get3A_30, %get3A_31] : memref<400x9xi32, #tpu.memory_space<vmem>>, vector<400x1xi32>
    %get3A_33 = vector.shape_cast %get3A_32 : vector<400x1xi32> to vector<400xi32>
    %broadcast_in_dim3A_34 = vector.shape_cast %get3A_33 : vector<400xi32> to vector<400x1xi32>
    %eq3A_35 = vector.broadcast %broadcast_in_dim3A_34 : vector<400x1xi32> to vector<400x200xi32>
    %eq3A_36 = arith.cmpi eq, %eq3A_35, %iota3A : vector<400x200xi32>
    %convert_element_type3A_37 = arith.extui %eq3A_36 : vector<400x200xi1> to vector<400x200xi32>
    %convert_element_type3A_38 = arith.sitofp %convert_element_type3A_37 : vector<400x200xi32> to vector<400x200xf32>
    %get3A_39 = arith.constant 2 : index
    %get3A_40 = arith.constant 0 : index
    %get3A_41 = arith.constant 0 : index
    %get3A_42 = vector.load %arg2[%get3A_39, %get3A_40, %get3A_41] : memref<9x200x64xf32, #tpu.memory_space<vmem>>, vector<1x200x64xf32>
    %get3A_43 = vector.shape_cast %get3A_42 : vector<1x200x64xf32> to vector<200x64xf32>
    %dot_general3A_44 = arith.constant dense<0.000000e+00> : vector<400x64xf32>
    %dot_general3A_45 = tpu.matmul %convert_element_type3A_38, %get3A_43, %dot_general3A_44 {dimension_numbers = #tpu.dot_dimension_numbers<[1], [0], [0], [1], [0, 0, 1, 1], [], []>, transpose_lhs_hint = false} : vector<400x200xf32>, vector<200x64xf32>, vector<400x64xf32> -> vector<400x64xf32>
    %add3A_46 = arith.addf %add3A_29, %dot_general3A_45 : vector<400x64xf32>
    %get3A_47 = arith.constant 0 : index
    %get3A_48 = arith.constant 3 : index
    %get3A_49 = vector.load %arg1[%get3A_47, %get3A_48] : memref<400x9xi32, #tpu.memory_space<vmem>>, vector<400x1xi32>
    %get3A_50 = vector.shape_cast %get3A_49 : vector<400x1xi32> to vector<400xi32>
    %broadcast_in_dim3A_51 = vector.shape_cast %get3A_50 : vector<400xi32> to vector<400x1xi32>
    %eq3A_52 = vector.broadcast %broadcast_in_dim3A_51 : vector<400x1xi32> to vector<400x200xi32>
    %eq3A_53 = arith.cmpi eq, %eq3A_52, %iota3A : vector<400x200xi32>
    %convert_element_type3A_54 = arith.extui %eq3A_53 : vector<400x200xi1> to vector<400x200xi32>
    %convert_element_type3A_55 = arith.sitofp %convert_element_type3A_54 : vector<400x200xi32> to vector<400x200xf32>
    %get3A_56 = arith.constant 3 : index
    %get3A_57 = arith.constant 0 : index
    %get3A_58 = arith.constant 0 : index
    %get3A_59 = vector.load %arg2[%get3A_56, %get3A_57, %get3A_58] : memref<9x200x64xf32, #tpu.memory_space<vmem>>, vector<1x200x64xf32>
    %get3A_60 = vector.shape_cast %get3A_59 : vector<1x200x64xf32> to vector<200x64xf32>
    %dot_general3A_61 = arith.constant dense<0.000000e+00> : vector<400x64xf32>
    %dot_general3A_62 = tpu.matmul %convert_element_type3A_55, %get3A_60, %dot_general3A_61 {dimension_numbers = #tpu.dot_dimension_numbers<[1], [0], [0], [1], [0, 0, 1, 1], [], []>, transpose_lhs_hint = false} : vector<400x200xf32>, vector<200x64xf32>, vector<400x64xf32> -> vector<400x64xf32>
    %add3A_63 = arith.addf %add3A_46, %dot_general3A_62 : vector<400x64xf32>
    %get3A_64 = arith.constant 0 : index
    %get3A_65 = arith.constant 4 : index
    %get3A_66 = vector.load %arg1[%get3A_64, %get3A_65] : memref<400x9xi32, #tpu.memory_space<vmem>>, vector<400x1xi32>
    %get3A_67 = vector.shape_cast %get3A_66 : vector<400x1xi32> to vector<400xi32>
    %broadcast_in_dim3A_68 = vector.shape_cast %get3A_67 : vector<400xi32> to vector<400x1xi32>
    %eq3A_69 = vector.broadcast %broadcast_in_dim3A_68 : vector<400x1xi32> to vector<400x200xi32>
    %eq3A_70 = arith.cmpi eq, %eq3A_69, %iota3A : vector<400x200xi32>
    %convert_element_type3A_71 = arith.extui %eq3A_70 : vector<400x200xi1> to vector<400x200xi32>
    %convert_element_type3A_72 = arith.sitofp %convert_element_type3A_71 : vector<400x200xi32> to vector<400x200xf32>
    %get3A_73 = arith.constant 4 : index
    %get3A_74 = arith.constant 0 : index
    %get3A_75 = arith.constant 0 : index
    %get3A_76 = vector.load %arg2[%get3A_73, %get3A_74, %get3A_75] : memref<9x200x64xf32, #tpu.memory_space<vmem>>, vector<1x200x64xf32>
    %get3A_77 = vector.shape_cast %get3A_76 : vector<1x200x64xf32> to vector<200x64xf32>
    %dot_general3A_78 = arith.constant dense<0.000000e+00> : vector<400x64xf32>
    %dot_general3A_79 = tpu.matmul %convert_element_type3A_72, %get3A_77, %dot_general3A_78 {dimension_numbers = #tpu.dot_dimension_numbers<[1], [0], [0], [1], [0, 0, 1, 1], [], []>, transpose_lhs_hint = false} : vector<400x200xf32>, vector<200x64xf32>, vector<400x64xf32> -> vector<400x64xf32>
    %add3A_80 = arith.addf %add3A_63, %dot_general3A_79 : vector<400x64xf32>
    %get3A_81 = arith.constant 0 : index
    %get3A_82 = arith.constant 5 : index
    %get3A_83 = vector.load %arg1[%get3A_81, %get3A_82] : memref<400x9xi32, #tpu.memory_space<vmem>>, vector<400x1xi32>
    %get3A_84 = vector.shape_cast %get3A_83 : vector<400x1xi32> to vector<400xi32>
    %broadcast_in_dim3A_85 = vector.shape_cast %get3A_84 : vector<400xi32> to vector<400x1xi32>
    %eq3A_86 = vector.broadcast %broadcast_in_dim3A_85 : vector<400x1xi32> to vector<400x200xi32>
    %eq3A_87 = arith.cmpi eq, %eq3A_86, %iota3A : vector<400x200xi32>
    %convert_element_type3A_88 = arith.extui %eq3A_87 : vector<400x200xi1> to vector<400x200xi32>
    %convert_element_type3A_89 = arith.sitofp %convert_element_type3A_88 : vector<400x200xi32> to vector<400x200xf32>
    %get3A_90 = arith.constant 5 : index
    %get3A_91 = arith.constant 0 : index
    %get3A_92 = arith.constant 0 : index
    %get3A_93 = vector.load %arg2[%get3A_90, %get3A_91, %get3A_92] : memref<9x200x64xf32, #tpu.memory_space<vmem>>, vector<1x200x64xf32>
    %get3A_94 = vector.shape_cast %get3A_93 : vector<1x200x64xf32> to vector<200x64xf32>
    %dot_general3A_95 = arith.constant dense<0.000000e+00> : vector<400x64xf32>
    %dot_general3A_96 = tpu.matmul %convert_element_type3A_89, %get3A_94, %dot_general3A_95 {dimension_numbers = #tpu.dot_dimension_numbers<[1], [0], [0], [1], [0, 0, 1, 1], [], []>, transpose_lhs_hint = false} : vector<400x200xf32>, vector<200x64xf32>, vector<400x64xf32> -> vector<400x64xf32>
    %add3A_97 = arith.addf %add3A_80, %dot_general3A_96 : vector<400x64xf32>
    %get3A_98 = arith.constant 0 : index
    %get3A_99 = arith.constant 6 : index
    %get3A_100 = vector.load %arg1[%get3A_98, %get3A_99] : memref<400x9xi32, #tpu.memory_space<vmem>>, vector<400x1xi32>
    %get3A_101 = vector.shape_cast %get3A_100 : vector<400x1xi32> to vector<400xi32>
    %broadcast_in_dim3A_102 = vector.shape_cast %get3A_101 : vector<400xi32> to vector<400x1xi32>
    %eq3A_103 = vector.broadcast %broadcast_in_dim3A_102 : vector<400x1xi32> to vector<400x200xi32>
    %eq3A_104 = arith.cmpi eq, %eq3A_103, %iota3A : vector<400x200xi32>
    %convert_element_type3A_105 = arith.extui %eq3A_104 : vector<400x200xi1> to vector<400x200xi32>
    %convert_element_type3A_106 = arith.sitofp %convert_element_type3A_105 : vector<400x200xi32> to vector<400x200xf32>
    %get3A_107 = arith.constant 6 : index
    %get3A_108 = arith.constant 0 : index
    %get3A_109 = arith.constant 0 : index
    %get3A_110 = vector.load %arg2[%get3A_107, %get3A_108, %get3A_109] : memref<9x200x64xf32, #tpu.memory_space<vmem>>, vector<1x200x64xf32>
    %get3A_111 = vector.shape_cast %get3A_110 : vector<1x200x64xf32> to vector<200x64xf32>
    %dot_general3A_112 = arith.constant dense<0.000000e+00> : vector<400x64xf32>
    %dot_general3A_113 = tpu.matmul %convert_element_type3A_106, %get3A_111, %dot_general3A_112 {dimension_numbers = #tpu.dot_dimension_numbers<[1], [0], [0], [1], [0, 0, 1, 1], [], []>, transpose_lhs_hint = false} : vector<400x200xf32>, vector<200x64xf32>, vector<400x64xf32> -> vector<400x64xf32>
    %add3A_114 = arith.addf %add3A_97, %dot_general3A_113 : vector<400x64xf32>
    %get3A_115 = arith.constant 0 : index
    %get3A_116 = arith.constant 7 : index
    %get3A_117 = vector.load %arg1[%get3A_115, %get3A_116] : memref<400x9xi32, #tpu.memory_space<vmem>>, vector<400x1xi32>
    %get3A_118 = vector.shape_cast %get3A_117 : vector<400x1xi32> to vector<400xi32>
    %broadcast_in_dim3A_119 = vector.shape_cast %get3A_118 : vector<400xi32> to vector<400x1xi32>
    %eq3A_120 = vector.broadcast %broadcast_in_dim3A_119 : vector<400x1xi32> to vector<400x200xi32>
    %eq3A_121 = arith.cmpi eq, %eq3A_120, %iota3A : vector<400x200xi32>
    %convert_element_type3A_122 = arith.extui %eq3A_121 : vector<400x200xi1> to vector<400x200xi32>
    %convert_element_type3A_123 = arith.sitofp %convert_element_type3A_122 : vector<400x200xi32> to vector<400x200xf32>
    %get3A_124 = arith.constant 7 : index
    %get3A_125 = arith.constant 0 : index
    %get3A_126 = arith.constant 0 : index
    %get3A_127 = vector.load %arg2[%get3A_124, %get3A_125, %get3A_126] : memref<9x200x64xf32, #tpu.memory_space<vmem>>, vector<1x200x64xf32>
    %get3A_128 = vector.shape_cast %get3A_127 : vector<1x200x64xf32> to vector<200x64xf32>
    %dot_general3A_129 = arith.constant dense<0.000000e+00> : vector<400x64xf32>
    %dot_general3A_130 = tpu.matmul %convert_element_type3A_123, %get3A_128, %dot_general3A_129 {dimension_numbers = #tpu.dot_dimension_numbers<[1], [0], [0], [1], [0, 0, 1, 1], [], []>, transpose_lhs_hint = false} : vector<400x200xf32>, vector<200x64xf32>, vector<400x64xf32> -> vector<400x64xf32>
    %add3A_131 = arith.addf %add3A_114, %dot_general3A_130 : vector<400x64xf32>
    %get3A_132 = arith.constant 0 : index
    %get3A_133 = arith.constant 8 : index
    %get3A_134 = vector.load %arg1[%get3A_132, %get3A_133] : memref<400x9xi32, #tpu.memory_space<vmem>>, vector<400x1xi32>
    %get3A_135 = vector.shape_cast %get3A_134 : vector<400x1xi32> to vector<400xi32>
    %broadcast_in_dim3A_136 = vector.shape_cast %get3A_135 : vector<400xi32> to vector<400x1xi32>
    %eq3A_137 = vector.broadcast %broadcast_in_dim3A_136 : vector<400x1xi32> to vector<400x200xi32>
    %eq3A_138 = arith.cmpi eq, %eq3A_137, %iota3A : vector<400x200xi32>
    %convert_element_type3A_139 = arith.extui %eq3A_138 : vector<400x200xi1> to vector<400x200xi32>
    %convert_element_type3A_140 = arith.sitofp %convert_element_type3A_139 : vector<400x200xi32> to vector<400x200xf32>
    %get3A_141 = arith.constant 8 : index
    %get3A_142 = arith.constant 0 : index
    %get3A_143 = arith.constant 0 : index
    %get3A_144 = vector.load %arg2[%get3A_141, %get3A_142, %get3A_143] : memref<9x200x64xf32, #tpu.memory_space<vmem>>, vector<1x200x64xf32>
    %get3A_145 = vector.shape_cast %get3A_144 : vector<1x200x64xf32> to vector<200x64xf32>
    %dot_general3A_146 = arith.constant dense<0.000000e+00> : vector<400x64xf32>
    %dot_general3A_147 = tpu.matmul %convert_element_type3A_140, %get3A_145, %dot_general3A_146 {dimension_numbers = #tpu.dot_dimension_numbers<[1], [0], [0], [1], [0, 0, 1, 1], [], []>, transpose_lhs_hint = false} : vector<400x200xf32>, vector<200x64xf32>, vector<400x64xf32> -> vector<400x64xf32>
    %add3A_148 = arith.addf %add3A_131, %dot_general3A_147 : vector<400x64xf32>
    %swap3A = arith.constant 0 : index
    %swap3A_149 = arith.constant 0 : index
    %swap3A_150 = vector.load %arg3[%swap3A, %swap3A_149] : memref<400x64xf32, #tpu.memory_space<vmem>>, vector<400x64xf32>
    tpu.vector_store %arg3[%swap3A, %swap3A_149], %add3A_148 {strides = array<i32>} : memref<400x64xf32, #tpu.memory_space<vmem>>, vector<400x64xf32>,
    %slice3A = vector.extract_strided_slice %add3A_148 {offsets = [0, 0], sizes = [400, 32], strides = [1, 1]} : vector<400x64xf32> to vector<400x32xf32>
    %swap3A_151 = arith.constant 0 : index
    %swap3A_152 = arith.constant 0 : index
    %swap3A_153 = vector.load %arg4[%swap3A_151, %swap3A_152] : memref<400x32xf32, #tpu.memory_space<vmem>>, vector<400x32xf32>
    tpu.vector_store %arg4[%swap3A_151, %swap3A_152], %slice3A {strides = array<i32>} : memref<400x32xf32, #tpu.memory_space<vmem>>, vector<400x32xf32>,
    %slice3A_154 = vector.extract_strided_slice %add3A_148 {offsets = [0, 32], sizes = [400, 32], strides = [1, 1]} : vector<400x64xf32> to vector<400x32xf32>
    %swap3A_155 = arith.constant 0 : index
    %swap3A_156 = arith.constant 0 : index
    %swap3A_157 = vector.load %arg5[%swap3A_155, %swap3A_156] : memref<400x32xf32, #tpu.memory_space<vmem>>, vector<400x32xf32>
    tpu.vector_store %arg5[%swap3A_155, %swap3A_156], %slice3A_154 {strides = array<i32>} : memref<400x32xf32, #tpu.memory_space<vmem>>, vector<400x32xf32>,
    %eq3A_158 = arith.constant 0 : i32
    %eq3A_159 = arith.cmpi eq, %arg0, %eq3A_158 : i32
    %convert_element_type3A_160 = arith.extui %eq3A_159 : i1 to i32
    %cond3A = arith.constant 0 : i32
    %cond3A_161 = arith.cmpi ne, %convert_element_type3A_160, %cond3A : i32
    scf.if %cond3A_161 {
      %broadcast_in_dim3A_190 = arith.constant 0.000000e+00 : f32
      %broadcast_in_dim3A_191 = vector.broadcast %broadcast_in_dim3A_190 : f32 to vector<3136x32xf32>
      %swap3A_192 = arith.constant 0 : index
      %swap3A_193 = arith.constant 0 : index
      %swap3A_194 = vector.load %arg6[%swap3A_192, %swap3A_193] : memref<3136x32xf32, #tpu.memory_space<vmem>>, vector<3136x32xf32>
      tpu.vector_store %arg6[%swap3A_192, %swap3A_193], %broadcast_in_dim3A_191 {strides = array<i32>} : memref<3136x32xf32, #tpu.memory_space<vmem>>, vector<3136x32xf32>,
      %broadcast_in_dim3A_195 = arith.constant 0.000000e+00 : f32
      %broadcast_in_dim3A_196 = vector.broadcast %broadcast_in_dim3A_195 : f32 to vector<2x64xf32>
      %swap3A_197 = arith.constant 0 : index
      %swap3A_198 = arith.constant 0 : index
      %swap3A_199 = vector.load %arg8[%swap3A_197, %swap3A_198] : memref<2x64xf32, #tpu.memory_space<vmem>>, vector<2x64xf32>
      tpu.vector_store %arg8[%swap3A_197, %swap3A_198], %broadcast_in_dim3A_196 {strides = array<i32>} : memref<2x64xf32, #tpu.memory_space<vmem>>, vector<2x64xf32>,
    } else {
    }
    %get3A_162 = arith.constant 0 : index
    %get3A_163 = arith.constant 0 : index
    %get3A_164 = vector.load %arg8[%get3A_162, %get3A_163] : memref<2x64xf32, #tpu.memory_space<vmem>>, vector<1x64xf32>
    %get3A_165 = vector.shape_cast %get3A_164 : vector<1x64xf32> to vector<64xf32>
    %reduce_sum3A = arith.constant dense<0.000000e+00> : vector<64xf32>
    %reduce_sum3A_166 = vector.multi_reduction <add>, %add3A_148, %reduce_sum3A [0] : vector<400x64xf32> to vector<64xf32>
    %add3A_167 = arith.addf %get3A_165, %reduce_sum3A_166 : vector<64xf32>
    %swap3A_168 = arith.constant 0 : index
    %swap3A_169 = arith.constant 0 : index
    %swap3A_170 = vector.load %arg8[%swap3A_168, %swap3A_169] : memref<2x64xf32, #tpu.memory_space<vmem>>, vector<1x64xf32>
    %swap3A_171 = vector.shape_cast %swap3A_170 : vector<1x64xf32> to vector<64xf32>
    %swap3A_172 = vector.shape_cast %add3A_167 : vector<64xf32> to vector<1x64xf32>
    tpu.vector_store %arg8[%swap3A_168, %swap3A_169], %swap3A_172 {strides = array<i32>} : memref<2x64xf32, #tpu.memory_space<vmem>>, vector<1x64xf32>,
    %get3A_173 = arith.constant 1 : index
    %get3A_174 = arith.constant 0 : index
    %get3A_175 = vector.load %arg8[%get3A_173, %get3A_174] : memref<2x64xf32, #tpu.memory_space<vmem>>, vector<1x64xf32>
    %get3A_176 = vector.shape_cast %get3A_175 : vector<1x64xf32> to vector<64xf32>
    %mul3A = arith.mulf %add3A_148, %add3A_148 : vector<400x64xf32>
    %reduce_sum3A_177 = arith.constant dense<0.000000e+00> : vector<64xf32>
    %reduce_sum3A_178 = vector.multi_reduction <add>, %mul3A, %reduce_sum3A_177 [0] : vector<400x64xf32> to vector<64xf32>
    %add3A_179 = arith.addf %get3A_176, %reduce_sum3A_178 : vector<64xf32>
    %swap3A_180 = arith.constant 1 : index
    %swap3A_181 = arith.constant 0 : index
    %swap3A_182 = vector.load %arg8[%swap3A_180, %swap3A_181] : memref<2x64xf32, #tpu.memory_space<vmem>>, vector<1x64xf32>
    %swap3A_183 = vector.shape_cast %swap3A_182 : vector<1x64xf32> to vector<64xf32>
    %swap3A_184 = vector.shape_cast %add3A_179 : vector<64xf32> to vector<1x64xf32>
    tpu.vector_store %arg8[%swap3A_180, %swap3A_181], %swap3A_184 {strides = array<i32>} : memref<2x64xf32, #tpu.memory_space<vmem>>, vector<1x64xf32>,
    %eq3A_185 = arith.constant 124 : i32
    %eq3A_186 = arith.cmpi eq, %arg0, %eq3A_185 : i32
    %convert_element_type3A_187 = arith.extui %eq3A_186 : i1 to i32
    %cond3A_188 = arith.constant 0 : i32
    %cond3A_189 = arith.cmpi ne, %convert_element_type3A_187, %cond3A_188 : i32
    scf.if %cond3A_189 {
      %get3A_190 = arith.constant 0 : index
      %get3A_191 = arith.constant 0 : index
      %get3A_192 = vector.load %arg8[%get3A_190, %get3A_191] : memref<2x64xf32, #tpu.memory_space<vmem>>, vector<2x64xf32>
      %swap3A_193 = arith.constant 0 : index
      %swap3A_194 = arith.constant 0 : index
      %swap3A_195 = vector.load %arg7[%swap3A_193, %swap3A_194] : memref<2x64xf32, #tpu.memory_space<vmem>>, vector<2x64xf32>
      tpu.vector_store %arg7[%swap3A_193, %swap3A_194], %get3A_192 {strides = array<i32>} : memref<2x64xf32, #tpu.memory_space<vmem>>, vector<2x64xf32>,
    } else {
    }
    return
  }
  func.func @transform_0(%arg0: i32) -> (i32, i32) {
    %c0_i32 = arith.constant 0 : i32
    %c0_i32_0 = arith.constant 0 : i32
    return %arg0, %c0_i32 : i32, i32
  }
  func.func @transform_1(%arg0: i32) -> (i32, i32, i32) {
    %c0_i32 = arith.constant 0 : i32
    %c0_i32_0 = arith.constant 0 : i32
    %c0_i32_1 = arith.constant 0 : i32
    %c0_i32_2 = arith.constant 0 : i32
    return %c0_i32, %c0_i32_0, %c0_i32_1 : i32, i32, i32
  }
  func.func @transform_2(%arg0: i32) -> (i32, i32) {
    %c0_i32 = arith.constant 0 : i32
    %c0_i32_0 = arith.constant 0 : i32
    return %arg0, %c0_i32 : i32, i32
  }
  func.func @transform_3(%arg0: i32) -> (i32, i32) {
    %c0_i32 = arith.constant 0 : i32
    %c0_i32_0 = arith.constant 0 : i32
    return %arg0, %c0_i32 : i32, i32
  }
  func.func @transform_4(%arg0: i32) -> (i32, i32) {
    %c0_i32 = arith.constant 0 : i32
    %c0_i32_0 = arith.constant 0 : i32
    return %arg0, %c0_i32 : i32, i32
  }
  func.func @transform_5(%arg0: i32) -> (i32, i32) {
    %c0_i32 = arith.constant 0 : i32
    %c0_i32_0 = arith.constant 0 : i32
    %c0_i32_1 = arith.constant 0 : i32
    return %c0_i32, %c0_i32_0 : i32, i32
  }
  func.func @transform_6(%arg0: i32) -> (i32, i32) {
    %c0_i32 = arith.constant 0 : i32
    %c0_i32_0 = arith.constant 0 : i32
    %c0_i32_1 = arith.constant 0 : i32
    return %c0_i32, %c0_i32_0 : i32, i32
  }
}

module attributes {stable_mosaic.version = 14 : i64} {
  func.func @_split_body(%arg0: memref<2x800000xi32, #tpu.memory_space<vmem>>, %arg1: memref<802816xi32, #tpu.memory_space<vmem>>, %arg2: memref<802816xi32, #tpu.memory_space<vmem>>) attributes {dimension_semantics = [], scalar_prefetch = 0 : i64, scratch_operands = 0 : i64, tpu.core_type = #tpu.core_type<tc>} {
    %get3A = arith.constant 0 : index
    %get3A_0 = arith.constant 0 : index
    %get3A_1 = vector.load %arg0[%get3A, %get3A_0] : memref<2x800000xi32, #tpu.memory_space<vmem>>, vector<1x800000xi32>
    %get3A_2 = vector.shape_cast %get3A_1 : vector<1x800000xi32> to vector<800000xi32>
    %swap3A = arith.constant 0 : index
    %swap3A_3 = vector.load %arg1[%swap3A] : memref<802816xi32, #tpu.memory_space<vmem>>, vector<800000xi32>
    tpu.vector_store %arg1[%swap3A], %get3A_2 {strides = array<i32>} : memref<802816xi32, #tpu.memory_space<vmem>>, vector<800000xi32>,
    %get3A_4 = arith.constant 1 : index
    %get3A_5 = arith.constant 0 : index
    %get3A_6 = vector.load %arg0[%get3A_4, %get3A_5] : memref<2x800000xi32, #tpu.memory_space<vmem>>, vector<1x800000xi32>
    %get3A_7 = vector.shape_cast %get3A_6 : vector<1x800000xi32> to vector<800000xi32>
    %swap3A_8 = arith.constant 0 : index
    %swap3A_9 = vector.load %arg2[%swap3A_8] : memref<802816xi32, #tpu.memory_space<vmem>>, vector<800000xi32>
    tpu.vector_store %arg2[%swap3A_8], %get3A_7 {strides = array<i32>} : memref<802816xi32, #tpu.memory_space<vmem>>, vector<800000xi32>,
    %broadcast_in_dim3A = arith.constant 0 : i32
    %broadcast_in_dim3A_10 = vector.broadcast %broadcast_in_dim3A : i32 to vector<2816xi32>
    %swap3A_11 = arith.constant 800000 : index
    %swap3A_12 = vector.load %arg1[%swap3A_11] : memref<802816xi32, #tpu.memory_space<vmem>>, vector<2816xi32>
    tpu.vector_store %arg1[%swap3A_11], %broadcast_in_dim3A_10 {strides = array<i32>} : memref<802816xi32, #tpu.memory_space<vmem>>, vector<2816xi32>,
    %broadcast_in_dim3A_13 = arith.constant 50016 : i32
    %broadcast_in_dim3A_14 = vector.broadcast %broadcast_in_dim3A_13 : i32 to vector<2816xi32>
    %swap3A_15 = arith.constant 800000 : index
    %swap3A_16 = vector.load %arg2[%swap3A_15] : memref<802816xi32, #tpu.memory_space<vmem>>, vector<2816xi32>
    tpu.vector_store %arg2[%swap3A_15], %broadcast_in_dim3A_14 {strides = array<i32>} : memref<802816xi32, #tpu.memory_space<vmem>>, vector<2816xi32>,
    return
  }
}

module attributes {stable_mosaic.version = 14 : i64} {
  func.func @_passA_gen_body(%arg0: i32, %arg1: memref<400x64xf32, #tpu.memory_space<vmem>>, %arg2: memref<400x32xf32, #tpu.memory_space<vmem>>, %arg3: memref<400x32xf32, #tpu.memory_space<vmem>>, %arg4: memref<3x64x64xf32, #tpu.memory_space<vmem>>, %arg5: memref<3x1x64xf32, #tpu.memory_space<vmem>>, %arg6: memref<3x400x64xf32, #tpu.memory_space<vmem>>, %arg7: memref<3x2x64xf32, #tpu.memory_space<vmem>>, %arg8: memref<3x2x64xf32, #tpu.memory_space<vmem>>) attributes {dimension_semantics = [#tpu.dimension_semantics<arbitrary>], iteration_bounds = array<i64: 125>, scalar_prefetch = 0 : i64, scratch_operands = 1 : i64, tpu.core_type = #tpu.core_type<tc>, window_params = [{transform_indices = @transform_0, window_bounds = array<i64: 400, 64>}, {transform_indices = @transform_1, window_bounds = array<i64: 400, 32>}, {transform_indices = @transform_2, window_bounds = array<i64: 400, 32>}, {pipeline_mode = #tpu.pipeline_mode<synchronous>, transform_indices = @transform_3, window_bounds = array<i64: 3, 64, 64>}, {pipeline_mode = #tpu.pipeline_mode<synchronous>, transform_indices = @transform_4, window_bounds = array<i64: 3, 1, 64>}, {transform_indices = @transform_5, window_bounds = array<i64: 3, 400, 64>}, {pipeline_mode = #tpu.pipeline_mode<synchronous>, transform_indices = @transform_6, window_bounds = array<i64: 3, 2, 64>}]} {
    %get3A = arith.constant 0 : index
    %get3A_0 = arith.constant 0 : index
    %get3A_1 = vector.load %arg1[%get3A, %get3A_0] : memref<400x64xf32, #tpu.memory_space<vmem>>, vector<400x64xf32>
    %get3A_2 = arith.constant 0 : index
    %get3A_3 = arith.constant 0 : index
    %get3A_4 = vector.load %arg2[%get3A_2, %get3A_3] : memref<400x32xf32, #tpu.memory_space<vmem>>, vector<400x32xf32>
    %get3A_5 = arith.constant 0 : index
    %get3A_6 = arith.constant 0 : index
    %get3A_7 = vector.load %arg3[%get3A_5, %get3A_6] : memref<400x32xf32, #tpu.memory_space<vmem>>, vector<400x32xf32>
    %concatenate3A = tpu.concatenate %get3A_4, %get3A_7 in 1 : vector<400x32xf32>, vector<400x32xf32> -> vector<400x64xf32>
    %add3A = arith.addf %get3A_1, %concatenate3A : vector<400x64xf32>
    %eq3A = arith.constant 0 : i32
    %eq3A_8 = arith.cmpi eq, %arg0, %eq3A : i32
    %convert_element_type3A = arith.extui %eq3A_8 : i1 to i32
    %cond3A = arith.constant 0 : i32
    %cond3A_9 = arith.cmpi ne, %convert_element_type3A, %cond3A : i32
    scf.if %cond3A_9 {
      %broadcast_in_dim3A = arith.constant 0.000000e+00 : f32
      %broadcast_in_dim3A_158 = vector.broadcast %broadcast_in_dim3A : f32 to vector<3x2x64xf32>
      %swap3A_159 = arith.constant 0 : index
      %swap3A_160 = arith.constant 0 : index
      %swap3A_161 = arith.constant 0 : index
      %swap3A_162 = vector.load %arg8[%swap3A_159, %swap3A_160, %swap3A_161] : memref<3x2x64xf32, #tpu.memory_space<vmem>>, vector<3x2x64xf32>
      tpu.vector_store %arg8[%swap3A_159, %swap3A_160, %swap3A_161], %broadcast_in_dim3A_158 {strides = array<i32>} : memref<3x2x64xf32, #tpu.memory_space<vmem>>, vector<3x2x64xf32>,
    } else {
    }
    %get3A_10 = arith.constant 0 : index
    %get3A_11 = arith.constant 0 : index
    %get3A_12 = arith.constant 0 : index
    %get3A_13 = vector.load %arg4[%get3A_10, %get3A_11, %get3A_12] : memref<3x64x64xf32, #tpu.memory_space<vmem>>, vector<1x64x64xf32>
    %get3A_14 = vector.shape_cast %get3A_13 : vector<1x64x64xf32> to vector<64x64xf32>
    %dot_general3A = arith.constant dense<0.000000e+00> : vector<400x64xf32>
    %dot_general3A_15 = tpu.matmul %add3A, %get3A_14, %dot_general3A {dimension_numbers = #tpu.dot_dimension_numbers<[1], [0], [0], [1], [0, 0, 1, 1], [], []>, transpose_lhs_hint = false} : vector<400x64xf32>, vector<64x64xf32>, vector<400x64xf32> -> vector<400x64xf32>
    %get3A_16 = arith.constant 0 : index
    %get3A_17 = arith.constant 0 : index
    %get3A_18 = arith.constant 0 : index
    %get3A_19 = vector.load %arg5[%get3A_16, %get3A_17, %get3A_18] : memref<3x1x64xf32, #tpu.memory_space<vmem>>, vector<1x1x64xf32>
    %get3A_20 = vector.shape_cast %get3A_19 : vector<1x1x64xf32> to vector<1x64xf32>
    %add3A_21 = vector.broadcast %get3A_20 : vector<1x64xf32> to vector<400x64xf32>
    %add3A_22 = arith.addf %dot_general3A_15, %add3A_21 : vector<400x64xf32>
    %swap3A = arith.constant 0 : index
    %swap3A_23 = arith.constant 0 : index
    %swap3A_24 = arith.constant 0 : index
    %swap3A_25 = vector.load %arg6[%swap3A, %swap3A_23, %swap3A_24] : memref<3x400x64xf32, #tpu.memory_space<vmem>>, vector<1x400x64xf32>
    %swap3A_26 = vector.shape_cast %swap3A_25 : vector<1x400x64xf32> to vector<400x64xf32>
    %swap3A_27 = vector.shape_cast %add3A_22 : vector<400x64xf32> to vector<1x400x64xf32>
    tpu.vector_store %arg6[%swap3A, %swap3A_23, %swap3A_24], %swap3A_27 {strides = array<i32>} : memref<3x400x64xf32, #tpu.memory_space<vmem>>, vector<1x400x64xf32>,
    %get3A_28 = arith.constant 0 : index
    %get3A_29 = arith.constant 0 : index
    %get3A_30 = arith.constant 0 : index
    %get3A_31 = vector.load %arg8[%get3A_28, %get3A_29, %get3A_30] : memref<3x2x64xf32, #tpu.memory_space<vmem>>, vector<1x1x64xf32>
    %get3A_32 = vector.shape_cast %get3A_31 : vector<1x1x64xf32> to vector<64xf32>
    %reduce_sum3A = arith.constant dense<0.000000e+00> : vector<64xf32>
    %reduce_sum3A_33 = vector.multi_reduction <add>, %add3A_22, %reduce_sum3A [0] : vector<400x64xf32> to vector<64xf32>
    %add3A_34 = arith.addf %get3A_32, %reduce_sum3A_33 : vector<64xf32>
    %swap3A_35 = arith.constant 0 : index
    %swap3A_36 = arith.constant 0 : index
    %swap3A_37 = arith.constant 0 : index
    %swap3A_38 = vector.load %arg8[%swap3A_35, %swap3A_36, %swap3A_37] : memref<3x2x64xf32, #tpu.memory_space<vmem>>, vector<1x1x64xf32>
    %swap3A_39 = vector.shape_cast %swap3A_38 : vector<1x1x64xf32> to vector<64xf32>
    %swap3A_40 = vector.shape_cast %add3A_34 : vector<64xf32> to vector<1x1x64xf32>
    tpu.vector_store %arg8[%swap3A_35, %swap3A_36, %swap3A_37], %swap3A_40 {strides = array<i32>} : memref<3x2x64xf32, #tpu.memory_space<vmem>>, vector<1x1x64xf32>,
    %get3A_41 = arith.constant 0 : index
    %get3A_42 = arith.constant 1 : index
    %get3A_43 = arith.constant 0 : index
    %get3A_44 = vector.load %arg8[%get3A_41, %get3A_42, %get3A_43] : memref<3x2x64xf32, #tpu.memory_space<vmem>>, vector<1x1x64xf32>
    %get3A_45 = vector.shape_cast %get3A_44 : vector<1x1x64xf32> to vector<64xf32>
    %mul3A = arith.mulf %add3A_22, %add3A_22 : vector<400x64xf32>
    %reduce_sum3A_46 = arith.constant dense<0.000000e+00> : vector<64xf32>
    %reduce_sum3A_47 = vector.multi_reduction <add>, %mul3A, %reduce_sum3A_46 [0] : vector<400x64xf32> to vector<64xf32>
    %add3A_48 = arith.addf %get3A_45, %reduce_sum3A_47 : vector<64xf32>
    %swap3A_49 = arith.constant 0 : index
    %swap3A_50 = arith.constant 1 : index
    %swap3A_51 = arith.constant 0 : index
    %swap3A_52 = vector.load %arg8[%swap3A_49, %swap3A_50, %swap3A_51] : memref<3x2x64xf32, #tpu.memory_space<vmem>>, vector<1x1x64xf32>
    %swap3A_53 = vector.shape_cast %swap3A_52 : vector<1x1x64xf32> to vector<64xf32>
    %swap3A_54 = vector.shape_cast %add3A_48 : vector<64xf32> to vector<1x1x64xf32>
    tpu.vector_store %arg8[%swap3A_49, %swap3A_50, %swap3A_51], %swap3A_54 {strides = array<i32>} : memref<3x2x64xf32, #tpu.memory_space<vmem>>, vector<1x1x64xf32>,
    %get3A_55 = arith.constant 1 : index
    %get3A_56 = arith.constant 0 : index
    %get3A_57 = arith.constant 0 : index
    %get3A_58 = vector.load %arg4[%get3A_55, %get3A_56, %get3A_57] : memref<3x64x64xf32, #tpu.memory_space<vmem>>, vector<1x64x64xf32>
    %get3A_59 = vector.shape_cast %get3A_58 : vector<1x64x64xf32> to vector<64x64xf32>
    %dot_general3A_60 = arith.constant dense<0.000000e+00> : vector<400x64xf32>
    %dot_general3A_61 = tpu.matmul %add3A, %get3A_59, %dot_general3A_60 {dimension_numbers = #tpu.dot_dimension_numbers<[1], [0], [0], [1], [0, 0, 1, 1], [], []>, transpose_lhs_hint = false} : vector<400x64xf32>, vector<64x64xf32>, vector<400x64xf32> -> vector<400x64xf32>
    %get3A_62 = arith.constant 1 : index
    %get3A_63 = arith.constant 0 : index
    %get3A_64 = arith.constant 0 : index
    %get3A_65 = vector.load %arg5[%get3A_62, %get3A_63, %get3A_64] : memref<3x1x64xf32, #tpu.memory_space<vmem>>, vector<1x1x64xf32>
    %get3A_66 = vector.shape_cast %get3A_65 : vector<1x1x64xf32> to vector<1x64xf32>
    %add3A_67 = vector.broadcast %get3A_66 : vector<1x64xf32> to vector<400x64xf32>
    %add3A_68 = arith.addf %dot_general3A_61, %add3A_67 : vector<400x64xf32>
    %swap3A_69 = arith.constant 1 : index
    %swap3A_70 = arith.constant 0 : index
    %swap3A_71 = arith.constant 0 : index
    %swap3A_72 = vector.load %arg6[%swap3A_69, %swap3A_70, %swap3A_71] : memref<3x400x64xf32, #tpu.memory_space<vmem>>, vector<1x400x64xf32>
    %swap3A_73 = vector.shape_cast %swap3A_72 : vector<1x400x64xf32> to vector<400x64xf32>
    %swap3A_74 = vector.shape_cast %add3A_68 : vector<400x64xf32> to vector<1x400x64xf32>
    tpu.vector_store %arg6[%swap3A_69, %swap3A_70, %swap3A_71], %swap3A_74 {strides = array<i32>} : memref<3x400x64xf32, #tpu.memory_space<vmem>>, vector<1x400x64xf32>,
    %get3A_75 = arith.constant 1 : index
    %get3A_76 = arith.constant 0 : index
    %get3A_77 = arith.constant 0 : index
    %get3A_78 = vector.load %arg8[%get3A_75, %get3A_76, %get3A_77] : memref<3x2x64xf32, #tpu.memory_space<vmem>>, vector<1x1x64xf32>
    %get3A_79 = vector.shape_cast %get3A_78 : vector<1x1x64xf32> to vector<64xf32>
    %reduce_sum3A_80 = arith.constant dense<0.000000e+00> : vector<64xf32>
    %reduce_sum3A_81 = vector.multi_reduction <add>, %add3A_68, %reduce_sum3A_80 [0] : vector<400x64xf32> to vector<64xf32>
    %add3A_82 = arith.addf %get3A_79, %reduce_sum3A_81 : vector<64xf32>
    %swap3A_83 = arith.constant 1 : index
    %swap3A_84 = arith.constant 0 : index
    %swap3A_85 = arith.constant 0 : index
    %swap3A_86 = vector.load %arg8[%swap3A_83, %swap3A_84, %swap3A_85] : memref<3x2x64xf32, #tpu.memory_space<vmem>>, vector<1x1x64xf32>
    %swap3A_87 = vector.shape_cast %swap3A_86 : vector<1x1x64xf32> to vector<64xf32>
    %swap3A_88 = vector.shape_cast %add3A_82 : vector<64xf32> to vector<1x1x64xf32>
    tpu.vector_store %arg8[%swap3A_83, %swap3A_84, %swap3A_85], %swap3A_88 {strides = array<i32>} : memref<3x2x64xf32, #tpu.memory_space<vmem>>, vector<1x1x64xf32>,
    %get3A_89 = arith.constant 1 : index
    %get3A_90 = arith.constant 1 : index
    %get3A_91 = arith.constant 0 : index
    %get3A_92 = vector.load %arg8[%get3A_89, %get3A_90, %get3A_91] : memref<3x2x64xf32, #tpu.memory_space<vmem>>, vector<1x1x64xf32>
    %get3A_93 = vector.shape_cast %get3A_92 : vector<1x1x64xf32> to vector<64xf32>
    %mul3A_94 = arith.mulf %add3A_68, %add3A_68 : vector<400x64xf32>
    %reduce_sum3A_95 = arith.constant dense<0.000000e+00> : vector<64xf32>
    %reduce_sum3A_96 = vector.multi_reduction <add>, %mul3A_94, %reduce_sum3A_95 [0] : vector<400x64xf32> to vector<64xf32>
    %add3A_97 = arith.addf %get3A_93, %reduce_sum3A_96 : vector<64xf32>
    %swap3A_98 = arith.constant 1 : index
    %swap3A_99 = arith.constant 1 : index
    %swap3A_100 = arith.constant 0 : index
    %swap3A_101 = vector.load %arg8[%swap3A_98, %swap3A_99, %swap3A_100] : memref<3x2x64xf32, #tpu.memory_space<vmem>>, vector<1x1x64xf32>
    %swap3A_102 = vector.shape_cast %swap3A_101 : vector<1x1x64xf32> to vector<64xf32>
    %swap3A_103 = vector.shape_cast %add3A_97 : vector<64xf32> to vector<1x1x64xf32>
    tpu.vector_store %arg8[%swap3A_98, %swap3A_99, %swap3A_100], %swap3A_103 {strides = array<i32>} : memref<3x2x64xf32, #tpu.memory_space<vmem>>, vector<1x1x64xf32>,
    %get3A_104 = arith.constant 2 : index
    %get3A_105 = arith.constant 0 : index
    %get3A_106 = arith.constant 0 : index
    %get3A_107 = vector.load %arg4[%get3A_104, %get3A_105, %get3A_106] : memref<3x64x64xf32, #tpu.memory_space<vmem>>, vector<1x64x64xf32>
    %get3A_108 = vector.shape_cast %get3A_107 : vector<1x64x64xf32> to vector<64x64xf32>
    %dot_general3A_109 = arith.constant dense<0.000000e+00> : vector<400x64xf32>
    %dot_general3A_110 = tpu.matmul %add3A, %get3A_108, %dot_general3A_109 {dimension_numbers = #tpu.dot_dimension_numbers<[1], [0], [0], [1], [0, 0, 1, 1], [], []>, transpose_lhs_hint = false} : vector<400x64xf32>, vector<64x64xf32>, vector<400x64xf32> -> vector<400x64xf32>
    %get3A_111 = arith.constant 2 : index
    %get3A_112 = arith.constant 0 : index
    %get3A_113 = arith.constant 0 : index
    %get3A_114 = vector.load %arg5[%get3A_111, %get3A_112, %get3A_113] : memref<3x1x64xf32, #tpu.memory_space<vmem>>, vector<1x1x64xf32>
    %get3A_115 = vector.shape_cast %get3A_114 : vector<1x1x64xf32> to vector<1x64xf32>
    %add3A_116 = vector.broadcast %get3A_115 : vector<1x64xf32> to vector<400x64xf32>
    %add3A_117 = arith.addf %dot_general3A_110, %add3A_116 : vector<400x64xf32>
    %swap3A_118 = arith.constant 2 : index
    %swap3A_119 = arith.constant 0 : index
    %swap3A_120 = arith.constant 0 : index
    %swap3A_121 = vector.load %arg6[%swap3A_118, %swap3A_119, %swap3A_120] : memref<3x400x64xf32, #tpu.memory_space<vmem>>, vector<1x400x64xf32>
    %swap3A_122 = vector.shape_cast %swap3A_121 : vector<1x400x64xf32> to vector<400x64xf32>
    %swap3A_123 = vector.shape_cast %add3A_117 : vector<400x64xf32> to vector<1x400x64xf32>
    tpu.vector_store %arg6[%swap3A_118, %swap3A_119, %swap3A_120], %swap3A_123 {strides = array<i32>} : memref<3x400x64xf32, #tpu.memory_space<vmem>>, vector<1x400x64xf32>,
    %get3A_124 = arith.constant 2 : index
    %get3A_125 = arith.constant 0 : index
    %get3A_126 = arith.constant 0 : index
    %get3A_127 = vector.load %arg8[%get3A_124, %get3A_125, %get3A_126] : memref<3x2x64xf32, #tpu.memory_space<vmem>>, vector<1x1x64xf32>
    %get3A_128 = vector.shape_cast %get3A_127 : vector<1x1x64xf32> to vector<64xf32>
    %reduce_sum3A_129 = arith.constant dense<0.000000e+00> : vector<64xf32>
    %reduce_sum3A_130 = vector.multi_reduction <add>, %add3A_117, %reduce_sum3A_129 [0] : vector<400x64xf32> to vector<64xf32>
    %add3A_131 = arith.addf %get3A_128, %reduce_sum3A_130 : vector<64xf32>
    %swap3A_132 = arith.constant 2 : index
    %swap3A_133 = arith.constant 0 : index
    %swap3A_134 = arith.constant 0 : index
    %swap3A_135 = vector.load %arg8[%swap3A_132, %swap3A_133, %swap3A_134] : memref<3x2x64xf32, #tpu.memory_space<vmem>>, vector<1x1x64xf32>
    %swap3A_136 = vector.shape_cast %swap3A_135 : vector<1x1x64xf32> to vector<64xf32>
    %swap3A_137 = vector.shape_cast %add3A_131 : vector<64xf32> to vector<1x1x64xf32>
    tpu.vector_store %arg8[%swap3A_132, %swap3A_133, %swap3A_134], %swap3A_137 {strides = array<i32>} : memref<3x2x64xf32, #tpu.memory_space<vmem>>, vector<1x1x64xf32>,
    %get3A_138 = arith.constant 2 : index
    %get3A_139 = arith.constant 1 : index
    %get3A_140 = arith.constant 0 : index
    %get3A_141 = vector.load %arg8[%get3A_138, %get3A_139, %get3A_140] : memref<3x2x64xf32, #tpu.memory_space<vmem>>, vector<1x1x64xf32>
    %get3A_142 = vector.shape_cast %get3A_141 : vector<1x1x64xf32> to vector<64xf32>
    %mul3A_143 = arith.mulf %add3A_117, %add3A_117 : vector<400x64xf32>
    %reduce_sum3A_144 = arith.constant dense<0.000000e+00> : vector<64xf32>
    %reduce_sum3A_145 = vector.multi_reduction <add>, %mul3A_143, %reduce_sum3A_144 [0] : vector<400x64xf32> to vector<64xf32>
    %add3A_146 = arith.addf %get3A_142, %reduce_sum3A_145 : vector<64xf32>
    %swap3A_147 = arith.constant 2 : index
    %swap3A_148 = arith.constant 1 : index
    %swap3A_149 = arith.constant 0 : index
    %swap3A_150 = vector.load %arg8[%swap3A_147, %swap3A_148, %swap3A_149] : memref<3x2x64xf32, #tpu.memory_space<vmem>>, vector<1x1x64xf32>
    %swap3A_151 = vector.shape_cast %swap3A_150 : vector<1x1x64xf32> to vector<64xf32>
    %swap3A_152 = vector.shape_cast %add3A_146 : vector<64xf32> to vector<1x1x64xf32>
    tpu.vector_store %arg8[%swap3A_147, %swap3A_148, %swap3A_149], %swap3A_152 {strides = array<i32>} : memref<3x2x64xf32, #tpu.memory_space<vmem>>, vector<1x1x64xf32>,
    %eq3A_153 = arith.constant 124 : i32
    %eq3A_154 = arith.cmpi eq, %arg0, %eq3A_153 : i32
    %convert_element_type3A_155 = arith.extui %eq3A_154 : i1 to i32
    %cond3A_156 = arith.constant 0 : i32
    %cond3A_157 = arith.cmpi ne, %convert_element_type3A_155, %cond3A_156 : i32
    scf.if %cond3A_157 {
      %get3A_158 = arith.constant 0 : index
      %get3A_159 = arith.constant 0 : index
      %get3A_160 = arith.constant 0 : index
      %get3A_161 = vector.load %arg8[%get3A_158, %get3A_159, %get3A_160] : memref<3x2x64xf32, #tpu.memory_space<vmem>>, vector<3x2x64xf32>
      %swap3A_162 = arith.constant 0 : index
      %swap3A_163 = arith.constant 0 : index
      %swap3A_164 = arith.constant 0 : index
      %swap3A_165 = vector.load %arg7[%swap3A_162, %swap3A_163, %swap3A_164] : memref<3x2x64xf32, #tpu.memory_space<vmem>>, vector<3x2x64xf32>
      tpu.vector_store %arg7[%swap3A_162, %swap3A_163, %swap3A_164], %get3A_161 {strides = array<i32>} : memref<3x2x64xf32, #tpu.memory_space<vmem>>, vector<3x2x64xf32>,
    } else {
    }
    return
  }
  func.func @transform_0(%arg0: i32) -> (i32, i32) {
    %c0_i32 = arith.constant 0 : i32
    %c0_i32_0 = arith.constant 0 : i32
    return %arg0, %c0_i32 : i32, i32
  }
  func.func @transform_1(%arg0: i32) -> (i32, i32) {
    %c0_i32 = arith.constant 0 : i32
    %c0_i32_0 = arith.constant 0 : i32
    return %arg0, %c0_i32 : i32, i32
  }
  func.func @transform_2(%arg0: i32) -> (i32, i32) {
    %c0_i32 = arith.constant 0 : i32
    %c0_i32_0 = arith.constant 0 : i32
    return %arg0, %c0_i32 : i32, i32
  }
  func.func @transform_3(%arg0: i32) -> (i32, i32, i32) {
    %c0_i32 = arith.constant 0 : i32
    %c0_i32_0 = arith.constant 0 : i32
    %c0_i32_1 = arith.constant 0 : i32
    %c0_i32_2 = arith.constant 0 : i32
    return %c0_i32, %c0_i32_0, %c0_i32_1 : i32, i32, i32
  }
  func.func @transform_4(%arg0: i32) -> (i32, i32, i32) {
    %c0_i32 = arith.constant 0 : i32
    %c0_i32_0 = arith.constant 0 : i32
    %c0_i32_1 = arith.constant 0 : i32
    %c0_i32_2 = arith.constant 0 : i32
    return %c0_i32, %c0_i32_0, %c0_i32_1 : i32, i32, i32
  }
  func.func @transform_5(%arg0: i32) -> (i32, i32, i32) {
    %c0_i32 = arith.constant 0 : i32
    %c0_i32_0 = arith.constant 0 : i32
    %c0_i32_1 = arith.constant 0 : i32
    return %c0_i32, %arg0, %c0_i32_0 : i32, i32, i32
  }
  func.func @transform_6(%arg0: i32) -> (i32, i32, i32) {
    %c0_i32 = arith.constant 0 : i32
    %c0_i32_0 = arith.constant 0 : i32
    %c0_i32_1 = arith.constant 0 : i32
    %c0_i32_2 = arith.constant 0 : i32
    return %c0_i32, %c0_i32_0, %c0_i32_1 : i32, i32, i32
  }
}

module attributes {stable_mosaic.version = 14 : i64} {
  func.func @_passB3_body(%arg0: i32, %arg1: memref<3x400x64xf32, #tpu.memory_space<vmem>>, %arg2: memref<3x2x64xf32, #tpu.memory_space<vmem>>, %arg3: memref<3x1x64xf32, #tpu.memory_space<vmem>>, %arg4: memref<3x1x64xf32, #tpu.memory_space<vmem>>, %arg5: memref<3x64x64xf32, #tpu.memory_space<vmem>>, %arg6: memref<3x1x64xf32, #tpu.memory_space<vmem>>, %arg7: memref<400x64xf32, #tpu.memory_space<vmem>>, %arg8: memref<400x64xf32, #tpu.memory_space<vmem>>, %arg9: memref<400x64xf32, #tpu.memory_space<vmem>>, %arg10: memref<400x32xf32, #tpu.memory_space<vmem>>, %arg11: memref<400x32xf32, #tpu.memory_space<vmem>>, %arg12: memref<400x32xf32, #tpu.memory_space<vmem>>, %arg13: memref<400x32xf32, #tpu.memory_space<vmem>>, %arg14: memref<400x32xf32, #tpu.memory_space<vmem>>, %arg15: memref<400x32xf32, #tpu.memory_space<vmem>>) attributes {dimension_semantics = [#tpu.dimension_semantics<arbitrary>], iteration_bounds = array<i64: 125>, scalar_prefetch = 0 : i64, scratch_operands = 0 : i64, tpu.core_type = #tpu.core_type<tc>, window_params = [{transform_indices = @transform_0, window_bounds = array<i64: 3, 400, 64>}, {pipeline_mode = #tpu.pipeline_mode<synchronous>, transform_indices = @transform_1, window_bounds = array<i64: 3, 2, 64>}, {pipeline_mode = #tpu.pipeline_mode<synchronous>, transform_indices = @transform_2, window_bounds = array<i64: 3, 1, 64>}, {pipeline_mode = #tpu.pipeline_mode<synchronous>, transform_indices = @transform_3, window_bounds = array<i64: 3, 1, 64>}, {pipeline_mode = #tpu.pipeline_mode<synchronous>, transform_indices = @transform_4, window_bounds = array<i64: 3, 64, 64>}, {pipeline_mode = #tpu.pipeline_mode<synchronous>, transform_indices = @transform_5, window_bounds = array<i64: 3, 1, 64>}, {transform_indices = @transform_6, window_bounds = array<i64: 400, 64>}, {transform_indices = @transform_7, window_bounds = array<i64: 400, 64>}, {transform_indices = @transform_8, window_bounds = array<i64: 400, 64>}, {transform_indices = @transform_9, window_bounds = array<i64: 400, 32>}, {transform_indices = @transform_10, window_bounds = array<i64: 400, 32>}, {transform_indices = @transform_11, window_bounds = array<i64: 400, 32>}, {transform_indices = @transform_12, window_bounds = array<i64: 400, 32>}, {transform_indices = @transform_13, window_bounds = array<i64: 400, 32>}, {transform_indices = @transform_14, window_bounds = array<i64: 400, 32>}]} {
    %get3A = arith.constant 0 : index
    %get3A_0 = arith.constant 0 : index
    %get3A_1 = arith.constant 0 : index
    %get3A_2 = vector.load %arg2[%get3A, %get3A_0, %get3A_1] : memref<3x2x64xf32, #tpu.memory_space<vmem>>, vector<1x1x64xf32>
    %get3A_3 = vector.shape_cast %get3A_2 : vector<1x1x64xf32> to vector<64xf32>
    %mul3A = arith.constant 2.000000e-05 : f32
    %mul3A_4 = vector.broadcast %mul3A : f32 to vector<64xf32>
    %mul3A_5 = arith.mulf %get3A_3, %mul3A_4 : vector<64xf32>
    %get3A_6 = arith.constant 0 : index
    %get3A_7 = arith.constant 1 : index
    %get3A_8 = arith.constant 0 : index
    %get3A_9 = vector.load %arg2[%get3A_6, %get3A_7, %get3A_8] : memref<3x2x64xf32, #tpu.memory_space<vmem>>, vector<1x1x64xf32>
    %get3A_10 = vector.shape_cast %get3A_9 : vector<1x1x64xf32> to vector<64xf32>
    %mul3A_11 = arith.constant 2.000000e-05 : f32
    %mul3A_12 = vector.broadcast %mul3A_11 : f32 to vector<64xf32>
    %mul3A_13 = arith.mulf %get3A_10, %mul3A_12 : vector<64xf32>
    %mul3A_14 = arith.mulf %mul3A_5, %mul3A_5 : vector<64xf32>
    %sub3A = arith.subf %mul3A_13, %mul3A_14 : vector<64xf32>
    %add3A = arith.constant 9.99999974E-6 : f32
    %add3A_15 = vector.broadcast %add3A : f32 to vector<64xf32>
    %add3A_16 = arith.addf %sub3A, %add3A_15 : vector<64xf32>
    %rsqrt3A = math.rsqrt %add3A_16 : vector<64xf32>
    %get3A_17 = arith.constant 0 : index
    %get3A_18 = arith.constant 0 : index
    %get3A_19 = arith.constant 0 : index
    %get3A_20 = vector.load %arg1[%get3A_17, %get3A_18, %get3A_19] : memref<3x400x64xf32, #tpu.memory_space<vmem>>, vector<1x400x64xf32>
    %get3A_21 = vector.shape_cast %get3A_20 : vector<1x400x64xf32> to vector<400x64xf32>
    %broadcast_in_dim3A = vector.shape_cast %mul3A_5 : vector<64xf32> to vector<1x64xf32>
    %sub3A_22 = vector.broadcast %broadcast_in_dim3A : vector<1x64xf32> to vector<400x64xf32>
    %sub3A_23 = arith.subf %get3A_21, %sub3A_22 : vector<400x64xf32>
    %get3A_24 = arith.constant 0 : index
    %get3A_25 = arith.constant 0 : index
    %get3A_26 = arith.constant 0 : index
    %get3A_27 = vector.load %arg3[%get3A_24, %get3A_25, %get3A_26] : memref<3x1x64xf32, #tpu.memory_space<vmem>>, vector<1x1x64xf32>
    %get3A_28 = vector.shape_cast %get3A_27 : vector<1x1x64xf32> to vector<64xf32>
    %mul3A_29 = arith.mulf %rsqrt3A, %get3A_28 : vector<64xf32>
    %broadcast_in_dim3A_30 = vector.shape_cast %mul3A_29 : vector<64xf32> to vector<1x64xf32>
    %mul3A_31 = vector.broadcast %broadcast_in_dim3A_30 : vector<1x64xf32> to vector<400x64xf32>
    %mul3A_32 = arith.mulf %sub3A_23, %mul3A_31 : vector<400x64xf32>
    %get3A_33 = arith.constant 0 : index
    %get3A_34 = arith.constant 0 : index
    %get3A_35 = arith.constant 0 : index
    %get3A_36 = vector.load %arg4[%get3A_33, %get3A_34, %get3A_35] : memref<3x1x64xf32, #tpu.memory_space<vmem>>, vector<1x1x64xf32>
    %get3A_37 = vector.shape_cast %get3A_36 : vector<1x1x64xf32> to vector<64xf32>
    %broadcast_in_dim3A_38 = vector.shape_cast %get3A_37 : vector<64xf32> to vector<1x64xf32>
    %add3A_39 = vector.broadcast %broadcast_in_dim3A_38 : vector<1x64xf32> to vector<400x64xf32>
    %add3A_40 = arith.addf %mul3A_32, %add3A_39 : vector<400x64xf32>
    %max3A = arith.constant 0.000000e+00 : f32
    %max3A_41 = vector.broadcast %max3A : f32 to vector<400x64xf32>
    %max3A_42 = arith.maximumf %add3A_40, %max3A_41 : vector<400x64xf32>
    %get3A_43 = arith.constant 0 : index
    %get3A_44 = arith.constant 0 : index
    %get3A_45 = arith.constant 0 : index
    %get3A_46 = vector.load %arg5[%get3A_43, %get3A_44, %get3A_45] : memref<3x64x64xf32, #tpu.memory_space<vmem>>, vector<1x64x64xf32>
    %get3A_47 = vector.shape_cast %get3A_46 : vector<1x64x64xf32> to vector<64x64xf32>
    %dot_general3A = arith.constant dense<0.000000e+00> : vector<400x64xf32>
    %dot_general3A_48 = tpu.matmul %max3A_42, %get3A_47, %dot_general3A {dimension_numbers = #tpu.dot_dimension_numbers<[1], [0], [0], [1], [0, 0, 1, 1], [], []>, transpose_lhs_hint = false} : vector<400x64xf32>, vector<64x64xf32>, vector<400x64xf32> -> vector<400x64xf32>
    %get3A_49 = arith.constant 0 : index
    %get3A_50 = arith.constant 0 : index
    %get3A_51 = arith.constant 0 : index
    %get3A_52 = vector.load %arg6[%get3A_49, %get3A_50, %get3A_51] : memref<3x1x64xf32, #tpu.memory_space<vmem>>, vector<1x1x64xf32>
    %get3A_53 = vector.shape_cast %get3A_52 : vector<1x1x64xf32> to vector<64xf32>
    %broadcast_in_dim3A_54 = vector.shape_cast %get3A_53 : vector<64xf32> to vector<1x64xf32>
    %add3A_55 = vector.broadcast %broadcast_in_dim3A_54 : vector<1x64xf32> to vector<400x64xf32>
    %add3A_56 = arith.addf %dot_general3A_48, %add3A_55 : vector<400x64xf32>
    %max3A_57 = arith.constant 0.000000e+00 : f32
    %max3A_58 = vector.broadcast %max3A_57 : f32 to vector<400x64xf32>
    %max3A_59 = arith.maximumf %add3A_56, %max3A_58 : vector<400x64xf32>
    %swap3A = arith.constant 0 : index
    %swap3A_60 = arith.constant 0 : index
    %swap3A_61 = vector.load %arg7[%swap3A, %swap3A_60] : memref<400x64xf32, #tpu.memory_space<vmem>>, vector<400x64xf32>
    tpu.vector_store %arg7[%swap3A, %swap3A_60], %max3A_59 {strides = array<i32>} : memref<400x64xf32, #tpu.memory_space<vmem>>, vector<400x64xf32>,
    %slice3A = vector.extract_strided_slice %max3A_59 {offsets = [0, 0], sizes = [400, 32], strides = [1, 1]} : vector<400x64xf32> to vector<400x32xf32>
    %swap3A_62 = arith.constant 0 : index
    %swap3A_63 = arith.constant 0 : index
    %swap3A_64 = vector.load %arg10[%swap3A_62, %swap3A_63] : memref<400x32xf32, #tpu.memory_space<vmem>>, vector<400x32xf32>
    tpu.vector_store %arg10[%swap3A_62, %swap3A_63], %slice3A {strides = array<i32>} : memref<400x32xf32, #tpu.memory_space<vmem>>, vector<400x32xf32>,
    %slice3A_65 = vector.extract_strided_slice %max3A_59 {offsets = [0, 32], sizes = [400, 32], strides = [1, 1]} : vector<400x64xf32> to vector<400x32xf32>
    %swap3A_66 = arith.constant 0 : index
    %swap3A_67 = arith.constant 0 : index
    %swap3A_68 = vector.load %arg11[%swap3A_66, %swap3A_67] : memref<400x32xf32, #tpu.memory_space<vmem>>, vector<400x32xf32>
    tpu.vector_store %arg11[%swap3A_66, %swap3A_67], %slice3A_65 {strides = array<i32>} : memref<400x32xf32, #tpu.memory_space<vmem>>, vector<400x32xf32>,
    %get3A_69 = arith.constant 1 : index
    %get3A_70 = arith.constant 0 : index
    %get3A_71 = arith.constant 0 : index
    %get3A_72 = vector.load %arg2[%get3A_69, %get3A_70, %get3A_71] : memref<3x2x64xf32, #tpu.memory_space<vmem>>, vector<1x1x64xf32>
    %get3A_73 = vector.shape_cast %get3A_72 : vector<1x1x64xf32> to vector<64xf32>
    %mul3A_74 = arith.constant 2.000000e-05 : f32
    %mul3A_75 = vector.broadcast %mul3A_74 : f32 to vector<64xf32>
    %mul3A_76 = arith.mulf %get3A_73, %mul3A_75 : vector<64xf32>
    %get3A_77 = arith.constant 1 : index
    %get3A_78 = arith.constant 1 : index
    %get3A_79 = arith.constant 0 : index
    %get3A_80 = vector.load %arg2[%get3A_77, %get3A_78, %get3A_79] : memref<3x2x64xf32, #tpu.memory_space<vmem>>, vector<1x1x64xf32>
    %get3A_81 = vector.shape_cast %get3A_80 : vector<1x1x64xf32> to vector<64xf32>
    %mul3A_82 = arith.constant 2.000000e-05 : f32
    %mul3A_83 = vector.broadcast %mul3A_82 : f32 to vector<64xf32>
    %mul3A_84 = arith.mulf %get3A_81, %mul3A_83 : vector<64xf32>
    %mul3A_85 = arith.mulf %mul3A_76, %mul3A_76 : vector<64xf32>
    %sub3A_86 = arith.subf %mul3A_84, %mul3A_85 : vector<64xf32>
    %add3A_87 = arith.constant 9.99999974E-6 : f32
    %add3A_88 = vector.broadcast %add3A_87 : f32 to vector<64xf32>
    %add3A_89 = arith.addf %sub3A_86, %add3A_88 : vector<64xf32>
    %rsqrt3A_90 = math.rsqrt %add3A_89 : vector<64xf32>
    %get3A_91 = arith.constant 1 : index
    %get3A_92 = arith.constant 0 : index
    %get3A_93 = arith.constant 0 : index
    %get3A_94 = vector.load %arg1[%get3A_91, %get3A_92, %get3A_93] : memref<3x400x64xf32, #tpu.memory_space<vmem>>, vector<1x400x64xf32>
    %get3A_95 = vector.shape_cast %get3A_94 : vector<1x400x64xf32> to vector<400x64xf32>
    %broadcast_in_dim3A_96 = vector.shape_cast %mul3A_76 : vector<64xf32> to vector<1x64xf32>
    %sub3A_97 = vector.broadcast %broadcast_in_dim3A_96 : vector<1x64xf32> to vector<400x64xf32>
    %sub3A_98 = arith.subf %get3A_95, %sub3A_97 : vector<400x64xf32>
    %get3A_99 = arith.constant 1 : index
    %get3A_100 = arith.constant 0 : index
    %get3A_101 = arith.constant 0 : index
    %get3A_102 = vector.load %arg3[%get3A_99, %get3A_100, %get3A_101] : memref<3x1x64xf32, #tpu.memory_space<vmem>>, vector<1x1x64xf32>
    %get3A_103 = vector.shape_cast %get3A_102 : vector<1x1x64xf32> to vector<64xf32>
    %mul3A_104 = arith.mulf %rsqrt3A_90, %get3A_103 : vector<64xf32>
    %broadcast_in_dim3A_105 = vector.shape_cast %mul3A_104 : vector<64xf32> to vector<1x64xf32>
    %mul3A_106 = vector.broadcast %broadcast_in_dim3A_105 : vector<1x64xf32> to vector<400x64xf32>
    %mul3A_107 = arith.mulf %sub3A_98, %mul3A_106 : vector<400x64xf32>
    %get3A_108 = arith.constant 1 : index
    %get3A_109 = arith.constant 0 : index
    %get3A_110 = arith.constant 0 : index
    %get3A_111 = vector.load %arg4[%get3A_108, %get3A_109, %get3A_110] : memref<3x1x64xf32, #tpu.memory_space<vmem>>, vector<1x1x64xf32>
    %get3A_112 = vector.shape_cast %get3A_111 : vector<1x1x64xf32> to vector<64xf32>
    %broadcast_in_dim3A_113 = vector.shape_cast %get3A_112 : vector<64xf32> to vector<1x64xf32>
    %add3A_114 = vector.broadcast %broadcast_in_dim3A_113 : vector<1x64xf32> to vector<400x64xf32>
    %add3A_115 = arith.addf %mul3A_107, %add3A_114 : vector<400x64xf32>
    %max3A_116 = arith.constant 0.000000e+00 : f32
    %max3A_117 = vector.broadcast %max3A_116 : f32 to vector<400x64xf32>
    %max3A_118 = arith.maximumf %add3A_115, %max3A_117 : vector<400x64xf32>
    %get3A_119 = arith.constant 1 : index
    %get3A_120 = arith.constant 0 : index
    %get3A_121 = arith.constant 0 : index
    %get3A_122 = vector.load %arg5[%get3A_119, %get3A_120, %get3A_121] : memref<3x64x64xf32, #tpu.memory_space<vmem>>, vector<1x64x64xf32>
    %get3A_123 = vector.shape_cast %get3A_122 : vector<1x64x64xf32> to vector<64x64xf32>
    %dot_general3A_124 = arith.constant dense<0.000000e+00> : vector<400x64xf32>
    %dot_general3A_125 = tpu.matmul %max3A_118, %get3A_123, %dot_general3A_124 {dimension_numbers = #tpu.dot_dimension_numbers<[1], [0], [0], [1], [0, 0, 1, 1], [], []>, transpose_lhs_hint = false} : vector<400x64xf32>, vector<64x64xf32>, vector<400x64xf32> -> vector<400x64xf32>
    %get3A_126 = arith.constant 1 : index
    %get3A_127 = arith.constant 0 : index
    %get3A_128 = arith.constant 0 : index
    %get3A_129 = vector.load %arg6[%get3A_126, %get3A_127, %get3A_128] : memref<3x1x64xf32, #tpu.memory_space<vmem>>, vector<1x1x64xf32>
    %get3A_130 = vector.shape_cast %get3A_129 : vector<1x1x64xf32> to vector<64xf32>
    %broadcast_in_dim3A_131 = vector.shape_cast %get3A_130 : vector<64xf32> to vector<1x64xf32>
    %add3A_132 = vector.broadcast %broadcast_in_dim3A_131 : vector<1x64xf32> to vector<400x64xf32>
    %add3A_133 = arith.addf %dot_general3A_125, %add3A_132 : vector<400x64xf32>
    %max3A_134 = arith.constant 0.000000e+00 : f32
    %max3A_135 = vector.broadcast %max3A_134 : f32 to vector<400x64xf32>
    %max3A_136 = arith.maximumf %add3A_133, %max3A_135 : vector<400x64xf32>
    %swap3A_137 = arith.constant 0 : index
    %swap3A_138 = arith.constant 0 : index
    %swap3A_139 = vector.load %arg8[%swap3A_137, %swap3A_138] : memref<400x64xf32, #tpu.memory_space<vmem>>, vector<400x64xf32>
    tpu.vector_store %arg8[%swap3A_137, %swap3A_138], %max3A_136 {strides = array<i32>} : memref<400x64xf32, #tpu.memory_space<vmem>>, vector<400x64xf32>,
    %slice3A_140 = vector.extract_strided_slice %max3A_136 {offsets = [0, 0], sizes = [400, 32], strides = [1, 1]} : vector<400x64xf32> to vector<400x32xf32>
    %swap3A_141 = arith.constant 0 : index
    %swap3A_142 = arith.constant 0 : index
    %swap3A_143 = vector.load %arg12[%swap3A_141, %swap3A_142] : memref<400x32xf32, #tpu.memory_space<vmem>>, vector<400x32xf32>
    tpu.vector_store %arg12[%swap3A_141, %swap3A_142], %slice3A_140 {strides = array<i32>} : memref<400x32xf32, #tpu.memory_space<vmem>>, vector<400x32xf32>,
    %slice3A_144 = vector.extract_strided_slice %max3A_136 {offsets = [0, 32], sizes = [400, 32], strides = [1, 1]} : vector<400x64xf32> to vector<400x32xf32>
    %swap3A_145 = arith.constant 0 : index
    %swap3A_146 = arith.constant 0 : index
    %swap3A_147 = vector.load %arg13[%swap3A_145, %swap3A_146] : memref<400x32xf32, #tpu.memory_space<vmem>>, vector<400x32xf32>
    tpu.vector_store %arg13[%swap3A_145, %swap3A_146], %slice3A_144 {strides = array<i32>} : memref<400x32xf32, #tpu.memory_space<vmem>>, vector<400x32xf32>,
    %get3A_148 = arith.constant 2 : index
    %get3A_149 = arith.constant 0 : index
    %get3A_150 = arith.constant 0 : index
    %get3A_151 = vector.load %arg2[%get3A_148, %get3A_149, %get3A_150] : memref<3x2x64xf32, #tpu.memory_space<vmem>>, vector<1x1x64xf32>
    %get3A_152 = vector.shape_cast %get3A_151 : vector<1x1x64xf32> to vector<64xf32>
    %mul3A_153 = arith.constant 2.000000e-05 : f32
    %mul3A_154 = vector.broadcast %mul3A_153 : f32 to vector<64xf32>
    %mul3A_155 = arith.mulf %get3A_152, %mul3A_154 : vector<64xf32>
    %get3A_156 = arith.constant 2 : index
    %get3A_157 = arith.constant 1 : index
    %get3A_158 = arith.constant 0 : index
    %get3A_159 = vector.load %arg2[%get3A_156, %get3A_157, %get3A_158] : memref<3x2x64xf32, #tpu.memory_space<vmem>>, vector<1x1x64xf32>
    %get3A_160 = vector.shape_cast %get3A_159 : vector<1x1x64xf32> to vector<64xf32>
    %mul3A_161 = arith.constant 2.000000e-05 : f32
    %mul3A_162 = vector.broadcast %mul3A_161 : f32 to vector<64xf32>
    %mul3A_163 = arith.mulf %get3A_160, %mul3A_162 : vector<64xf32>
    %mul3A_164 = arith.mulf %mul3A_155, %mul3A_155 : vector<64xf32>
    %sub3A_165 = arith.subf %mul3A_163, %mul3A_164 : vector<64xf32>
    %add3A_166 = arith.constant 9.99999974E-6 : f32
    %add3A_167 = vector.broadcast %add3A_166 : f32 to vector<64xf32>
    %add3A_168 = arith.addf %sub3A_165, %add3A_167 : vector<64xf32>
    %rsqrt3A_169 = math.rsqrt %add3A_168 : vector<64xf32>
    %get3A_170 = arith.constant 2 : index
    %get3A_171 = arith.constant 0 : index
    %get3A_172 = arith.constant 0 : index
    %get3A_173 = vector.load %arg1[%get3A_170, %get3A_171, %get3A_172] : memref<3x400x64xf32, #tpu.memory_space<vmem>>, vector<1x400x64xf32>
    %get3A_174 = vector.shape_cast %get3A_173 : vector<1x400x64xf32> to vector<400x64xf32>
    %broadcast_in_dim3A_175 = vector.shape_cast %mul3A_155 : vector<64xf32> to vector<1x64xf32>
    %sub3A_176 = vector.broadcast %broadcast_in_dim3A_175 : vector<1x64xf32> to vector<400x64xf32>
    %sub3A_177 = arith.subf %get3A_174, %sub3A_176 : vector<400x64xf32>
    %get3A_178 = arith.constant 2 : index
    %get3A_179 = arith.constant 0 : index
    %get3A_180 = arith.constant 0 : index
    %get3A_181 = vector.load %arg3[%get3A_178, %get3A_179, %get3A_180] : memref<3x1x64xf32, #tpu.memory_space<vmem>>, vector<1x1x64xf32>
    %get3A_182 = vector.shape_cast %get3A_181 : vector<1x1x64xf32> to vector<64xf32>
    %mul3A_183 = arith.mulf %rsqrt3A_169, %get3A_182 : vector<64xf32>
    %broadcast_in_dim3A_184 = vector.shape_cast %mul3A_183 : vector<64xf32> to vector<1x64xf32>
    %mul3A_185 = vector.broadcast %broadcast_in_dim3A_184 : vector<1x64xf32> to vector<400x64xf32>
    %mul3A_186 = arith.mulf %sub3A_177, %mul3A_185 : vector<400x64xf32>
    %get3A_187 = arith.constant 2 : index
    %get3A_188 = arith.constant 0 : index
    %get3A_189 = arith.constant 0 : index
    %get3A_190 = vector.load %arg4[%get3A_187, %get3A_188, %get3A_189] : memref<3x1x64xf32, #tpu.memory_space<vmem>>, vector<1x1x64xf32>
    %get3A_191 = vector.shape_cast %get3A_190 : vector<1x1x64xf32> to vector<64xf32>
    %broadcast_in_dim3A_192 = vector.shape_cast %get3A_191 : vector<64xf32> to vector<1x64xf32>
    %add3A_193 = vector.broadcast %broadcast_in_dim3A_192 : vector<1x64xf32> to vector<400x64xf32>
    %add3A_194 = arith.addf %mul3A_186, %add3A_193 : vector<400x64xf32>
    %max3A_195 = arith.constant 0.000000e+00 : f32
    %max3A_196 = vector.broadcast %max3A_195 : f32 to vector<400x64xf32>
    %max3A_197 = arith.maximumf %add3A_194, %max3A_196 : vector<400x64xf32>
    %get3A_198 = arith.constant 2 : index
    %get3A_199 = arith.constant 0 : index
    %get3A_200 = arith.constant 0 : index
    %get3A_201 = vector.load %arg5[%get3A_198, %get3A_199, %get3A_200] : memref<3x64x64xf32, #tpu.memory_space<vmem>>, vector<1x64x64xf32>
    %get3A_202 = vector.shape_cast %get3A_201 : vector<1x64x64xf32> to vector<64x64xf32>
    %dot_general3A_203 = arith.constant dense<0.000000e+00> : vector<400x64xf32>
    %dot_general3A_204 = tpu.matmul %max3A_197, %get3A_202, %dot_general3A_203 {dimension_numbers = #tpu.dot_dimension_numbers<[1], [0], [0], [1], [0, 0, 1, 1], [], []>, transpose_lhs_hint = false} : vector<400x64xf32>, vector<64x64xf32>, vector<400x64xf32> -> vector<400x64xf32>
    %get3A_205 = arith.constant 2 : index
    %get3A_206 = arith.constant 0 : index
    %get3A_207 = arith.constant 0 : index
    %get3A_208 = vector.load %arg6[%get3A_205, %get3A_206, %get3A_207] : memref<3x1x64xf32, #tpu.memory_space<vmem>>, vector<1x1x64xf32>
    %get3A_209 = vector.shape_cast %get3A_208 : vector<1x1x64xf32> to vector<64xf32>
    %broadcast_in_dim3A_210 = vector.shape_cast %get3A_209 : vector<64xf32> to vector<1x64xf32>
    %add3A_211 = vector.broadcast %broadcast_in_dim3A_210 : vector<1x64xf32> to vector<400x64xf32>
    %add3A_212 = arith.addf %dot_general3A_204, %add3A_211 : vector<400x64xf32>
    %max3A_213 = arith.constant 0.000000e+00 : f32
    %max3A_214 = vector.broadcast %max3A_213 : f32 to vector<400x64xf32>
    %max3A_215 = arith.maximumf %add3A_212, %max3A_214 : vector<400x64xf32>
    %swap3A_216 = arith.constant 0 : index
    %swap3A_217 = arith.constant 0 : index
    %swap3A_218 = vector.load %arg9[%swap3A_216, %swap3A_217] : memref<400x64xf32, #tpu.memory_space<vmem>>, vector<400x64xf32>
    tpu.vector_store %arg9[%swap3A_216, %swap3A_217], %max3A_215 {strides = array<i32>} : memref<400x64xf32, #tpu.memory_space<vmem>>, vector<400x64xf32>,
    %slice3A_219 = vector.extract_strided_slice %max3A_215 {offsets = [0, 0], sizes = [400, 32], strides = [1, 1]} : vector<400x64xf32> to vector<400x32xf32>
    %swap3A_220 = arith.constant 0 : index
    %swap3A_221 = arith.constant 0 : index
    %swap3A_222 = vector.load %arg14[%swap3A_220, %swap3A_221] : memref<400x32xf32, #tpu.memory_space<vmem>>, vector<400x32xf32>
    tpu.vector_store %arg14[%swap3A_220, %swap3A_221], %slice3A_219 {strides = array<i32>} : memref<400x32xf32, #tpu.memory_space<vmem>>, vector<400x32xf32>,
    %slice3A_223 = vector.extract_strided_slice %max3A_215 {offsets = [0, 32], sizes = [400, 32], strides = [1, 1]} : vector<400x64xf32> to vector<400x32xf32>
    %swap3A_224 = arith.constant 0 : index
    %swap3A_225 = arith.constant 0 : index
    %swap3A_226 = vector.load %arg15[%swap3A_224, %swap3A_225] : memref<400x32xf32, #tpu.memory_space<vmem>>, vector<400x32xf32>
    tpu.vector_store %arg15[%swap3A_224, %swap3A_225], %slice3A_223 {strides = array<i32>} : memref<400x32xf32, #tpu.memory_space<vmem>>, vector<400x32xf32>,
    return
  }
  func.func @transform_0(%arg0: i32) -> (i32, i32, i32) {
    %c0_i32 = arith.constant 0 : i32
    %c0_i32_0 = arith.constant 0 : i32
    %c0_i32_1 = arith.constant 0 : i32
    return %c0_i32, %arg0, %c0_i32_0 : i32, i32, i32
  }
  func.func @transform_1(%arg0: i32) -> (i32, i32, i32) {
    %c0_i32 = arith.constant 0 : i32
    %c0_i32_0 = arith.constant 0 : i32
    %c0_i32_1 = arith.constant 0 : i32
    %c0_i32_2 = arith.constant 0 : i32
    return %c0_i32, %c0_i32_0, %c0_i32_1 : i32, i32, i32
  }
  func.func @transform_2(%arg0: i32) -> (i32, i32, i32) {
    %c0_i32 = arith.constant 0 : i32
    %c0_i32_0 = arith.constant 0 : i32
    %c0_i32_1 = arith.constant 0 : i32
    %c0_i32_2 = arith.constant 0 : i32
    return %c0_i32, %c0_i32_0, %c0_i32_1 : i32, i32, i32
  }
  func.func @transform_3(%arg0: i32) -> (i32, i32, i32) {
    %c0_i32 = arith.constant 0 : i32
    %c0_i32_0 = arith.constant 0 : i32
    %c0_i32_1 = arith.constant 0 : i32
    %c0_i32_2 = arith.constant 0 : i32
    return %c0_i32, %c0_i32_0, %c0_i32_1 : i32, i32, i32
  }
  func.func @transform_4(%arg0: i32) -> (i32, i32, i32) {
    %c0_i32 = arith.constant 0 : i32
    %c0_i32_0 = arith.constant 0 : i32
    %c0_i32_1 = arith.constant 0 : i32
    %c0_i32_2 = arith.constant 0 : i32
    return %c0_i32, %c0_i32_0, %c0_i32_1 : i32, i32, i32
  }
  func.func @transform_5(%arg0: i32) -> (i32, i32, i32) {
    %c0_i32 = arith.constant 0 : i32
    %c0_i32_0 = arith.constant 0 : i32
    %c0_i32_1 = arith.constant 0 : i32
    %c0_i32_2 = arith.constant 0 : i32
    return %c0_i32, %c0_i32_0, %c0_i32_1 : i32, i32, i32
  }
  func.func @transform_6(%arg0: i32) -> (i32, i32) {
    %c0_i32 = arith.constant 0 : i32
    %c0_i32_0 = arith.constant 0 : i32
    return %arg0, %c0_i32 : i32, i32
  }
  func.func @transform_7(%arg0: i32) -> (i32, i32) {
    %c0_i32 = arith.constant 0 : i32
    %c0_i32_0 = arith.constant 0 : i32
    return %arg0, %c0_i32 : i32, i32
  }
  func.func @transform_8(%arg0: i32) -> (i32, i32) {
    %c0_i32 = arith.constant 0 : i32
    %c0_i32_0 = arith.constant 0 : i32
    return %arg0, %c0_i32 : i32, i32
  }
  func.func @transform_9(%arg0: i32) -> (i32, i32) {
    %c0_i32 = arith.constant 0 : i32
    %c0_i32_0 = arith.constant 0 : i32
    return %arg0, %c0_i32 : i32, i32
  }
  func.func @transform_10(%arg0: i32) -> (i32, i32) {
    %c0_i32 = arith.constant 0 : i32
    %c0_i32_0 = arith.constant 0 : i32
    return %arg0, %c0_i32 : i32, i32
  }
  func.func @transform_11(%arg0: i32) -> (i32, i32) {
    %c0_i32 = arith.constant 0 : i32
    %c0_i32_0 = arith.constant 0 : i32
    return %arg0, %c0_i32 : i32, i32
  }
  func.func @transform_12(%arg0: i32) -> (i32, i32) {
    %c0_i32 = arith.constant 0 : i32
    %c0_i32_0 = arith.constant 0 : i32
    return %arg0, %c0_i32 : i32, i32
  }
  func.func @transform_13(%arg0: i32) -> (i32, i32) {
    %c0_i32 = arith.constant 0 : i32
    %c0_i32_0 = arith.constant 0 : i32
    return %arg0, %c0_i32 : i32, i32
  }
  func.func @transform_14(%arg0: i32) -> (i32, i32) {
    %c0_i32 = arith.constant 0 : i32
    %c0_i32_0 = arith.constant 0 : i32
    return %arg0, %c0_i32 : i32, i32
  }
}

module attributes {stable_mosaic.version = 14 : i64} {
  func.func @_passA_gen_body(%arg0: i32, %arg1: memref<400x64xf32, #tpu.memory_space<vmem>>, %arg2: memref<400x64xf32, #tpu.memory_space<vmem>>, %arg3: memref<400x64xf32, #tpu.memory_space<vmem>>, %arg4: memref<400x32xf32, #tpu.memory_space<vmem>>, %arg5: memref<400x32xf32, #tpu.memory_space<vmem>>, %arg6: memref<400x32xf32, #tpu.memory_space<vmem>>, %arg7: memref<400x32xf32, #tpu.memory_space<vmem>>, %arg8: memref<400x32xf32, #tpu.memory_space<vmem>>, %arg9: memref<400x32xf32, #tpu.memory_space<vmem>>, %arg10: memref<3x64x64xf32, #tpu.memory_space<vmem>>, %arg11: memref<3x1x64xf32, #tpu.memory_space<vmem>>, %arg12: memref<3x400x64xf32, #tpu.memory_space<vmem>>, %arg13: memref<3x2x64xf32, #tpu.memory_space<vmem>>, %arg14: memref<3x2x64xf32, #tpu.memory_space<vmem>>) attributes {dimension_semantics = [#tpu.dimension_semantics<arbitrary>], iteration_bounds = array<i64: 125>, scalar_prefetch = 0 : i64, scratch_operands = 1 : i64, tpu.core_type = #tpu.core_type<tc>, window_params = [{transform_indices = @transform_0, window_bounds = array<i64: 400, 64>}, {transform_indices = @transform_1, window_bounds = array<i64: 400, 64>}, {transform_indices = @transform_2, window_bounds = array<i64: 400, 64>}, {transform_indices = @transform_3, window_bounds = array<i64: 400, 32>}, {transform_indices = @transform_4, window_bounds = array<i64: 400, 32>}, {transform_indices = @transform_5, window_bounds = array<i64: 400, 32>}, {transform_indices = @transform_6, window_bounds = array<i64: 400, 32>}, {transform_indices = @transform_7, window_bounds = array<i64: 400, 32>}, {transform_indices = @transform_8, window_bounds = array<i64: 400, 32>}, {pipeline_mode = #tpu.pipeline_mode<synchronous>, transform_indices = @transform_9, window_bounds = array<i64: 3, 64, 64>}, {pipeline_mode = #tpu.pipeline_mode<synchronous>, transform_indices = @transform_10, window_bounds = array<i64: 3, 1, 64>}, {transform_indices = @transform_11, window_bounds = array<i64: 3, 400, 64>}, {pipeline_mode = #tpu.pipeline_mode<synchronous>, transform_indices = @transform_12, window_bounds = array<i64: 3, 2, 64>}]} {
    %get3A = arith.constant 0 : index
    %get3A_0 = arith.constant 0 : index
    %get3A_1 = vector.load %arg1[%get3A, %get3A_0] : memref<400x64xf32, #tpu.memory_space<vmem>>, vector<400x64xf32>
    %get3A_2 = arith.constant 0 : index
    %get3A_3 = arith.constant 0 : index
    %get3A_4 = vector.load %arg4[%get3A_2, %get3A_3] : memref<400x32xf32, #tpu.memory_space<vmem>>, vector<400x32xf32>
    %get3A_5 = arith.constant 0 : index
    %get3A_6 = arith.constant 0 : index
    %get3A_7 = vector.load %arg5[%get3A_5, %get3A_6] : memref<400x32xf32, #tpu.memory_space<vmem>>, vector<400x32xf32>
    %concatenate3A = tpu.concatenate %get3A_4, %get3A_7 in 1 : vector<400x32xf32>, vector<400x32xf32> -> vector<400x64xf32>
    %add3A = arith.addf %get3A_1, %concatenate3A : vector<400x64xf32>
    %get3A_8 = arith.constant 0 : index
    %get3A_9 = arith.constant 0 : index
    %get3A_10 = vector.load %arg2[%get3A_8, %get3A_9] : memref<400x64xf32, #tpu.memory_space<vmem>>, vector<400x64xf32>
    %get3A_11 = arith.constant 0 : index
    %get3A_12 = arith.constant 0 : index
    %get3A_13 = vector.load %arg6[%get3A_11, %get3A_12] : memref<400x32xf32, #tpu.memory_space<vmem>>, vector<400x32xf32>
    %get3A_14 = arith.constant 0 : index
    %get3A_15 = arith.constant 0 : index
    %get3A_16 = vector.load %arg7[%get3A_14, %get3A_15] : memref<400x32xf32, #tpu.memory_space<vmem>>, vector<400x32xf32>
    %concatenate3A_17 = tpu.concatenate %get3A_13, %get3A_16 in 1 : vector<400x32xf32>, vector<400x32xf32> -> vector<400x64xf32>
    %add3A_18 = arith.addf %get3A_10, %concatenate3A_17 : vector<400x64xf32>
    %get3A_19 = arith.constant 0 : index
    %get3A_20 = arith.constant 0 : index
    %get3A_21 = vector.load %arg3[%get3A_19, %get3A_20] : memref<400x64xf32, #tpu.memory_space<vmem>>, vector<400x64xf32>
    %get3A_22 = arith.constant 0 : index
    %get3A_23 = arith.constant 0 : index
    %get3A_24 = vector.load %arg8[%get3A_22, %get3A_23] : memref<400x32xf32, #tpu.memory_space<vmem>>, vector<400x32xf32>
    %get3A_25 = arith.constant 0 : index
    %get3A_26 = arith.constant 0 : index
    %get3A_27 = vector.load %arg9[%get3A_25, %get3A_26] : memref<400x32xf32, #tpu.memory_space<vmem>>, vector<400x32xf32>
    %concatenate3A_28 = tpu.concatenate %get3A_24, %get3A_27 in 1 : vector<400x32xf32>, vector<400x32xf32> -> vector<400x64xf32>
    %add3A_29 = arith.addf %get3A_21, %concatenate3A_28 : vector<400x64xf32>
    %eq3A = arith.constant 0 : i32
    %eq3A_30 = arith.cmpi eq, %arg0, %eq3A : i32
    %convert_element_type3A = arith.extui %eq3A_30 : i1 to i32
    %cond3A = arith.constant 0 : i32
    %cond3A_31 = arith.cmpi ne, %convert_element_type3A, %cond3A : i32
    scf.if %cond3A_31 {
      %broadcast_in_dim3A = arith.constant 0.000000e+00 : f32
      %broadcast_in_dim3A_180 = vector.broadcast %broadcast_in_dim3A : f32 to vector<3x2x64xf32>
      %swap3A_181 = arith.constant 0 : index
      %swap3A_182 = arith.constant 0 : index
      %swap3A_183 = arith.constant 0 : index
      %swap3A_184 = vector.load %arg14[%swap3A_181, %swap3A_182, %swap3A_183] : memref<3x2x64xf32, #tpu.memory_space<vmem>>, vector<3x2x64xf32>
      tpu.vector_store %arg14[%swap3A_181, %swap3A_182, %swap3A_183], %broadcast_in_dim3A_180 {strides = array<i32>} : memref<3x2x64xf32, #tpu.memory_space<vmem>>, vector<3x2x64xf32>,
    } else {
    }
    %get3A_32 = arith.constant 0 : index
    %get3A_33 = arith.constant 0 : index
    %get3A_34 = arith.constant 0 : index
    %get3A_35 = vector.load %arg10[%get3A_32, %get3A_33, %get3A_34] : memref<3x64x64xf32, #tpu.memory_space<vmem>>, vector<1x64x64xf32>
    %get3A_36 = vector.shape_cast %get3A_35 : vector<1x64x64xf32> to vector<64x64xf32>
    %dot_general3A = arith.constant dense<0.000000e+00> : vector<400x64xf32>
    %dot_general3A_37 = tpu.matmul %add3A, %get3A_36, %dot_general3A {dimension_numbers = #tpu.dot_dimension_numbers<[1], [0], [0], [1], [0, 0, 1, 1], [], []>, transpose_lhs_hint = false} : vector<400x64xf32>, vector<64x64xf32>, vector<400x64xf32> -> vector<400x64xf32>
    %get3A_38 = arith.constant 0 : index
    %get3A_39 = arith.constant 0 : index
    %get3A_40 = arith.constant 0 : index
    %get3A_41 = vector.load %arg11[%get3A_38, %get3A_39, %get3A_40] : memref<3x1x64xf32, #tpu.memory_space<vmem>>, vector<1x1x64xf32>
    %get3A_42 = vector.shape_cast %get3A_41 : vector<1x1x64xf32> to vector<1x64xf32>
    %add3A_43 = vector.broadcast %get3A_42 : vector<1x64xf32> to vector<400x64xf32>
    %add3A_44 = arith.addf %dot_general3A_37, %add3A_43 : vector<400x64xf32>
    %swap3A = arith.constant 0 : index
    %swap3A_45 = arith.constant 0 : index
    %swap3A_46 = arith.constant 0 : index
    %swap3A_47 = vector.load %arg12[%swap3A, %swap3A_45, %swap3A_46] : memref<3x400x64xf32, #tpu.memory_space<vmem>>, vector<1x400x64xf32>
    %swap3A_48 = vector.shape_cast %swap3A_47 : vector<1x400x64xf32> to vector<400x64xf32>
    %swap3A_49 = vector.shape_cast %add3A_44 : vector<400x64xf32> to vector<1x400x64xf32>
    tpu.vector_store %arg12[%swap3A, %swap3A_45, %swap3A_46], %swap3A_49 {strides = array<i32>} : memref<3x400x64xf32, #tpu.memory_space<vmem>>, vector<1x400x64xf32>,
    %get3A_50 = arith.constant 0 : index
    %get3A_51 = arith.constant 0 : index
    %get3A_52 = arith.constant 0 : index
    %get3A_53 = vector.load %arg14[%get3A_50, %get3A_51, %get3A_52] : memref<3x2x64xf32, #tpu.memory_space<vmem>>, vector<1x1x64xf32>
    %get3A_54 = vector.shape_cast %get3A_53 : vector<1x1x64xf32> to vector<64xf32>
    %reduce_sum3A = arith.constant dense<0.000000e+00> : vector<64xf32>
    %reduce_sum3A_55 = vector.multi_reduction <add>, %add3A_44, %reduce_sum3A [0] : vector<400x64xf32> to vector<64xf32>
    %add3A_56 = arith.addf %get3A_54, %reduce_sum3A_55 : vector<64xf32>
    %swap3A_57 = arith.constant 0 : index
    %swap3A_58 = arith.constant 0 : index
    %swap3A_59 = arith.constant 0 : index
    %swap3A_60 = vector.load %arg14[%swap3A_57, %swap3A_58, %swap3A_59] : memref<3x2x64xf32, #tpu.memory_space<vmem>>, vector<1x1x64xf32>
    %swap3A_61 = vector.shape_cast %swap3A_60 : vector<1x1x64xf32> to vector<64xf32>
    %swap3A_62 = vector.shape_cast %add3A_56 : vector<64xf32> to vector<1x1x64xf32>
    tpu.vector_store %arg14[%swap3A_57, %swap3A_58, %swap3A_59], %swap3A_62 {strides = array<i32>} : memref<3x2x64xf32, #tpu.memory_space<vmem>>, vector<1x1x64xf32>,
    %get3A_63 = arith.constant 0 : index
    %get3A_64 = arith.constant 1 : index
    %get3A_65 = arith.constant 0 : index
    %get3A_66 = vector.load %arg14[%get3A_63, %get3A_64, %get3A_65] : memref<3x2x64xf32, #tpu.memory_space<vmem>>, vector<1x1x64xf32>
    %get3A_67 = vector.shape_cast %get3A_66 : vector<1x1x64xf32> to vector<64xf32>
    %mul3A = arith.mulf %add3A_44, %add3A_44 : vector<400x64xf32>
    %reduce_sum3A_68 = arith.constant dense<0.000000e+00> : vector<64xf32>
    %reduce_sum3A_69 = vector.multi_reduction <add>, %mul3A, %reduce_sum3A_68 [0] : vector<400x64xf32> to vector<64xf32>
    %add3A_70 = arith.addf %get3A_67, %reduce_sum3A_69 : vector<64xf32>
    %swap3A_71 = arith.constant 0 : index
    %swap3A_72 = arith.constant 1 : index
    %swap3A_73 = arith.constant 0 : index
    %swap3A_74 = vector.load %arg14[%swap3A_71, %swap3A_72, %swap3A_73] : memref<3x2x64xf32, #tpu.memory_space<vmem>>, vector<1x1x64xf32>
    %swap3A_75 = vector.shape_cast %swap3A_74 : vector<1x1x64xf32> to vector<64xf32>
    %swap3A_76 = vector.shape_cast %add3A_70 : vector<64xf32> to vector<1x1x64xf32>
    tpu.vector_store %arg14[%swap3A_71, %swap3A_72, %swap3A_73], %swap3A_76 {strides = array<i32>} : memref<3x2x64xf32, #tpu.memory_space<vmem>>, vector<1x1x64xf32>,
    %get3A_77 = arith.constant 1 : index
    %get3A_78 = arith.constant 0 : index
    %get3A_79 = arith.constant 0 : index
    %get3A_80 = vector.load %arg10[%get3A_77, %get3A_78, %get3A_79] : memref<3x64x64xf32, #tpu.memory_space<vmem>>, vector<1x64x64xf32>
    %get3A_81 = vector.shape_cast %get3A_80 : vector<1x64x64xf32> to vector<64x64xf32>
    %dot_general3A_82 = arith.constant dense<0.000000e+00> : vector<400x64xf32>
    %dot_general3A_83 = tpu.matmul %add3A_18, %get3A_81, %dot_general3A_82 {dimension_numbers = #tpu.dot_dimension_numbers<[1], [0], [0], [1], [0, 0, 1, 1], [], []>, transpose_lhs_hint = false} : vector<400x64xf32>, vector<64x64xf32>, vector<400x64xf32> -> vector<400x64xf32>
    %get3A_84 = arith.constant 1 : index
    %get3A_85 = arith.constant 0 : index
    %get3A_86 = arith.constant 0 : index
    %get3A_87 = vector.load %arg11[%get3A_84, %get3A_85, %get3A_86] : memref<3x1x64xf32, #tpu.memory_space<vmem>>, vector<1x1x64xf32>
    %get3A_88 = vector.shape_cast %get3A_87 : vector<1x1x64xf32> to vector<1x64xf32>
    %add3A_89 = vector.broadcast %get3A_88 : vector<1x64xf32> to vector<400x64xf32>
    %add3A_90 = arith.addf %dot_general3A_83, %add3A_89 : vector<400x64xf32>
    %swap3A_91 = arith.constant 1 : index
    %swap3A_92 = arith.constant 0 : index
    %swap3A_93 = arith.constant 0 : index
    %swap3A_94 = vector.load %arg12[%swap3A_91, %swap3A_92, %swap3A_93] : memref<3x400x64xf32, #tpu.memory_space<vmem>>, vector<1x400x64xf32>
    %swap3A_95 = vector.shape_cast %swap3A_94 : vector<1x400x64xf32> to vector<400x64xf32>
    %swap3A_96 = vector.shape_cast %add3A_90 : vector<400x64xf32> to vector<1x400x64xf32>
    tpu.vector_store %arg12[%swap3A_91, %swap3A_92, %swap3A_93], %swap3A_96 {strides = array<i32>} : memref<3x400x64xf32, #tpu.memory_space<vmem>>, vector<1x400x64xf32>,
    %get3A_97 = arith.constant 1 : index
    %get3A_98 = arith.constant 0 : index
    %get3A_99 = arith.constant 0 : index
    %get3A_100 = vector.load %arg14[%get3A_97, %get3A_98, %get3A_99] : memref<3x2x64xf32, #tpu.memory_space<vmem>>, vector<1x1x64xf32>
    %get3A_101 = vector.shape_cast %get3A_100 : vector<1x1x64xf32> to vector<64xf32>
    %reduce_sum3A_102 = arith.constant dense<0.000000e+00> : vector<64xf32>
    %reduce_sum3A_103 = vector.multi_reduction <add>, %add3A_90, %reduce_sum3A_102 [0] : vector<400x64xf32> to vector<64xf32>
    %add3A_104 = arith.addf %get3A_101, %reduce_sum3A_103 : vector<64xf32>
    %swap3A_105 = arith.constant 1 : index
    %swap3A_106 = arith.constant 0 : index
    %swap3A_107 = arith.constant 0 : index
    %swap3A_108 = vector.load %arg14[%swap3A_105, %swap3A_106, %swap3A_107] : memref<3x2x64xf32, #tpu.memory_space<vmem>>, vector<1x1x64xf32>
    %swap3A_109 = vector.shape_cast %swap3A_108 : vector<1x1x64xf32> to vector<64xf32>
    %swap3A_110 = vector.shape_cast %add3A_104 : vector<64xf32> to vector<1x1x64xf32>
    tpu.vector_store %arg14[%swap3A_105, %swap3A_106, %swap3A_107], %swap3A_110 {strides = array<i32>} : memref<3x2x64xf32, #tpu.memory_space<vmem>>, vector<1x1x64xf32>,
    %get3A_111 = arith.constant 1 : index
    %get3A_112 = arith.constant 1 : index
    %get3A_113 = arith.constant 0 : index
    %get3A_114 = vector.load %arg14[%get3A_111, %get3A_112, %get3A_113] : memref<3x2x64xf32, #tpu.memory_space<vmem>>, vector<1x1x64xf32>
    %get3A_115 = vector.shape_cast %get3A_114 : vector<1x1x64xf32> to vector<64xf32>
    %mul3A_116 = arith.mulf %add3A_90, %add3A_90 : vector<400x64xf32>
    %reduce_sum3A_117 = arith.constant dense<0.000000e+00> : vector<64xf32>
    %reduce_sum3A_118 = vector.multi_reduction <add>, %mul3A_116, %reduce_sum3A_117 [0] : vector<400x64xf32> to vector<64xf32>
    %add3A_119 = arith.addf %get3A_115, %reduce_sum3A_118 : vector<64xf32>
    %swap3A_120 = arith.constant 1 : index
    %swap3A_121 = arith.constant 1 : index
    %swap3A_122 = arith.constant 0 : index
    %swap3A_123 = vector.load %arg14[%swap3A_120, %swap3A_121, %swap3A_122] : memref<3x2x64xf32, #tpu.memory_space<vmem>>, vector<1x1x64xf32>
    %swap3A_124 = vector.shape_cast %swap3A_123 : vector<1x1x64xf32> to vector<64xf32>
    %swap3A_125 = vector.shape_cast %add3A_119 : vector<64xf32> to vector<1x1x64xf32>
    tpu.vector_store %arg14[%swap3A_120, %swap3A_121, %swap3A_122], %swap3A_125 {strides = array<i32>} : memref<3x2x64xf32, #tpu.memory_space<vmem>>, vector<1x1x64xf32>,
    %get3A_126 = arith.constant 2 : index
    %get3A_127 = arith.constant 0 : index
    %get3A_128 = arith.constant 0 : index
    %get3A_129 = vector.load %arg10[%get3A_126, %get3A_127, %get3A_128] : memref<3x64x64xf32, #tpu.memory_space<vmem>>, vector<1x64x64xf32>
    %get3A_130 = vector.shape_cast %get3A_129 : vector<1x64x64xf32> to vector<64x64xf32>
    %dot_general3A_131 = arith.constant dense<0.000000e+00> : vector<400x64xf32>
    %dot_general3A_132 = tpu.matmul %add3A_29, %get3A_130, %dot_general3A_131 {dimension_numbers = #tpu.dot_dimension_numbers<[1], [0], [0], [1], [0, 0, 1, 1], [], []>, transpose_lhs_hint = false} : vector<400x64xf32>, vector<64x64xf32>, vector<400x64xf32> -> vector<400x64xf32>
    %get3A_133 = arith.constant 2 : index
    %get3A_134 = arith.constant 0 : index
    %get3A_135 = arith.constant 0 : index
    %get3A_136 = vector.load %arg11[%get3A_133, %get3A_134, %get3A_135] : memref<3x1x64xf32, #tpu.memory_space<vmem>>, vector<1x1x64xf32>
    %get3A_137 = vector.shape_cast %get3A_136 : vector<1x1x64xf32> to vector<1x64xf32>
    %add3A_138 = vector.broadcast %get3A_137 : vector<1x64xf32> to vector<400x64xf32>
    %add3A_139 = arith.addf %dot_general3A_132, %add3A_138 : vector<400x64xf32>
    %swap3A_140 = arith.constant 2 : index
    %swap3A_141 = arith.constant 0 : index
    %swap3A_142 = arith.constant 0 : index
    %swap3A_143 = vector.load %arg12[%swap3A_140, %swap3A_141, %swap3A_142] : memref<3x400x64xf32, #tpu.memory_space<vmem>>, vector<1x400x64xf32>
    %swap3A_144 = vector.shape_cast %swap3A_143 : vector<1x400x64xf32> to vector<400x64xf32>
    %swap3A_145 = vector.shape_cast %add3A_139 : vector<400x64xf32> to vector<1x400x64xf32>
    tpu.vector_store %arg12[%swap3A_140, %swap3A_141, %swap3A_142], %swap3A_145 {strides = array<i32>} : memref<3x400x64xf32, #tpu.memory_space<vmem>>, vector<1x400x64xf32>,
    %get3A_146 = arith.constant 2 : index
    %get3A_147 = arith.constant 0 : index
    %get3A_148 = arith.constant 0 : index
    %get3A_149 = vector.load %arg14[%get3A_146, %get3A_147, %get3A_148] : memref<3x2x64xf32, #tpu.memory_space<vmem>>, vector<1x1x64xf32>
    %get3A_150 = vector.shape_cast %get3A_149 : vector<1x1x64xf32> to vector<64xf32>
    %reduce_sum3A_151 = arith.constant dense<0.000000e+00> : vector<64xf32>
    %reduce_sum3A_152 = vector.multi_reduction <add>, %add3A_139, %reduce_sum3A_151 [0] : vector<400x64xf32> to vector<64xf32>
    %add3A_153 = arith.addf %get3A_150, %reduce_sum3A_152 : vector<64xf32>
    %swap3A_154 = arith.constant 2 : index
    %swap3A_155 = arith.constant 0 : index
    %swap3A_156 = arith.constant 0 : index
    %swap3A_157 = vector.load %arg14[%swap3A_154, %swap3A_155, %swap3A_156] : memref<3x2x64xf32, #tpu.memory_space<vmem>>, vector<1x1x64xf32>
    %swap3A_158 = vector.shape_cast %swap3A_157 : vector<1x1x64xf32> to vector<64xf32>
    %swap3A_159 = vector.shape_cast %add3A_153 : vector<64xf32> to vector<1x1x64xf32>
    tpu.vector_store %arg14[%swap3A_154, %swap3A_155, %swap3A_156], %swap3A_159 {strides = array<i32>} : memref<3x2x64xf32, #tpu.memory_space<vmem>>, vector<1x1x64xf32>,
    %get3A_160 = arith.constant 2 : index
    %get3A_161 = arith.constant 1 : index
    %get3A_162 = arith.constant 0 : index
    %get3A_163 = vector.load %arg14[%get3A_160, %get3A_161, %get3A_162] : memref<3x2x64xf32, #tpu.memory_space<vmem>>, vector<1x1x64xf32>
    %get3A_164 = vector.shape_cast %get3A_163 : vector<1x1x64xf32> to vector<64xf32>
    %mul3A_165 = arith.mulf %add3A_139, %add3A_139 : vector<400x64xf32>
    %reduce_sum3A_166 = arith.constant dense<0.000000e+00> : vector<64xf32>
    %reduce_sum3A_167 = vector.multi_reduction <add>, %mul3A_165, %reduce_sum3A_166 [0] : vector<400x64xf32> to vector<64xf32>
    %add3A_168 = arith.addf %get3A_164, %reduce_sum3A_167 : vector<64xf32>
    %swap3A_169 = arith.constant 2 : index
    %swap3A_170 = arith.constant 1 : index
    %swap3A_171 = arith.constant 0 : index
    %swap3A_172 = vector.load %arg14[%swap3A_169, %swap3A_170, %swap3A_171] : memref<3x2x64xf32, #tpu.memory_space<vmem>>, vector<1x1x64xf32>
    %swap3A_173 = vector.shape_cast %swap3A_172 : vector<1x1x64xf32> to vector<64xf32>
    %swap3A_174 = vector.shape_cast %add3A_168 : vector<64xf32> to vector<1x1x64xf32>
    tpu.vector_store %arg14[%swap3A_169, %swap3A_170, %swap3A_171], %swap3A_174 {strides = array<i32>} : memref<3x2x64xf32, #tpu.memory_space<vmem>>, vector<1x1x64xf32>,
    %eq3A_175 = arith.constant 124 : i32
    %eq3A_176 = arith.cmpi eq, %arg0, %eq3A_175 : i32
    %convert_element_type3A_177 = arith.extui %eq3A_176 : i1 to i32
    %cond3A_178 = arith.constant 0 : i32
    %cond3A_179 = arith.cmpi ne, %convert_element_type3A_177, %cond3A_178 : i32
    scf.if %cond3A_179 {
      %get3A_180 = arith.constant 0 : index
      %get3A_181 = arith.constant 0 : index
      %get3A_182 = arith.constant 0 : index
      %get3A_183 = vector.load %arg14[%get3A_180, %get3A_181, %get3A_182] : memref<3x2x64xf32, #tpu.memory_space<vmem>>, vector<3x2x64xf32>
      %swap3A_184 = arith.constant 0 : index
      %swap3A_185 = arith.constant 0 : index
      %swap3A_186 = arith.constant 0 : index
      %swap3A_187 = vector.load %arg13[%swap3A_184, %swap3A_185, %swap3A_186] : memref<3x2x64xf32, #tpu.memory_space<vmem>>, vector<3x2x64xf32>
      tpu.vector_store %arg13[%swap3A_184, %swap3A_185, %swap3A_186], %get3A_183 {strides = array<i32>} : memref<3x2x64xf32, #tpu.memory_space<vmem>>, vector<3x2x64xf32>,
    } else {
    }
    return
  }
  func.func @transform_0(%arg0: i32) -> (i32, i32) {
    %c0_i32 = arith.constant 0 : i32
    %c0_i32_0 = arith.constant 0 : i32
    return %arg0, %c0_i32 : i32, i32
  }
  func.func @transform_1(%arg0: i32) -> (i32, i32) {
    %c0_i32 = arith.constant 0 : i32
    %c0_i32_0 = arith.constant 0 : i32
    return %arg0, %c0_i32 : i32, i32
  }
  func.func @transform_2(%arg0: i32) -> (i32, i32) {
    %c0_i32 = arith.constant 0 : i32
    %c0_i32_0 = arith.constant 0 : i32
    return %arg0, %c0_i32 : i32, i32
  }
  func.func @transform_3(%arg0: i32) -> (i32, i32) {
    %c0_i32 = arith.constant 0 : i32
    %c0_i32_0 = arith.constant 0 : i32
    return %arg0, %c0_i32 : i32, i32
  }
  func.func @transform_4(%arg0: i32) -> (i32, i32) {
    %c0_i32 = arith.constant 0 : i32
    %c0_i32_0 = arith.constant 0 : i32
    return %arg0, %c0_i32 : i32, i32
  }
  func.func @transform_5(%arg0: i32) -> (i32, i32) {
    %c0_i32 = arith.constant 0 : i32
    %c0_i32_0 = arith.constant 0 : i32
    return %arg0, %c0_i32 : i32, i32
  }
  func.func @transform_6(%arg0: i32) -> (i32, i32) {
    %c0_i32 = arith.constant 0 : i32
    %c0_i32_0 = arith.constant 0 : i32
    return %arg0, %c0_i32 : i32, i32
  }
  func.func @transform_7(%arg0: i32) -> (i32, i32) {
    %c0_i32 = arith.constant 0 : i32
    %c0_i32_0 = arith.constant 0 : i32
    return %arg0, %c0_i32 : i32, i32
  }
  func.func @transform_8(%arg0: i32) -> (i32, i32) {
    %c0_i32 = arith.constant 0 : i32
    %c0_i32_0 = arith.constant 0 : i32
    return %arg0, %c0_i32 : i32, i32
  }
  func.func @transform_9(%arg0: i32) -> (i32, i32, i32) {
    %c0_i32 = arith.constant 0 : i32
    %c0_i32_0 = arith.constant 0 : i32
    %c0_i32_1 = arith.constant 0 : i32
    %c0_i32_2 = arith.constant 0 : i32
    return %c0_i32, %c0_i32_0, %c0_i32_1 : i32, i32, i32
  }
  func.func @transform_10(%arg0: i32) -> (i32, i32, i32) {
    %c0_i32 = arith.constant 0 : i32
    %c0_i32_0 = arith.constant 0 : i32
    %c0_i32_1 = arith.constant 0 : i32
    %c0_i32_2 = arith.constant 0 : i32
    return %c0_i32, %c0_i32_0, %c0_i32_1 : i32, i32, i32
  }
  func.func @transform_11(%arg0: i32) -> (i32, i32, i32) {
    %c0_i32 = arith.constant 0 : i32
    %c0_i32_0 = arith.constant 0 : i32
    %c0_i32_1 = arith.constant 0 : i32
    return %c0_i32, %arg0, %c0_i32_0 : i32, i32, i32
  }
  func.func @transform_12(%arg0: i32) -> (i32, i32, i32) {
    %c0_i32 = arith.constant 0 : i32
    %c0_i32_0 = arith.constant 0 : i32
    %c0_i32_1 = arith.constant 0 : i32
    %c0_i32_2 = arith.constant 0 : i32
    return %c0_i32, %c0_i32_0, %c0_i32_1 : i32, i32, i32
  }
}

module attributes {stable_mosaic.version = 14 : i64} {
  func.func @_passB3_body(%arg0: i32, %arg1: memref<3x400x64xf32, #tpu.memory_space<vmem>>, %arg2: memref<3x2x64xf32, #tpu.memory_space<vmem>>, %arg3: memref<3x1x64xf32, #tpu.memory_space<vmem>>, %arg4: memref<3x1x64xf32, #tpu.memory_space<vmem>>, %arg5: memref<3x64x64xf32, #tpu.memory_space<vmem>>, %arg6: memref<3x1x64xf32, #tpu.memory_space<vmem>>, %arg7: memref<400x64xf32, #tpu.memory_space<vmem>>, %arg8: memref<400x64xf32, #tpu.memory_space<vmem>>, %arg9: memref<400x64xf32, #tpu.memory_space<vmem>>) attributes {dimension_semantics = [#tpu.dimension_semantics<arbitrary>], iteration_bounds = array<i64: 125>, scalar_prefetch = 0 : i64, scratch_operands = 0 : i64, tpu.core_type = #tpu.core_type<tc>, window_params = [{transform_indices = @transform_0, window_bounds = array<i64: 3, 400, 64>}, {pipeline_mode = #tpu.pipeline_mode<synchronous>, transform_indices = @transform_1, window_bounds = array<i64: 3, 2, 64>}, {pipeline_mode = #tpu.pipeline_mode<synchronous>, transform_indices = @transform_2, window_bounds = array<i64: 3, 1, 64>}, {pipeline_mode = #tpu.pipeline_mode<synchronous>, transform_indices = @transform_3, window_bounds = array<i64: 3, 1, 64>}, {pipeline_mode = #tpu.pipeline_mode<synchronous>, transform_indices = @transform_4, window_bounds = array<i64: 3, 64, 64>}, {pipeline_mode = #tpu.pipeline_mode<synchronous>, transform_indices = @transform_5, window_bounds = array<i64: 3, 1, 64>}, {transform_indices = @transform_6, window_bounds = array<i64: 400, 64>}, {transform_indices = @transform_7, window_bounds = array<i64: 400, 64>}, {transform_indices = @transform_8, window_bounds = array<i64: 400, 64>}]} {
    %get3A = arith.constant 0 : index
    %get3A_0 = arith.constant 0 : index
    %get3A_1 = arith.constant 0 : index
    %get3A_2 = vector.load %arg2[%get3A, %get3A_0, %get3A_1] : memref<3x2x64xf32, #tpu.memory_space<vmem>>, vector<1x1x64xf32>
    %get3A_3 = vector.shape_cast %get3A_2 : vector<1x1x64xf32> to vector<64xf32>
    %mul3A = arith.constant 2.000000e-05 : f32
    %mul3A_4 = vector.broadcast %mul3A : f32 to vector<64xf32>
    %mul3A_5 = arith.mulf %get3A_3, %mul3A_4 : vector<64xf32>
    %get3A_6 = arith.constant 0 : index
    %get3A_7 = arith.constant 1 : index
    %get3A_8 = arith.constant 0 : index
    %get3A_9 = vector.load %arg2[%get3A_6, %get3A_7, %get3A_8] : memref<3x2x64xf32, #tpu.memory_space<vmem>>, vector<1x1x64xf32>
    %get3A_10 = vector.shape_cast %get3A_9 : vector<1x1x64xf32> to vector<64xf32>
    %mul3A_11 = arith.constant 2.000000e-05 : f32
    %mul3A_12 = vector.broadcast %mul3A_11 : f32 to vector<64xf32>
    %mul3A_13 = arith.mulf %get3A_10, %mul3A_12 : vector<64xf32>
    %mul3A_14 = arith.mulf %mul3A_5, %mul3A_5 : vector<64xf32>
    %sub3A = arith.subf %mul3A_13, %mul3A_14 : vector<64xf32>
    %add3A = arith.constant 9.99999974E-6 : f32
    %add3A_15 = vector.broadcast %add3A : f32 to vector<64xf32>
    %add3A_16 = arith.addf %sub3A, %add3A_15 : vector<64xf32>
    %rsqrt3A = math.rsqrt %add3A_16 : vector<64xf32>
    %get3A_17 = arith.constant 0 : index
    %get3A_18 = arith.constant 0 : index
    %get3A_19 = arith.constant 0 : index
    %get3A_20 = vector.load %arg1[%get3A_17, %get3A_18, %get3A_19] : memref<3x400x64xf32, #tpu.memory_space<vmem>>, vector<1x400x64xf32>
    %get3A_21 = vector.shape_cast %get3A_20 : vector<1x400x64xf32> to vector<400x64xf32>
    %broadcast_in_dim3A = vector.shape_cast %mul3A_5 : vector<64xf32> to vector<1x64xf32>
    %sub3A_22 = vector.broadcast %broadcast_in_dim3A : vector<1x64xf32> to vector<400x64xf32>
    %sub3A_23 = arith.subf %get3A_21, %sub3A_22 : vector<400x64xf32>
    %get3A_24 = arith.constant 0 : index
    %get3A_25 = arith.constant 0 : index
    %get3A_26 = arith.constant 0 : index
    %get3A_27 = vector.load %arg3[%get3A_24, %get3A_25, %get3A_26] : memref<3x1x64xf32, #tpu.memory_space<vmem>>, vector<1x1x64xf32>
    %get3A_28 = vector.shape_cast %get3A_27 : vector<1x1x64xf32> to vector<64xf32>
    %mul3A_29 = arith.mulf %rsqrt3A, %get3A_28 : vector<64xf32>
    %broadcast_in_dim3A_30 = vector.shape_cast %mul3A_29 : vector<64xf32> to vector<1x64xf32>
    %mul3A_31 = vector.broadcast %broadcast_in_dim3A_30 : vector<1x64xf32> to vector<400x64xf32>
    %mul3A_32 = arith.mulf %sub3A_23, %mul3A_31 : vector<400x64xf32>
    %get3A_33 = arith.constant 0 : index
    %get3A_34 = arith.constant 0 : index
    %get3A_35 = arith.constant 0 : index
    %get3A_36 = vector.load %arg4[%get3A_33, %get3A_34, %get3A_35] : memref<3x1x64xf32, #tpu.memory_space<vmem>>, vector<1x1x64xf32>
    %get3A_37 = vector.shape_cast %get3A_36 : vector<1x1x64xf32> to vector<64xf32>
    %broadcast_in_dim3A_38 = vector.shape_cast %get3A_37 : vector<64xf32> to vector<1x64xf32>
    %add3A_39 = vector.broadcast %broadcast_in_dim3A_38 : vector<1x64xf32> to vector<400x64xf32>
    %add3A_40 = arith.addf %mul3A_32, %add3A_39 : vector<400x64xf32>
    %max3A = arith.constant 0.000000e+00 : f32
    %max3A_41 = vector.broadcast %max3A : f32 to vector<400x64xf32>
    %max3A_42 = arith.maximumf %add3A_40, %max3A_41 : vector<400x64xf32>
    %get3A_43 = arith.constant 0 : index
    %get3A_44 = arith.constant 0 : index
    %get3A_45 = arith.constant 0 : index
    %get3A_46 = vector.load %arg5[%get3A_43, %get3A_44, %get3A_45] : memref<3x64x64xf32, #tpu.memory_space<vmem>>, vector<1x64x64xf32>
    %get3A_47 = vector.shape_cast %get3A_46 : vector<1x64x64xf32> to vector<64x64xf32>
    %dot_general3A = arith.constant dense<0.000000e+00> : vector<400x64xf32>
    %dot_general3A_48 = tpu.matmul %max3A_42, %get3A_47, %dot_general3A {dimension_numbers = #tpu.dot_dimension_numbers<[1], [0], [0], [1], [0, 0, 1, 1], [], []>, transpose_lhs_hint = false} : vector<400x64xf32>, vector<64x64xf32>, vector<400x64xf32> -> vector<400x64xf32>
    %get3A_49 = arith.constant 0 : index
    %get3A_50 = arith.constant 0 : index
    %get3A_51 = arith.constant 0 : index
    %get3A_52 = vector.load %arg6[%get3A_49, %get3A_50, %get3A_51] : memref<3x1x64xf32, #tpu.memory_space<vmem>>, vector<1x1x64xf32>
    %get3A_53 = vector.shape_cast %get3A_52 : vector<1x1x64xf32> to vector<64xf32>
    %broadcast_in_dim3A_54 = vector.shape_cast %get3A_53 : vector<64xf32> to vector<1x64xf32>
    %add3A_55 = vector.broadcast %broadcast_in_dim3A_54 : vector<1x64xf32> to vector<400x64xf32>
    %add3A_56 = arith.addf %dot_general3A_48, %add3A_55 : vector<400x64xf32>
    %swap3A = arith.constant 0 : index
    %swap3A_57 = arith.constant 0 : index
    %swap3A_58 = vector.load %arg7[%swap3A, %swap3A_57] : memref<400x64xf32, #tpu.memory_space<vmem>>, vector<400x64xf32>
    tpu.vector_store %arg7[%swap3A, %swap3A_57], %add3A_56 {strides = array<i32>} : memref<400x64xf32, #tpu.memory_space<vmem>>, vector<400x64xf32>,
    %get3A_59 = arith.constant 1 : index
    %get3A_60 = arith.constant 0 : index
    %get3A_61 = arith.constant 0 : index
    %get3A_62 = vector.load %arg2[%get3A_59, %get3A_60, %get3A_61] : memref<3x2x64xf32, #tpu.memory_space<vmem>>, vector<1x1x64xf32>
    %get3A_63 = vector.shape_cast %get3A_62 : vector<1x1x64xf32> to vector<64xf32>
    %mul3A_64 = arith.constant 2.000000e-05 : f32
    %mul3A_65 = vector.broadcast %mul3A_64 : f32 to vector<64xf32>
    %mul3A_66 = arith.mulf %get3A_63, %mul3A_65 : vector<64xf32>
    %get3A_67 = arith.constant 1 : index
    %get3A_68 = arith.constant 1 : index
    %get3A_69 = arith.constant 0 : index
    %get3A_70 = vector.load %arg2[%get3A_67, %get3A_68, %get3A_69] : memref<3x2x64xf32, #tpu.memory_space<vmem>>, vector<1x1x64xf32>
    %get3A_71 = vector.shape_cast %get3A_70 : vector<1x1x64xf32> to vector<64xf32>
    %mul3A_72 = arith.constant 2.000000e-05 : f32
    %mul3A_73 = vector.broadcast %mul3A_72 : f32 to vector<64xf32>
    %mul3A_74 = arith.mulf %get3A_71, %mul3A_73 : vector<64xf32>
    %mul3A_75 = arith.mulf %mul3A_66, %mul3A_66 : vector<64xf32>
    %sub3A_76 = arith.subf %mul3A_74, %mul3A_75 : vector<64xf32>
    %add3A_77 = arith.constant 9.99999974E-6 : f32
    %add3A_78 = vector.broadcast %add3A_77 : f32 to vector<64xf32>
    %add3A_79 = arith.addf %sub3A_76, %add3A_78 : vector<64xf32>
    %rsqrt3A_80 = math.rsqrt %add3A_79 : vector<64xf32>
    %get3A_81 = arith.constant 1 : index
    %get3A_82 = arith.constant 0 : index
    %get3A_83 = arith.constant 0 : index
    %get3A_84 = vector.load %arg1[%get3A_81, %get3A_82, %get3A_83] : memref<3x400x64xf32, #tpu.memory_space<vmem>>, vector<1x400x64xf32>
    %get3A_85 = vector.shape_cast %get3A_84 : vector<1x400x64xf32> to vector<400x64xf32>
    %broadcast_in_dim3A_86 = vector.shape_cast %mul3A_66 : vector<64xf32> to vector<1x64xf32>
    %sub3A_87 = vector.broadcast %broadcast_in_dim3A_86 : vector<1x64xf32> to vector<400x64xf32>
    %sub3A_88 = arith.subf %get3A_85, %sub3A_87 : vector<400x64xf32>
    %get3A_89 = arith.constant 1 : index
    %get3A_90 = arith.constant 0 : index
    %get3A_91 = arith.constant 0 : index
    %get3A_92 = vector.load %arg3[%get3A_89, %get3A_90, %get3A_91] : memref<3x1x64xf32, #tpu.memory_space<vmem>>, vector<1x1x64xf32>
    %get3A_93 = vector.shape_cast %get3A_92 : vector<1x1x64xf32> to vector<64xf32>
    %mul3A_94 = arith.mulf %rsqrt3A_80, %get3A_93 : vector<64xf32>
    %broadcast_in_dim3A_95 = vector.shape_cast %mul3A_94 : vector<64xf32> to vector<1x64xf32>
    %mul3A_96 = vector.broadcast %broadcast_in_dim3A_95 : vector<1x64xf32> to vector<400x64xf32>
    %mul3A_97 = arith.mulf %sub3A_88, %mul3A_96 : vector<400x64xf32>
    %get3A_98 = arith.constant 1 : index
    %get3A_99 = arith.constant 0 : index
    %get3A_100 = arith.constant 0 : index
    %get3A_101 = vector.load %arg4[%get3A_98, %get3A_99, %get3A_100] : memref<3x1x64xf32, #tpu.memory_space<vmem>>, vector<1x1x64xf32>
    %get3A_102 = vector.shape_cast %get3A_101 : vector<1x1x64xf32> to vector<64xf32>
    %broadcast_in_dim3A_103 = vector.shape_cast %get3A_102 : vector<64xf32> to vector<1x64xf32>
    %add3A_104 = vector.broadcast %broadcast_in_dim3A_103 : vector<1x64xf32> to vector<400x64xf32>
    %add3A_105 = arith.addf %mul3A_97, %add3A_104 : vector<400x64xf32>
    %max3A_106 = arith.constant 0.000000e+00 : f32
    %max3A_107 = vector.broadcast %max3A_106 : f32 to vector<400x64xf32>
    %max3A_108 = arith.maximumf %add3A_105, %max3A_107 : vector<400x64xf32>
    %get3A_109 = arith.constant 1 : index
    %get3A_110 = arith.constant 0 : index
    %get3A_111 = arith.constant 0 : index
    %get3A_112 = vector.load %arg5[%get3A_109, %get3A_110, %get3A_111] : memref<3x64x64xf32, #tpu.memory_space<vmem>>, vector<1x64x64xf32>
    %get3A_113 = vector.shape_cast %get3A_112 : vector<1x64x64xf32> to vector<64x64xf32>
    %dot_general3A_114 = arith.constant dense<0.000000e+00> : vector<400x64xf32>
    %dot_general3A_115 = tpu.matmul %max3A_108, %get3A_113, %dot_general3A_114 {dimension_numbers = #tpu.dot_dimension_numbers<[1], [0], [0], [1], [0, 0, 1, 1], [], []>, transpose_lhs_hint = false} : vector<400x64xf32>, vector<64x64xf32>, vector<400x64xf32> -> vector<400x64xf32>
    %get3A_116 = arith.constant 1 : index
    %get3A_117 = arith.constant 0 : index
    %get3A_118 = arith.constant 0 : index
    %get3A_119 = vector.load %arg6[%get3A_116, %get3A_117, %get3A_118] : memref<3x1x64xf32, #tpu.memory_space<vmem>>, vector<1x1x64xf32>
    %get3A_120 = vector.shape_cast %get3A_119 : vector<1x1x64xf32> to vector<64xf32>
    %broadcast_in_dim3A_121 = vector.shape_cast %get3A_120 : vector<64xf32> to vector<1x64xf32>
    %add3A_122 = vector.broadcast %broadcast_in_dim3A_121 : vector<1x64xf32> to vector<400x64xf32>
    %add3A_123 = arith.addf %dot_general3A_115, %add3A_122 : vector<400x64xf32>
    %swap3A_124 = arith.constant 0 : index
    %swap3A_125 = arith.constant 0 : index
    %swap3A_126 = vector.load %arg8[%swap3A_124, %swap3A_125] : memref<400x64xf32, #tpu.memory_space<vmem>>, vector<400x64xf32>
    tpu.vector_store %arg8[%swap3A_124, %swap3A_125], %add3A_123 {strides = array<i32>} : memref<400x64xf32, #tpu.memory_space<vmem>>, vector<400x64xf32>,
    %get3A_127 = arith.constant 2 : index
    %get3A_128 = arith.constant 0 : index
    %get3A_129 = arith.constant 0 : index
    %get3A_130 = vector.load %arg2[%get3A_127, %get3A_128, %get3A_129] : memref<3x2x64xf32, #tpu.memory_space<vmem>>, vector<1x1x64xf32>
    %get3A_131 = vector.shape_cast %get3A_130 : vector<1x1x64xf32> to vector<64xf32>
    %mul3A_132 = arith.constant 2.000000e-05 : f32
    %mul3A_133 = vector.broadcast %mul3A_132 : f32 to vector<64xf32>
    %mul3A_134 = arith.mulf %get3A_131, %mul3A_133 : vector<64xf32>
    %get3A_135 = arith.constant 2 : index
    %get3A_136 = arith.constant 1 : index
    %get3A_137 = arith.constant 0 : index
    %get3A_138 = vector.load %arg2[%get3A_135, %get3A_136, %get3A_137] : memref<3x2x64xf32, #tpu.memory_space<vmem>>, vector<1x1x64xf32>
    %get3A_139 = vector.shape_cast %get3A_138 : vector<1x1x64xf32> to vector<64xf32>
    %mul3A_140 = arith.constant 2.000000e-05 : f32
    %mul3A_141 = vector.broadcast %mul3A_140 : f32 to vector<64xf32>
    %mul3A_142 = arith.mulf %get3A_139, %mul3A_141 : vector<64xf32>
    %mul3A_143 = arith.mulf %mul3A_134, %mul3A_134 : vector<64xf32>
    %sub3A_144 = arith.subf %mul3A_142, %mul3A_143 : vector<64xf32>
    %add3A_145 = arith.constant 9.99999974E-6 : f32
    %add3A_146 = vector.broadcast %add3A_145 : f32 to vector<64xf32>
    %add3A_147 = arith.addf %sub3A_144, %add3A_146 : vector<64xf32>
    %rsqrt3A_148 = math.rsqrt %add3A_147 : vector<64xf32>
    %get3A_149 = arith.constant 2 : index
    %get3A_150 = arith.constant 0 : index
    %get3A_151 = arith.constant 0 : index
    %get3A_152 = vector.load %arg1[%get3A_149, %get3A_150, %get3A_151] : memref<3x400x64xf32, #tpu.memory_space<vmem>>, vector<1x400x64xf32>
    %get3A_153 = vector.shape_cast %get3A_152 : vector<1x400x64xf32> to vector<400x64xf32>
    %broadcast_in_dim3A_154 = vector.shape_cast %mul3A_134 : vector<64xf32> to vector<1x64xf32>
    %sub3A_155 = vector.broadcast %broadcast_in_dim3A_154 : vector<1x64xf32> to vector<400x64xf32>
    %sub3A_156 = arith.subf %get3A_153, %sub3A_155 : vector<400x64xf32>
    %get3A_157 = arith.constant 2 : index
    %get3A_158 = arith.constant 0 : index
    %get3A_159 = arith.constant 0 : index
    %get3A_160 = vector.load %arg3[%get3A_157, %get3A_158, %get3A_159] : memref<3x1x64xf32, #tpu.memory_space<vmem>>, vector<1x1x64xf32>
    %get3A_161 = vector.shape_cast %get3A_160 : vector<1x1x64xf32> to vector<64xf32>
    %mul3A_162 = arith.mulf %rsqrt3A_148, %get3A_161 : vector<64xf32>
    %broadcast_in_dim3A_163 = vector.shape_cast %mul3A_162 : vector<64xf32> to vector<1x64xf32>
    %mul3A_164 = vector.broadcast %broadcast_in_dim3A_163 : vector<1x64xf32> to vector<400x64xf32>
    %mul3A_165 = arith.mulf %sub3A_156, %mul3A_164 : vector<400x64xf32>
    %get3A_166 = arith.constant 2 : index
    %get3A_167 = arith.constant 0 : index
    %get3A_168 = arith.constant 0 : index
    %get3A_169 = vector.load %arg4[%get3A_166, %get3A_167, %get3A_168] : memref<3x1x64xf32, #tpu.memory_space<vmem>>, vector<1x1x64xf32>
    %get3A_170 = vector.shape_cast %get3A_169 : vector<1x1x64xf32> to vector<64xf32>
    %broadcast_in_dim3A_171 = vector.shape_cast %get3A_170 : vector<64xf32> to vector<1x64xf32>
    %add3A_172 = vector.broadcast %broadcast_in_dim3A_171 : vector<1x64xf32> to vector<400x64xf32>
    %add3A_173 = arith.addf %mul3A_165, %add3A_172 : vector<400x64xf32>
    %max3A_174 = arith.constant 0.000000e+00 : f32
    %max3A_175 = vector.broadcast %max3A_174 : f32 to vector<400x64xf32>
    %max3A_176 = arith.maximumf %add3A_173, %max3A_175 : vector<400x64xf32>
    %get3A_177 = arith.constant 2 : index
    %get3A_178 = arith.constant 0 : index
    %get3A_179 = arith.constant 0 : index
    %get3A_180 = vector.load %arg5[%get3A_177, %get3A_178, %get3A_179] : memref<3x64x64xf32, #tpu.memory_space<vmem>>, vector<1x64x64xf32>
    %get3A_181 = vector.shape_cast %get3A_180 : vector<1x64x64xf32> to vector<64x64xf32>
    %dot_general3A_182 = arith.constant dense<0.000000e+00> : vector<400x64xf32>
    %dot_general3A_183 = tpu.matmul %max3A_176, %get3A_181, %dot_general3A_182 {dimension_numbers = #tpu.dot_dimension_numbers<[1], [0], [0], [1], [0, 0, 1, 1], [], []>, transpose_lhs_hint = false} : vector<400x64xf32>, vector<64x64xf32>, vector<400x64xf32> -> vector<400x64xf32>
    %get3A_184 = arith.constant 2 : index
    %get3A_185 = arith.constant 0 : index
    %get3A_186 = arith.constant 0 : index
    %get3A_187 = vector.load %arg6[%get3A_184, %get3A_185, %get3A_186] : memref<3x1x64xf32, #tpu.memory_space<vmem>>, vector<1x1x64xf32>
    %get3A_188 = vector.shape_cast %get3A_187 : vector<1x1x64xf32> to vector<64xf32>
    %broadcast_in_dim3A_189 = vector.shape_cast %get3A_188 : vector<64xf32> to vector<1x64xf32>
    %add3A_190 = vector.broadcast %broadcast_in_dim3A_189 : vector<1x64xf32> to vector<400x64xf32>
    %add3A_191 = arith.addf %dot_general3A_183, %add3A_190 : vector<400x64xf32>
    %swap3A_192 = arith.constant 0 : index
    %swap3A_193 = arith.constant 0 : index
    %swap3A_194 = vector.load %arg9[%swap3A_192, %swap3A_193] : memref<400x64xf32, #tpu.memory_space<vmem>>, vector<400x64xf32>
    tpu.vector_store %arg9[%swap3A_192, %swap3A_193], %add3A_191 {strides = array<i32>} : memref<400x64xf32, #tpu.memory_space<vmem>>, vector<400x64xf32>,
    return
  }
  func.func @transform_0(%arg0: i32) -> (i32, i32, i32) {
    %c0_i32 = arith.constant 0 : i32
    %c0_i32_0 = arith.constant 0 : i32
    %c0_i32_1 = arith.constant 0 : i32
    return %c0_i32, %arg0, %c0_i32_0 : i32, i32, i32
  }
  func.func @transform_1(%arg0: i32) -> (i32, i32, i32) {
    %c0_i32 = arith.constant 0 : i32
    %c0_i32_0 = arith.constant 0 : i32
    %c0_i32_1 = arith.constant 0 : i32
    %c0_i32_2 = arith.constant 0 : i32
    return %c0_i32, %c0_i32_0, %c0_i32_1 : i32, i32, i32
  }
  func.func @transform_2(%arg0: i32) -> (i32, i32, i32) {
    %c0_i32 = arith.constant 0 : i32
    %c0_i32_0 = arith.constant 0 : i32
    %c0_i32_1 = arith.constant 0 : i32
    %c0_i32_2 = arith.constant 0 : i32
    return %c0_i32, %c0_i32_0, %c0_i32_1 : i32, i32, i32
  }
  func.func @transform_3(%arg0: i32) -> (i32, i32, i32) {
    %c0_i32 = arith.constant 0 : i32
    %c0_i32_0 = arith.constant 0 : i32
    %c0_i32_1 = arith.constant 0 : i32
    %c0_i32_2 = arith.constant 0 : i32
    return %c0_i32, %c0_i32_0, %c0_i32_1 : i32, i32, i32
  }
  func.func @transform_4(%arg0: i32) -> (i32, i32, i32) {
    %c0_i32 = arith.constant 0 : i32
    %c0_i32_0 = arith.constant 0 : i32
    %c0_i32_1 = arith.constant 0 : i32
    %c0_i32_2 = arith.constant 0 : i32
    return %c0_i32, %c0_i32_0, %c0_i32_1 : i32, i32, i32
  }
  func.func @transform_5(%arg0: i32) -> (i32, i32, i32) {
    %c0_i32 = arith.constant 0 : i32
    %c0_i32_0 = arith.constant 0 : i32
    %c0_i32_1 = arith.constant 0 : i32
    %c0_i32_2 = arith.constant 0 : i32
    return %c0_i32, %c0_i32_0, %c0_i32_1 : i32, i32, i32
  }
  func.func @transform_6(%arg0: i32) -> (i32, i32) {
    %c0_i32 = arith.constant 0 : i32
    %c0_i32_0 = arith.constant 0 : i32
    return %arg0, %c0_i32 : i32, i32
  }
  func.func @transform_7(%arg0: i32) -> (i32, i32) {
    %c0_i32 = arith.constant 0 : i32
    %c0_i32_0 = arith.constant 0 : i32
    return %arg0, %c0_i32 : i32, i32
  }
  func.func @transform_8(%arg0: i32) -> (i32, i32) {
    %c0_i32 = arith.constant 0 : i32
    %c0_i32_0 = arith.constant 0 : i32
    return %arg0, %c0_i32 : i32, i32
  }
}

module attributes {stable_mosaic.version = 14 : i64} {
  func.func @_tail_body(%arg0: i32, %arg1: memref<400x64xf32, #tpu.memory_space<vmem>>, %arg2: memref<400x64xf32, #tpu.memory_space<vmem>>, %arg3: memref<400x64xf32, #tpu.memory_space<vmem>>, %arg4: memref<1x1x400xi32, #tpu.memory_space<vmem>>, %arg5: memref<2x64xf32, #tpu.memory_space<vmem>>, %arg6: memref<64x64xf32, #tpu.memory_space<vmem>>, %arg7: memref<1x64xf32, #tpu.memory_space<vmem>>, %arg8: memref<64x64xf32, #tpu.memory_space<vmem>>, %arg9: memref<1x64xf32, #tpu.memory_space<vmem>>, %arg10: memref<64x10xf32, #tpu.memory_space<vmem>>, %arg11: memref<1x10xf32, #tpu.memory_space<vmem>>, %arg12: memref<128x64xf32, #tpu.memory_space<vmem>>, %arg13: memref<1x64xf32, #tpu.memory_space<vmem>>, %arg14: memref<64x1xf32, #tpu.memory_space<vmem>>, %arg15: memref<1x1xf32, #tpu.memory_space<vmem>>, %arg16: memref<128x10xf32, #tpu.memory_space<vmem>>, %arg17: memref<1x1xf32, #tpu.memory_space<vmem>>, %arg18: memref<1x1xf32, #tpu.memory_space<vmem>>, %arg19: memref<1x1xf32, #tpu.memory_space<vmem>>, %arg20: memref<128x64xf32, #tpu.memory_space<vmem>>, %arg21: memref<128x64xf32, #tpu.memory_space<vmem>>, %arg22: memref<64x64xf32, #tpu.memory_space<vmem>>, %arg23: memref<1x64xf32, #tpu.memory_space<vmem>>, %arg24: memref<1x64xf32, #tpu.memory_space<vmem>>, %arg25: memref<1x4xf32, #tpu.memory_space<smem>>) attributes {dimension_semantics = [#tpu.dimension_semantics<arbitrary>], iteration_bounds = array<i64: 125>, scalar_prefetch = 0 : i64, scratch_operands = 6 : i64, tpu.core_type = #tpu.core_type<tc>, window_params = [{transform_indices = @transform_0, window_bounds = array<i64: 400, 64>}, {transform_indices = @transform_1, window_bounds = array<i64: 400, 64>}, {transform_indices = @transform_2, window_bounds = array<i64: 400, 64>}, {transform_indices = @transform_3, window_bounds = array<i64: 1, 1, 400>}, {pipeline_mode = #tpu.pipeline_mode<synchronous>, transform_indices = @transform_4, window_bounds = array<i64: 2, 64>}, {pipeline_mode = #tpu.pipeline_mode<synchronous>, transform_indices = @transform_5, window_bounds = array<i64: 64, 64>}, {pipeline_mode = #tpu.pipeline_mode<synchronous>, transform_indices = @transform_6, window_bounds = array<i64: 1, 64>}, {pipeline_mode = #tpu.pipeline_mode<synchronous>, transform_indices = @transform_7, window_bounds = array<i64: 64, 64>}, {pipeline_mode = #tpu.pipeline_mode<synchronous>, transform_indices = @transform_8, window_bounds = array<i64: 1, 64>}, {pipeline_mode = #tpu.pipeline_mode<synchronous>, transform_indices = @transform_9, window_bounds = array<i64: 64, 10>}, {pipeline_mode = #tpu.pipeline_mode<synchronous>, transform_indices = @transform_10, window_bounds = array<i64: 1, 10>}, {pipeline_mode = #tpu.pipeline_mode<synchronous>, transform_indices = @transform_11, window_bounds = array<i64: 128, 64>}, {pipeline_mode = #tpu.pipeline_mode<synchronous>, transform_indices = @transform_12, window_bounds = array<i64: 1, 64>}, {pipeline_mode = #tpu.pipeline_mode<synchronous>, transform_indices = @transform_13, window_bounds = array<i64: 64, 1>}, {pipeline_mode = #tpu.pipeline_mode<synchronous>, transform_indices = @transform_14, window_bounds = array<i64: 1, 1>}, {pipeline_mode = #tpu.pipeline_mode<synchronous>, transform_indices = @transform_15, window_bounds = array<i64: 128, 10>}, {pipeline_mode = #tpu.pipeline_mode<synchronous>, transform_indices = @transform_16, window_bounds = array<i64: 1, 1>}, {pipeline_mode = #tpu.pipeline_mode<synchronous>, transform_indices = @transform_17, window_bounds = array<i64: 1, 1>}, {pipeline_mode = #tpu.pipeline_mode<synchronous>, transform_indices = @transform_18, window_bounds = array<i64: 1, 1>}]} {
    %eq3A = arith.constant 0 : i32
    %eq3A_0 = arith.cmpi eq, %arg0, %eq3A : i32
    %convert_element_type3A = arith.extui %eq3A_0 : i1 to i32
    %cond3A = arith.constant 0 : i32
    %cond3A_1 = arith.cmpi ne, %convert_element_type3A, %cond3A : i32
    scf.if %cond3A_1 {
      %broadcast_in_dim3A_169 = arith.constant 0.000000e+00 : f32
      %broadcast_in_dim3A_170 = vector.broadcast %broadcast_in_dim3A_169 : f32 to vector<128x64xf32>
      %swap3A_171 = arith.constant 0 : index
      %swap3A_172 = arith.constant 0 : index
      %swap3A_173 = vector.load %arg20[%swap3A_171, %swap3A_172] : memref<128x64xf32, #tpu.memory_space<vmem>>, vector<128x64xf32>
      tpu.vector_store %arg20[%swap3A_171, %swap3A_172], %broadcast_in_dim3A_170 {strides = array<i32>} : memref<128x64xf32, #tpu.memory_space<vmem>>, vector<128x64xf32>,
      %broadcast_in_dim3A_174 = arith.constant 0.000000e+00 : f32
      %broadcast_in_dim3A_175 = vector.broadcast %broadcast_in_dim3A_174 : f32 to vector<128x64xf32>
      %swap3A_176 = arith.constant 0 : index
      %swap3A_177 = arith.constant 0 : index
      %swap3A_178 = vector.load %arg21[%swap3A_176, %swap3A_177] : memref<128x64xf32, #tpu.memory_space<vmem>>, vector<128x64xf32>
      tpu.vector_store %arg21[%swap3A_176, %swap3A_177], %broadcast_in_dim3A_175 {strides = array<i32>} : memref<128x64xf32, #tpu.memory_space<vmem>>, vector<128x64xf32>,
      %broadcast_in_dim3A_179 = arith.constant 0.000000e+00 : f32
      %broadcast_in_dim3A_180 = vector.broadcast %broadcast_in_dim3A_179 : f32 to vector<64x64xf32>
      %swap3A_181 = arith.constant 0 : index
      %swap3A_182 = arith.constant 0 : index
      %swap3A_183 = vector.load %arg22[%swap3A_181, %swap3A_182] : memref<64x64xf32, #tpu.memory_space<vmem>>, vector<64x64xf32>
      tpu.vector_store %arg22[%swap3A_181, %swap3A_182], %broadcast_in_dim3A_180 {strides = array<i32>} : memref<64x64xf32, #tpu.memory_space<vmem>>, vector<64x64xf32>,
      %swap3A_184 = arith.constant -1.000000e+30 : f32
      %swap3A_185 = arith.constant 0 : index
      %swap3A_186 = arith.constant 0 : index
      %swap3A_187 = memref.load %arg25[%swap3A_185, %swap3A_186] : memref<1x4xf32, #tpu.memory_space<smem>>
      memref.store %swap3A_184, %arg25[%swap3A_185, %swap3A_186] : memref<1x4xf32, #tpu.memory_space<smem>>
      %swap3A_188 = arith.constant 0.000000e+00 : f32
      %swap3A_189 = arith.constant 0 : index
      %swap3A_190 = arith.constant 1 : index
      %swap3A_191 = memref.load %arg25[%swap3A_189, %swap3A_190] : memref<1x4xf32, #tpu.memory_space<smem>>
      memref.store %swap3A_188, %arg25[%swap3A_189, %swap3A_190] : memref<1x4xf32, #tpu.memory_space<smem>>
      %swap3A_192 = arith.constant 0.000000e+00 : f32
      %swap3A_193 = arith.constant 0 : index
      %swap3A_194 = arith.constant 2 : index
      %swap3A_195 = memref.load %arg25[%swap3A_193, %swap3A_194] : memref<1x4xf32, #tpu.memory_space<smem>>
      memref.store %swap3A_192, %arg25[%swap3A_193, %swap3A_194] : memref<1x4xf32, #tpu.memory_space<smem>>
    } else {
    }
    %get3A = arith.constant 0 : index
    %get3A_2 = arith.constant 0 : index
    %get3A_3 = vector.load %arg1[%get3A, %get3A_2] : memref<400x64xf32, #tpu.memory_space<vmem>>, vector<400x64xf32>
    %get3A_4 = arith.constant 0 : index
    %get3A_5 = arith.constant 0 : index
    %get3A_6 = vector.load %arg2[%get3A_4, %get3A_5] : memref<400x64xf32, #tpu.memory_space<vmem>>, vector<400x64xf32>
    %get3A_7 = arith.constant 0 : index
    %get3A_8 = arith.constant 0 : index
    %get3A_9 = vector.load %arg3[%get3A_7, %get3A_8] : memref<400x64xf32, #tpu.memory_space<vmem>>, vector<400x64xf32>
    %get3A_10 = arith.constant 0 : index
    %get3A_11 = arith.constant 0 : index
    %get3A_12 = arith.constant 0 : index
    %get3A_13 = vector.load %arg4[%get3A_10, %get3A_11, %get3A_12] : memref<1x1x400xi32, #tpu.memory_space<vmem>>, vector<1x1x400xi32>
    %get3A_14 = vector.shape_cast %get3A_13 : vector<1x1x400xi32> to vector<400xi32>
    %iota3A = tpu.iota {dimensions = array<i32: 1>} : vector<400x128xi32>
    %broadcast_in_dim3A = vector.shape_cast %get3A_14 : vector<400xi32> to vector<400x1xi32>
    %eq3A_15 = vector.broadcast %broadcast_in_dim3A : vector<400x1xi32> to vector<400x128xi32>
    %eq3A_16 = arith.cmpi eq, %eq3A_15, %iota3A : vector<400x128xi32>
    %convert_element_type3A_17 = arith.extui %eq3A_16 : vector<400x128xi1> to vector<400x128xi32>
    %convert_element_type3A_18 = arith.sitofp %convert_element_type3A_17 : vector<400x128xi32> to vector<400x128xf32>
    %get3A_19 = arith.constant 0 : index
    %get3A_20 = arith.constant 0 : index
    %get3A_21 = vector.load %arg20[%get3A_19, %get3A_20] : memref<128x64xf32, #tpu.memory_space<vmem>>, vector<128x64xf32>
    %dot_general3A = arith.constant dense<0.000000e+00> : vector<128x64xf32>
    %dot_general3A_22 = tpu.matmul %convert_element_type3A_18, %get3A_6, %dot_general3A {dimension_numbers = #tpu.dot_dimension_numbers<[0], [0], [1], [1], [0, 1, 1, 1], [], []>, transpose_lhs_hint = false} : vector<400x128xf32>, vector<400x64xf32>, vector<128x64xf32> -> vector<128x64xf32>
    %add3A = arith.addf %get3A_21, %dot_general3A_22 : vector<128x64xf32>
    %swap3A = arith.constant 0 : index
    %swap3A_23 = arith.constant 0 : index
    %swap3A_24 = vector.load %arg20[%swap3A, %swap3A_23] : memref<128x64xf32, #tpu.memory_space<vmem>>, vector<128x64xf32>
    tpu.vector_store %arg20[%swap3A, %swap3A_23], %add3A {strides = array<i32>} : memref<128x64xf32, #tpu.memory_space<vmem>>, vector<128x64xf32>,
    %get3A_25 = arith.constant 0 : index
    %get3A_26 = arith.constant 0 : index
    %get3A_27 = vector.load %arg21[%get3A_25, %get3A_26] : memref<128x64xf32, #tpu.memory_space<vmem>>, vector<128x64xf32>
    %dot_general3A_28 = arith.constant dense<0.000000e+00> : vector<128x64xf32>
    %dot_general3A_29 = tpu.matmul %convert_element_type3A_18, %get3A_3, %dot_general3A_28 {dimension_numbers = #tpu.dot_dimension_numbers<[0], [0], [1], [1], [0, 1, 1, 1], [], []>, transpose_lhs_hint = false} : vector<400x128xf32>, vector<400x64xf32>, vector<128x64xf32> -> vector<128x64xf32>
    %add3A_30 = arith.addf %get3A_27, %dot_general3A_29 : vector<128x64xf32>
    %swap3A_31 = arith.constant 0 : index
    %swap3A_32 = arith.constant 0 : index
    %swap3A_33 = vector.load %arg21[%swap3A_31, %swap3A_32] : memref<128x64xf32, #tpu.memory_space<vmem>>, vector<128x64xf32>
    tpu.vector_store %arg21[%swap3A_31, %swap3A_32], %add3A_30 {strides = array<i32>} : memref<128x64xf32, #tpu.memory_space<vmem>>, vector<128x64xf32>,
    %mul3A = arith.mulf %get3A_3, %get3A_3 : vector<400x64xf32>
    %reduce_sum3A = arith.constant dense<0.000000e+00> : vector<400xf32>
    %reduce_sum3A_34 = vector.multi_reduction <add>, %mul3A, %reduce_sum3A [1] : vector<400x64xf32> to vector<400xf32>
    %broadcast_in_dim3A_35 = vector.shape_cast %reduce_sum3A_34 : vector<400xf32> to vector<400x1xf32>
    %sqrt3A = math.sqrt %broadcast_in_dim3A_35 : vector<400x1xf32>
    %mul3A_36 = arith.mulf %get3A_6, %get3A_6 : vector<400x64xf32>
    %reduce_sum3A_37 = arith.constant dense<0.000000e+00> : vector<400xf32>
    %reduce_sum3A_38 = vector.multi_reduction <add>, %mul3A_36, %reduce_sum3A_37 [1] : vector<400x64xf32> to vector<400xf32>
    %broadcast_in_dim3A_39 = vector.shape_cast %reduce_sum3A_38 : vector<400xf32> to vector<400x1xf32>
    %sqrt3A_40 = math.sqrt %broadcast_in_dim3A_39 : vector<400x1xf32>
    %add3A_41 = arith.constant 9.99999997E-7 : f32
    %add3A_42 = vector.broadcast %add3A_41 : f32 to vector<400x1xf32>
    %add3A_43 = arith.addf %sqrt3A, %add3A_42 : vector<400x1xf32>
    %div3A = vector.broadcast %add3A_43 : vector<400x1xf32> to vector<400x64xf32>
    %div3A_44 = arith.divf %get3A_3, %div3A : vector<400x64xf32>
    %add3A_45 = arith.constant 9.99999997E-7 : f32
    %add3A_46 = vector.broadcast %add3A_45 : f32 to vector<400x1xf32>
    %add3A_47 = arith.addf %sqrt3A_40, %add3A_46 : vector<400x1xf32>
    %div3A_48 = vector.broadcast %add3A_47 : vector<400x1xf32> to vector<400x64xf32>
    %div3A_49 = arith.divf %get3A_6, %div3A_48 : vector<400x64xf32>
    %get3A_50 = arith.constant 0 : index
    %get3A_51 = arith.constant 0 : index
    %get3A_52 = vector.load %arg22[%get3A_50, %get3A_51] : memref<64x64xf32, #tpu.memory_space<vmem>>, vector<64x64xf32>
    %dot_general3A_53 = arith.constant dense<0.000000e+00> : vector<64x64xf32>
    %dot_general3A_54 = tpu.matmul %div3A_44, %div3A_49, %dot_general3A_53 {dimension_numbers = #tpu.dot_dimension_numbers<[0], [0], [1], [1], [0, 1, 1, 1], [], []>, transpose_lhs_hint = false} : vector<400x64xf32>, vector<400x64xf32>, vector<64x64xf32> -> vector<64x64xf32>
    %add3A_55 = arith.addf %get3A_52, %dot_general3A_54 : vector<64x64xf32>
    %swap3A_56 = arith.constant 0 : index
    %swap3A_57 = arith.constant 0 : index
    %swap3A_58 = vector.load %arg22[%swap3A_56, %swap3A_57] : memref<64x64xf32, #tpu.memory_space<vmem>>, vector<64x64xf32>
    tpu.vector_store %arg22[%swap3A_56, %swap3A_57], %add3A_55 {strides = array<i32>} : memref<64x64xf32, #tpu.memory_space<vmem>>, vector<64x64xf32>,
    %get3A_59 = arith.constant 0 : index
    %get3A_60 = arith.constant 0 : index
    %get3A_61 = vector.load %arg12[%get3A_59, %get3A_60] : memref<128x64xf32, #tpu.memory_space<vmem>>, vector<64x64xf32>
    %get3A_62 = arith.constant 64 : index
    %get3A_63 = arith.constant 0 : index
    %get3A_64 = vector.load %arg12[%get3A_62, %get3A_63] : memref<128x64xf32, #tpu.memory_space<vmem>>, vector<64x64xf32>
    %dot_general3A_65 = arith.constant dense<0.000000e+00> : vector<400x64xf32>
    %dot_general3A_66 = tpu.matmul %get3A_6, %get3A_61, %dot_general3A_65 {dimension_numbers = #tpu.dot_dimension_numbers<[1], [0], [0], [1], [0, 0, 1, 1], [], []>, transpose_lhs_hint = false} : vector<400x64xf32>, vector<64x64xf32>, vector<400x64xf32> -> vector<400x64xf32>
    %dot_general3A_67 = arith.constant dense<0.000000e+00> : vector<400x64xf32>
    %dot_general3A_68 = tpu.matmul %get3A_9, %get3A_64, %dot_general3A_67 {dimension_numbers = #tpu.dot_dimension_numbers<[1], [0], [0], [1], [0, 0, 1, 1], [], []>, transpose_lhs_hint = false} : vector<400x64xf32>, vector<64x64xf32>, vector<400x64xf32> -> vector<400x64xf32>
    %get3A_69 = arith.constant 0 : index
    %get3A_70 = arith.constant 0 : index
    %get3A_71 = vector.load %arg13[%get3A_69, %get3A_70] : memref<1x64xf32, #tpu.memory_space<vmem>>, vector<1x64xf32>
    %get3A_72 = vector.shape_cast %get3A_71 : vector<1x64xf32> to vector<64xf32>
    %get3A_73 = arith.constant 0 : index
    %get3A_74 = arith.constant 0 : index
    %get3A_75 = vector.load %arg15[%get3A_73, %get3A_74] : memref<1x1xf32, #tpu.memory_space<vmem>>, vector<1x1xf32>
    %get3A_76 = vector.extract %get3A_75[0, 0] : f32 from vector<1x1xf32>
    %add3A_77 = arith.addf %dot_general3A_66, %dot_general3A_68 : vector<400x64xf32>
    %broadcast_in_dim3A_78 = vector.shape_cast %get3A_72 : vector<64xf32> to vector<1x64xf32>
    %add3A_79 = vector.broadcast %broadcast_in_dim3A_78 : vector<1x64xf32> to vector<400x64xf32>
    %add3A_80 = arith.addf %add3A_77, %add3A_79 : vector<400x64xf32>
    %max3A = arith.constant 0.000000e+00 : f32
    %max3A_81 = vector.broadcast %max3A : f32 to vector<400x64xf32>
    %max3A_82 = arith.maximumf %add3A_80, %max3A_81 : vector<400x64xf32>
    %get3A_83 = arith.constant 0 : index
    %get3A_84 = arith.constant 0 : index
    %get3A_85 = vector.load %arg14[%get3A_83, %get3A_84] : memref<64x1xf32, #tpu.memory_space<vmem>>, vector<64x1xf32>
    %dot_general3A_86 = arith.constant dense<0.000000e+00> : vector<400x1xf32>
    %dot_general3A_87 = tpu.matmul %max3A_82, %get3A_85, %dot_general3A_86 {dimension_numbers = #tpu.dot_dimension_numbers<[1], [0], [0], [1], [0, 0, 1, 1], [], []>, transpose_lhs_hint = false} : vector<400x64xf32>, vector<64x1xf32>, vector<400x1xf32> -> vector<400x1xf32>
    %squeeze3A = vector.shape_cast %dot_general3A_87 : vector<400x1xf32> to vector<400xf32>
    %add3A_88 = vector.broadcast %get3A_76 : f32 to vector<400xf32>
    %add3A_89 = arith.addf %squeeze3A, %add3A_88 : vector<400xf32>
    %get3A_90 = arith.constant 0 : index
    %get3A_91 = arith.constant 2 : index
    %get3A_92 = memref.load %arg25[%get3A_90, %get3A_91] : memref<1x4xf32, #tpu.memory_space<smem>>
    %reduce_sum3A_93 = vector.shape_cast %add3A_89 : vector<400xf32> to vector<1x400xf32>
    %reduce_sum3A_94 = arith.constant dense<0.000000e+00> : vector<1xf32>
    %reduce_sum3A_95 = vector.multi_reduction <add>, %reduce_sum3A_93, %reduce_sum3A_94 [1] : vector<1x400xf32> to vector<1xf32>
    %reduce_sum3A_96 = vector.shape_cast %reduce_sum3A_95 : vector<1xf32> to vector<1x1xf32>
    %reduce_sum3A_97 = vector.extract %reduce_sum3A_96[0, 0] : f32 from vector<1x1xf32>
    %add3A_98 = arith.addf %get3A_92, %reduce_sum3A_97 : f32
    %swap3A_99 = arith.constant 0 : index
    %swap3A_100 = arith.constant 2 : index
    %swap3A_101 = memref.load %arg25[%swap3A_99, %swap3A_100] : memref<1x4xf32, #tpu.memory_space<smem>>
    memref.store %add3A_98, %arg25[%swap3A_99, %swap3A_100] : memref<1x4xf32, #tpu.memory_space<smem>>
    %get3A_102 = arith.constant 0 : index
    %get3A_103 = arith.constant 0 : index
    %get3A_104 = vector.load %arg23[%get3A_102, %get3A_103] : memref<1x64xf32, #tpu.memory_space<vmem>>, vector<1x64xf32>
    %slice3A = vector.extract_strided_slice %dot_general3A_68 {offsets = [0, 0], sizes = [399, 64], strides = [1, 1]} : vector<400x64xf32> to vector<399x64xf32>
    %concatenate3A = tpu.concatenate %get3A_104, %slice3A in 0 : vector<1x64xf32>, vector<399x64xf32> -> vector<400x64xf32>
    %slice3A_105 = vector.extract_strided_slice %dot_general3A_68 {offsets = [399, 0], sizes = [1, 64], strides = [1, 1]} : vector<400x64xf32> to vector<1x64xf32>
    %swap3A_106 = arith.constant 0 : index
    %swap3A_107 = arith.constant 0 : index
    %swap3A_108 = vector.load %arg23[%swap3A_106, %swap3A_107] : memref<1x64xf32, #tpu.memory_space<vmem>>, vector<1x64xf32>
    tpu.vector_store %arg23[%swap3A_106, %swap3A_107], %slice3A_105 {strides = array<i32>} : memref<1x64xf32, #tpu.memory_space<vmem>>, vector<1x64xf32>,
    %eq3A_109 = arith.constant 0 : i32
    %eq3A_110 = arith.cmpi eq, %arg0, %eq3A_109 : i32
    %convert_element_type3A_111 = arith.extui %eq3A_110 : i1 to i32
    %cond3A_112 = arith.constant 0 : i32
    %cond3A_113 = arith.cmpi ne, %convert_element_type3A_111, %cond3A_112 : i32
    scf.if %cond3A_113 {
      %slice3A_169 = vector.extract_strided_slice %dot_general3A_66 {offsets = [0, 0], sizes = [1, 64], strides = [1, 1]} : vector<400x64xf32> to vector<1x64xf32>
      %swap3A_170 = arith.constant 0 : index
      %swap3A_171 = arith.constant 0 : index
      %swap3A_172 = vector.load %arg24[%swap3A_170, %swap3A_171] : memref<1x64xf32, #tpu.memory_space<vmem>>, vector<1x64xf32>
      tpu.vector_store %arg24[%swap3A_170, %swap3A_171], %slice3A_169 {strides = array<i32>} : memref<1x64xf32, #tpu.memory_space<vmem>>, vector<1x64xf32>,
    } else {
    }
    %add3A_114 = arith.addf %dot_general3A_66, %concatenate3A : vector<400x64xf32>
    %broadcast_in_dim3A_115 = vector.shape_cast %get3A_72 : vector<64xf32> to vector<1x64xf32>
    %add3A_116 = vector.broadcast %broadcast_in_dim3A_115 : vector<1x64xf32> to vector<400x64xf32>
    %add3A_117 = arith.addf %add3A_114, %add3A_116 : vector<400x64xf32>
    %max3A_118 = arith.constant 0.000000e+00 : f32
    %max3A_119 = vector.broadcast %max3A_118 : f32 to vector<400x64xf32>
    %max3A_120 = arith.maximumf %add3A_117, %max3A_119 : vector<400x64xf32>
    %get3A_121 = arith.constant 0 : index
    %get3A_122 = arith.constant 0 : index
    %get3A_123 = vector.load %arg14[%get3A_121, %get3A_122] : memref<64x1xf32, #tpu.memory_space<vmem>>, vector<64x1xf32>
    %dot_general3A_124 = arith.constant dense<0.000000e+00> : vector<400x1xf32>
    %dot_general3A_125 = tpu.matmul %max3A_120, %get3A_123, %dot_general3A_124 {dimension_numbers = #tpu.dot_dimension_numbers<[1], [0], [0], [1], [0, 0, 1, 1], [], []>, transpose_lhs_hint = false} : vector<400x64xf32>, vector<64x1xf32>, vector<400x1xf32> -> vector<400x1xf32>
    %squeeze3A_126 = vector.shape_cast %dot_general3A_125 : vector<400x1xf32> to vector<400xf32>
    %add3A_127 = vector.broadcast %get3A_76 : f32 to vector<400xf32>
    %add3A_128 = arith.addf %squeeze3A_126, %add3A_127 : vector<400xf32>
    %iota3A_129 = tpu.iota {dimensions = array<i32: 1>} : vector<1x400xi32>
    %iota3A_130 = vector.shape_cast %iota3A_129 : vector<1x400xi32> to vector<400xi32>
    %gt3A = arith.constant 0 : i32
    %gt3A_131 = arith.cmpi sgt, %arg0, %gt3A : i32
    %gt3A_132 = arith.constant 0 : i32
    %gt3A_133 = vector.broadcast %gt3A_132 : i32 to vector<400xi32>
    %gt3A_134 = arith.cmpi sgt, %iota3A_130, %gt3A_133 : vector<400xi32>
    %or3A = vector.broadcast %gt3A_131 : i1 to vector<400xi1>
    %or3A_135 = arith.ori %or3A, %gt3A_134 : vector<400xi1>
    %jit3A = arith.constant -1.000000e+30 : f32
    %broadcast_in_dim3A_136 = vector.broadcast %jit3A : f32 to vector<400xf32>
    %select_n3A = arith.select %or3A_135, %add3A_128, %broadcast_in_dim3A_136 : vector<400xi1>, vector<400xf32>
    %get3A_137 = arith.constant 0 : index
    %get3A_138 = arith.constant 0 : index
    %get3A_139 = memref.load %arg25[%get3A_137, %get3A_138] : memref<1x4xf32, #tpu.memory_space<smem>>
    %reduce_max3A = vector.shape_cast %select_n3A : vector<400xf32> to vector<1x400xf32>
    %reduce_max3A_140 = arith.constant dense<0xFF800000> : vector<1xf32>
    %reduce_max3A_141 = vector.multi_reduction <maximumf>, %reduce_max3A, %reduce_max3A_140 [1] : vector<1x400xf32> to vector<1xf32>
    %reduce_max3A_142 = vector.shape_cast %reduce_max3A_141 : vector<1xf32> to vector<1x1xf32>
    %reduce_max3A_143 = vector.extract %reduce_max3A_142[0, 0] : f32 from vector<1x1xf32>
    %max3A_144 = arith.maximumf %get3A_139, %reduce_max3A_143 : f32
    %get3A_145 = arith.constant 0 : index
    %get3A_146 = arith.constant 1 : index
    %get3A_147 = memref.load %arg25[%get3A_145, %get3A_146] : memref<1x4xf32, #tpu.memory_space<smem>>
    %sub3A = arith.subf %get3A_139, %max3A_144 : f32
    %exp3A = math.exp %sub3A : f32
    %mul3A_148 = arith.mulf %get3A_147, %exp3A : f32
    %sub3A_149 = vector.broadcast %max3A_144 : f32 to vector<400xf32>
    %sub3A_150 = arith.subf %select_n3A, %sub3A_149 : vector<400xf32>
    %exp3A_151 = math.exp %sub3A_150 : vector<400xf32>
    %reduce_sum3A_152 = vector.shape_cast %exp3A_151 : vector<400xf32> to vector<1x400xf32>
    %reduce_sum3A_153 = arith.constant dense<0.000000e+00> : vector<1xf32>
    %reduce_sum3A_154 = vector.multi_reduction <add>, %reduce_sum3A_152, %reduce_sum3A_153 [1] : vector<1x400xf32> to vector<1xf32>
    %reduce_sum3A_155 = vector.shape_cast %reduce_sum3A_154 : vector<1xf32> to vector<1x1xf32>
    %reduce_sum3A_156 = vector.extract %reduce_sum3A_155[0, 0] : f32 from vector<1x1xf32>
    %add3A_157 = arith.addf %mul3A_148, %reduce_sum3A_156 : f32
    %swap3A_158 = arith.constant 0 : index
    %swap3A_159 = arith.constant 1 : index
    %swap3A_160 = memref.load %arg25[%swap3A_158, %swap3A_159] : memref<1x4xf32, #tpu.memory_space<smem>>
    memref.store %add3A_157, %arg25[%swap3A_158, %swap3A_159] : memref<1x4xf32, #tpu.memory_space<smem>>
    %swap3A_161 = arith.constant 0 : index
    %swap3A_162 = arith.constant 0 : index
    %swap3A_163 = memref.load %arg25[%swap3A_161, %swap3A_162] : memref<1x4xf32, #tpu.memory_space<smem>>
    memref.store %max3A_144, %arg25[%swap3A_161, %swap3A_162] : memref<1x4xf32, #tpu.memory_space<smem>>
    %eq3A_164 = arith.constant 124 : i32
    %eq3A_165 = arith.cmpi eq, %arg0, %eq3A_164 : i32
    %convert_element_type3A_166 = arith.extui %eq3A_165 : i1 to i32
    %cond3A_167 = arith.constant 0 : i32
    %cond3A_168 = arith.cmpi ne, %convert_element_type3A_166, %cond3A_167 : i32
    scf.if %cond3A_168 {
      %get3A_169 = arith.constant 0 : index
      %get3A_170 = arith.constant 0 : index
      %get3A_171 = vector.load %arg24[%get3A_169, %get3A_170] : memref<1x64xf32, #tpu.memory_space<vmem>>, vector<1x64xf32>
      %get3A_172 = arith.constant 0 : index
      %get3A_173 = arith.constant 0 : index
      %get3A_174 = vector.load %arg23[%get3A_172, %get3A_173] : memref<1x64xf32, #tpu.memory_space<vmem>>, vector<1x64xf32>
      %add3A_175 = arith.addf %get3A_171, %get3A_174 : vector<1x64xf32>
      %broadcast_in_dim3A_176 = vector.shape_cast %get3A_72 : vector<64xf32> to vector<1x64xf32>
      %add3A_177 = arith.addf %add3A_175, %broadcast_in_dim3A_176 : vector<1x64xf32>
      %max3A_178 = arith.constant 0.000000e+00 : f32
      %max3A_179 = vector.broadcast %max3A_178 : f32 to vector<1x64xf32>
      %max3A_180 = arith.maximumf %add3A_177, %max3A_179 : vector<1x64xf32>
      %get3A_181 = arith.constant 0 : index
      %get3A_182 = arith.constant 0 : index
      %get3A_183 = vector.load %arg14[%get3A_181, %get3A_182] : memref<64x1xf32, #tpu.memory_space<vmem>>, vector<64x1xf32>
      %dot_general3A_184 = arith.constant dense<0.000000e+00> : vector<1x1xf32>
      %dot_general3A_185 = tpu.matmul %max3A_180, %get3A_183, %dot_general3A_184 {dimension_numbers = #tpu.dot_dimension_numbers<[1], [0], [0], [1], [0, 0, 1, 1], [], []>, transpose_lhs_hint = false} : vector<1x64xf32>, vector<64x1xf32>, vector<1x1xf32> -> vector<1x1xf32>
      %squeeze3A_186 = vector.extract %dot_general3A_185[0, 0] : f32 from vector<1x1xf32>
      %add3A_187 = arith.addf %squeeze3A_186, %get3A_76 : f32
      %get3A_188 = arith.constant 0 : index
      %get3A_189 = arith.constant 0 : index
      %get3A_190 = memref.load %arg25[%get3A_188, %get3A_189] : memref<1x4xf32, #tpu.memory_space<smem>>
      %max3A_191 = arith.maximumf %get3A_190, %add3A_187 : f32
      %get3A_192 = arith.constant 0 : index
      %get3A_193 = arith.constant 1 : index
      %get3A_194 = memref.load %arg25[%get3A_192, %get3A_193] : memref<1x4xf32, #tpu.memory_space<smem>>
      %get3A_195 = arith.constant 0 : index
      %get3A_196 = arith.constant 0 : index
      %get3A_197 = memref.load %arg25[%get3A_195, %get3A_196] : memref<1x4xf32, #tpu.memory_space<smem>>
      %sub3A_198 = arith.subf %get3A_197, %max3A_191 : f32
      %exp3A_199 = math.exp %sub3A_198 : f32
      %mul3A_200 = arith.mulf %get3A_194, %exp3A_199 : f32
      %sub3A_201 = arith.subf %add3A_187, %max3A_191 : f32
      %exp3A_202 = math.exp %sub3A_201 : f32
      %add3A_203 = arith.addf %mul3A_200, %exp3A_202 : f32
      %log3A = math.log %add3A_203 : f32
      %add3A_204 = arith.addf %log3A, %max3A_191 : f32
      %get3A_205 = arith.constant 0 : index
      %get3A_206 = arith.constant 2 : index
      %get3A_207 = memref.load %arg25[%get3A_205, %get3A_206] : memref<1x4xf32, #tpu.memory_space<smem>>
      %mul3A_208 = arith.constant 2.000000e-05 : f32
      %mul3A_209 = arith.mulf %get3A_207, %mul3A_208 : f32
      %log3A_210 = arith.constant 5.000000e+04 : f32
      %log3A_211 = math.log %log3A_210 : f32
      %sub3A_212 = arith.subf %add3A_204, %log3A_211 : f32
      %sub3A_213 = arith.subf %mul3A_209, %sub3A_212 : f32
      %broadcast_in_dim3A_214 = vector.broadcast %sub3A_213 : f32 to vector<1x1xf32>
      %swap3A_215 = arith.constant 0 : index
      %swap3A_216 = arith.constant 0 : index
      %swap3A_217 = vector.load %arg19[%swap3A_215, %swap3A_216] : memref<1x1xf32, #tpu.memory_space<vmem>>, vector<1x1xf32>
      tpu.vector_store %arg19[%swap3A_215, %swap3A_216], %broadcast_in_dim3A_214 {strides = array<i32>} : memref<1x1xf32, #tpu.memory_space<vmem>>, vector<1x1xf32>,
      %get3A_218 = arith.constant 0 : index
      %get3A_219 = arith.constant 0 : index
      %get3A_220 = vector.load %arg20[%get3A_218, %get3A_219] : memref<128x64xf32, #tpu.memory_space<vmem>>, vector<128x64xf32>
      %get3A_221 = arith.constant 0 : index
      %get3A_222 = arith.constant 0 : index
      %get3A_223 = vector.load %arg6[%get3A_221, %get3A_222] : memref<64x64xf32, #tpu.memory_space<vmem>>, vector<64x64xf32>
      %dot_general3A_224 = arith.constant dense<0.000000e+00> : vector<128x64xf32>
      %dot_general3A_225 = tpu.matmul %get3A_220, %get3A_223, %dot_general3A_224 {dimension_numbers = #tpu.dot_dimension_numbers<[1], [0], [0], [1], [0, 0, 1, 1], [], []>, transpose_lhs_hint = false} : vector<128x64xf32>, vector<64x64xf32>, vector<128x64xf32> -> vector<128x64xf32>
      %get3A_226 = arith.constant 0 : index
      %get3A_227 = arith.constant 0 : index
      %get3A_228 = vector.load %arg7[%get3A_226, %get3A_227] : memref<1x64xf32, #tpu.memory_space<vmem>>, vector<1x64xf32>
      %get3A_229 = vector.shape_cast %get3A_228 : vector<1x64xf32> to vector<64xf32>
      %broadcast_in_dim3A_230 = vector.shape_cast %get3A_229 : vector<64xf32> to vector<1x64xf32>
      %add3A_231 = vector.broadcast %broadcast_in_dim3A_230 : vector<1x64xf32> to vector<128x64xf32>
      %add3A_232 = arith.addf %dot_general3A_225, %add3A_231 : vector<128x64xf32>
      %max3A_233 = arith.constant 0.000000e+00 : f32
      %max3A_234 = vector.broadcast %max3A_233 : f32 to vector<128x64xf32>
      %max3A_235 = arith.maximumf %add3A_232, %max3A_234 : vector<128x64xf32>
      %get3A_236 = arith.constant 0 : index
      %get3A_237 = arith.constant 0 : index
      %get3A_238 = vector.load %arg21[%get3A_236, %get3A_237] : memref<128x64xf32, #tpu.memory_space<vmem>>, vector<128x64xf32>
      %get3A_239 = arith.constant 0 : index
      %get3A_240 = arith.constant 0 : index
      %get3A_241 = vector.load %arg8[%get3A_239, %get3A_240] : memref<64x64xf32, #tpu.memory_space<vmem>>, vector<64x64xf32>
      %dot_general3A_242 = arith.constant dense<0.000000e+00> : vector<128x64xf32>
      %dot_general3A_243 = tpu.matmul %get3A_238, %get3A_241, %dot_general3A_242 {dimension_numbers = #tpu.dot_dimension_numbers<[1], [0], [0], [1], [0, 0, 1, 1], [], []>, transpose_lhs_hint = false} : vector<128x64xf32>, vector<64x64xf32>, vector<128x64xf32> -> vector<128x64xf32>
      %get3A_244 = arith.constant 0 : index
      %get3A_245 = arith.constant 0 : index
      %get3A_246 = vector.load %arg9[%get3A_244, %get3A_245] : memref<1x64xf32, #tpu.memory_space<vmem>>, vector<1x64xf32>
      %get3A_247 = vector.shape_cast %get3A_246 : vector<1x64xf32> to vector<64xf32>
      %broadcast_in_dim3A_248 = vector.shape_cast %get3A_247 : vector<64xf32> to vector<1x64xf32>
      %add3A_249 = vector.broadcast %broadcast_in_dim3A_248 : vector<1x64xf32> to vector<128x64xf32>
      %add3A_250 = arith.addf %dot_general3A_243, %add3A_249 : vector<128x64xf32>
      %max3A_251 = arith.constant 0.000000e+00 : f32
      %max3A_252 = vector.broadcast %max3A_251 : f32 to vector<128x64xf32>
      %max3A_253 = arith.maximumf %add3A_250, %max3A_252 : vector<128x64xf32>
      %add3A_254 = arith.addf %max3A_253, %max3A_235 : vector<128x64xf32>
      %get3A_255 = arith.constant 0 : index
      %get3A_256 = arith.constant 0 : index
      %get3A_257 = vector.load %arg10[%get3A_255, %get3A_256] : memref<64x10xf32, #tpu.memory_space<vmem>>, vector<64x10xf32>
      %dot_general3A_258 = arith.constant dense<0.000000e+00> : vector<128x10xf32>
      %dot_general3A_259 = tpu.matmul %add3A_254, %get3A_257, %dot_general3A_258 {dimension_numbers = #tpu.dot_dimension_numbers<[1], [0], [0], [1], [0, 0, 1, 1], [], []>, transpose_lhs_hint = false} : vector<128x64xf32>, vector<64x10xf32>, vector<128x10xf32> -> vector<128x10xf32>
      %get3A_260 = arith.constant 0 : index
      %get3A_261 = arith.constant 0 : index
      %get3A_262 = vector.load %arg11[%get3A_260, %get3A_261] : memref<1x10xf32, #tpu.memory_space<vmem>>, vector<1x10xf32>
      %get3A_263 = vector.shape_cast %get3A_262 : vector<1x10xf32> to vector<10xf32>
      %broadcast_in_dim3A_264 = vector.shape_cast %get3A_263 : vector<10xf32> to vector<1x10xf32>
      %add3A_265 = vector.broadcast %broadcast_in_dim3A_264 : vector<1x10xf32> to vector<128x10xf32>
      %add3A_266 = arith.addf %dot_general3A_259, %add3A_265 : vector<128x10xf32>
      %swap3A_267 = arith.constant 0 : index
      %swap3A_268 = arith.constant 0 : index
      %swap3A_269 = vector.load %arg16[%swap3A_267, %swap3A_268] : memref<128x10xf32, #tpu.memory_space<vmem>>, vector<128x10xf32>
      tpu.vector_store %arg16[%swap3A_267, %swap3A_268], %add3A_266 {strides = array<i32>} : memref<128x10xf32, #tpu.memory_space<vmem>>, vector<128x10xf32>,
      %get3A_270 = arith.constant 0 : index
      %get3A_271 = arith.constant 0 : index
      %get3A_272 = vector.load %arg22[%get3A_270, %get3A_271] : memref<64x64xf32, #tpu.memory_space<vmem>>, vector<64x64xf32>
      %mul3A_273 = arith.mulf %get3A_272, %get3A_272 : vector<64x64xf32>
      %reduce_sum3A_274 = vector.shape_cast %mul3A_273 : vector<64x64xf32> to vector<1x64x64xf32>
      %reduce_sum3A_275 = arith.constant dense<0.000000e+00> : vector<1xf32>
      %reduce_sum3A_276 = vector.multi_reduction <add>, %reduce_sum3A_274, %reduce_sum3A_275 [1, 2] : vector<1x64x64xf32> to vector<1xf32>
      %reduce_sum3A_277 = vector.shape_cast %reduce_sum3A_276 : vector<1xf32> to vector<1x1x1xf32>
      %reduce_sum3A_278 = vector.extract %reduce_sum3A_277[0, 0, 0] : f32 from vector<1x1x1xf32>
      %mul3A_279 = arith.constant 2.44140625E-4 : f32
      %mul3A_280 = arith.mulf %reduce_sum3A_278, %mul3A_279 : f32
      %broadcast_in_dim3A_281 = vector.broadcast %mul3A_280 : f32 to vector<1x1xf32>
      %swap3A_282 = arith.constant 0 : index
      %swap3A_283 = arith.constant 0 : index
      %swap3A_284 = vector.load %arg18[%swap3A_282, %swap3A_283] : memref<1x1xf32, #tpu.memory_space<vmem>>, vector<1x1xf32>
      tpu.vector_store %arg18[%swap3A_282, %swap3A_283], %broadcast_in_dim3A_281 {strides = array<i32>} : memref<1x1xf32, #tpu.memory_space<vmem>>, vector<1x1xf32>,
      %get3A_285 = arith.constant 0 : index
      %get3A_286 = arith.constant 0 : index
      %get3A_287 = vector.load %arg5[%get3A_285, %get3A_286] : memref<2x64xf32, #tpu.memory_space<vmem>>, vector<1x64xf32>
      %get3A_288 = vector.shape_cast %get3A_287 : vector<1x64xf32> to vector<64xf32>
      %mul3A_289 = arith.constant 2.000000e-05 : f32
      %mul3A_290 = vector.broadcast %mul3A_289 : f32 to vector<64xf32>
      %mul3A_291 = arith.mulf %get3A_288, %mul3A_290 : vector<64xf32>
      %get3A_292 = arith.constant 1 : index
      %get3A_293 = arith.constant 0 : index
      %get3A_294 = vector.load %arg5[%get3A_292, %get3A_293] : memref<2x64xf32, #tpu.memory_space<vmem>>, vector<1x64xf32>
      %get3A_295 = vector.shape_cast %get3A_294 : vector<1x64xf32> to vector<64xf32>
      %mul3A_296 = arith.constant 5.000000e+04 : f32
      %mul3A_297 = vector.broadcast %mul3A_296 : f32 to vector<64xf32>
      %mul3A_298 = arith.mulf %mul3A_297, %mul3A_291 : vector<64xf32>
      %mul3A_299 = arith.mulf %mul3A_298, %mul3A_291 : vector<64xf32>
      %sub3A_300 = arith.subf %get3A_295, %mul3A_299 : vector<64xf32>
      %mul3A_301 = arith.constant 2.000040e-05 : f32
      %mul3A_302 = vector.broadcast %mul3A_301 : f32 to vector<64xf32>
      %mul3A_303 = arith.mulf %sub3A_300, %mul3A_302 : vector<64xf32>
      %log3A_304 = math.log %mul3A_303 : vector<64xf32>
      %add3A_305 = arith.constant 1.000000e+00 : f32
      %add3A_306 = vector.broadcast %add3A_305 : f32 to vector<64xf32>
      %add3A_307 = arith.addf %add3A_306, %log3A_304 : vector<64xf32>
      %mul3A_308 = arith.mulf %mul3A_291, %mul3A_291 : vector<64xf32>
      %sub3A_309 = arith.subf %add3A_307, %mul3A_308 : vector<64xf32>
      %sub3A_310 = arith.subf %sub3A_309, %mul3A_303 : vector<64xf32>
      %reduce_sum3A_311 = vector.shape_cast %sub3A_310 : vector<64xf32> to vector<1x64xf32>
      %reduce_sum3A_312 = arith.constant dense<0.000000e+00> : vector<1xf32>
      %reduce_sum3A_313 = vector.multi_reduction <add>, %reduce_sum3A_311, %reduce_sum3A_312 [1] : vector<1x64xf32> to vector<1xf32>
      %reduce_sum3A_314 = vector.shape_cast %reduce_sum3A_313 : vector<1xf32> to vector<1x1xf32>
      %reduce_sum3A_315 = vector.extract %reduce_sum3A_314[0, 0] : f32 from vector<1x1xf32>
      %div3A_316 = arith.constant 6.400000e+01 : f32
      %div3A_317 = arith.divf %reduce_sum3A_315, %div3A_316 : f32
      %mul3A_318 = arith.constant -5.000000e-01 : f32
      %mul3A_319 = arith.mulf %mul3A_318, %div3A_317 : f32
      %broadcast_in_dim3A_320 = vector.broadcast %mul3A_319 : f32 to vector<1x1xf32>
      %swap3A_321 = arith.constant 0 : index
      %swap3A_322 = arith.constant 0 : index
      %swap3A_323 = vector.load %arg17[%swap3A_321, %swap3A_322] : memref<1x1xf32, #tpu.memory_space<vmem>>, vector<1x1xf32>
      tpu.vector_store %arg17[%swap3A_321, %swap3A_322], %broadcast_in_dim3A_320 {strides = array<i32>} : memref<1x1xf32, #tpu.memory_space<vmem>>, vector<1x1xf32>,
    } else {
    }
    return
  }
  func.func @transform_0(%arg0: i32) -> (i32, i32) {
    %c0_i32 = arith.constant 0 : i32
    %c0_i32_0 = arith.constant 0 : i32
    return %arg0, %c0_i32 : i32, i32
  }
  func.func @transform_1(%arg0: i32) -> (i32, i32) {
    %c0_i32 = arith.constant 0 : i32
    %c0_i32_0 = arith.constant 0 : i32
    return %arg0, %c0_i32 : i32, i32
  }
  func.func @transform_2(%arg0: i32) -> (i32, i32) {
    %c0_i32 = arith.constant 0 : i32
    %c0_i32_0 = arith.constant 0 : i32
    return %arg0, %c0_i32 : i32, i32
  }
  func.func @transform_3(%arg0: i32) -> (i32, i32, i32) {
    %c0_i32 = arith.constant 0 : i32
    %c0_i32_0 = arith.constant 0 : i32
    %c0_i32_1 = arith.constant 0 : i32
    return %arg0, %c0_i32, %c0_i32_0 : i32, i32, i32
  }
  func.func @transform_4(%arg0: i32) -> (i32, i32) {
    %c0_i32 = arith.constant 0 : i32
    %c0_i32_0 = arith.constant 0 : i32
    %c0_i32_1 = arith.constant 0 : i32
    return %c0_i32, %c0_i32_0 : i32, i32
  }
  func.func @transform_5(%arg0: i32) -> (i32, i32) {
    %c0_i32 = arith.constant 0 : i32
    %c0_i32_0 = arith.constant 0 : i32
    %c0_i32_1 = arith.constant 0 : i32
    return %c0_i32, %c0_i32_0 : i32, i32
  }
  func.func @transform_6(%arg0: i32) -> (i32, i32) {
    %c0_i32 = arith.constant 0 : i32
    %c0_i32_0 = arith.constant 0 : i32
    %c0_i32_1 = arith.constant 0 : i32
    return %c0_i32, %c0_i32_0 : i32, i32
  }
  func.func @transform_7(%arg0: i32) -> (i32, i32) {
    %c0_i32 = arith.constant 0 : i32
    %c0_i32_0 = arith.constant 0 : i32
    %c0_i32_1 = arith.constant 0 : i32
    return %c0_i32, %c0_i32_0 : i32, i32
  }
  func.func @transform_8(%arg0: i32) -> (i32, i32) {
    %c0_i32 = arith.constant 0 : i32
    %c0_i32_0 = arith.constant 0 : i32
    %c0_i32_1 = arith.constant 0 : i32
    return %c0_i32, %c0_i32_0 : i32, i32
  }
  func.func @transform_9(%arg0: i32) -> (i32, i32) {
    %c0_i32 = arith.constant 0 : i32
    %c0_i32_0 = arith.constant 0 : i32
    %c0_i32_1 = arith.constant 0 : i32
    return %c0_i32, %c0_i32_0 : i32, i32
  }
  func.func @transform_10(%arg0: i32) -> (i32, i32) {
    %c0_i32 = arith.constant 0 : i32
    %c0_i32_0 = arith.constant 0 : i32
    %c0_i32_1 = arith.constant 0 : i32
    return %c0_i32, %c0_i32_0 : i32, i32
  }
  func.func @transform_11(%arg0: i32) -> (i32, i32) {
    %c0_i32 = arith.constant 0 : i32
    %c0_i32_0 = arith.constant 0 : i32
    %c0_i32_1 = arith.constant 0 : i32
    return %c0_i32, %c0_i32_0 : i32, i32
  }
  func.func @transform_12(%arg0: i32) -> (i32, i32) {
    %c0_i32 = arith.constant 0 : i32
    %c0_i32_0 = arith.constant 0 : i32
    %c0_i32_1 = arith.constant 0 : i32
    return %c0_i32, %c0_i32_0 : i32, i32
  }
  func.func @transform_13(%arg0: i32) -> (i32, i32) {
    %c0_i32 = arith.constant 0 : i32
    %c0_i32_0 = arith.constant 0 : i32
    %c0_i32_1 = arith.constant 0 : i32
    return %c0_i32, %c0_i32_0 : i32, i32
  }
  func.func @transform_14(%arg0: i32) -> (i32, i32) {
    %c0_i32 = arith.constant 0 : i32
    %c0_i32_0 = arith.constant 0 : i32
    %c0_i32_1 = arith.constant 0 : i32
    return %c0_i32, %c0_i32_0 : i32, i32
  }
  func.func @transform_15(%arg0: i32) -> (i32, i32) {
    %c0_i32 = arith.constant 0 : i32
    %c0_i32_0 = arith.constant 0 : i32
    %c0_i32_1 = arith.constant 0 : i32
    return %c0_i32, %c0_i32_0 : i32, i32
  }
  func.func @transform_16(%arg0: i32) -> (i32, i32) {
    %c0_i32 = arith.constant 0 : i32
    %c0_i32_0 = arith.constant 0 : i32
    %c0_i32_1 = arith.constant 0 : i32
    return %c0_i32, %c0_i32_0 : i32, i32
  }
  func.func @transform_17(%arg0: i32) -> (i32, i32) {
    %c0_i32 = arith.constant 0 : i32
    %c0_i32_0 = arith.constant 0 : i32
    %c0_i32_1 = arith.constant 0 : i32
    return %c0_i32, %c0_i32_0 : i32, i32
  }
  func.func @transform_18(%arg0: i32) -> (i32, i32) {
    %c0_i32 = arith.constant 0 : i32
    %c0_i32_0 = arith.constant 0 : i32
    %c0_i32_1 = arith.constant 0 : i32
    return %c0_i32, %c0_i32_0 : i32, i32
  }
}

</mosaic_0001>

<sc_bundles>
// kernel: kernel.13.cloned.1.call-start
scs
__scs_entry_jumppad:
0x0: {  	(pc) =	sbr.rel $0x88, $3  }
0x1: {  	(tag) =	ssettag $0x0;
	lr =	simm.s32 $0x1  }
0x2: {  	[smem:$0x3F8D] =	sst lr;
	_ =	strace $0xD0000000  }
0x3: {  	_ = 	snop  }
0x4: {  	_ = 	snop  }
0x5: {  	_ = 	snop  }
0x6: {  	_ = 	snop  }
0x7: {  	_ = 	snop  }
__scs_overlays_trampoline_lowered:
0x8: {  	[smem:$0x3F9C] =	sst s0  }
0x9: {  	[smem:$0x3F9D] =	sst s1  }
0xa: {  	[smem:$0x3F9E] =	sst s2  }
0xb: {  	[smem:$0x3F9F] =	sst s3  }
0xc: {  	[smem:$0x3FA0] =	sst s4  }
0xd: {  	[smem:$0x3FA1] =	sst s5  }
0xe: {  	[smem:$0x3FA2] =	sst s6  }
0xf: {  	[smem:$0x3FA3] =	sst s7  }
0x10: {  	[smem:$0x3FA4] =	sst s8  }
0x11: {  	[smem:$0x3FA5] =	sst s9;
	s0 =	simm.s32 @!p0 $0x0  }
0x12: {  	s1 =	sld [smem:$0x3F8B];
	s0 =	simm.s32 @p0 $0x1  }
0x13: {  	[smem:$0x3FA6] =	sst s0;
	s0 =	simm.s32 @!p1 $0x0  }
0x14: {  	s2 =	sld [smem:$0x3F8A];
	s0 =	simm.s32 @p1 $0x1  }
0x15: {  	[smem:$0x3FA7] =	sst s0;
	s0 =	simm.s32 @!p2 $0x0  }
0x16: {  	s3 =	sld [smem:$0x3FDB];
	s0 =	simm.s32 @p2 $0x1  }
0x17: {  	s4 =	simm.s32 $0x1BF5;
	[smem:$0x3FA9] =	sst s0  }
0x18: {  	s0 =	sld [smem:$0x3F8C];
	_ =	swait.ge [sflag:s4], $0x0  }
0x19: {  	s7 =	sld [smem:$0x3F8D]  }
0x1a: {  	s8 =	sadd.s32 $0xFFFFE003, lr  }
0x1b: {  	s9 =	sadd.s32 $0xFFFFFEF7, lr;
	s5 =	simm.s32 $0xFFFFFFFF;
	p2 =	slt.u32 s8, $0xFFFFF086  }
0x1c: {  	p1 =	slt.u32 s9, $0xF7A;
	s5 =	simm.s32 @!p2 $0x0  }
0x1d: {  	s5 =	simm.s32 @p1 $0x1;
	p0 =	seq.s32 s7, s2  }
0x1e: {  	s7 =	smul.u32 @!p0 $0xF7A, s2;
	p2 =	seq.s32 @!p0 s5, $0x0  }
0x1f: {  	s9 =	smul.u32 $0xF7A, s1;
	s8 =	simm.s32 @!p0 $0x1BF5;
	p2 =	por !p2, p0  }
0x20: {  	[sflag:s8] =	ssyncset.s32 @!p0 $0xFFFFF086;
	s6 =	sadd.s32 @!p0 s3, s7;
	s7 =	simm.s32 @!p0 $0x108  }
0x21: {  	s3 =	sadd.s32 s3, s9;
	s6 =	sadd.s32 @!p0 $0x88, s6;
	s7 =	simm.s32 @p2 $0x1082  }
0x22: {  	[simem:s7], [sflag:s8] =	dma.local @!p0 [hbm:s6], $0xF7A  }
0x23: {  	s9 =	sor.u32 $0xD0000000, s2;
	s6 =	simm.s32 $0x108;
	_ =	swait.ge @!p0 [sflag:s8], $0x0  }
0x24: {  	s3 =	sadd.s32 $0x88, s3;
	s6 =	simm.s32 @!p1 $0x1082;
	[sflag:s4] =	ssyncset.s32 $0xFFFFF086  }
0x25: {  	[simem:s6], [sflag:s4] =	dma.local [hbm:s3], $0xF7A  }
0x26: {  	[smem:$0x3F8D] =	sst s1;
	(tag) =	ssettag s2;
	_ =	strace s9  }
0x27: {  	s1 =	sld [smem:$0x3F9D]  }
0x28: {  	s2 =	sld [smem:$0x3F9E]  }
0x29: {  	s4 =	sld [smem:$0x3FA0]  }
0x2a: {  	p0 =	seq.s32 s5, $0x0;
	s5 =	sld [smem:$0x3FA1]  }
0x2b: {  	s6 =	sld [smem:$0x3FA2]  }
0x2c: {  	s7 =	sld [smem:$0x3FA3]  }
0x2d: {  	s3 =	simm.s32 $0x108;
	s8 =	sld [smem:$0x3FA4]  }
0x2e: {  	s3 =	simm.s32 @!p0 $0x1082;
	s9 =	sld [smem:$0x3FA5]  }
0x2f: {  	lr =	sadd.s32 s0, s3;
	s0 =	sld [smem:$0x3F9C]  }
0x30: {  	s3 =	sld [smem:$0x3F9F]  }
0x31: {  	[smem:$0x3FA8] =	sst s10  }
0x32: {  	s10 =	sld [smem:$0x3FA6];
	_ =	sdelay $0x3  }
0x33: {  	p0 =	seq.s32 s10, $0x1;
	s10 =	sld [smem:$0x3FA8];
	_ =	sdelay $0x3  }
0x34: {  	[smem:$0x3FA8] =	sst s10  }
0x35: {  	s10 =	sld [smem:$0x3FA7];
	_ =	sdelay $0x3  }
0x36: {  	p1 =	seq.s32 s10, $0x1;
	s10 =	sld [smem:$0x3FA8];
	_ =	sdelay $0x3  }
0x37: {  	[smem:$0x3FA8] =	sst s10  }
0x38: {  	s10 =	sld [smem:$0x3FA9]  }
0x39: {  	_ = 	snop;
	(pc) =	sbr.ind lr, $3  }
0x3a: {  	_ = 	snop  }
0x3b: {  	_ = 	snop  }
0x3c: {  	p2 =	seq.s32 s10, $0x1;
	s10 =	sld [smem:$0x3FA8]  }
0x3d: {  	_ =	shalt  }
0x3e: {  	_ =	shalt  }
0x3f: {  	_ =	shalt  }
0x40: {  	_ =	shalt  }
0x41: {  	_ =	shalt  }
0x42: {  	_ =	shalt  }
0x43: {  	_ =	shalt  }
0x44: {  	_ =	shalt  }
0x45: {  	_ =	shalt  }
0x46: {  	_ =	shalt  }
0x47: {  	_ =	shalt  }
0x48: {  	_ =	shalt  }
0x49: {  	_ =	shalt  }
0x4a: {  	_ =	shalt  }
0x4b: {  	_ =	shalt  }
0x4c: {  	_ =	shalt  }
0x4d: {  	_ =	shalt  }
0x4e: {  	_ =	shalt  }
0x4f: {  	_ =	shalt  }
0x50: {  	_ =	shalt  }
0x51: {  	_ =	shalt  }
0x52: {  	_ =	shalt  }
0x53: {  	_ =	shalt  }
0x54: {  	_ =	shalt  }
0x55: {  	_ =	shalt  }
0x56: {  	_ =	shalt  }
0x57: {  	_ =	shalt  }
0x58: {  	_ =	shalt  }
0x59: {  	_ =	shalt  }
0x5a: {  	_ =	shalt  }
0x5b: {  	_ =	shalt  }
0x5c: {  	_ =	shalt  }
0x5d: {  	_ =	shalt  }
0x5e: {  	_ =	shalt  }
0x5f: {  	_ =	shalt  }
0x60: {  	_ =	shalt  }
0x61: {  	_ =	shalt  }
0x62: {  	_ =	shalt  }
0x63: {  	_ =	shalt  }
0x64: {  	_ =	shalt  }
0x65: {  	_ =	shalt  }
0x66: {  	_ =	shalt  }
0x67: {  	_ =	shalt  }
0x68: {  	_ =	shalt  }
0x69: {  	_ =	shalt  }
0x6a: {  	_ =	shalt  }
0x6b: {  	_ =	shalt  }
0x6c: {  	_ =	shalt  }
0x6d: {  	_ =	shalt  }
0x6e: {  	_ =	shalt  }
0x6f: {  	_ =	shalt  }
0x70: {  	_ =	shalt  }
0x71: {  	_ =	shalt  }
0x72: {  	_ =	shalt  }
0x73: {  	_ =	shalt  }
0x74: {  	_ =	shalt  }
0x75: {  	_ =	shalt  }
0x76: {  	_ =	shalt  }
0x77: {  	_ =	shalt  }
0x78: {  	_ =	shalt  }
0x79: {  	_ =	shalt  }
0x7a: {  	_ =	shalt  }
0x7b: {  	_ =	shalt  }
0x7c: {  	_ =	shalt  }
0x7d: {  	_ =	shalt  }
0x7e: {  	_ =	shalt  }
0x7f: {  	_ =	shalt  }
0x80: {  	_ =	shalt  }
0x81: {  	_ =	shalt  }
0x82: {  	_ =	shalt  }
0x83: {  	_ =	shalt  }
0x84: {  	_ =	shalt  }
0x85: {  	_ =	shalt  }
0x86: {  	_ =	shalt  }
0x87: {  	_ =	shalt  }
.Lfunc_end0:
.L_simem_size_0:
called_computation_lowered:
.L_overlay_start_0:
0x88: {  	s2 =	sld [smem:$0x3FD9]  }
0x89: {  	s3 =	sld [smem:$0x3FFE];
	_ =	sdelay $0x1  }
0x8a: {  	s1 =	srdreg.scid  }
0x8b: {  	s0 =	sand.u32 $0x1, s1  }
0x8c: {  	s16 =	sshll.u32 s0, $0xA;
	s2 =	sadd.s32 s3, s2  }
0x8d: {  	s2 =	sadd.s32 s2, s16  }
0x8e: {  	[smem:$0x3FB4] =	sst s2  }
0x8f: {  	_ = 	snop  }
0x90: {  	(tm) =	ssettm $0x1  }
0x91: {  	s17 =	sld [smem:$0x3FFB];
	_ =	sdelay $0x3  }
0x92: {  	_ =	strace s17  }
0x93: {  	s2 =	sld [smem:$0x3FFC];
	_ =	sdelay $0x3  }
0x94: {  	_ =	strace s2  }
0x95: {  	s2 =	sld [smem:$0x3FFD];
	_ =	sdelay $0x3  }
0x96: {  	_ =	strace s2  }
0x97: {  	_ =	strace $0x8FFFFFFF  }
0x98: {  	s18 =	sld [smem:$0x3FDB];
	_ =	sdelay $0x1  }
0x99: {  	s19 =	simm.s32 $_scs_section_size  }
0x9a: {  	s4 =	simm.s32 $_size__tile_overlayer_lowered;
	s5 =	simm.s32 $_tile_overlayer_lowered  }
0x9b: {  	s22 =	simm.s32 $0x1BFF;
	s21 =	sshll.u32 s5, $0x1;
	s2 =	sadd.s32 s19, s18  }
0x9c: {  	s6 =	simm.s32 $0x0;
	s20 =	sshll.u32 s4, $0x1;
	s4 =	sadd.s32 s21, s2  }
0x9d: {  	[timem:s6], [sflag:s22] =	dma.local [hbm:s4], s20  }
0x9e: {  	_ =	swait.ge [sflag:s22], s20  }
0x9f: {  	s3 =	ssub.s32 $0x0, s20;
	[sflag:s22] =	ssyncset.done $0x0  }
0xa0: {  	[sflag:s22] =	ssyncadd.s32 s3;
	_ =	sdelay $0x1  }
0xa1: {  	s23 =	simm.s32 $0x1B8B  }
0xa2: {  	_ =	swait.ge [sflag:s23], $0x1  }
0xa3: {  	[sflag:s23] =	ssyncset.done $0x0  }
0xa4: {  	s25 =	simm.s32 $0x1B8E;
	s24 =	sld [smem:$0x3FFE];
	[sflag:s23] =	ssyncadd.s32 $0xFFFFFFFF  }
0xa5: {  	s26 =	simm.s32 $execute0_lowered;
	[smem:$0x3FD2] =	sst s25  }
0xa6: {  	s4 =	sshll.u32 s26, $0x1;
	_ =	strace $0x80000046;
	[dreg:$0x1] =	wrdreg $0xFFFFFFFF  }
0xa7: {  	s28 =	simm.s32 $_size_execute0_lowered;
	s2 =	sadd.s32 s2, s4;
	[dreg:$0x0] =	wrdreg $0x0  }
0xa8: {  	s4 =	sshll.u32 s28, $0x1;
	[dreg:$0x2] =	wrdreg s2  }
0xa9: {  	[dreg:$0x3] =	wrdreg s4  }
0xaa: {  	[dreg:$0x4] =	wrdreg $0xC0  }
0xab: {  	_ =	task [dreg:s6], $0x5FFFF  }
0xac: {  	[dreg:$0x1] =	wrdreg $0xFFFFFFFF  }
0xad: {  	[dreg:$0x0] =	wrdreg $0x60  }
0xae: {  	[dreg:$0x2] =	wrdreg s24  }
0xaf: {  	[dreg:$0x3] =	wrdreg $0x0  }
0xb0: {  	[dreg:$0x4] =	wrdreg $0x9  }
0xb1: {  	_ =	task.clear_ibuf [dreg:s6], $0x5FFFF;
	_ =	strace $0x90000046  }
0xb2: {  	s29 =	simm.s32 $0x9;
	_ =	strace $0x80000048  }
0xb3: {  	_ =	swait.ge [sflag:s29], $0x1  }
0xb4: {  	[sflag:s29] =	ssyncadd.s32 $0xFFFFFFFF  }
0xb5: {  	_ =	strace $0x90000048  }
0xb6: {  	_ =	sfence  }
0xb7: {  	s30 =	sld [smem:$0x0];
	_ =	sdelay $0x2  }
0xb8: {  	s31 =	sshll.u32 s1, $0xD;
	s1 =	sshrl.u32 s1, $0x2  }
0xb9: {  	s3 =	sand.u32 $0x4000, s31;
	s1 =	sadd.s32 s1, s30  }
0xba: {  	s0 =	sor.u32 s3, s0;
	s1 =	sshll.u32 s1, $0x11  }
0xbb: {  	s0 =	sor.u32 s1, s0  }
0xbc: {  	s0 =	sadd.s32 $0x8F2B, s0  }
0xbd: {  	[sflag:s0] =	ssyncadd.remote.s32 $0x1  }
0xbe: {  	_ =	sfence.sel $0xFFFF  }
0xbf: {  	[dreg:$0x0] =	wrdreg $0xFFFFFFFF;
	(pc) =	sbr.abs _section_cstart, $3  }
0xc0: {  	[dreg:$0x1] =	wrdreg $0xFFFFFFFF  }
0xc1: {  	_ =	task.clear_ibuf [dreg:s6], $0x2FFFF;
	_ =	strace $0x9FFFFFFF  }
0xc2: {  	(tm) =	ssettm $0x7FFFFFFF  }
0xc3: {  	_ =	shalt  }
tec
execute0_lowered:
.L_overlay_start_1:
0x0: {  	(tag) =	ssettag $0x1  }
0x1: {  	s0 =	rddreg [dreg:$0x0]  }
0x2: {  	s2 =	rddreg [dreg:$0x1]  }
0x3: {  	s3 =	simm.s32 $0x0;
	s1 =	srdreg.scid;
	s12 =	stileid.u32  }
0x4: {  	s17 =	simm.s32 $0x7;
	s28 =	simm.s32 $0x1AC00;
	s29 =	simm.s32 $0x3  }
0x5: {  	s30 =	simm.s32 $0x6;
	s31 =	simm.s32 $0x2;
	[smem:$0x7FF] =	sst s3  }
0x6: {  	s1 =	sand.u32 $0x1, s1;
	s6 =	smul.u32 $0x18800, s12;
	s4 =	sadd.s32 $0x3F400, s0  }
0x7: {  	s5 =	sadd.s32 $0xE600, s0;
	s8 =	sadd.s32 $0x70200, s0;
	s11 =	smul.u32 $0xC400, s12  }
0x8: {  	s14 =	sadd.s32 $0x88A00, s0;
	s13 =	sadd.s32 $0xB400, s0;
	s24 =	smul.u32 $0x1880, s12  }
0x9: {  	s19 =	sshll.u32 s12, $0x6;
	_ =	strace $0x80000047;
	s7 =	smul.u32 $0x188000, s1  }
0xa: {  	s9 =	ssub.s32 $0x2, s1;
	[dreg:$0x3] =	wrdreg s13;
	p0 =	seq.s32 s1, $0x1  }
0xb: {  	s10 =	sshrl.u32 s9, $0x1;
	s15 =	sadd.s32 s6, s2;
	s20 =	sshrl.u32 s11, $0x3  }
0xc: {  	s25 =	sadd.s32 s24, s14;
	s26 =	sadd.s32 s24, s8;
	s24 =	simm.s32 $0x18C00  }
0xd: {  	s7 =	sadd.s32 s6, s7;
	s18 =	ssub.s32 s9, s10;
	s21 =	sadd.s32 s8, s20  }
0xe: {  	s22 =	sadd.s32 s14, s20;
	s23 =	sor.u32 $0x20, s20;
	s6 =	sadd.s32 $0x40, s26  }
0xf: {  	s16 =	sshrl.u32 s15, $0x3;
	s20 =	simm.s32 $0x18900;
	[dreg:$0x4] =	wrdreg s21  }
0x10: {  	s26 =	simm.s32 $0x5;
	s7 =	sshrl.u32 s7, $0x3;
	[dreg:$0x5] =	wrdreg s22  }
.Ltmp0:
0x11: {  	s10 =	sadd.s32 s8, s23;
	s11 =	sadd.s32 s14, s23;
	(pc) =	sbr.rel .LBB2_1-.Ltmp0, $4  }
0x12: {  	s13 =	smax.u32 s18, $0x1;
	s8 =	sadd.s32 $0x40, s25;
	s18 =	simm.s32 $0x18800  }
0x13: {  	s21 =	simm.s32 $0x18B00;
	s22 =	simm.s32 $0x1;
	s23 =	simm.s32 $0x100  }
0x14: {  	s25 =	simm.s32 $0x4;
	s0 =	sadd.s32 s7, s0;
	s7 =	sor.u32 $0x1C07, s19  }
0x15: {  	s19 =	simm.s32 $0x18A00;
	s12 =	sadd.s32 $0xA1200, s0;
	s0 =	simm.s32 $0x0  }
.LBB2_21:
0x16: {  	_ =	swait.ge [sflag:s29], $0x2000  }
0x17: {  	[sflag:s29] =	ssyncset.done $0x0  }
0x18: {  	[sflag:s29] =	ssyncadd.s32 $0xFFFFE000  }
0x19: {  	_ =	swait.ge [sflag:s30], $0x2000  }
0x1a: {  	[sflag:s30] =	ssyncset.done $0x0  }
0x1b: {  	[sflag:s30] =	ssyncadd.s32 $0xFFFFE000  }
0x1c: {  	_ =	swait.ge [sflag:s31], $0x100  }
0x1d: {  	[sflag:s31] =	ssyncset.done $0x0  }
0x1e: {  	[sflag:s31] =	ssyncadd.s32 $0xFFFFFF00  }
0x1f: {  	_ =	swait.ge [sflag:s31], $0x100  }
0x20: {  	[sflag:s31] =	ssyncset.done $0x0  }
0x21: {  	[sflag:s31] =	ssyncadd.s32 $0xFFFFFF00  }
0x22: {  	[tilespmem:s28], [sflag:$0x4] =	stream.indirect.gather [hbm4b:s5+s23], $0x20, s20, s23, $0xb8;
	[tilespmem:$0x1CC00] =	vst v63  }
0x23: {  	_ = 	snop  }
0x24: {  	[spmem:s2] =	stream.indirect.scatter.add.f32 [tilespmem:s24], [sflag:$0x5], $0x20, s19, s23, $0xb8;
	[tilespmem:$0x1CC00] =	vst v63  }
.LBB2_22:
0x25: {  	_ =	swait.ge [sflag:s25], $0x2000  }
0x26: {  	[sflag:s25] =	ssyncset.done $0x0  }
0x27: {  	[sflag:s25] =	ssyncadd.s32 $0xFFFFE000  }
0x28: {  	[spmem:s2] =	stream.indirect.scatter.add.f32 [tilespmem:s28], [sflag:$0x6], $0x20, s21, s23, $0xb8;
	[tilespmem:$0x1CC00] =	vst v63  }
0x29: {  	_ =	swait.ge [sflag:s26], $0x2000  }
0x2a: {  	[sflag:s26] =	ssyncset.done $0x0  }
0x2b: {  	[sflag:s26] =	ssyncadd.s32 $0xFFFFE000  }
0x2c: {  	_ =	swait.ge [sflag:s30], $0x2000  }
0x2d: {  	[sflag:s30] =	ssyncset.done $0x0  }
0x2e: {  	s0 =	sadd.s32 $0x1, s0;
	[sflag:s30] =	ssyncadd.s32 $0xFFFFE000  }
0x2f: {  	p1 =	sne.s32 s0, s13;
	[bflag:$0x0] =	sbarrier.arrive $0xFFFF  }
0x30: {  	[hbm:s12], [sflag:s7] =	dma.local [spmem:s16], $0x3100  }
.Ltmp1:
0x31: {  	_ =	swait.ge [sflag:s17], $0x3100;
	(pc) =	sbr.rel @!p1 .LBB2_23-.Ltmp1, $3  }
0x32: {  	[sflag:s17] =	ssyncset.done $0x0  }
0x33: {  	[sflag:s17] =	ssyncadd.s32 $0xFFFFCF00  }
0x34: {  	[bflag:$0x0] =	sbarrier.arrive $0xFFFF;
	_ =	sdelay $0x1  }
.LBB2_1:
0x35: {  	s1 =	rddreg [dreg:$0x3]  }
0x36: {  	[spmem:s16], [sflag:s7] =	dma.local [hbm:s1], $0x3100  }
0x37: {  	_ =	swait.ge [sflag:s17], $0x3100  }
0x38: {  	[sflag:s17] =	ssyncset.done $0x0  }
0x39: {  	[sflag:s17] =	ssyncadd.s32 $0xFFFFCF00  }
0x3a: {  	[bflag:$0x0] =	sbarrier.arrive $0xFFFF  }
0x3b: {  	s14 =	rddreg [dreg:$0x4]  }
0x3c: {  	[tilespmem:s18], [sflag:$0x1] =	stream.linear.gather [hbm4b:s14+s3], $0x100, $0x38;
	[tilespmem:$0x1CC00] =	vst v63  }
0x3d: {  	s15 =	rddreg [dreg:$0x5]  }
0x3e: {  	[tilespmem:s19], [sflag:$0x1] =	stream.linear.gather [hbm4b:s15+s3], $0x100, $0x38;
	[tilespmem:$0x1CC00] =	vst v63  }
0x3f: {  	_ = 	snop  }
0x40: {  	[tilespmem:s20], [sflag:$0x2] =	stream.linear.gather [hbm4b:s10+s3], $0x100, $0x38;
	[tilespmem:$0x1CC00] =	vst v63  }
0x41: {  	_ = 	snop  }
0x42: {  	[tilespmem:s21], [sflag:$0x2] =	stream.linear.gather [hbm4b:s11+s3], $0x100, $0x38;
	[tilespmem:$0x1CC00] =	vst v63  }
0x43: {  	_ =	swait.ge [sflag:s22], $0x100  }
.Ltmp2:
0x44: {  	[sflag:s22] =	ssyncset.done $0x0;
	(pc) =	sbr.rel @!p0 .LBB2_2-.Ltmp2, $4  }
0x45: {  	[sflag:s22] =	ssyncadd.s32 $0xFFFFFF00  }
0x46: {  	_ =	swait.ge [sflag:s22], $0x100  }
0x47: {  	[sflag:s22] =	ssyncset.done $0x0  }
0x48: {  	[sflag:s22] =	ssyncadd.s32 $0xFFFFFF00  }
.Ltmp3:
0x49: {  	(pc) =	sbr.rel .LBB2_13-.Ltmp3, $3  }
0x4a: {  	_ =	sdelay $0x1  }
0x4b: {  	[tilespmem:s24], [sflag:$0x3] =	stream.indirect.gather [hbm4b:s5+s23], $0x20, s18, s23, $0xb8;
	[tilespmem:$0x1CC00] =	vst v63  }
0x4c: {  	s1 =	simm.s32 $0x0;
	s15 =	smov.u32 s6;
	s14 =	smov.u32 s8  }
.LBB2_19:
0x4d: {  	_ =	swait.ge [sflag:s25], $0x2000  }
0x4e: {  	[sflag:s25] =	ssyncset.done $0x0  }
0x4f: {  	[sflag:s25] =	ssyncadd.s32 $0xFFFFE000  }
0x50: {  	_ =	swait.ge [sflag:s26], $0x2000  }
0x51: {  	[sflag:s26] =	ssyncset.done $0x0  }
0x52: {  	[sflag:s26] =	ssyncadd.s32 $0xFFFFE000  }
0x53: {  	_ =	swait.ge [sflag:s22], $0x100  }
0x54: {  	[sflag:s22] =	ssyncset.done $0x0  }
0x55: {  	[sflag:s22] =	ssyncadd.s32 $0xFFFFFF00  }
0x56: {  	_ =	swait.ge [sflag:s22], $0x100  }
0x57: {  	[sflag:s22] =	ssyncset.done $0x0  }
0x58: {  	[sflag:s22] =	ssyncadd.s32 $0xFFFFFF00  }
0x59: {  	[tilespmem:s24], [sflag:$0x3] =	stream.indirect.gather [hbm4b:s5+s23], $0x20, s18, s23, $0xb8;
	[tilespmem:$0x1CC00] =	vst v63  }
0x5a: {  	_ = 	snop  }
0x5b: {  	[spmem:s2] =	stream.indirect.scatter.add.f32 [tilespmem:s28], [sflag:$0x6], $0x20, s21, s23, $0xb8;
	[tilespmem:$0x1CC00] =	vst v63  }
0x5c: {  	_ = 	snop  }
0x5d: {  	[tilespmem:s20], [sflag:$0x2] =	stream.linear.gather [hbm4b:s15+s3], $0x100, $0x38;
	[tilespmem:$0x1CC00] =	vst v63  }
0x5e: {  	_ = 	snop  }
0x5f: {  	[tilespmem:s21], [sflag:$0x2] =	stream.linear.gather [hbm4b:s14+s3], $0x100, $0x38;
	[tilespmem:$0x1CC00] =	vst v63  }
.LBB2_20:
0x60: {  	s1 =	sadd.s32 $0x1, s1  }
0x61: {  	p1 =	sne.s32 s1, $0xC2  }
.Ltmp4:
0x62: {  	_ = 	snop;
	(pc) =	sbr.rel @!p1 .LBB2_21-.Ltmp4, $2  }
0x63: {  	_ =	sdelay $0x2  }
0x64: {  	s14 =	sadd.s32 $0x20, s14;
	s15 =	sadd.s32 $0x20, s15  }
.LBB2_13:
0x65: {  	s9 =	sand.u32 $0x1, s1  }
0x66: {  	p1 =	seq.s32 s9, $0x1  }
.Ltmp5:
0x67: {  	_ = 	snop;
	(pc) =	sbr.rel @p1 .LBB2_19-.Ltmp5, $1  }
0x68: {  	_ =	sdelay $0x3  }
0x69: {  	p1 =	seq.s32 s1, $0x0  }
.Ltmp6:
0x6a: {  	_ = 	snop;
	(pc) =	sbr.rel @p1 .LBB2_18-.Ltmp6, $4  }
0x6b: {  	_ = 	snop  }
0x6c: {  	_ =	swait.ge [sflag:s29], $0x2000  }
0x6d: {  	[sflag:s29] =	ssyncset.done $0x0  }
0x6e: {  	[sflag:s29] =	ssyncadd.s32 $0xFFFFE000  }
0x6f: {  	p1 =	sne.s32 s1, $0xC3  }
.Ltmp7:
0x70: {  	_ = 	snop;
	(pc) =	sbr.rel @p1 .LBB2_17-.Ltmp7, $1  }
0x71: {  	_ =	sdelay $0x3  }
.Ltmp8:
0x72: {  	(pc) =	sbr.rel .LBB2_20-.Ltmp8, $2  }
0x73: {  	_ =	sdelay $0x2  }
0x74: {  	[spmem:s2] =	stream.indirect.scatter.add.f32 [tilespmem:s24], [sflag:$0x5], $0x20, s19, s23, $0xb8;
	[tilespmem:$0x1CC00] =	vst v63  }
.LBB2_17:
0x75: {  	_ =	swait.ge [sflag:s30], $0x2000  }
0x76: {  	[sflag:s30] =	ssyncset.done $0x0  }
0x77: {  	[sflag:s30] =	ssyncadd.s32 $0xFFFFE000  }
.LBB2_18:
0x78: {  	_ =	swait.ge [sflag:s31], $0x100  }
0x79: {  	[sflag:s31] =	ssyncset.done $0x0  }
0x7a: {  	[sflag:s31] =	ssyncadd.s32 $0xFFFFFF00  }
0x7b: {  	_ =	swait.ge [sflag:s31], $0x100  }
0x7c: {  	[sflag:s31] =	ssyncset.done $0x0  }
0x7d: {  	[sflag:s31] =	ssyncadd.s32 $0xFFFFFF00  }
0x7e: {  	[tilespmem:s28], [sflag:$0x4] =	stream.indirect.gather [hbm4b:s5+s23], $0x20, s20, s23, $0xb8;
	[tilespmem:$0x1CC00] =	vst v63  }
0x7f: {  	_ = 	snop  }
0x80: {  	[spmem:s2] =	stream.indirect.scatter.add.f32 [tilespmem:s24], [sflag:$0x5], $0x20, s19, s23, $0xb8;
	[tilespmem:$0x1CC00] =	vst v63  }
.Ltmp9:
0x81: {  	_ = 	snop;
	(pc) =	sbr.rel .LBB2_20-.Ltmp9, $4  }
0x82: {  	_ = 	snop  }
0x83: {  	[tilespmem:s18], [sflag:$0x1] =	stream.linear.gather [hbm4b:s15+s3], $0x100, $0x38;
	[tilespmem:$0x1CC00] =	vst v63  }
0x84: {  	_ = 	snop  }
0x85: {  	[tilespmem:s19], [sflag:$0x1] =	stream.linear.gather [hbm4b:s14+s3], $0x100, $0x38;
	[tilespmem:$0x1CC00] =	vst v63  }
.LBB2_2:
.Ltmp10:
0x86: {  	(pc) =	sbr.rel .LBB2_3-.Ltmp10, $3  }
0x87: {  	_ =	sdelay $0x1  }
0x88: {  	[tilespmem:s24], [sflag:$0x3] =	stream.indirect.gather [hbm4b:s4+s23], $0x20, s18, s23, $0xb8;
	[tilespmem:$0x1CC00] =	vst v63  }
0x89: {  	s1 =	simm.s32 $0x0;
	s15 =	smov.u32 s6;
	s14 =	smov.u32 s8  }
.LBB2_9:
0x8a: {  	_ =	swait.ge [sflag:s25], $0x2000  }
0x8b: {  	[sflag:s25] =	ssyncset.done $0x0  }
0x8c: {  	[sflag:s25] =	ssyncadd.s32 $0xFFFFE000  }
0x8d: {  	_ =	swait.ge [sflag:s26], $0x2000  }
0x8e: {  	[sflag:s26] =	ssyncset.done $0x0  }
0x8f: {  	[sflag:s26] =	ssyncadd.s32 $0xFFFFE000  }
0x90: {  	_ =	swait.ge [sflag:s22], $0x100  }
0x91: {  	[sflag:s22] =	ssyncset.done $0x0  }
0x92: {  	[sflag:s22] =	ssyncadd.s32 $0xFFFFFF00  }
0x93: {  	_ =	swait.ge [sflag:s22], $0x100  }
0x94: {  	[sflag:s22] =	ssyncset.done $0x0  }
0x95: {  	[sflag:s22] =	ssyncadd.s32 $0xFFFFFF00  }
0x96: {  	[tilespmem:s24], [sflag:$0x3] =	stream.indirect.gather [hbm4b:s4+s23], $0x20, s18, s23, $0xb8;
	[tilespmem:$0x1CC00] =	vst v63  }
0x97: {  	_ = 	snop  }
0x98: {  	[spmem:s2] =	stream.indirect.scatter.add.f32 [tilespmem:s28], [sflag:$0x6], $0x20, s21, s23, $0xb8;
	[tilespmem:$0x1CC00] =	vst v63  }
0x99: {  	_ = 	snop  }
0x9a: {  	[tilespmem:s20], [sflag:$0x2] =	stream.linear.gather [hbm4b:s15+s3], $0x100, $0x38;
	[tilespmem:$0x1CC00] =	vst v63  }
0x9b: {  	_ = 	snop  }
0x9c: {  	[tilespmem:s21], [sflag:$0x2] =	stream.linear.gather [hbm4b:s14+s3], $0x100, $0x38;
	[tilespmem:$0x1CC00] =	vst v63  }
.LBB2_10:
0x9d: {  	s1 =	sadd.s32 $0x1, s1  }
0x9e: {  	p1 =	seq.s32 s1, $0xC2  }
.Ltmp11:
0x9f: {  	_ = 	snop;
	(pc) =	sbr.rel @p1 .LBB2_11-.Ltmp11, $2  }
0xa0: {  	_ =	sdelay $0x2  }
0xa1: {  	s14 =	sadd.s32 $0x20, s14;
	s15 =	sadd.s32 $0x20, s15  }
.LBB2_3:
0xa2: {  	s9 =	sand.u32 $0x1, s1  }
0xa3: {  	p1 =	seq.s32 s9, $0x1  }
.Ltmp12:
0xa4: {  	_ = 	snop;
	(pc) =	sbr.rel @p1 .LBB2_9-.Ltmp12, $1  }
0xa5: {  	_ =	sdelay $0x3  }
0xa6: {  	p1 =	seq.s32 s1, $0x0  }
.Ltmp13:
0xa7: {  	_ = 	snop;
	(pc) =	sbr.rel @p1 .LBB2_8-.Ltmp13, $4  }
0xa8: {  	_ = 	snop  }
0xa9: {  	_ =	swait.ge [sflag:s29], $0x2000  }
0xaa: {  	[sflag:s29] =	ssyncset.done $0x0  }
0xab: {  	[sflag:s29] =	ssyncadd.s32 $0xFFFFE000  }
0xac: {  	p1 =	sne.s32 s1, $0xC3  }
.Ltmp14:
0xad: {  	_ = 	snop;
	(pc) =	sbr.rel @p1 .LBB2_7-.Ltmp14, $1  }
0xae: {  	_ =	sdelay $0x3  }
.Ltmp15:
0xaf: {  	(pc) =	sbr.rel .LBB2_10-.Ltmp15, $2  }
0xb0: {  	_ =	sdelay $0x2  }
0xb1: {  	[spmem:s2] =	stream.indirect.scatter.add.f32 [tilespmem:s24], [sflag:$0x5], $0x20, s19, s23, $0xb8;
	[tilespmem:$0x1CC00] =	vst v63  }
.LBB2_7:
0xb2: {  	_ =	swait.ge [sflag:s30], $0x2000  }
0xb3: {  	[sflag:s30] =	ssyncset.done $0x0  }
0xb4: {  	[sflag:s30] =	ssyncadd.s32 $0xFFFFE000  }
.LBB2_8:
0xb5: {  	_ =	swait.ge [sflag:s31], $0x100  }
0xb6: {  	[sflag:s31] =	ssyncset.done $0x0  }
0xb7: {  	[sflag:s31] =	ssyncadd.s32 $0xFFFFFF00  }
0xb8: {  	_ =	swait.ge [sflag:s31], $0x100  }
0xb9: {  	[sflag:s31] =	ssyncset.done $0x0  }
0xba: {  	[sflag:s31] =	ssyncadd.s32 $0xFFFFFF00  }
0xbb: {  	[tilespmem:s28], [sflag:$0x4] =	stream.indirect.gather [hbm4b:s4+s23], $0x20, s20, s23, $0xb8;
	[tilespmem:$0x1CC00] =	vst v63  }
0xbc: {  	_ = 	snop  }
0xbd: {  	[spmem:s2] =	stream.indirect.scatter.add.f32 [tilespmem:s24], [sflag:$0x5], $0x20, s19, s23, $0xb8;
	[tilespmem:$0x1CC00] =	vst v63  }
.Ltmp16:
0xbe: {  	_ = 	snop;
	(pc) =	sbr.rel .LBB2_10-.Ltmp16, $4  }
0xbf: {  	_ = 	snop  }
0xc0: {  	[tilespmem:s18], [sflag:$0x1] =	stream.linear.gather [hbm4b:s15+s3], $0x100, $0x38;
	[tilespmem:$0x1CC00] =	vst v63  }
0xc1: {  	_ = 	snop  }
0xc2: {  	[tilespmem:s19], [sflag:$0x1] =	stream.linear.gather [hbm4b:s14+s3], $0x100, $0x38;
	[tilespmem:$0x1CC00] =	vst v63  }
.LBB2_11:
0xc3: {  	_ =	swait.ge [sflag:s29], $0x2000  }
0xc4: {  	[sflag:s29] =	ssyncset.done $0x0  }
0xc5: {  	[sflag:s29] =	ssyncadd.s32 $0xFFFFE000  }
0xc6: {  	_ =	swait.ge [sflag:s30], $0x2000  }
0xc7: {  	[sflag:s30] =	ssyncset.done $0x0  }
0xc8: {  	[sflag:s30] =	ssyncadd.s32 $0xFFFFE000  }
0xc9: {  	_ =	swait.ge [sflag:s31], $0x100  }
0xca: {  	[sflag:s31] =	ssyncset.done $0x0  }
0xcb: {  	[sflag:s31] =	ssyncadd.s32 $0xFFFFFF00  }
0xcc: {  	_ =	swait.ge [sflag:s31], $0x100  }
.Ltmp17:
0xcd: {  	[sflag:s31] =	ssyncset.done $0x0;
	(pc) =	sbr.rel .LBB2_22-.Ltmp17, $4  }
0xce: {  	[sflag:s31] =	ssyncadd.s32 $0xFFFFFF00  }
0xcf: {  	[tilespmem:s28], [sflag:$0x4] =	stream.indirect.gather [hbm4b:s4+s23], $0x20, s20, s23, $0xb8;
	[tilespmem:$0x1CC00] =	vst v63  }
0xd0: {  	_ = 	snop  }
0xd1: {  	[spmem:s2] =	stream.indirect.scatter.add.f32 [tilespmem:s24], [sflag:$0x5], $0x20, s19, s23, $0xb8;
	[tilespmem:$0x1CC00] =	vst v63  }
.LBB2_23:
0xd2: {  	_ =	sfence.sel $0x180000  }
0xd3: {  	[bflag:$0x0] =	sbarrier.arrive $0xFFFF  }
0xd4: {  	_ =	strace $0x90000047  }
0xd5: {  	s0 =	stileid.u32;
	[bflag:$0x2] =	sbarrier.arrive $0xFFFF  }
0xd6: {  	p0 =	sne.s32 s0, $0x0;
	s0 =	rddreg [dreg:$0x2]  }
0xd7: {  	s0 =	sadd.s32 @!p0 $0x100000, s0  }
0xd8: {  	[sflag:s0] =	ssyncadd.tile.s32 @!p0 $0x1;
	_ =	shalt  }
.Lfunc_end2:
_tile_overlayer_lowered:
.L_overlay_start_2:
0xd9: {  	(tag) =	ssettag $0x2  }
0xda: {  	s0 =	rddreg [dreg:$0x0];
	s2 =	stileid.u32  }
0xdb: {  	s1 =	rddreg [dreg:$0x1];
	p0 =	sne.s32 s2, $0x0  }
0xdc: {  	s3 =	rddreg [dreg:$0x2];
	[bflag:$0x3] =	sbarrier.arrive $0xFFFF;
	s2 =	simm.s32 @!p0 $0x1C07  }
0xdd: {  	[timem:s3], [sflag:s2] =	dma.local @!p0 [hbm:s0], s1  }
0xde: {  	s0 =	simm.s32 @!p0 $0x7  }
0xdf: {  	_ =	swait.ge @!p0 [sflag:s0], s1  }
0xe0: {  	s1 =	ssub.s32 @!p0 $0x0, s1;
	[sflag:s0] =	ssyncset.done @!p0 $0x0  }
0xe1: {  	[sflag:s0] =	ssyncadd.s32 @!p0 s1  }
0xe2: {  	[bflag:$0x3] =	sbarrier.arrive $0xFFFF  }
0xe3: {  	_ =	shalt  }

// kernel: kernel.16.cloned.1.call-start
scs
__scs_entry_jumppad:
0x0: {  	(pc) =	sbr.rel $0x88, $3  }
0x1: {  	(tag) =	ssettag $0x0;
	lr =	simm.s32 $0x1  }
0x2: {  	[smem:$0x3F8D] =	sst lr;
	_ =	strace $0xD0000000  }
0x3: {  	_ = 	snop  }
0x4: {  	_ = 	snop  }
0x5: {  	_ = 	snop  }
0x6: {  	_ = 	snop  }
0x7: {  	_ = 	snop  }
__scs_overlays_trampoline_lowered:
0x8: {  	[smem:$0x3F9C] =	sst s0  }
0x9: {  	[smem:$0x3F9D] =	sst s1  }
0xa: {  	[smem:$0x3F9E] =	sst s2  }
0xb: {  	[smem:$0x3F9F] =	sst s3  }
0xc: {  	[smem:$0x3FA0] =	sst s4  }
0xd: {  	[smem:$0x3FA1] =	sst s5  }
0xe: {  	[smem:$0x3FA2] =	sst s6  }
0xf: {  	[smem:$0x3FA3] =	sst s7  }
0x10: {  	[smem:$0x3FA4] =	sst s8  }
0x11: {  	[smem:$0x3FA5] =	sst s9;
	s0 =	simm.s32 @!p0 $0x0  }
0x12: {  	s1 =	sld [smem:$0x3F8B];
	s0 =	simm.s32 @p0 $0x1  }
0x13: {  	[smem:$0x3FA6] =	sst s0;
	s0 =	simm.s32 @!p1 $0x0  }
0x14: {  	s2 =	sld [smem:$0x3F8A];
	s0 =	simm.s32 @p1 $0x1  }
0x15: {  	[smem:$0x3FA7] =	sst s0;
	s0 =	simm.s32 @!p2 $0x0  }
0x16: {  	s3 =	sld [smem:$0x3FDB];
	s0 =	simm.s32 @p2 $0x1  }
0x17: {  	s4 =	simm.s32 $0x1BF5;
	[smem:$0x3FA9] =	sst s0  }
0x18: {  	s0 =	sld [smem:$0x3F8C];
	_ =	swait.ge [sflag:s4], $0x0  }
0x19: {  	s7 =	sld [smem:$0x3F8D]  }
0x1a: {  	s8 =	sadd.s32 $0xFFFFE003, lr  }
0x1b: {  	s9 =	sadd.s32 $0xFFFFFEF7, lr;
	s5 =	simm.s32 $0xFFFFFFFF;
	p2 =	slt.u32 s8, $0xFFFFF086  }
0x1c: {  	p1 =	slt.u32 s9, $0xF7A;
	s5 =	simm.s32 @!p2 $0x0  }
0x1d: {  	s5 =	simm.s32 @p1 $0x1;
	p0 =	seq.s32 s7, s2  }
0x1e: {  	s7 =	smul.u32 @!p0 $0xF7A, s2;
	p2 =	seq.s32 @!p0 s5, $0x0  }
0x1f: {  	s9 =	smul.u32 $0xF7A, s1;
	s8 =	simm.s32 @!p0 $0x1BF5;
	p2 =	por !p2, p0  }
0x20: {  	[sflag:s8] =	ssyncset.s32 @!p0 $0xFFFFF086;
	s6 =	sadd.s32 @!p0 s3, s7;
	s7 =	simm.s32 @!p0 $0x108  }
0x21: {  	s3 =	sadd.s32 s3, s9;
	s6 =	sadd.s32 @!p0 $0x88, s6;
	s7 =	simm.s32 @p2 $0x1082  }
0x22: {  	[simem:s7], [sflag:s8] =	dma.local @!p0 [hbm:s6], $0xF7A  }
0x23: {  	s9 =	sor.u32 $0xD0000000, s2;
	s6 =	simm.s32 $0x108;
	_ =	swait.ge @!p0 [sflag:s8], $0x0  }
0x24: {  	s3 =	sadd.s32 $0x88, s3;
	s6 =	simm.s32 @!p1 $0x1082;
	[sflag:s4] =	ssyncset.s32 $0xFFFFF086  }
0x25: {  	[simem:s6], [sflag:s4] =	dma.local [hbm:s3], $0xF7A  }
0x26: {  	[smem:$0x3F8D] =	sst s1;
	(tag) =	ssettag s2;
	_ =	strace s9  }
0x27: {  	s1 =	sld [smem:$0x3F9D]  }
0x28: {  	s2 =	sld [smem:$0x3F9E]  }
0x29: {  	s4 =	sld [smem:$0x3FA0]  }
0x2a: {  	p0 =	seq.s32 s5, $0x0;
	s5 =	sld [smem:$0x3FA1]  }
0x2b: {  	s6 =	sld [smem:$0x3FA2]  }
0x2c: {  	s7 =	sld [smem:$0x3FA3]  }
0x2d: {  	s3 =	simm.s32 $0x108;
	s8 =	sld [smem:$0x3FA4]  }
0x2e: {  	s3 =	simm.s32 @!p0 $0x1082;
	s9 =	sld [smem:$0x3FA5]  }
0x2f: {  	lr =	sadd.s32 s0, s3;
	s0 =	sld [smem:$0x3F9C]  }
0x30: {  	s3 =	sld [smem:$0x3F9F]  }
0x31: {  	[smem:$0x3FA8] =	sst s10  }
0x32: {  	s10 =	sld [smem:$0x3FA6];
	_ =	sdelay $0x3  }
0x33: {  	p0 =	seq.s32 s10, $0x1;
	s10 =	sld [smem:$0x3FA8];
	_ =	sdelay $0x3  }
0x34: {  	[smem:$0x3FA8] =	sst s10  }
0x35: {  	s10 =	sld [smem:$0x3FA7];
	_ =	sdelay $0x3  }
0x36: {  	p1 =	seq.s32 s10, $0x1;
	s10 =	sld [smem:$0x3FA8];
	_ =	sdelay $0x3  }
0x37: {  	[smem:$0x3FA8] =	sst s10  }
0x38: {  	s10 =	sld [smem:$0x3FA9]  }
0x39: {  	_ = 	snop;
	(pc) =	sbr.ind lr, $3  }
0x3a: {  	_ = 	snop  }
0x3b: {  	_ = 	snop  }
0x3c: {  	p2 =	seq.s32 s10, $0x1;
	s10 =	sld [smem:$0x3FA8]  }
0x3d: {  	_ =	shalt  }
0x3e: {  	_ =	shalt  }
0x3f: {  	_ =	shalt  }
0x40: {  	_ =	shalt  }
0x41: {  	_ =	shalt  }
0x42: {  	_ =	shalt  }
0x43: {  	_ =	shalt  }
0x44: {  	_ =	shalt  }
0x45: {  	_ =	shalt  }
0x46: {  	_ =	shalt  }
0x47: {  	_ =	shalt  }
0x48: {  	_ =	shalt  }
0x49: {  	_ =	shalt  }
0x4a: {  	_ =	shalt  }
0x4b: {  	_ =	shalt  }
0x4c: {  	_ =	shalt  }
0x4d: {  	_ =	shalt  }
0x4e: {  	_ =	shalt  }
0x4f: {  	_ =	shalt  }
0x50: {  	_ =	shalt  }
0x51: {  	_ =	shalt  }
0x52: {  	_ =	shalt  }
0x53: {  	_ =	shalt  }
0x54: {  	_ =	shalt  }
0x55: {  	_ =	shalt  }
0x56: {  	_ =	shalt  }
0x57: {  	_ =	shalt  }
0x58: {  	_ =	shalt  }
0x59: {  	_ =	shalt  }
0x5a: {  	_ =	shalt  }
0x5b: {  	_ =	shalt  }
0x5c: {  	_ =	shalt  }
0x5d: {  	_ =	shalt  }
0x5e: {  	_ =	shalt  }
0x5f: {  	_ =	shalt  }
0x60: {  	_ =	shalt  }
0x61: {  	_ =	shalt  }
0x62: {  	_ =	shalt  }
0x63: {  	_ =	shalt  }
0x64: {  	_ =	shalt  }
0x65: {  	_ =	shalt  }
0x66: {  	_ =	shalt  }
0x67: {  	_ =	shalt  }
0x68: {  	_ =	shalt  }
0x69: {  	_ =	shalt  }
0x6a: {  	_ =	shalt  }
0x6b: {  	_ =	shalt  }
0x6c: {  	_ =	shalt  }
0x6d: {  	_ =	shalt  }
0x6e: {  	_ =	shalt  }
0x6f: {  	_ =	shalt  }
0x70: {  	_ =	shalt  }
0x71: {  	_ =	shalt  }
0x72: {  	_ =	shalt  }
0x73: {  	_ =	shalt  }
0x74: {  	_ =	shalt  }
0x75: {  	_ =	shalt  }
0x76: {  	_ =	shalt  }
0x77: {  	_ =	shalt  }
0x78: {  	_ =	shalt  }
0x79: {  	_ =	shalt  }
0x7a: {  	_ =	shalt  }
0x7b: {  	_ =	shalt  }
0x7c: {  	_ =	shalt  }
0x7d: {  	_ =	shalt  }
0x7e: {  	_ =	shalt  }
0x7f: {  	_ =	shalt  }
0x80: {  	_ =	shalt  }
0x81: {  	_ =	shalt  }
0x82: {  	_ =	shalt  }
0x83: {  	_ =	shalt  }
0x84: {  	_ =	shalt  }
0x85: {  	_ =	shalt  }
0x86: {  	_ =	shalt  }
0x87: {  	_ =	shalt  }
.Lfunc_end0:
.L_simem_size_0:
called_computation.1_lowered:
.L_overlay_start_0:
0x88: {  	s2 =	sld [smem:$0x3FD9]  }
0x89: {  	s3 =	sld [smem:$0x3FFE];
	_ =	sdelay $0x1  }
0x8a: {  	s1 =	srdreg.scid  }
0x8b: {  	s0 =	sand.u32 $0x1, s1  }
0x8c: {  	s17 =	sshll.u32 s0, $0xA;
	s2 =	sadd.s32 s3, s2  }
0x8d: {  	s2 =	sadd.s32 s2, s17  }
0x8e: {  	[smem:$0x3FB4] =	sst s2  }
0x8f: {  	_ = 	snop  }
0x90: {  	(tm) =	ssettm $0x1  }
0x91: {  	s18 =	sld [smem:$0x3FFB];
	_ =	sdelay $0x3  }
0x92: {  	_ =	strace s18  }
0x93: {  	s2 =	sld [smem:$0x3FFC];
	_ =	sdelay $0x3  }
0x94: {  	_ =	strace s2  }
0x95: {  	s2 =	sld [smem:$0x3FFD];
	_ =	sdelay $0x3  }
0x96: {  	_ =	strace s2  }
0x97: {  	_ =	strace $0x8FFFFFFF  }
0x98: {  	s19 =	sld [smem:$0x3FDB];
	_ =	sdelay $0x1  }
0x99: {  	s20 =	simm.s32 $_scs_section_size  }
0x9a: {  	s4 =	simm.s32 $_size__tile_overlayer_lowered;
	s5 =	simm.s32 $_tile_overlayer_lowered  }
0x9b: {  	s6 =	simm.s32 $0x1BFF;
	s21 =	sshll.u32 s5, $0x1;
	s3 =	sadd.s32 s20, s19  }
0x9c: {  	s22 =	simm.s32 $0x0;
	s4 =	sshll.u32 s4, $0x1;
	s5 =	sadd.s32 s21, s3  }
0x9d: {  	[timem:s22], [sflag:s6] =	dma.local [hbm:s5], s4  }
0x9e: {  	_ =	swait.ge [sflag:s6], s4  }
0x9f: {  	s4 =	ssub.s32 $0x0, s4;
	[sflag:s6] =	ssyncset.done $0x0  }
0xa0: {  	[sflag:s6] =	ssyncadd.s32 s4;
	_ =	sdelay $0x1  }
0xa1: {  	s23 =	simm.s32 $0x1B8B  }
0xa2: {  	_ =	swait.ge [sflag:s23], $0x1  }
0xa3: {  	[sflag:s23] =	ssyncset.done $0x0  }
0xa4: {  	[sflag:s23] =	ssyncadd.s32 $0xFFFFFFFF  }
0xa5: {  	s4 =	sld [smem:$0x0]  }
0xa6: {  	s5 =	sand.u32 $0xFFFFFFFE, s1  }
0xa7: {  	p0 =	sne.s32 s1, s5  }
0xa8: {  	s5 =	sshll.u32 @p0 s5, $0xE  }
0xa9: {  	s5 =	sadd.s32 @p0 $0x11B8D, s5;
	s6 =	sshll.u32 @p0 s4, $0x11  }
0xaa: {  	s5 =	sor.u32 @p0 s6, s5  }
0xab: {  	[sflag:s5] =	ssyncadd.remote.s32 @p0 $0x1;
	_ =	sdelay $0x1  }
0xac: {  	s5 =	simm.s32 @p0 $0x1B8D  }
0xad: {  	_ =	swait.eq @p0 [sflag:s5], $0x1  }
0xae: {  	[sflag:s5] =	ssyncadd.s32 @p0 $0xFFFFFFFF  }
0xaf: {  	s6 =	sshll.u32 @!p0 s1, $0xE  }
0xb0: {  	s6 =	sor.u32 @!p0 $0x4000, s6;
	s5 =	simm.s32 @!p0 $0x1B8D  }
0xb1: {  	s4 =	sshll.u32 @!p0 s4, $0x11;
	s6 =	sadd.s32 @!p0 $0x11B8D, s6;
	_ =	swait.eq @!p0 [sflag:s5], $0x1  }
0xb2: {  	s4 =	sor.u32 @!p0 s4, s6;
	[sflag:s5] =	ssyncadd.s32 @!p0 $0xFFFFFFFF  }
0xb3: {  	s25 =	simm.s32 $0x1B8E;
	s24 =	sld [smem:$0x3FFE];
	[sflag:s4] =	ssyncadd.remote.s32 @!p0 $0x1  }
0xb4: {  	s26 =	simm.s32 $execute0_lowered;
	[smem:$0x3FD2] =	sst s25  }
0xb5: {  	s5 =	sshll.u32 s26, $0x1;
	_ =	strace $0x8000004F;
	[dreg:$0x1] =	wrdreg $0xFFFFFFFF  }
0xb6: {  	s28 =	simm.s32 $_size_execute0_lowered;
	s3 =	sadd.s32 s3, s5;
	[dreg:$0x0] =	wrdreg $0x0  }
0xb7: {  	s5 =	sshll.u32 s28, $0x1;
	[dreg:$0x2] =	wrdreg s3  }
0xb8: {  	[dreg:$0x3] =	wrdreg s5  }
0xb9: {  	[dreg:$0x4] =	wrdreg $0xC0  }
0xba: {  	_ =	task [dreg:s22], $0x5FFFF  }
0xbb: {  	[dreg:$0x1] =	wrdreg $0xFFFFFFFF  }
0xbc: {  	[dreg:$0x0] =	wrdreg $0x60  }
0xbd: {  	[dreg:$0x2] =	wrdreg s24  }
0xbe: {  	[dreg:$0x3] =	wrdreg $0x0  }
0xbf: {  	[dreg:$0x4] =	wrdreg $0x9  }
0xc0: {  	_ =	task.clear_ibuf [dreg:s22], $0x5FFFF;
	_ =	strace $0x9000004F  }
0xc1: {  	s29 =	simm.s32 $0x9;
	_ =	strace $0x80000051  }
0xc2: {  	_ =	swait.ge [sflag:s29], $0x1  }
0xc3: {  	[sflag:s29] =	ssyncadd.s32 $0xFFFFFFFF  }
0xc4: {  	_ =	strace $0x90000051  }
0xc5: {  	_ =	sfence  }
0xc6: {  	s30 =	sld [smem:$0x0];
	_ =	sdelay $0x2  }
0xc7: {  	s31 =	sshll.u32 s1, $0xD;
	s1 =	sshrl.u32 s1, $0x2  }
0xc8: {  	s4 =	sand.u32 $0x4000, s31;
	s1 =	sadd.s32 s1, s30  }
0xc9: {  	s0 =	sor.u32 s4, s0;
	s1 =	sshll.u32 s1, $0x11  }
0xca: {  	s0 =	sor.u32 s1, s0  }
0xcb: {  	s0 =	sadd.s32 $0x8F2B, s0  }
0xcc: {  	[sflag:s0] =	ssyncadd.remote.s32 $0x1  }
0xcd: {  	_ =	sfence.sel $0xFFFF  }
0xce: {  	[dreg:$0x0] =	wrdreg $0xFFFFFFFF;
	(pc) =	sbr.abs _section_cstart, $3  }
0xcf: {  	[dreg:$0x1] =	wrdreg $0xFFFFFFFF  }
0xd0: {  	_ =	task.clear_ibuf [dreg:s22], $0x2FFFF;
	_ =	strace $0x9FFFFFFF  }
0xd1: {  	(tm) =	ssettm $0x7FFFFFFF  }
tec
execute0_lowered:
.L_overlay_start_1:
0x0: {  	(tag) =	ssettag $0x1  }
0x1: {  	s0 =	rddreg [dreg:$0x0]  }
0x2: {  	s1 =	rddreg [dreg:$0x1]  }
0x3: {  	s3 =	simm.s32 $0x0;
	s2 =	srdreg.scid;
	s12 =	stileid.u32  }
0x4: {  	s17 =	simm.s32 $0x7;
	s28 =	simm.s32 $0x1AC00;
	s29 =	simm.s32 $0x3  }
0x5: {  	s30 =	simm.s32 $0x6;
	s31 =	simm.s32 $0x2;
	[smem:$0x7FF] =	sst s3  }
0x6: {  	s2 =	sand.u32 $0x1, s2;
	s6 =	smul.u32 $0x18800, s12;
	s4 =	sadd.s32 $0x599A00, s0  }
0x7: {  	s5 =	sadd.s32 $0x568C00, s0;
	s8 =	sadd.s32 $0x70200, s0;
	s11 =	smul.u32 $0xC400, s12  }
0x8: {  	s14 =	sadd.s32 $0x88A00, s0;
	s13 =	sadd.s32 $0xB400, s0;
	s24 =	smul.u32 $0x1880, s12  }
0x9: {  	s19 =	sshll.u32 s12, $0x6;
	_ =	strace $0x80000050;
	s7 =	smul.u32 $0x188000, s2  }
0xa: {  	s9 =	ssub.s32 $0x2, s2;
	[dreg:$0x3] =	wrdreg s13;
	p0 =	seq.s32 s2, $0x1  }
0xb: {  	s10 =	sshrl.u32 s9, $0x1;
	s15 =	sadd.s32 s6, s1;
	s20 =	sshrl.u32 s11, $0x3  }
0xc: {  	s25 =	sadd.s32 s24, s14;
	s26 =	sadd.s32 s24, s8;
	s24 =	simm.s32 $0x18C00  }
0xd: {  	s7 =	sadd.s32 s6, s7;
	s18 =	ssub.s32 s9, s10;
	s21 =	sadd.s32 s8, s20  }
0xe: {  	s22 =	sadd.s32 s14, s20;
	s23 =	sor.u32 $0x20, s20;
	s6 =	sadd.s32 $0x40, s26  }
0xf: {  	s16 =	sshrl.u32 s15, $0x3;
	s20 =	simm.s32 $0x18900;
	[dreg:$0x4] =	wrdreg s21  }
0x10: {  	s26 =	simm.s32 $0x5;
	s7 =	sshrl.u32 s7, $0x3;
	[dreg:$0x5] =	wrdreg s22  }
.Ltmp0:
0x11: {  	s10 =	sadd.s32 s8, s23;
	s11 =	sadd.s32 s14, s23;
	(pc) =	sbr.rel .LBB2_1-.Ltmp0, $4  }
0x12: {  	s13 =	smax.u32 s18, $0x1;
	s8 =	sadd.s32 $0x40, s25;
	s18 =	simm.s32 $0x18800  }
0x13: {  	s21 =	simm.s32 $0x18B00;
	s22 =	simm.s32 $0x1;
	s23 =	simm.s32 $0x100  }
0x14: {  	s25 =	simm.s32 $0x4;
	s0 =	sadd.s32 s7, s0;
	s7 =	sor.u32 $0x1C07, s19  }
0x15: {  	s19 =	simm.s32 $0x18A00;
	s12 =	sadd.s32 $0x5CA800, s0;
	s0 =	simm.s32 $0x0  }
.LBB2_21:
0x16: {  	_ =	swait.ge [sflag:s29], $0x2000  }
0x17: {  	[sflag:s29] =	ssyncset.done $0x0  }
0x18: {  	[sflag:s29] =	ssyncadd.s32 $0xFFFFE000  }
0x19: {  	_ =	swait.ge [sflag:s30], $0x2000  }
0x1a: {  	[sflag:s30] =	ssyncset.done $0x0  }
0x1b: {  	[sflag:s30] =	ssyncadd.s32 $0xFFFFE000  }
0x1c: {  	_ =	swait.ge [sflag:s31], $0x100  }
0x1d: {  	[sflag:s31] =	ssyncset.done $0x0  }
0x1e: {  	[sflag:s31] =	ssyncadd.s32 $0xFFFFFF00  }
0x1f: {  	_ =	swait.ge [sflag:s31], $0x100  }
0x20: {  	[sflag:s31] =	ssyncset.done $0x0  }
0x21: {  	[sflag:s31] =	ssyncadd.s32 $0xFFFFFF00  }
0x22: {  	[tilespmem:s28], [sflag:$0x4] =	stream.indirect.gather [hbm4b:s5+s23], $0x20, s20, s23, $0xb8;
	[tilespmem:$0x1CC00] =	vst v63  }
0x23: {  	_ = 	snop  }
0x24: {  	[spmem:s1] =	stream.indirect.scatter.add.f32 [tilespmem:s24], [sflag:$0x5], $0x20, s19, s23, $0xb8;
	[tilespmem:$0x1CC00] =	vst v63  }
.LBB2_22:
0x25: {  	_ =	swait.ge [sflag:s25], $0x2000  }
0x26: {  	[sflag:s25] =	ssyncset.done $0x0  }
0x27: {  	[sflag:s25] =	ssyncadd.s32 $0xFFFFE000  }
0x28: {  	[spmem:s1] =	stream.indirect.scatter.add.f32 [tilespmem:s28], [sflag:$0x6], $0x20, s21, s23, $0xb8;
	[tilespmem:$0x1CC00] =	vst v63  }
0x29: {  	_ =	swait.ge [sflag:s26], $0x2000  }
0x2a: {  	[sflag:s26] =	ssyncset.done $0x0  }
0x2b: {  	[sflag:s26] =	ssyncadd.s32 $0xFFFFE000  }
0x2c: {  	_ =	swait.ge [sflag:s30], $0x2000  }
0x2d: {  	[sflag:s30] =	ssyncset.done $0x0  }
0x2e: {  	s0 =	sadd.s32 $0x1, s0;
	[sflag:s30] =	ssyncadd.s32 $0xFFFFE000  }
0x2f: {  	p1 =	sne.s32 s0, s13;
	[bflag:$0x0] =	sbarrier.arrive $0xFFFF  }
0x30: {  	[hbm:s12], [sflag:s7] =	dma.local [spmem:s16], $0x3100  }
.Ltmp1:
0x31: {  	_ =	swait.ge [sflag:s17], $0x3100;
	(pc) =	sbr.rel @!p1 .LBB2_23-.Ltmp1, $3  }
0x32: {  	[sflag:s17] =	ssyncset.done $0x0  }
0x33: {  	[sflag:s17] =	ssyncadd.s32 $0xFFFFCF00  }
0x34: {  	[bflag:$0x0] =	sbarrier.arrive $0xFFFF;
	_ =	sdelay $0x1  }
.LBB2_1:
0x35: {  	s2 =	rddreg [dreg:$0x3]  }
0x36: {  	[spmem:s16], [sflag:s7] =	dma.local [hbm:s2], $0x3100  }
0x37: {  	_ =	swait.ge [sflag:s17], $0x3100  }
0x38: {  	[sflag:s17] =	ssyncset.done $0x0  }
0x39: {  	[sflag:s17] =	ssyncadd.s32 $0xFFFFCF00  }
0x3a: {  	[bflag:$0x0] =	sbarrier.arrive $0xFFFF  }
0x3b: {  	s14 =	rddreg [dreg:$0x4]  }
0x3c: {  	[tilespmem:s18], [sflag:$0x1] =	stream.linear.gather [hbm4b:s14+s3], $0x100, $0x38;
	[tilespmem:$0x1CC00] =	vst v63  }
0x3d: {  	s15 =	rddreg [dreg:$0x5]  }
0x3e: {  	[tilespmem:s19], [sflag:$0x1] =	stream.linear.gather [hbm4b:s15+s3], $0x100, $0x38;
	[tilespmem:$0x1CC00] =	vst v63  }
0x3f: {  	_ = 	snop  }
0x40: {  	[tilespmem:s20], [sflag:$0x2] =	stream.linear.gather [hbm4b:s10+s3], $0x100, $0x38;
	[tilespmem:$0x1CC00] =	vst v63  }
0x41: {  	_ = 	snop  }
0x42: {  	[tilespmem:s21], [sflag:$0x2] =	stream.linear.gather [hbm4b:s11+s3], $0x100, $0x38;
	[tilespmem:$0x1CC00] =	vst v63  }
0x43: {  	_ =	swait.ge [sflag:s22], $0x100  }
.Ltmp2:
0x44: {  	[sflag:s22] =	ssyncset.done $0x0;
	(pc) =	sbr.rel @!p0 .LBB2_2-.Ltmp2, $4  }
0x45: {  	[sflag:s22] =	ssyncadd.s32 $0xFFFFFF00  }
0x46: {  	_ =	swait.ge [sflag:s22], $0x100  }
0x47: {  	[sflag:s22] =	ssyncset.done $0x0  }
0x48: {  	[sflag:s22] =	ssyncadd.s32 $0xFFFFFF00  }
.Ltmp3:
0x49: {  	(pc) =	sbr.rel .LBB2_13-.Ltmp3, $3  }
0x4a: {  	_ =	sdelay $0x1  }
0x4b: {  	[tilespmem:s24], [sflag:$0x3] =	stream.indirect.gather [hbm4b:s5+s23], $0x20, s18, s23, $0xb8;
	[tilespmem:$0x1CC00] =	vst v63  }
0x4c: {  	s2 =	simm.s32 $0x0;
	s15 =	smov.u32 s6;
	s14 =	smov.u32 s8  }
.LBB2_19:
0x4d: {  	_ =	swait.ge [sflag:s25], $0x2000  }
0x4e: {  	[sflag:s25] =	ssyncset.done $0x0  }
0x4f: {  	[sflag:s25] =	ssyncadd.s32 $0xFFFFE000  }
0x50: {  	_ =	swait.ge [sflag:s26], $0x2000  }
0x51: {  	[sflag:s26] =	ssyncset.done $0x0  }
0x52: {  	[sflag:s26] =	ssyncadd.s32 $0xFFFFE000  }
0x53: {  	_ =	swait.ge [sflag:s22], $0x100  }
0x54: {  	[sflag:s22] =	ssyncset.done $0x0  }
0x55: {  	[sflag:s22] =	ssyncadd.s32 $0xFFFFFF00  }
0x56: {  	_ =	swait.ge [sflag:s22], $0x100  }
0x57: {  	[sflag:s22] =	ssyncset.done $0x0  }
0x58: {  	[sflag:s22] =	ssyncadd.s32 $0xFFFFFF00  }
0x59: {  	[tilespmem:s24], [sflag:$0x3] =	stream.indirect.gather [hbm4b:s5+s23], $0x20, s18, s23, $0xb8;
	[tilespmem:$0x1CC00] =	vst v63  }
0x5a: {  	_ = 	snop  }
0x5b: {  	[spmem:s1] =	stream.indirect.scatter.add.f32 [tilespmem:s28], [sflag:$0x6], $0x20, s21, s23, $0xb8;
	[tilespmem:$0x1CC00] =	vst v63  }
0x5c: {  	_ = 	snop  }
0x5d: {  	[tilespmem:s20], [sflag:$0x2] =	stream.linear.gather [hbm4b:s15+s3], $0x100, $0x38;
	[tilespmem:$0x1CC00] =	vst v63  }
0x5e: {  	_ = 	snop  }
0x5f: {  	[tilespmem:s21], [sflag:$0x2] =	stream.linear.gather [hbm4b:s14+s3], $0x100, $0x38;
	[tilespmem:$0x1CC00] =	vst v63  }
.LBB2_20:
0x60: {  	s2 =	sadd.s32 $0x1, s2  }
0x61: {  	p1 =	sne.s32 s2, $0xC2  }
.Ltmp4:
0x62: {  	_ = 	snop;
	(pc) =	sbr.rel @!p1 .LBB2_21-.Ltmp4, $2  }
0x63: {  	_ =	sdelay $0x2  }
0x64: {  	s14 =	sadd.s32 $0x20, s14;
	s15 =	sadd.s32 $0x20, s15  }
.LBB2_13:
0x65: {  	s9 =	sand.u32 $0x1, s2  }
0x66: {  	p1 =	seq.s32 s9, $0x1  }
.Ltmp5:
0x67: {  	_ = 	snop;
	(pc) =	sbr.rel @p1 .LBB2_19-.Ltmp5, $1  }
0x68: {  	_ =	sdelay $0x3  }
0x69: {  	p1 =	seq.s32 s2, $0x0  }
.Ltmp6:
0x6a: {  	_ = 	snop;
	(pc) =	sbr.rel @p1 .LBB2_18-.Ltmp6, $4  }
0x6b: {  	_ = 	snop  }
0x6c: {  	_ =	swait.ge [sflag:s29], $0x2000  }
0x6d: {  	[sflag:s29] =	ssyncset.done $0x0  }
0x6e: {  	[sflag:s29] =	ssyncadd.s32 $0xFFFFE000  }
0x6f: {  	p1 =	sne.s32 s2, $0xC3  }
.Ltmp7:
0x70: {  	_ = 	snop;
	(pc) =	sbr.rel @p1 .LBB2_17-.Ltmp7, $1  }
0x71: {  	_ =	sdelay $0x3  }
.Ltmp8:
0x72: {  	(pc) =	sbr.rel .LBB2_20-.Ltmp8, $2  }
0x73: {  	_ =	sdelay $0x2  }
0x74: {  	[spmem:s1] =	stream.indirect.scatter.add.f32 [tilespmem:s24], [sflag:$0x5], $0x20, s19, s23, $0xb8;
	[tilespmem:$0x1CC00] =	vst v63  }
.LBB2_17:
0x75: {  	_ =	swait.ge [sflag:s30], $0x2000  }
0x76: {  	[sflag:s30] =	ssyncset.done $0x0  }
0x77: {  	[sflag:s30] =	ssyncadd.s32 $0xFFFFE000  }
.LBB2_18:
0x78: {  	_ =	swait.ge [sflag:s31], $0x100  }
0x79: {  	[sflag:s31] =	ssyncset.done $0x0  }
0x7a: {  	[sflag:s31] =	ssyncadd.s32 $0xFFFFFF00  }
0x7b: {  	_ =	swait.ge [sflag:s31], $0x100  }
0x7c: {  	[sflag:s31] =	ssyncset.done $0x0  }
0x7d: {  	[sflag:s31] =	ssyncadd.s32 $0xFFFFFF00  }
0x7e: {  	[tilespmem:s28], [sflag:$0x4] =	stream.indirect.gather [hbm4b:s5+s23], $0x20, s20, s23, $0xb8;
	[tilespmem:$0x1CC00] =	vst v63  }
0x7f: {  	_ = 	snop  }
0x80: {  	[spmem:s1] =	stream.indirect.scatter.add.f32 [tilespmem:s24], [sflag:$0x5], $0x20, s19, s23, $0xb8;
	[tilespmem:$0x1CC00] =	vst v63  }
.Ltmp9:
0x81: {  	_ = 	snop;
	(pc) =	sbr.rel .LBB2_20-.Ltmp9, $4  }
0x82: {  	_ = 	snop  }
0x83: {  	[tilespmem:s18], [sflag:$0x1] =	stream.linear.gather [hbm4b:s15+s3], $0x100, $0x38;
	[tilespmem:$0x1CC00] =	vst v63  }
0x84: {  	_ = 	snop  }
0x85: {  	[tilespmem:s19], [sflag:$0x1] =	stream.linear.gather [hbm4b:s14+s3], $0x100, $0x38;
	[tilespmem:$0x1CC00] =	vst v63  }
.LBB2_2:
.Ltmp10:
0x86: {  	(pc) =	sbr.rel .LBB2_3-.Ltmp10, $3  }
0x87: {  	_ =	sdelay $0x1  }
0x88: {  	[tilespmem:s24], [sflag:$0x3] =	stream.indirect.gather [hbm4b:s4+s23], $0x20, s18, s23, $0xb8;
	[tilespmem:$0x1CC00] =	vst v63  }
0x89: {  	s2 =	simm.s32 $0x0;
	s15 =	smov.u32 s6;
	s14 =	smov.u32 s8  }
.LBB2_9:
0x8a: {  	_ =	swait.ge [sflag:s25], $0x2000  }
0x8b: {  	[sflag:s25] =	ssyncset.done $0x0  }
0x8c: {  	[sflag:s25] =	ssyncadd.s32 $0xFFFFE000  }
0x8d: {  	_ =	swait.ge [sflag:s26], $0x2000  }
0x8e: {  	[sflag:s26] =	ssyncset.done $0x0  }
0x8f: {  	[sflag:s26] =	ssyncadd.s32 $0xFFFFE000  }
0x90: {  	_ =	swait.ge [sflag:s22], $0x100  }
0x91: {  	[sflag:s22] =	ssyncset.done $0x0  }
0x92: {  	[sflag:s22] =	ssyncadd.s32 $0xFFFFFF00  }
0x93: {  	_ =	swait.ge [sflag:s22], $0x100  }
0x94: {  	[sflag:s22] =	ssyncset.done $0x0  }
0x95: {  	[sflag:s22] =	ssyncadd.s32 $0xFFFFFF00  }
0x96: {  	[tilespmem:s24], [sflag:$0x3] =	stream.indirect.gather [hbm4b:s4+s23], $0x20, s18, s23, $0xb8;
	[tilespmem:$0x1CC00] =	vst v63  }
0x97: {  	_ = 	snop  }
0x98: {  	[spmem:s1] =	stream.indirect.scatter.add.f32 [tilespmem:s28], [sflag:$0x6], $0x20, s21, s23, $0xb8;
	[tilespmem:$0x1CC00] =	vst v63  }
0x99: {  	_ = 	snop  }
0x9a: {  	[tilespmem:s20], [sflag:$0x2] =	stream.linear.gather [hbm4b:s15+s3], $0x100, $0x38;
	[tilespmem:$0x1CC00] =	vst v63  }
0x9b: {  	_ = 	snop  }
0x9c: {  	[tilespmem:s21], [sflag:$0x2] =	stream.linear.gather [hbm4b:s14+s3], $0x100, $0x38;
	[tilespmem:$0x1CC00] =	vst v63  }
.LBB2_10:
0x9d: {  	s2 =	sadd.s32 $0x1, s2  }
0x9e: {  	p1 =	seq.s32 s2, $0xC2  }
.Ltmp11:
0x9f: {  	_ = 	snop;
	(pc) =	sbr.rel @p1 .LBB2_11-.Ltmp11, $2  }
0xa0: {  	_ =	sdelay $0x2  }
0xa1: {  	s14 =	sadd.s32 $0x20, s14;
	s15 =	sadd.s32 $0x20, s15  }
.LBB2_3:
0xa2: {  	s9 =	sand.u32 $0x1, s2  }
0xa3: {  	p1 =	seq.s32 s9, $0x1  }
.Ltmp12:
0xa4: {  	_ = 	snop;
	(pc) =	sbr.rel @p1 .LBB2_9-.Ltmp12, $1  }
0xa5: {  	_ =	sdelay $0x3  }
0xa6: {  	p1 =	seq.s32 s2, $0x0  }
.Ltmp13:
0xa7: {  	_ = 	snop;
	(pc) =	sbr.rel @p1 .LBB2_8-.Ltmp13, $4  }
0xa8: {  	_ = 	snop  }
0xa9: {  	_ =	swait.ge [sflag:s29], $0x2000  }
0xaa: {  	[sflag:s29] =	ssyncset.done $0x0  }
0xab: {  	[sflag:s29] =	ssyncadd.s32 $0xFFFFE000  }
0xac: {  	p1 =	sne.s32 s2, $0xC3  }
.Ltmp14:
0xad: {  	_ = 	snop;
	(pc) =	sbr.rel @p1 .LBB2_7-.Ltmp14, $1  }
0xae: {  	_ =	sdelay $0x3  }
.Ltmp15:
0xaf: {  	(pc) =	sbr.rel .LBB2_10-.Ltmp15, $2  }
0xb0: {  	_ =	sdelay $0x2  }
0xb1: {  	[spmem:s1] =	stream.indirect.scatter.add.f32 [tilespmem:s24], [sflag:$0x5], $0x20, s19, s23, $0xb8;
	[tilespmem:$0x1CC00] =	vst v63  }
.LBB2_7:
0xb2: {  	_ =	swait.ge [sflag:s30], $0x2000  }
0xb3: {  	[sflag:s30] =	ssyncset.done $0x0  }
0xb4: {  	[sflag:s30] =	ssyncadd.s32 $0xFFFFE000  }
.LBB2_8:
0xb5: {  	_ =	swait.ge [sflag:s31], $0x100  }
0xb6: {  	[sflag:s31] =	ssyncset.done $0x0  }
0xb7: {  	[sflag:s31] =	ssyncadd.s32 $0xFFFFFF00  }
0xb8: {  	_ =	swait.ge [sflag:s31], $0x100  }
0xb9: {  	[sflag:s31] =	ssyncset.done $0x0  }
0xba: {  	[sflag:s31] =	ssyncadd.s32 $0xFFFFFF00  }
0xbb: {  	[tilespmem:s28], [sflag:$0x4] =	stream.indirect.gather [hbm4b:s4+s23], $0x20, s20, s23, $0xb8;
	[tilespmem:$0x1CC00] =	vst v63  }
0xbc: {  	_ = 	snop  }
0xbd: {  	[spmem:s1] =	stream.indirect.scatter.add.f32 [tilespmem:s24], [sflag:$0x5], $0x20, s19, s23, $0xb8;
	[tilespmem:$0x1CC00] =	vst v63  }
.Ltmp16:
0xbe: {  	_ = 	snop;
	(pc) =	sbr.rel .LBB2_10-.Ltmp16, $4  }
0xbf: {  	_ = 	snop  }
0xc0: {  	[tilespmem:s18], [sflag:$0x1] =	stream.linear.gather [hbm4b:s15+s3], $0x100, $0x38;
	[tilespmem:$0x1CC00] =	vst v63  }
0xc1: {  	_ = 	snop  }
0xc2: {  	[tilespmem:s19], [sflag:$0x1] =	stream.linear.gather [hbm4b:s14+s3], $0x100, $0x38;
	[tilespmem:$0x1CC00] =	vst v63  }
.LBB2_11:
0xc3: {  	_ =	swait.ge [sflag:s29], $0x2000  }
0xc4: {  	[sflag:s29] =	ssyncset.done $0x0  }
0xc5: {  	[sflag:s29] =	ssyncadd.s32 $0xFFFFE000  }
0xc6: {  	_ =	swait.ge [sflag:s30], $0x2000  }
0xc7: {  	[sflag:s30] =	ssyncset.done $0x0  }
0xc8: {  	[sflag:s30] =	ssyncadd.s32 $0xFFFFE000  }
0xc9: {  	_ =	swait.ge [sflag:s31], $0x100  }
0xca: {  	[sflag:s31] =	ssyncset.done $0x0  }
0xcb: {  	[sflag:s31] =	ssyncadd.s32 $0xFFFFFF00  }
0xcc: {  	_ =	swait.ge [sflag:s31], $0x100  }
.Ltmp17:
0xcd: {  	[sflag:s31] =	ssyncset.done $0x0;
	(pc) =	sbr.rel .LBB2_22-.Ltmp17, $4  }
0xce: {  	[sflag:s31] =	ssyncadd.s32 $0xFFFFFF00  }
0xcf: {  	[tilespmem:s28], [sflag:$0x4] =	stream.indirect.gather [hbm4b:s4+s23], $0x20, s20, s23, $0xb8;
	[tilespmem:$0x1CC00] =	vst v63  }
0xd0: {  	_ = 	snop  }
0xd1: {  	[spmem:s1] =	stream.indirect.scatter.add.f32 [tilespmem:s24], [sflag:$0x5], $0x20, s19, s23, $0xb8;
	[tilespmem:$0x1CC00] =	vst v63  }
.LBB2_23:
0xd2: {  	_ =	sfence.sel $0x180000  }
0xd3: {  	[bflag:$0x0] =	sbarrier.arrive $0xFFFF  }
0xd4: {  	_ =	strace $0x90000050  }
0xd5: {  	s0 =	stileid.u32;
	[bflag:$0x2] =	sbarrier.arrive $0xFFFF  }
0xd6: {  	p0 =	sne.s32 s0, $0x0;
	s0 =	rddreg [dreg:$0x2]  }
0xd7: {  	s0 =	sadd.s32 @!p0 $0x100000, s0  }
0xd8: {  	[sflag:s0] =	ssyncadd.tile.s32 @!p0 $0x1;
	_ =	shalt  }
.Lfunc_end2:
_tile_overlayer_lowered:
.L_overlay_start_2:
0xd9: {  	(tag) =	ssettag $0x2  }
0xda: {  	s0 =	rddreg [dreg:$0x0];
	s2 =	stileid.u32  }
0xdb: {  	s1 =	rddreg [dreg:$0x1];
	p0 =	sne.s32 s2, $0x0  }
0xdc: {  	s3 =	rddreg [dreg:$0x2];
	[bflag:$0x3] =	sbarrier.arrive $0xFFFF;
	s2 =	simm.s32 @!p0 $0x1C07  }
0xdd: {  	[timem:s3], [sflag:s2] =	dma.local @!p0 [hbm:s0], s1  }
0xde: {  	s0 =	simm.s32 @!p0 $0x7  }
0xdf: {  	_ =	swait.ge @!p0 [sflag:s0], s1  }
0xe0: {  	s1 =	ssub.s32 @!p0 $0x0, s1;
	[sflag:s0] =	ssyncset.done @!p0 $0x0  }
0xe1: {  	[sflag:s0] =	ssyncadd.s32 @!p0 s1  }
0xe2: {  	[bflag:$0x3] =	sbarrier.arrive $0xFFFF  }
0xe3: {  	_ =	shalt  }

// kernel: kernel.19.cloned.1.call-start
scs
__scs_entry_jumppad:
0x0: {  	(pc) =	sbr.rel $0x88, $3  }
0x1: {  	(tag) =	ssettag $0x0;
	lr =	simm.s32 $0x1  }
0x2: {  	[smem:$0x3F8D] =	sst lr;
	_ =	strace $0xD0000000  }
0x3: {  	_ = 	snop  }
0x4: {  	_ = 	snop  }
0x5: {  	_ = 	snop  }
0x6: {  	_ = 	snop  }
0x7: {  	_ = 	snop  }
__scs_overlays_trampoline_lowered:
0x8: {  	[smem:$0x3F9C] =	sst s0  }
0x9: {  	[smem:$0x3F9D] =	sst s1  }
0xa: {  	[smem:$0x3F9E] =	sst s2  }
0xb: {  	[smem:$0x3F9F] =	sst s3  }
0xc: {  	[smem:$0x3FA0] =	sst s4  }
0xd: {  	[smem:$0x3FA1] =	sst s5  }
0xe: {  	[smem:$0x3FA2] =	sst s6  }
0xf: {  	[smem:$0x3FA3] =	sst s7  }
0x10: {  	[smem:$0x3FA4] =	sst s8  }
0x11: {  	[smem:$0x3FA5] =	sst s9;
	s0 =	simm.s32 @!p0 $0x0  }
0x12: {  	s1 =	sld [smem:$0x3F8B];
	s0 =	simm.s32 @p0 $0x1  }
0x13: {  	[smem:$0x3FA6] =	sst s0;
	s0 =	simm.s32 @!p1 $0x0  }
0x14: {  	s2 =	sld [smem:$0x3F8A];
	s0 =	simm.s32 @p1 $0x1  }
0x15: {  	[smem:$0x3FA7] =	sst s0;
	s0 =	simm.s32 @!p2 $0x0  }
0x16: {  	s3 =	sld [smem:$0x3FDB];
	s0 =	simm.s32 @p2 $0x1  }
0x17: {  	s4 =	simm.s32 $0x1BF5;
	[smem:$0x3FA9] =	sst s0  }
0x18: {  	s0 =	sld [smem:$0x3F8C];
	_ =	swait.ge [sflag:s4], $0x0  }
0x19: {  	s7 =	sld [smem:$0x3F8D]  }
0x1a: {  	s8 =	sadd.s32 $0xFFFFE003, lr  }
0x1b: {  	s9 =	sadd.s32 $0xFFFFFEF7, lr;
	s5 =	simm.s32 $0xFFFFFFFF;
	p2 =	slt.u32 s8, $0xFFFFF086  }
0x1c: {  	p1 =	slt.u32 s9, $0xF7A;
	s5 =	simm.s32 @!p2 $0x0  }
0x1d: {  	s5 =	simm.s32 @p1 $0x1;
	p0 =	seq.s32 s7, s2  }
0x1e: {  	s7 =	smul.u32 @!p0 $0xF7A, s2;
	p2 =	seq.s32 @!p0 s5, $0x0  }
0x1f: {  	s9 =	smul.u32 $0xF7A, s1;
	s8 =	simm.s32 @!p0 $0x1BF5;
	p2 =	por !p2, p0  }
0x20: {  	[sflag:s8] =	ssyncset.s32 @!p0 $0xFFFFF086;
	s6 =	sadd.s32 @!p0 s3, s7;
	s7 =	simm.s32 @!p0 $0x108  }
0x21: {  	s3 =	sadd.s32 s3, s9;
	s6 =	sadd.s32 @!p0 $0x88, s6;
	s7 =	simm.s32 @p2 $0x1082  }
0x22: {  	[simem:s7], [sflag:s8] =	dma.local @!p0 [hbm:s6], $0xF7A  }
0x23: {  	s9 =	sor.u32 $0xD0000000, s2;
	s6 =	simm.s32 $0x108;
	_ =	swait.ge @!p0 [sflag:s8], $0x0  }
0x24: {  	s3 =	sadd.s32 $0x88, s3;
	s6 =	simm.s32 @!p1 $0x1082;
	[sflag:s4] =	ssyncset.s32 $0xFFFFF086  }
0x25: {  	[simem:s6], [sflag:s4] =	dma.local [hbm:s3], $0xF7A  }
0x26: {  	[smem:$0x3F8D] =	sst s1;
	(tag) =	ssettag s2;
	_ =	strace s9  }
0x27: {  	s1 =	sld [smem:$0x3F9D]  }
0x28: {  	s2 =	sld [smem:$0x3F9E]  }
0x29: {  	s4 =	sld [smem:$0x3FA0]  }
0x2a: {  	p0 =	seq.s32 s5, $0x0;
	s5 =	sld [smem:$0x3FA1]  }
0x2b: {  	s6 =	sld [smem:$0x3FA2]  }
0x2c: {  	s7 =	sld [smem:$0x3FA3]  }
0x2d: {  	s3 =	simm.s32 $0x108;
	s8 =	sld [smem:$0x3FA4]  }
0x2e: {  	s3 =	simm.s32 @!p0 $0x1082;
	s9 =	sld [smem:$0x3FA5]  }
0x2f: {  	lr =	sadd.s32 s0, s3;
	s0 =	sld [smem:$0x3F9C]  }
0x30: {  	s3 =	sld [smem:$0x3F9F]  }
0x31: {  	[smem:$0x3FA8] =	sst s10  }
0x32: {  	s10 =	sld [smem:$0x3FA6];
	_ =	sdelay $0x3  }
0x33: {  	p0 =	seq.s32 s10, $0x1;
	s10 =	sld [smem:$0x3FA8];
	_ =	sdelay $0x3  }
0x34: {  	[smem:$0x3FA8] =	sst s10  }
0x35: {  	s10 =	sld [smem:$0x3FA7];
	_ =	sdelay $0x3  }
0x36: {  	p1 =	seq.s32 s10, $0x1;
	s10 =	sld [smem:$0x3FA8];
	_ =	sdelay $0x3  }
0x37: {  	[smem:$0x3FA8] =	sst s10  }
0x38: {  	s10 =	sld [smem:$0x3FA9]  }
0x39: {  	_ = 	snop;
	(pc) =	sbr.ind lr, $3  }
0x3a: {  	_ = 	snop  }
0x3b: {  	_ = 	snop  }
0x3c: {  	p2 =	seq.s32 s10, $0x1;
	s10 =	sld [smem:$0x3FA8]  }
0x3d: {  	_ =	shalt  }
0x3e: {  	_ =	shalt  }
0x3f: {  	_ =	shalt  }
0x40: {  	_ =	shalt  }
0x41: {  	_ =	shalt  }
0x42: {  	_ =	shalt  }
0x43: {  	_ =	shalt  }
0x44: {  	_ =	shalt  }
0x45: {  	_ =	shalt  }
0x46: {  	_ =	shalt  }
0x47: {  	_ =	shalt  }
0x48: {  	_ =	shalt  }
0x49: {  	_ =	shalt  }
0x4a: {  	_ =	shalt  }
0x4b: {  	_ =	shalt  }
0x4c: {  	_ =	shalt  }
0x4d: {  	_ =	shalt  }
0x4e: {  	_ =	shalt  }
0x4f: {  	_ =	shalt  }
0x50: {  	_ =	shalt  }
0x51: {  	_ =	shalt  }
0x52: {  	_ =	shalt  }
0x53: {  	_ =	shalt  }
0x54: {  	_ =	shalt  }
0x55: {  	_ =	shalt  }
0x56: {  	_ =	shalt  }
0x57: {  	_ =	shalt  }
0x58: {  	_ =	shalt  }
0x59: {  	_ =	shalt  }
0x5a: {  	_ =	shalt  }
0x5b: {  	_ =	shalt  }
0x5c: {  	_ =	shalt  }
0x5d: {  	_ =	shalt  }
0x5e: {  	_ =	shalt  }
0x5f: {  	_ =	shalt  }
0x60: {  	_ =	shalt  }
0x61: {  	_ =	shalt  }
0x62: {  	_ =	shalt  }
0x63: {  	_ =	shalt  }
0x64: {  	_ =	shalt  }
0x65: {  	_ =	shalt  }
0x66: {  	_ =	shalt  }
0x67: {  	_ =	shalt  }
0x68: {  	_ =	shalt  }
0x69: {  	_ =	shalt  }
0x6a: {  	_ =	shalt  }
0x6b: {  	_ =	shalt  }
0x6c: {  	_ =	shalt  }
0x6d: {  	_ =	shalt  }
0x6e: {  	_ =	shalt  }
0x6f: {  	_ =	shalt  }
0x70: {  	_ =	shalt  }
0x71: {  	_ =	shalt  }
0x72: {  	_ =	shalt  }
0x73: {  	_ =	shalt  }
0x74: {  	_ =	shalt  }
0x75: {  	_ =	shalt  }
0x76: {  	_ =	shalt  }
0x77: {  	_ =	shalt  }
0x78: {  	_ =	shalt  }
0x79: {  	_ =	shalt  }
0x7a: {  	_ =	shalt  }
0x7b: {  	_ =	shalt  }
0x7c: {  	_ =	shalt  }
0x7d: {  	_ =	shalt  }
0x7e: {  	_ =	shalt  }
0x7f: {  	_ =	shalt  }
0x80: {  	_ =	shalt  }
0x81: {  	_ =	shalt  }
0x82: {  	_ =	shalt  }
0x83: {  	_ =	shalt  }
0x84: {  	_ =	shalt  }
0x85: {  	_ =	shalt  }
0x86: {  	_ =	shalt  }
0x87: {  	_ =	shalt  }
.Lfunc_end0:
.L_simem_size_0:
called_computation.2_lowered:
.L_overlay_start_0:
0x88: {  	s2 =	sld [smem:$0x3FD9]  }
0x89: {  	s3 =	sld [smem:$0x3FFE];
	_ =	sdelay $0x1  }
0x8a: {  	s1 =	srdreg.scid  }
0x8b: {  	s0 =	sand.u32 $0x1, s1  }
0x8c: {  	s17 =	sshll.u32 s0, $0xA;
	s2 =	sadd.s32 s3, s2  }
0x8d: {  	s2 =	sadd.s32 s2, s17  }
0x8e: {  	[smem:$0x3FB4] =	sst s2  }
0x8f: {  	_ = 	snop  }
0x90: {  	(tm) =	ssettm $0x1  }
0x91: {  	s18 =	sld [smem:$0x3FFB];
	_ =	sdelay $0x3  }
0x92: {  	_ =	strace s18  }
0x93: {  	s2 =	sld [smem:$0x3FFC];
	_ =	sdelay $0x3  }
0x94: {  	_ =	strace s2  }
0x95: {  	s2 =	sld [smem:$0x3FFD];
	_ =	sdelay $0x3  }
0x96: {  	_ =	strace s2  }
0x97: {  	_ =	strace $0x8FFFFFFF  }
0x98: {  	s19 =	sld [smem:$0x3FDB];
	_ =	sdelay $0x1  }
0x99: {  	s20 =	simm.s32 $_scs_section_size  }
0x9a: {  	s4 =	simm.s32 $_size__tile_overlayer_lowered;
	s5 =	simm.s32 $_tile_overlayer_lowered  }
0x9b: {  	s6 =	simm.s32 $0x1BFF;
	s21 =	sshll.u32 s5, $0x1;
	s3 =	sadd.s32 s20, s19  }
0x9c: {  	s22 =	simm.s32 $0x0;
	s4 =	sshll.u32 s4, $0x1;
	s5 =	sadd.s32 s21, s3  }
0x9d: {  	[timem:s22], [sflag:s6] =	dma.local [hbm:s5], s4  }
0x9e: {  	_ =	swait.ge [sflag:s6], s4  }
0x9f: {  	s4 =	ssub.s32 $0x0, s4;
	[sflag:s6] =	ssyncset.done $0x0  }
0xa0: {  	[sflag:s6] =	ssyncadd.s32 s4;
	_ =	sdelay $0x1  }
0xa1: {  	s23 =	simm.s32 $0x1B8B  }
0xa2: {  	_ =	swait.ge [sflag:s23], $0x1  }
0xa3: {  	[sflag:s23] =	ssyncset.done $0x0  }
0xa4: {  	[sflag:s23] =	ssyncadd.s32 $0xFFFFFFFF  }
0xa5: {  	s4 =	sld [smem:$0x0]  }
0xa6: {  	s5 =	sand.u32 $0xFFFFFFFE, s1  }
0xa7: {  	p0 =	sne.s32 s1, s5  }
0xa8: {  	s5 =	sshll.u32 @p0 s5, $0xE  }
0xa9: {  	s5 =	sadd.s32 @p0 $0x11B8D, s5;
	s6 =	sshll.u32 @p0 s4, $0x11  }
0xaa: {  	s5 =	sor.u32 @p0 s6, s5  }
0xab: {  	[sflag:s5] =	ssyncadd.remote.s32 @p0 $0x1;
	_ =	sdelay $0x1  }
0xac: {  	s5 =	simm.s32 @p0 $0x1B8D  }
0xad: {  	_ =	swait.eq @p0 [sflag:s5], $0x1  }
0xae: {  	[sflag:s5] =	ssyncadd.s32 @p0 $0xFFFFFFFF  }
0xaf: {  	s6 =	sshll.u32 @!p0 s1, $0xE  }
0xb0: {  	s6 =	sor.u32 @!p0 $0x4000, s6;
	s5 =	simm.s32 @!p0 $0x1B8D  }
0xb1: {  	s4 =	sshll.u32 @!p0 s4, $0x11;
	s6 =	sadd.s32 @!p0 $0x11B8D, s6;
	_ =	swait.eq @!p0 [sflag:s5], $0x1  }
0xb2: {  	s4 =	sor.u32 @!p0 s4, s6;
	[sflag:s5] =	ssyncadd.s32 @!p0 $0xFFFFFFFF  }
0xb3: {  	s25 =	simm.s32 $0x1B8E;
	s24 =	sld [smem:$0x3FFE];
	[sflag:s4] =	ssyncadd.remote.s32 @!p0 $0x1  }
0xb4: {  	s26 =	simm.s32 $execute0_lowered;
	[smem:$0x3FD2] =	sst s25  }
0xb5: {  	s5 =	sshll.u32 s26, $0x1;
	_ =	strace $0x8000004C;
	[dreg:$0x1] =	wrdreg $0xFFFFFFFF  }
0xb6: {  	s28 =	simm.s32 $_size_execute0_lowered;
	s3 =	sadd.s32 s3, s5;
	[dreg:$0x0] =	wrdreg $0x0  }
0xb7: {  	s5 =	sshll.u32 s28, $0x1;
	[dreg:$0x2] =	wrdreg s3  }
0xb8: {  	[dreg:$0x3] =	wrdreg s5  }
0xb9: {  	[dreg:$0x4] =	wrdreg $0xC0  }
0xba: {  	_ =	task [dreg:s22], $0x5FFFF  }
0xbb: {  	[dreg:$0x1] =	wrdreg $0xFFFFFFFF  }
0xbc: {  	[dreg:$0x0] =	wrdreg $0x60  }
0xbd: {  	[dreg:$0x2] =	wrdreg s24  }
0xbe: {  	[dreg:$0x3] =	wrdreg $0x0  }
0xbf: {  	[dreg:$0x4] =	wrdreg $0xA  }
0xc0: {  	_ =	task.clear_ibuf [dreg:s22], $0x5FFFF;
	_ =	strace $0x9000004C  }
0xc1: {  	s29 =	simm.s32 $0xA;
	_ =	strace $0x8000004E  }
0xc2: {  	_ =	swait.ge [sflag:s29], $0x1  }
0xc3: {  	[sflag:s29] =	ssyncadd.s32 $0xFFFFFFFF  }
0xc4: {  	_ =	strace $0x9000004E  }
0xc5: {  	_ =	sfence  }
0xc6: {  	s30 =	sld [smem:$0x0];
	_ =	sdelay $0x2  }
0xc7: {  	s31 =	sshll.u32 s1, $0xD;
	s1 =	sshrl.u32 s1, $0x2  }
0xc8: {  	s4 =	sand.u32 $0x4000, s31;
	s1 =	sadd.s32 s1, s30  }
0xc9: {  	s0 =	sor.u32 s4, s0;
	s1 =	sshll.u32 s1, $0x11  }
0xca: {  	s0 =	sor.u32 s1, s0  }
0xcb: {  	s0 =	sadd.s32 $0x8F2B, s0  }
0xcc: {  	[sflag:s0] =	ssyncadd.remote.s32 $0x1  }
0xcd: {  	_ =	sfence.sel $0xFFFF  }
0xce: {  	[dreg:$0x0] =	wrdreg $0xFFFFFFFF;
	(pc) =	sbr.abs _section_cstart, $3  }
0xcf: {  	[dreg:$0x1] =	wrdreg $0xFFFFFFFF  }
0xd0: {  	_ =	task.clear_ibuf [dreg:s22], $0x2FFFF;
	_ =	strace $0x9FFFFFFF  }
0xd1: {  	(tm) =	ssettm $0x7FFFFFFF  }
tec
execute0_lowered:
.L_overlay_start_1:
0x0: {  	(tag) =	ssettag $0x1  }
0x1: {  	s0 =	rddreg [dreg:$0x0]  }
0x2: {  	s2 =	rddreg [dreg:$0x1]  }
0x3: {  	s3 =	simm.s32 $0x0;
	s1 =	srdreg.scid;
	s12 =	stileid.u32  }
0x4: {  	s17 =	simm.s32 $0x7;
	s28 =	simm.s32 $0x1AC00;
	s29 =	simm.s32 $0x3  }
0x5: {  	s30 =	simm.s32 $0x6;
	s31 =	simm.s32 $0x2;
	[smem:$0x7FF] =	sst s3  }
0x6: {  	s1 =	sand.u32 $0x1, s1;
	s6 =	smul.u32 $0x18800, s12;
	s4 =	sadd.s32 $0x4D5E00, s0  }
0x7: {  	s5 =	sadd.s32 $0x105000, s0;
	s8 =	sadd.s32 $0x70200, s0;
	s11 =	smul.u32 $0xC400, s12  }
0x8: {  	s14 =	sadd.s32 $0x88A00, s0;
	s13 =	sadd.s32 $0xB400, s0;
	s24 =	smul.u32 $0x1880, s12  }
0x9: {  	s19 =	sshll.u32 s12, $0x6;
	_ =	strace $0x8000004D;
	s7 =	smul.u32 $0x188000, s1  }
0xa: {  	s9 =	ssub.s32 $0x2, s1;
	[dreg:$0x3] =	wrdreg s13;
	p0 =	seq.s32 s1, $0x1  }
0xb: {  	s10 =	sshrl.u32 s9, $0x1;
	s15 =	sadd.s32 s6, s2;
	s20 =	sshrl.u32 s11, $0x3  }
0xc: {  	s25 =	sadd.s32 s24, s14;
	s26 =	sadd.s32 s24, s8;
	s24 =	simm.s32 $0x18C00  }
0xd: {  	s7 =	sadd.s32 s6, s7;
	s18 =	ssub.s32 s9, s10;
	s21 =	sadd.s32 s8, s20  }
0xe: {  	s22 =	sadd.s32 s14, s20;
	s23 =	sor.u32 $0x20, s20;
	s6 =	sadd.s32 $0x40, s26  }
0xf: {  	s16 =	sshrl.u32 s15, $0x3;
	s20 =	simm.s32 $0x18900;
	[dreg:$0x4] =	wrdreg s21  }
0x10: {  	s26 =	simm.s32 $0x5;
	s7 =	sshrl.u32 s7, $0x3;
	[dreg:$0x5] =	wrdreg s22  }
.Ltmp0:
0x11: {  	s10 =	sadd.s32 s8, s23;
	s11 =	sadd.s32 s14, s23;
	(pc) =	sbr.rel .LBB2_1-.Ltmp0, $4  }
0x12: {  	s13 =	smax.u32 s18, $0x1;
	s8 =	sadd.s32 $0x40, s25;
	s18 =	simm.s32 $0x18800  }
0x13: {  	s21 =	simm.s32 $0x18B00;
	s22 =	simm.s32 $0x1;
	s23 =	simm.s32 $0x100  }
0x14: {  	s25 =	simm.s32 $0x4;
	s0 =	sadd.s32 s7, s0;
	s7 =	sor.u32 $0x1C07, s19  }
0x15: {  	s19 =	simm.s32 $0x18A00;
	s12 =	sadd.s32 $0x506C00, s0;
	s0 =	simm.s32 $0x0  }
.LBB2_21:
0x16: {  	_ =	swait.ge [sflag:s29], $0x2000  }
0x17: {  	[sflag:s29] =	ssyncset.done $0x0  }
0x18: {  	[sflag:s29] =	ssyncadd.s32 $0xFFFFE000  }
0x19: {  	_ =	swait.ge [sflag:s30], $0x2000  }
0x1a: {  	[sflag:s30] =	ssyncset.done $0x0  }
0x1b: {  	[sflag:s30] =	ssyncadd.s32 $0xFFFFE000  }
0x1c: {  	_ =	swait.ge [sflag:s31], $0x100  }
0x1d: {  	[sflag:s31] =	ssyncset.done $0x0  }
0x1e: {  	[sflag:s31] =	ssyncadd.s32 $0xFFFFFF00  }
0x1f: {  	_ =	swait.ge [sflag:s31], $0x100  }
0x20: {  	[sflag:s31] =	ssyncset.done $0x0  }
0x21: {  	[sflag:s31] =	ssyncadd.s32 $0xFFFFFF00  }
0x22: {  	[tilespmem:s28], [sflag:$0x4] =	stream.indirect.gather [hbm4b:s5+s23], $0x20, s20, s23, $0xb8;
	[tilespmem:$0x1CC00] =	vst v63  }
0x23: {  	_ = 	snop  }
0x24: {  	[spmem:s2] =	stream.indirect.scatter.add.f32 [tilespmem:s24], [sflag:$0x5], $0x20, s19, s23, $0xb8;
	[tilespmem:$0x1CC00] =	vst v63  }
.LBB2_22:
0x25: {  	_ =	swait.ge [sflag:s25], $0x2000  }
0x26: {  	[sflag:s25] =	ssyncset.done $0x0  }
0x27: {  	[sflag:s25] =	ssyncadd.s32 $0xFFFFE000  }
0x28: {  	[spmem:s2] =	stream.indirect.scatter.add.f32 [tilespmem:s28], [sflag:$0x6], $0x20, s21, s23, $0xb8;
	[tilespmem:$0x1CC00] =	vst v63  }
0x29: {  	_ =	swait.ge [sflag:s26], $0x2000  }
0x2a: {  	[sflag:s26] =	ssyncset.done $0x0  }
0x2b: {  	[sflag:s26] =	ssyncadd.s32 $0xFFFFE000  }
0x2c: {  	_ =	swait.ge [sflag:s30], $0x2000  }
0x2d: {  	[sflag:s30] =	ssyncset.done $0x0  }
0x2e: {  	s0 =	sadd.s32 $0x1, s0;
	[sflag:s30] =	ssyncadd.s32 $0xFFFFE000  }
0x2f: {  	p1 =	sne.s32 s0, s13;
	[bflag:$0x0] =	sbarrier.arrive $0xFFFF  }
0x30: {  	[hbm:s12], [sflag:s7] =	dma.local [spmem:s16], $0x3100  }
.Ltmp1:
0x31: {  	_ =	swait.ge [sflag:s17], $0x3100;
	(pc) =	sbr.rel @!p1 .LBB2_23-.Ltmp1, $3  }
0x32: {  	[sflag:s17] =	ssyncset.done $0x0  }
0x33: {  	[sflag:s17] =	ssyncadd.s32 $0xFFFFCF00  }
0x34: {  	[bflag:$0x0] =	sbarrier.arrive $0xFFFF;
	_ =	sdelay $0x1  }
.LBB2_1:
0x35: {  	s1 =	rddreg [dreg:$0x3]  }
0x36: {  	[spmem:s16], [sflag:s7] =	dma.local [hbm:s1], $0x3100  }
0x37: {  	_ =	swait.ge [sflag:s17], $0x3100  }
0x38: {  	[sflag:s17] =	ssyncset.done $0x0  }
0x39: {  	[sflag:s17] =	ssyncadd.s32 $0xFFFFCF00  }
0x3a: {  	[bflag:$0x0] =	sbarrier.arrive $0xFFFF  }
0x3b: {  	s14 =	rddreg [dreg:$0x4]  }
0x3c: {  	[tilespmem:s18], [sflag:$0x1] =	stream.linear.gather [hbm4b:s14+s3], $0x100, $0x38;
	[tilespmem:$0x1CC00] =	vst v63  }
0x3d: {  	s15 =	rddreg [dreg:$0x5]  }
0x3e: {  	[tilespmem:s19], [sflag:$0x1] =	stream.linear.gather [hbm4b:s15+s3], $0x100, $0x38;
	[tilespmem:$0x1CC00] =	vst v63  }
0x3f: {  	_ = 	snop  }
0x40: {  	[tilespmem:s20], [sflag:$0x2] =	stream.linear.gather [hbm4b:s10+s3], $0x100, $0x38;
	[tilespmem:$0x1CC00] =	vst v63  }
0x41: {  	_ = 	snop  }
0x42: {  	[tilespmem:s21], [sflag:$0x2] =	stream.linear.gather [hbm4b:s11+s3], $0x100, $0x38;
	[tilespmem:$0x1CC00] =	vst v63  }
0x43: {  	_ =	swait.ge [sflag:s22], $0x100  }
.Ltmp2:
0x44: {  	[sflag:s22] =	ssyncset.done $0x0;
	(pc) =	sbr.rel @!p0 .LBB2_2-.Ltmp2, $4  }
0x45: {  	[sflag:s22] =	ssyncadd.s32 $0xFFFFFF00  }
0x46: {  	_ =	swait.ge [sflag:s22], $0x100  }
0x47: {  	[sflag:s22] =	ssyncset.done $0x0  }
0x48: {  	[sflag:s22] =	ssyncadd.s32 $0xFFFFFF00  }
.Ltmp3:
0x49: {  	(pc) =	sbr.rel .LBB2_13-.Ltmp3, $3  }
0x4a: {  	_ =	sdelay $0x1  }
0x4b: {  	[tilespmem:s24], [sflag:$0x3] =	stream.indirect.gather [hbm4b:s5+s23], $0x20, s18, s23, $0xb8;
	[tilespmem:$0x1CC00] =	vst v63  }
0x4c: {  	s1 =	simm.s32 $0x0;
	s15 =	smov.u32 s6;
	s14 =	smov.u32 s8  }
.LBB2_19:
0x4d: {  	_ =	swait.ge [sflag:s25], $0x2000  }
0x4e: {  	[sflag:s25] =	ssyncset.done $0x0  }
0x4f: {  	[sflag:s25] =	ssyncadd.s32 $0xFFFFE000  }
0x50: {  	_ =	swait.ge [sflag:s26], $0x2000  }
0x51: {  	[sflag:s26] =	ssyncset.done $0x0  }
0x52: {  	[sflag:s26] =	ssyncadd.s32 $0xFFFFE000  }
0x53: {  	_ =	swait.ge [sflag:s22], $0x100  }
0x54: {  	[sflag:s22] =	ssyncset.done $0x0  }
0x55: {  	[sflag:s22] =	ssyncadd.s32 $0xFFFFFF00  }
0x56: {  	_ =	swait.ge [sflag:s22], $0x100  }
0x57: {  	[sflag:s22] =	ssyncset.done $0x0  }
0x58: {  	[sflag:s22] =	ssyncadd.s32 $0xFFFFFF00  }
0x59: {  	[tilespmem:s24], [sflag:$0x3] =	stream.indirect.gather [hbm4b:s5+s23], $0x20, s18, s23, $0xb8;
	[tilespmem:$0x1CC00] =	vst v63  }
0x5a: {  	_ = 	snop  }
0x5b: {  	[spmem:s2] =	stream.indirect.scatter.add.f32 [tilespmem:s28], [sflag:$0x6], $0x20, s21, s23, $0xb8;
	[tilespmem:$0x1CC00] =	vst v63  }
0x5c: {  	_ = 	snop  }
0x5d: {  	[tilespmem:s20], [sflag:$0x2] =	stream.linear.gather [hbm4b:s15+s3], $0x100, $0x38;
	[tilespmem:$0x1CC00] =	vst v63  }
0x5e: {  	_ = 	snop  }
0x5f: {  	[tilespmem:s21], [sflag:$0x2] =	stream.linear.gather [hbm4b:s14+s3], $0x100, $0x38;
	[tilespmem:$0x1CC00] =	vst v63  }
.LBB2_20:
0x60: {  	s1 =	sadd.s32 $0x1, s1  }
0x61: {  	p1 =	sne.s32 s1, $0xC2  }
.Ltmp4:
0x62: {  	_ = 	snop;
	(pc) =	sbr.rel @!p1 .LBB2_21-.Ltmp4, $2  }
0x63: {  	_ =	sdelay $0x2  }
0x64: {  	s14 =	sadd.s32 $0x20, s14;
	s15 =	sadd.s32 $0x20, s15  }
.LBB2_13:
0x65: {  	s9 =	sand.u32 $0x1, s1  }
0x66: {  	p1 =	seq.s32 s9, $0x1  }
.Ltmp5:
0x67: {  	_ = 	snop;
	(pc) =	sbr.rel @p1 .LBB2_19-.Ltmp5, $1  }
0x68: {  	_ =	sdelay $0x3  }
0x69: {  	p1 =	seq.s32 s1, $0x0  }
.Ltmp6:
0x6a: {  	_ = 	snop;
	(pc) =	sbr.rel @p1 .LBB2_18-.Ltmp6, $4  }
0x6b: {  	_ = 	snop  }
0x6c: {  	_ =	swait.ge [sflag:s29], $0x2000  }
0x6d: {  	[sflag:s29] =	ssyncset.done $0x0  }
0x6e: {  	[sflag:s29] =	ssyncadd.s32 $0xFFFFE000  }
0x6f: {  	p1 =	sne.s32 s1, $0xC3  }
.Ltmp7:
0x70: {  	_ = 	snop;
	(pc) =	sbr.rel @p1 .LBB2_17-.Ltmp7, $1  }
0x71: {  	_ =	sdelay $0x3  }
.Ltmp8:
0x72: {  	(pc) =	sbr.rel .LBB2_20-.Ltmp8, $2  }
0x73: {  	_ =	sdelay $0x2  }
0x74: {  	[spmem:s2] =	stream.indirect.scatter.add.f32 [tilespmem:s24], [sflag:$0x5], $0x20, s19, s23, $0xb8;
	[tilespmem:$0x1CC00] =	vst v63  }
.LBB2_17:
0x75: {  	_ =	swait.ge [sflag:s30], $0x2000  }
0x76: {  	[sflag:s30] =	ssyncset.done $0x0  }
0x77: {  	[sflag:s30] =	ssyncadd.s32 $0xFFFFE000  }
.LBB2_18:
0x78: {  	_ =	swait.ge [sflag:s31], $0x100  }
0x79: {  	[sflag:s31] =	ssyncset.done $0x0  }
0x7a: {  	[sflag:s31] =	ssyncadd.s32 $0xFFFFFF00  }
0x7b: {  	_ =	swait.ge [sflag:s31], $0x100  }
0x7c: {  	[sflag:s31] =	ssyncset.done $0x0  }
0x7d: {  	[sflag:s31] =	ssyncadd.s32 $0xFFFFFF00  }
0x7e: {  	[tilespmem:s28], [sflag:$0x4] =	stream.indirect.gather [hbm4b:s5+s23], $0x20, s20, s23, $0xb8;
	[tilespmem:$0x1CC00] =	vst v63  }
0x7f: {  	_ = 	snop  }
0x80: {  	[spmem:s2] =	stream.indirect.scatter.add.f32 [tilespmem:s24], [sflag:$0x5], $0x20, s19, s23, $0xb8;
	[tilespmem:$0x1CC00] =	vst v63  }
.Ltmp9:
0x81: {  	_ = 	snop;
	(pc) =	sbr.rel .LBB2_20-.Ltmp9, $4  }
0x82: {  	_ = 	snop  }
0x83: {  	[tilespmem:s18], [sflag:$0x1] =	stream.linear.gather [hbm4b:s15+s3], $0x100, $0x38;
	[tilespmem:$0x1CC00] =	vst v63  }
0x84: {  	_ = 	snop  }
0x85: {  	[tilespmem:s19], [sflag:$0x1] =	stream.linear.gather [hbm4b:s14+s3], $0x100, $0x38;
	[tilespmem:$0x1CC00] =	vst v63  }
.LBB2_2:
.Ltmp10:
0x86: {  	(pc) =	sbr.rel .LBB2_3-.Ltmp10, $3  }
0x87: {  	_ =	sdelay $0x1  }
0x88: {  	[tilespmem:s24], [sflag:$0x3] =	stream.indirect.gather [hbm4b:s4+s23], $0x20, s18, s23, $0xb8;
	[tilespmem:$0x1CC00] =	vst v63  }
0x89: {  	s1 =	simm.s32 $0x0;
	s15 =	smov.u32 s6;
	s14 =	smov.u32 s8  }
.LBB2_9:
0x8a: {  	_ =	swait.ge [sflag:s25], $0x2000  }
0x8b: {  	[sflag:s25] =	ssyncset.done $0x0  }
0x8c: {  	[sflag:s25] =	ssyncadd.s32 $0xFFFFE000  }
0x8d: {  	_ =	swait.ge [sflag:s26], $0x2000  }
0x8e: {  	[sflag:s26] =	ssyncset.done $0x0  }
0x8f: {  	[sflag:s26] =	ssyncadd.s32 $0xFFFFE000  }
0x90: {  	_ =	swait.ge [sflag:s22], $0x100  }
0x91: {  	[sflag:s22] =	ssyncset.done $0x0  }
0x92: {  	[sflag:s22] =	ssyncadd.s32 $0xFFFFFF00  }
0x93: {  	_ =	swait.ge [sflag:s22], $0x100  }
0x94: {  	[sflag:s22] =	ssyncset.done $0x0  }
0x95: {  	[sflag:s22] =	ssyncadd.s32 $0xFFFFFF00  }
0x96: {  	[tilespmem:s24], [sflag:$0x3] =	stream.indirect.gather [hbm4b:s4+s23], $0x20, s18, s23, $0xb8;
	[tilespmem:$0x1CC00] =	vst v63  }
0x97: {  	_ = 	snop  }
0x98: {  	[spmem:s2] =	stream.indirect.scatter.add.f32 [tilespmem:s28], [sflag:$0x6], $0x20, s21, s23, $0xb8;
	[tilespmem:$0x1CC00] =	vst v63  }
0x99: {  	_ = 	snop  }
0x9a: {  	[tilespmem:s20], [sflag:$0x2] =	stream.linear.gather [hbm4b:s15+s3], $0x100, $0x38;
	[tilespmem:$0x1CC00] =	vst v63  }
0x9b: {  	_ = 	snop  }
0x9c: {  	[tilespmem:s21], [sflag:$0x2] =	stream.linear.gather [hbm4b:s14+s3], $0x100, $0x38;
	[tilespmem:$0x1CC00] =	vst v63  }
.LBB2_10:
0x9d: {  	s1 =	sadd.s32 $0x1, s1  }
0x9e: {  	p1 =	seq.s32 s1, $0xC2  }
.Ltmp11:
0x9f: {  	_ = 	snop;
	(pc) =	sbr.rel @p1 .LBB2_11-.Ltmp11, $2  }
0xa0: {  	_ =	sdelay $0x2  }
0xa1: {  	s14 =	sadd.s32 $0x20, s14;
	s15 =	sadd.s32 $0x20, s15  }
.LBB2_3:
0xa2: {  	s9 =	sand.u32 $0x1, s1  }
0xa3: {  	p1 =	seq.s32 s9, $0x1  }
.Ltmp12:
0xa4: {  	_ = 	snop;
	(pc) =	sbr.rel @p1 .LBB2_9-.Ltmp12, $1  }
0xa5: {  	_ =	sdelay $0x3  }
0xa6: {  	p1 =	seq.s32 s1, $0x0  }
.Ltmp13:
0xa7: {  	_ = 	snop;
	(pc) =	sbr.rel @p1 .LBB2_8-.Ltmp13, $4  }
0xa8: {  	_ = 	snop  }
0xa9: {  	_ =	swait.ge [sflag:s29], $0x2000  }
0xaa: {  	[sflag:s29] =	ssyncset.done $0x0  }
0xab: {  	[sflag:s29] =	ssyncadd.s32 $0xFFFFE000  }
0xac: {  	p1 =	sne.s32 s1, $0xC3  }
.Ltmp14:
0xad: {  	_ = 	snop;
	(pc) =	sbr.rel @p1 .LBB2_7-.Ltmp14, $1  }
0xae: {  	_ =	sdelay $0x3  }
.Ltmp15:
0xaf: {  	(pc) =	sbr.rel .LBB2_10-.Ltmp15, $2  }
0xb0: {  	_ =	sdelay $0x2  }
0xb1: {  	[spmem:s2] =	stream.indirect.scatter.add.f32 [tilespmem:s24], [sflag:$0x5], $0x20, s19, s23, $0xb8;
	[tilespmem:$0x1CC00] =	vst v63  }
.LBB2_7:
0xb2: {  	_ =	swait.ge [sflag:s30], $0x2000  }
0xb3: {  	[sflag:s30] =	ssyncset.done $0x0  }
0xb4: {  	[sflag:s30] =	ssyncadd.s32 $0xFFFFE000  }
.LBB2_8:
0xb5: {  	_ =	swait.ge [sflag:s31], $0x100  }
0xb6: {  	[sflag:s31] =	ssyncset.done $0x0  }
0xb7: {  	[sflag:s31] =	ssyncadd.s32 $0xFFFFFF00  }
0xb8: {  	_ =	swait.ge [sflag:s31], $0x100  }
0xb9: {  	[sflag:s31] =	ssyncset.done $0x0  }
0xba: {  	[sflag:s31] =	ssyncadd.s32 $0xFFFFFF00  }
0xbb: {  	[tilespmem:s28], [sflag:$0x4] =	stream.indirect.gather [hbm4b:s4+s23], $0x20, s20, s23, $0xb8;
	[tilespmem:$0x1CC00] =	vst v63  }
0xbc: {  	_ = 	snop  }
0xbd: {  	[spmem:s2] =	stream.indirect.scatter.add.f32 [tilespmem:s24], [sflag:$0x5], $0x20, s19, s23, $0xb8;
	[tilespmem:$0x1CC00] =	vst v63  }
.Ltmp16:
0xbe: {  	_ = 	snop;
	(pc) =	sbr.rel .LBB2_10-.Ltmp16, $4  }
0xbf: {  	_ = 	snop  }
0xc0: {  	[tilespmem:s18], [sflag:$0x1] =	stream.linear.gather [hbm4b:s15+s3], $0x100, $0x38;
	[tilespmem:$0x1CC00] =	vst v63  }
0xc1: {  	_ = 	snop  }
0xc2: {  	[tilespmem:s19], [sflag:$0x1] =	stream.linear.gather [hbm4b:s14+s3], $0x100, $0x38;
	[tilespmem:$0x1CC00] =	vst v63  }
.LBB2_11:
0xc3: {  	_ =	swait.ge [sflag:s29], $0x2000  }
0xc4: {  	[sflag:s29] =	ssyncset.done $0x0  }
0xc5: {  	[sflag:s29] =	ssyncadd.s32 $0xFFFFE000  }
0xc6: {  	_ =	swait.ge [sflag:s30], $0x2000  }
0xc7: {  	[sflag:s30] =	ssyncset.done $0x0  }
0xc8: {  	[sflag:s30] =	ssyncadd.s32 $0xFFFFE000  }
0xc9: {  	_ =	swait.ge [sflag:s31], $0x100  }
0xca: {  	[sflag:s31] =	ssyncset.done $0x0  }
0xcb: {  	[sflag:s31] =	ssyncadd.s32 $0xFFFFFF00  }
0xcc: {  	_ =	swait.ge [sflag:s31], $0x100  }
.Ltmp17:
0xcd: {  	[sflag:s31] =	ssyncset.done $0x0;
	(pc) =	sbr.rel .LBB2_22-.Ltmp17, $4  }
0xce: {  	[sflag:s31] =	ssyncadd.s32 $0xFFFFFF00  }
0xcf: {  	[tilespmem:s28], [sflag:$0x4] =	stream.indirect.gather [hbm4b:s4+s23], $0x20, s20, s23, $0xb8;
	[tilespmem:$0x1CC00] =	vst v63  }
0xd0: {  	_ = 	snop  }
0xd1: {  	[spmem:s2] =	stream.indirect.scatter.add.f32 [tilespmem:s24], [sflag:$0x5], $0x20, s19, s23, $0xb8;
	[tilespmem:$0x1CC00] =	vst v63  }
.LBB2_23:
0xd2: {  	_ =	sfence.sel $0x180000  }
0xd3: {  	[bflag:$0x0] =	sbarrier.arrive $0xFFFF  }
0xd4: {  	_ =	strace $0x9000004D  }
0xd5: {  	s0 =	stileid.u32;
	[bflag:$0x2] =	sbarrier.arrive $0xFFFF  }
0xd6: {  	p0 =	sne.s32 s0, $0x0;
	s0 =	rddreg [dreg:$0x2]  }
0xd7: {  	s0 =	sadd.s32 @!p0 $0x100000, s0  }
0xd8: {  	[sflag:s0] =	ssyncadd.tile.s32 @!p0 $0x1;
	_ =	shalt  }
.Lfunc_end2:
_tile_overlayer_lowered:
.L_overlay_start_2:
0xd9: {  	(tag) =	ssettag $0x2  }
0xda: {  	s0 =	rddreg [dreg:$0x0];
	s2 =	stileid.u32  }
0xdb: {  	s1 =	rddreg [dreg:$0x1];
	p0 =	sne.s32 s2, $0x0  }
0xdc: {  	s3 =	rddreg [dreg:$0x2];
	[bflag:$0x3] =	sbarrier.arrive $0xFFFF;
	s2 =	simm.s32 @!p0 $0x1C07  }
0xdd: {  	[timem:s3], [sflag:s2] =	dma.local @!p0 [hbm:s0], s1  }
0xde: {  	s0 =	simm.s32 @!p0 $0x7  }
0xdf: {  	_ =	swait.ge @!p0 [sflag:s0], s1  }
0xe0: {  	s1 =	ssub.s32 @!p0 $0x0, s1;
	[sflag:s0] =	ssyncset.done @!p0 $0x0  }
0xe1: {  	[sflag:s0] =	ssyncadd.s32 @!p0 s1  }
0xe2: {  	[bflag:$0x3] =	sbarrier.arrive $0xFFFF  }
0xe3: {  	_ =	shalt  }

// kernel: kernel.22.cloned.1.call-start
scs
__scs_entry_jumppad:
0x0: {  	(pc) =	sbr.rel $0x88, $3  }
0x1: {  	(tag) =	ssettag $0x0;
	lr =	simm.s32 $0x1  }
0x2: {  	[smem:$0x3F8D] =	sst lr;
	_ =	strace $0xD0000000  }
0x3: {  	_ = 	snop  }
0x4: {  	_ = 	snop  }
0x5: {  	_ = 	snop  }
0x6: {  	_ = 	snop  }
0x7: {  	_ = 	snop  }
__scs_overlays_trampoline_lowered:
0x8: {  	[smem:$0x3F9C] =	sst s0  }
0x9: {  	[smem:$0x3F9D] =	sst s1  }
0xa: {  	[smem:$0x3F9E] =	sst s2  }
0xb: {  	[smem:$0x3F9F] =	sst s3  }
0xc: {  	[smem:$0x3FA0] =	sst s4  }
0xd: {  	[smem:$0x3FA1] =	sst s5  }
0xe: {  	[smem:$0x3FA2] =	sst s6  }
0xf: {  	[smem:$0x3FA3] =	sst s7  }
0x10: {  	[smem:$0x3FA4] =	sst s8  }
0x11: {  	[smem:$0x3FA5] =	sst s9;
	s0 =	simm.s32 @!p0 $0x0  }
0x12: {  	s1 =	sld [smem:$0x3F8B];
	s0 =	simm.s32 @p0 $0x1  }
0x13: {  	[smem:$0x3FA6] =	sst s0;
	s0 =	simm.s32 @!p1 $0x0  }
0x14: {  	s2 =	sld [smem:$0x3F8A];
	s0 =	simm.s32 @p1 $0x1  }
0x15: {  	[smem:$0x3FA7] =	sst s0;
	s0 =	simm.s32 @!p2 $0x0  }
0x16: {  	s3 =	sld [smem:$0x3FDB];
	s0 =	simm.s32 @p2 $0x1  }
0x17: {  	s4 =	simm.s32 $0x1BF5;
	[smem:$0x3FA9] =	sst s0  }
0x18: {  	s0 =	sld [smem:$0x3F8C];
	_ =	swait.ge [sflag:s4], $0x0  }
0x19: {  	s7 =	sld [smem:$0x3F8D]  }
0x1a: {  	s8 =	sadd.s32 $0xFFFFE003, lr  }
0x1b: {  	s9 =	sadd.s32 $0xFFFFFEF7, lr;
	s5 =	simm.s32 $0xFFFFFFFF;
	p2 =	slt.u32 s8, $0xFFFFF086  }
0x1c: {  	p1 =	slt.u32 s9, $0xF7A;
	s5 =	simm.s32 @!p2 $0x0  }
0x1d: {  	s5 =	simm.s32 @p1 $0x1;
	p0 =	seq.s32 s7, s2  }
0x1e: {  	s7 =	smul.u32 @!p0 $0xF7A, s2;
	p2 =	seq.s32 @!p0 s5, $0x0  }
0x1f: {  	s9 =	smul.u32 $0xF7A, s1;
	s8 =	simm.s32 @!p0 $0x1BF5;
	p2 =	por !p2, p0  }
0x20: {  	[sflag:s8] =	ssyncset.s32 @!p0 $0xFFFFF086;
	s6 =	sadd.s32 @!p0 s3, s7;
	s7 =	simm.s32 @!p0 $0x108  }
0x21: {  	s3 =	sadd.s32 s3, s9;
	s6 =	sadd.s32 @!p0 $0x88, s6;
	s7 =	simm.s32 @p2 $0x1082  }
0x22: {  	[simem:s7], [sflag:s8] =	dma.local @!p0 [hbm:s6], $0xF7A  }
0x23: {  	s9 =	sor.u32 $0xD0000000, s2;
	s6 =	simm.s32 $0x108;
	_ =	swait.ge @!p0 [sflag:s8], $0x0  }
0x24: {  	s3 =	sadd.s32 $0x88, s3;
	s6 =	simm.s32 @!p1 $0x1082;
	[sflag:s4] =	ssyncset.s32 $0xFFFFF086  }
0x25: {  	[simem:s6], [sflag:s4] =	dma.local [hbm:s3], $0xF7A  }
0x26: {  	[smem:$0x3F8D] =	sst s1;
	(tag) =	ssettag s2;
	_ =	strace s9  }
0x27: {  	s1 =	sld [smem:$0x3F9D]  }
0x28: {  	s2 =	sld [smem:$0x3F9E]  }
0x29: {  	s4 =	sld [smem:$0x3FA0]  }
0x2a: {  	p0 =	seq.s32 s5, $0x0;
	s5 =	sld [smem:$0x3FA1]  }
0x2b: {  	s6 =	sld [smem:$0x3FA2]  }
0x2c: {  	s7 =	sld [smem:$0x3FA3]  }
0x2d: {  	s3 =	simm.s32 $0x108;
	s8 =	sld [smem:$0x3FA4]  }
0x2e: {  	s3 =	simm.s32 @!p0 $0x1082;
	s9 =	sld [smem:$0x3FA5]  }
0x2f: {  	lr =	sadd.s32 s0, s3;
	s0 =	sld [smem:$0x3F9C]  }
0x30: {  	s3 =	sld [smem:$0x3F9F]  }
0x31: {  	[smem:$0x3FA8] =	sst s10  }
0x32: {  	s10 =	sld [smem:$0x3FA6];
	_ =	sdelay $0x3  }
0x33: {  	p0 =	seq.s32 s10, $0x1;
	s10 =	sld [smem:$0x3FA8];
	_ =	sdelay $0x3  }
0x34: {  	[smem:$0x3FA8] =	sst s10  }
0x35: {  	s10 =	sld [smem:$0x3FA7];
	_ =	sdelay $0x3  }
0x36: {  	p1 =	seq.s32 s10, $0x1;
	s10 =	sld [smem:$0x3FA8];
	_ =	sdelay $0x3  }
0x37: {  	[smem:$0x3FA8] =	sst s10  }
0x38: {  	s10 =	sld [smem:$0x3FA9]  }
0x39: {  	_ = 	snop;
	(pc) =	sbr.ind lr, $3  }
0x3a: {  	_ = 	snop  }
0x3b: {  	_ = 	snop  }
0x3c: {  	p2 =	seq.s32 s10, $0x1;
	s10 =	sld [smem:$0x3FA8]  }
0x3d: {  	_ =	shalt  }
0x3e: {  	_ =	shalt  }
0x3f: {  	_ =	shalt  }
0x40: {  	_ =	shalt  }
0x41: {  	_ =	shalt  }
0x42: {  	_ =	shalt  }
0x43: {  	_ =	shalt  }
0x44: {  	_ =	shalt  }
0x45: {  	_ =	shalt  }
0x46: {  	_ =	shalt  }
0x47: {  	_ =	shalt  }
0x48: {  	_ =	shalt  }
0x49: {  	_ =	shalt  }
0x4a: {  	_ =	shalt  }
0x4b: {  	_ =	shalt  }
0x4c: {  	_ =	shalt  }
0x4d: {  	_ =	shalt  }
0x4e: {  	_ =	shalt  }
0x4f: {  	_ =	shalt  }
0x50: {  	_ =	shalt  }
0x51: {  	_ =	shalt  }
0x52: {  	_ =	shalt  }
0x53: {  	_ =	shalt  }
0x54: {  	_ =	shalt  }
0x55: {  	_ =	shalt  }
0x56: {  	_ =	shalt  }
0x57: {  	_ =	shalt  }
0x58: {  	_ =	shalt  }
0x59: {  	_ =	shalt  }
0x5a: {  	_ =	shalt  }
0x5b: {  	_ =	shalt  }
0x5c: {  	_ =	shalt  }
0x5d: {  	_ =	shalt  }
0x5e: {  	_ =	shalt  }
0x5f: {  	_ =	shalt  }
0x60: {  	_ =	shalt  }
0x61: {  	_ =	shalt  }
0x62: {  	_ =	shalt  }
0x63: {  	_ =	shalt  }
0x64: {  	_ =	shalt  }
0x65: {  	_ =	shalt  }
0x66: {  	_ =	shalt  }
0x67: {  	_ =	shalt  }
0x68: {  	_ =	shalt  }
0x69: {  	_ =	shalt  }
0x6a: {  	_ =	shalt  }
0x6b: {  	_ =	shalt  }
0x6c: {  	_ =	shalt  }
0x6d: {  	_ =	shalt  }
0x6e: {  	_ =	shalt  }
0x6f: {  	_ =	shalt  }
0x70: {  	_ =	shalt  }
0x71: {  	_ =	shalt  }
0x72: {  	_ =	shalt  }
0x73: {  	_ =	shalt  }
0x74: {  	_ =	shalt  }
0x75: {  	_ =	shalt  }
0x76: {  	_ =	shalt  }
0x77: {  	_ =	shalt  }
0x78: {  	_ =	shalt  }
0x79: {  	_ =	shalt  }
0x7a: {  	_ =	shalt  }
0x7b: {  	_ =	shalt  }
0x7c: {  	_ =	shalt  }
0x7d: {  	_ =	shalt  }
0x7e: {  	_ =	shalt  }
0x7f: {  	_ =	shalt  }
0x80: {  	_ =	shalt  }
0x81: {  	_ =	shalt  }
0x82: {  	_ =	shalt  }
0x83: {  	_ =	shalt  }
0x84: {  	_ =	shalt  }
0x85: {  	_ =	shalt  }
0x86: {  	_ =	shalt  }
0x87: {  	_ =	shalt  }
.Lfunc_end0:
.L_simem_size_0:
called_computation.3_lowered:
.L_overlay_start_0:
0x88: {  	s2 =	sld [smem:$0x3FD9]  }
0x89: {  	s3 =	sld [smem:$0x3FFE];
	_ =	sdelay $0x1  }
0x8a: {  	s1 =	srdreg.scid  }
0x8b: {  	s0 =	sand.u32 $0x1, s1  }
0x8c: {  	s16 =	sshll.u32 s0, $0xA;
	s2 =	sadd.s32 s3, s2  }
0x8d: {  	s2 =	sadd.s32 s2, s16  }
0x8e: {  	[smem:$0x3FB4] =	sst s2  }
0x8f: {  	_ = 	snop  }
0x90: {  	(tm) =	ssettm $0x1  }
0x91: {  	s17 =	sld [smem:$0x3FFB];
	_ =	sdelay $0x3  }
0x92: {  	_ =	strace s17  }
0x93: {  	s2 =	sld [smem:$0x3FFC];
	_ =	sdelay $0x3  }
0x94: {  	_ =	strace s2  }
0x95: {  	s2 =	sld [smem:$0x3FFD];
	_ =	sdelay $0x3  }
0x96: {  	_ =	strace s2  }
0x97: {  	_ =	strace $0x8FFFFFFF  }
0x98: {  	s18 =	sld [smem:$0x3FDB];
	_ =	sdelay $0x1  }
0x99: {  	s19 =	simm.s32 $_scs_section_size  }
0x9a: {  	s4 =	simm.s32 $_size__tile_overlayer_lowered;
	s5 =	simm.s32 $_tile_overlayer_lowered  }
0x9b: {  	s22 =	simm.s32 $0x1BFF;
	s21 =	sshll.u32 s5, $0x1;
	s2 =	sadd.s32 s19, s18  }
0x9c: {  	s6 =	simm.s32 $0x0;
	s20 =	sshll.u32 s4, $0x1;
	s4 =	sadd.s32 s21, s2  }
0x9d: {  	[timem:s6], [sflag:s22] =	dma.local [hbm:s4], s20  }
0x9e: {  	_ =	swait.ge [sflag:s22], s20  }
0x9f: {  	s3 =	ssub.s32 $0x0, s20;
	[sflag:s22] =	ssyncset.done $0x0  }
0xa0: {  	[sflag:s22] =	ssyncadd.s32 s3;
	_ =	sdelay $0x1  }
0xa1: {  	s23 =	simm.s32 $0x1B8B  }
0xa2: {  	_ =	swait.ge [sflag:s23], $0x1  }
0xa3: {  	[sflag:s23] =	ssyncset.done $0x0  }
0xa4: {  	s25 =	simm.s32 $0x1B8E;
	s24 =	sld [smem:$0x3FFE];
	[sflag:s23] =	ssyncadd.s32 $0xFFFFFFFF  }
0xa5: {  	s26 =	simm.s32 $execute0_lowered;
	[smem:$0x3FD2] =	sst s25  }
0xa6: {  	s4 =	sshll.u32 s26, $0x1;
	_ =	strace $0x80000049;
	[dreg:$0x1] =	wrdreg $0xFFFFFFFF  }
0xa7: {  	s28 =	simm.s32 $_size_execute0_lowered;
	s2 =	sadd.s32 s2, s4;
	[dreg:$0x0] =	wrdreg $0x0  }
0xa8: {  	s4 =	sshll.u32 s28, $0x1;
	[dreg:$0x2] =	wrdreg s2  }
0xa9: {  	[dreg:$0x3] =	wrdreg s4  }
0xaa: {  	[dreg:$0x4] =	wrdreg $0xC0  }
0xab: {  	_ =	task [dreg:s6], $0x5FFFF  }
0xac: {  	[dreg:$0x1] =	wrdreg $0xFFFFFFFF  }
0xad: {  	[dreg:$0x0] =	wrdreg $0x60  }
0xae: {  	[dreg:$0x2] =	wrdreg s24  }
0xaf: {  	[dreg:$0x3] =	wrdreg $0x0  }
0xb0: {  	[dreg:$0x4] =	wrdreg $0xB  }
0xb1: {  	_ =	task.clear_ibuf [dreg:s6], $0x5FFFF;
	_ =	strace $0x90000049  }
0xb2: {  	s29 =	simm.s32 $0xB;
	_ =	strace $0x8000004B  }
0xb3: {  	_ =	swait.ge [sflag:s29], $0x1  }
0xb4: {  	[sflag:s29] =	ssyncadd.s32 $0xFFFFFFFF  }
0xb5: {  	_ =	strace $0x9000004B  }
0xb6: {  	_ =	sfence  }
0xb7: {  	s30 =	sld [smem:$0x0];
	_ =	sdelay $0x2  }
0xb8: {  	s31 =	sshll.u32 s1, $0xD;
	s1 =	sshrl.u32 s1, $0x2  }
0xb9: {  	s3 =	sand.u32 $0x4000, s31;
	s1 =	sadd.s32 s1, s30  }
0xba: {  	s0 =	sor.u32 s3, s0;
	s1 =	sshll.u32 s1, $0x11  }
0xbb: {  	s0 =	sor.u32 s1, s0  }
0xbc: {  	s0 =	sadd.s32 $0x8F2B, s0  }
0xbd: {  	[sflag:s0] =	ssyncadd.remote.s32 $0x1  }
0xbe: {  	_ =	sfence.sel $0xFFFF  }
0xbf: {  	[dreg:$0x0] =	wrdreg $0xFFFFFFFF;
	(pc) =	sbr.abs _section_cstart, $3  }
0xc0: {  	[dreg:$0x1] =	wrdreg $0xFFFFFFFF  }
0xc1: {  	_ =	task.clear_ibuf [dreg:s6], $0x2FFFF;
	_ =	strace $0x9FFFFFFF  }
0xc2: {  	(tm) =	ssettm $0x7FFFFFFF  }
0xc3: {  	_ =	shalt  }
tec
execute0_lowered:
.L_overlay_start_1:
0x0: {  	(tag) =	ssettag $0x1  }
0x1: {  	s0 =	rddreg [dreg:$0x0]  }
0x2: {  	s2 =	rddreg [dreg:$0x1]  }
0x3: {  	s3 =	simm.s32 $0x0;
	s1 =	srdreg.scid;
	s12 =	stileid.u32  }
0x4: {  	s17 =	simm.s32 $0x7;
	s28 =	simm.s32 $0x1AC00;
	s29 =	simm.s32 $0x3  }
0x5: {  	s30 =	simm.s32 $0x6;
	s31 =	simm.s32 $0x2;
	[smem:$0x7FF] =	sst s3  }
0x6: {  	s1 =	sand.u32 $0x1, s1;
	s6 =	smul.u32 $0x18800, s12;
	s4 =	sadd.s32 $0x3F400, s0  }
0x7: {  	s5 =	sadd.s32 $0xE600, s0;
	s8 =	sadd.s32 $0x70200, s0;
	s11 =	smul.u32 $0xC400, s12  }
0x8: {  	s14 =	sadd.s32 $0x88A00, s0;
	s13 =	sadd.s32 $0xB400, s0;
	s24 =	smul.u32 $0x1880, s12  }
0x9: {  	s19 =	sshll.u32 s12, $0x6;
	_ =	strace $0x8000004A;
	s7 =	smul.u32 $0x188000, s1  }
0xa: {  	s9 =	ssub.s32 $0x2, s1;
	[dreg:$0x3] =	wrdreg s13;
	p0 =	seq.s32 s1, $0x1  }
0xb: {  	s10 =	sshrl.u32 s9, $0x1;
	s15 =	sadd.s32 s6, s2;
	s20 =	sshrl.u32 s11, $0x3  }
0xc: {  	s25 =	sadd.s32 s24, s14;
	s26 =	sadd.s32 s24, s8;
	s24 =	simm.s32 $0x18C00  }
0xd: {  	s7 =	sadd.s32 s6, s7;
	s18 =	ssub.s32 s9, s10;
	s21 =	sadd.s32 s8, s20  }
0xe: {  	s22 =	sadd.s32 s14, s20;
	s23 =	sor.u32 $0x20, s20;
	s6 =	sadd.s32 $0x40, s26  }
0xf: {  	s16 =	sshrl.u32 s15, $0x3;
	s20 =	simm.s32 $0x18900;
	[dreg:$0x4] =	wrdreg s21  }
0x10: {  	s26 =	simm.s32 $0x5;
	s7 =	sshrl.u32 s7, $0x3;
	[dreg:$0x5] =	wrdreg s22  }
.Ltmp0:
0x11: {  	s10 =	sadd.s32 s8, s23;
	s11 =	sadd.s32 s14, s23;
	(pc) =	sbr.rel .LBB2_1-.Ltmp0, $4  }
0x12: {  	s13 =	smax.u32 s18, $0x1;
	s8 =	sadd.s32 $0x40, s25;
	s18 =	simm.s32 $0x18800  }
0x13: {  	s21 =	simm.s32 $0x18B00;
	s22 =	simm.s32 $0x1;
	s23 =	simm.s32 $0x100  }
0x14: {  	s25 =	simm.s32 $0x4;
	s0 =	sadd.s32 s7, s0;
	s7 =	sor.u32 $0x1C07, s19  }
0x15: {  	s19 =	simm.s32 $0x18A00;
	s12 =	sadd.s32 $0xA1200, s0;
	s0 =	simm.s32 $0x0  }
.LBB2_21:
0x16: {  	_ =	swait.ge [sflag:s29], $0x2000  }
0x17: {  	[sflag:s29] =	ssyncset.done $0x0  }
0x18: {  	[sflag:s29] =	ssyncadd.s32 $0xFFFFE000  }
0x19: {  	_ =	swait.ge [sflag:s30], $0x2000  }
0x1a: {  	[sflag:s30] =	ssyncset.done $0x0  }
0x1b: {  	[sflag:s30] =	ssyncadd.s32 $0xFFFFE000  }
0x1c: {  	_ =	swait.ge [sflag:s31], $0x100  }
0x1d: {  	[sflag:s31] =	ssyncset.done $0x0  }
0x1e: {  	[sflag:s31] =	ssyncadd.s32 $0xFFFFFF00  }
0x1f: {  	_ =	swait.ge [sflag:s31], $0x100  }
0x20: {  	[sflag:s31] =	ssyncset.done $0x0  }
0x21: {  	[sflag:s31] =	ssyncadd.s32 $0xFFFFFF00  }
0x22: {  	[tilespmem:s28], [sflag:$0x4] =	stream.indirect.gather [hbm4b:s5+s23], $0x20, s20, s23, $0xb8;
	[tilespmem:$0x1CC00] =	vst v63  }
0x23: {  	_ = 	snop  }
0x24: {  	[spmem:s2] =	stream.indirect.scatter.add.f32 [tilespmem:s24], [sflag:$0x5], $0x20, s19, s23, $0xb8;
	[tilespmem:$0x1CC00] =	vst v63  }
.LBB2_22:
0x25: {  	_ =	swait.ge [sflag:s25], $0x2000  }
0x26: {  	[sflag:s25] =	ssyncset.done $0x0  }
0x27: {  	[sflag:s25] =	ssyncadd.s32 $0xFFFFE000  }
0x28: {  	[spmem:s2] =	stream.indirect.scatter.add.f32 [tilespmem:s28], [sflag:$0x6], $0x20, s21, s23, $0xb8;
	[tilespmem:$0x1CC00] =	vst v63  }
0x29: {  	_ =	swait.ge [sflag:s26], $0x2000  }
0x2a: {  	[sflag:s26] =	ssyncset.done $0x0  }
0x2b: {  	[sflag:s26] =	ssyncadd.s32 $0xFFFFE000  }
0x2c: {  	_ =	swait.ge [sflag:s30], $0x2000  }
0x2d: {  	[sflag:s30] =	ssyncset.done $0x0  }
0x2e: {  	s0 =	sadd.s32 $0x1, s0;
	[sflag:s30] =	ssyncadd.s32 $0xFFFFE000  }
0x2f: {  	p1 =	sne.s32 s0, s13;
	[bflag:$0x0] =	sbarrier.arrive $0xFFFF  }
0x30: {  	[hbm:s12], [sflag:s7] =	dma.local [spmem:s16], $0x3100  }
.Ltmp1:
0x31: {  	_ =	swait.ge [sflag:s17], $0x3100;
	(pc) =	sbr.rel @!p1 .LBB2_23-.Ltmp1, $3  }
0x32: {  	[sflag:s17] =	ssyncset.done $0x0  }
0x33: {  	[sflag:s17] =	ssyncadd.s32 $0xFFFFCF00  }
0x34: {  	[bflag:$0x0] =	sbarrier.arrive $0xFFFF;
	_ =	sdelay $0x1  }
.LBB2_1:
0x35: {  	s1 =	rddreg [dreg:$0x3]  }
0x36: {  	[spmem:s16], [sflag:s7] =	dma.local [hbm:s1], $0x3100  }
0x37: {  	_ =	swait.ge [sflag:s17], $0x3100  }
0x38: {  	[sflag:s17] =	ssyncset.done $0x0  }
0x39: {  	[sflag:s17] =	ssyncadd.s32 $0xFFFFCF00  }
0x3a: {  	[bflag:$0x0] =	sbarrier.arrive $0xFFFF  }
0x3b: {  	s14 =	rddreg [dreg:$0x4]  }
0x3c: {  	[tilespmem:s18], [sflag:$0x1] =	stream.linear.gather [hbm4b:s14+s3], $0x100, $0x38;
	[tilespmem:$0x1CC00] =	vst v63  }
0x3d: {  	s15 =	rddreg [dreg:$0x5]  }
0x3e: {  	[tilespmem:s19], [sflag:$0x1] =	stream.linear.gather [hbm4b:s15+s3], $0x100, $0x38;
	[tilespmem:$0x1CC00] =	vst v63  }
0x3f: {  	_ = 	snop  }
0x40: {  	[tilespmem:s20], [sflag:$0x2] =	stream.linear.gather [hbm4b:s10+s3], $0x100, $0x38;
	[tilespmem:$0x1CC00] =	vst v63  }
0x41: {  	_ = 	snop  }
0x42: {  	[tilespmem:s21], [sflag:$0x2] =	stream.linear.gather [hbm4b:s11+s3], $0x100, $0x38;
	[tilespmem:$0x1CC00] =	vst v63  }
0x43: {  	_ =	swait.ge [sflag:s22], $0x100  }
.Ltmp2:
0x44: {  	[sflag:s22] =	ssyncset.done $0x0;
	(pc) =	sbr.rel @!p0 .LBB2_2-.Ltmp2, $4  }
0x45: {  	[sflag:s22] =	ssyncadd.s32 $0xFFFFFF00  }
0x46: {  	_ =	swait.ge [sflag:s22], $0x100  }
0x47: {  	[sflag:s22] =	ssyncset.done $0x0  }
0x48: {  	[sflag:s22] =	ssyncadd.s32 $0xFFFFFF00  }
.Ltmp3:
0x49: {  	(pc) =	sbr.rel .LBB2_13-.Ltmp3, $3  }
0x4a: {  	_ =	sdelay $0x1  }
0x4b: {  	[tilespmem:s24], [sflag:$0x3] =	stream.indirect.gather [hbm4b:s5+s23], $0x20, s18, s23, $0xb8;
	[tilespmem:$0x1CC00] =	vst v63  }
0x4c: {  	s1 =	simm.s32 $0x0;
	s15 =	smov.u32 s6;
	s14 =	smov.u32 s8  }
.LBB2_19:
0x4d: {  	_ =	swait.ge [sflag:s25], $0x2000  }
0x4e: {  	[sflag:s25] =	ssyncset.done $0x0  }
0x4f: {  	[sflag:s25] =	ssyncadd.s32 $0xFFFFE000  }
0x50: {  	_ =	swait.ge [sflag:s26], $0x2000  }
0x51: {  	[sflag:s26] =	ssyncset.done $0x0  }
0x52: {  	[sflag:s26] =	ssyncadd.s32 $0xFFFFE000  }
0x53: {  	_ =	swait.ge [sflag:s22], $0x100  }
0x54: {  	[sflag:s22] =	ssyncset.done $0x0  }
0x55: {  	[sflag:s22] =	ssyncadd.s32 $0xFFFFFF00  }
0x56: {  	_ =	swait.ge [sflag:s22], $0x100  }
0x57: {  	[sflag:s22] =	ssyncset.done $0x0  }
0x58: {  	[sflag:s22] =	ssyncadd.s32 $0xFFFFFF00  }
0x59: {  	[tilespmem:s24], [sflag:$0x3] =	stream.indirect.gather [hbm4b:s5+s23], $0x20, s18, s23, $0xb8;
	[tilespmem:$0x1CC00] =	vst v63  }
0x5a: {  	_ = 	snop  }
0x5b: {  	[spmem:s2] =	stream.indirect.scatter.add.f32 [tilespmem:s28], [sflag:$0x6], $0x20, s21, s23, $0xb8;
	[tilespmem:$0x1CC00] =	vst v63  }
0x5c: {  	_ = 	snop  }
0x5d: {  	[tilespmem:s20], [sflag:$0x2] =	stream.linear.gather [hbm4b:s15+s3], $0x100, $0x38;
	[tilespmem:$0x1CC00] =	vst v63  }
0x5e: {  	_ = 	snop  }
0x5f: {  	[tilespmem:s21], [sflag:$0x2] =	stream.linear.gather [hbm4b:s14+s3], $0x100, $0x38;
	[tilespmem:$0x1CC00] =	vst v63  }
.LBB2_20:
0x60: {  	s1 =	sadd.s32 $0x1, s1  }
0x61: {  	p1 =	sne.s32 s1, $0xC2  }
.Ltmp4:
0x62: {  	_ = 	snop;
	(pc) =	sbr.rel @!p1 .LBB2_21-.Ltmp4, $2  }
0x63: {  	_ =	sdelay $0x2  }
0x64: {  	s14 =	sadd.s32 $0x20, s14;
	s15 =	sadd.s32 $0x20, s15  }
.LBB2_13:
0x65: {  	s9 =	sand.u32 $0x1, s1  }
0x66: {  	p1 =	seq.s32 s9, $0x1  }
.Ltmp5:
0x67: {  	_ = 	snop;
	(pc) =	sbr.rel @p1 .LBB2_19-.Ltmp5, $1  }
0x68: {  	_ =	sdelay $0x3  }
0x69: {  	p1 =	seq.s32 s1, $0x0  }
.Ltmp6:
0x6a: {  	_ = 	snop;
	(pc) =	sbr.rel @p1 .LBB2_18-.Ltmp6, $4  }
0x6b: {  	_ = 	snop  }
0x6c: {  	_ =	swait.ge [sflag:s29], $0x2000  }
0x6d: {  	[sflag:s29] =	ssyncset.done $0x0  }
0x6e: {  	[sflag:s29] =	ssyncadd.s32 $0xFFFFE000  }
0x6f: {  	p1 =	sne.s32 s1, $0xC3  }
.Ltmp7:
0x70: {  	_ = 	snop;
	(pc) =	sbr.rel @p1 .LBB2_17-.Ltmp7, $1  }
0x71: {  	_ =	sdelay $0x3  }
.Ltmp8:
0x72: {  	(pc) =	sbr.rel .LBB2_20-.Ltmp8, $2  }
0x73: {  	_ =	sdelay $0x2  }
0x74: {  	[spmem:s2] =	stream.indirect.scatter.add.f32 [tilespmem:s24], [sflag:$0x5], $0x20, s19, s23, $0xb8;
	[tilespmem:$0x1CC00] =	vst v63  }
.LBB2_17:
0x75: {  	_ =	swait.ge [sflag:s30], $0x2000  }
0x76: {  	[sflag:s30] =	ssyncset.done $0x0  }
0x77: {  	[sflag:s30] =	ssyncadd.s32 $0xFFFFE000  }
.LBB2_18:
0x78: {  	_ =	swait.ge [sflag:s31], $0x100  }
0x79: {  	[sflag:s31] =	ssyncset.done $0x0  }
0x7a: {  	[sflag:s31] =	ssyncadd.s32 $0xFFFFFF00  }
0x7b: {  	_ =	swait.ge [sflag:s31], $0x100  }
0x7c: {  	[sflag:s31] =	ssyncset.done $0x0  }
0x7d: {  	[sflag:s31] =	ssyncadd.s32 $0xFFFFFF00  }
0x7e: {  	[tilespmem:s28], [sflag:$0x4] =	stream.indirect.gather [hbm4b:s5+s23], $0x20, s20, s23, $0xb8;
	[tilespmem:$0x1CC00] =	vst v63  }
0x7f: {  	_ = 	snop  }
0x80: {  	[spmem:s2] =	stream.indirect.scatter.add.f32 [tilespmem:s24], [sflag:$0x5], $0x20, s19, s23, $0xb8;
	[tilespmem:$0x1CC00] =	vst v63  }
.Ltmp9:
0x81: {  	_ = 	snop;
	(pc) =	sbr.rel .LBB2_20-.Ltmp9, $4  }
0x82: {  	_ = 	snop  }
0x83: {  	[tilespmem:s18], [sflag:$0x1] =	stream.linear.gather [hbm4b:s15+s3], $0x100, $0x38;
	[tilespmem:$0x1CC00] =	vst v63  }
0x84: {  	_ = 	snop  }
0x85: {  	[tilespmem:s19], [sflag:$0x1] =	stream.linear.gather [hbm4b:s14+s3], $0x100, $0x38;
	[tilespmem:$0x1CC00] =	vst v63  }
.LBB2_2:
.Ltmp10:
0x86: {  	(pc) =	sbr.rel .LBB2_3-.Ltmp10, $3  }
0x87: {  	_ =	sdelay $0x1  }
0x88: {  	[tilespmem:s24], [sflag:$0x3] =	stream.indirect.gather [hbm4b:s4+s23], $0x20, s18, s23, $0xb8;
	[tilespmem:$0x1CC00] =	vst v63  }
0x89: {  	s1 =	simm.s32 $0x0;
	s15 =	smov.u32 s6;
	s14 =	smov.u32 s8  }
.LBB2_9:
0x8a: {  	_ =	swait.ge [sflag:s25], $0x2000  }
0x8b: {  	[sflag:s25] =	ssyncset.done $0x0  }
0x8c: {  	[sflag:s25] =	ssyncadd.s32 $0xFFFFE000  }
0x8d: {  	_ =	swait.ge [sflag:s26], $0x2000  }
0x8e: {  	[sflag:s26] =	ssyncset.done $0x0  }
0x8f: {  	[sflag:s26] =	ssyncadd.s32 $0xFFFFE000  }
0x90: {  	_ =	swait.ge [sflag:s22], $0x100  }
0x91: {  	[sflag:s22] =	ssyncset.done $0x0  }
0x92: {  	[sflag:s22] =	ssyncadd.s32 $0xFFFFFF00  }
0x93: {  	_ =	swait.ge [sflag:s22], $0x100  }
0x94: {  	[sflag:s22] =	ssyncset.done $0x0  }
0x95: {  	[sflag:s22] =	ssyncadd.s32 $0xFFFFFF00  }
0x96: {  	[tilespmem:s24], [sflag:$0x3] =	stream.indirect.gather [hbm4b:s4+s23], $0x20, s18, s23, $0xb8;
	[tilespmem:$0x1CC00] =	vst v63  }
0x97: {  	_ = 	snop  }
0x98: {  	[spmem:s2] =	stream.indirect.scatter.add.f32 [tilespmem:s28], [sflag:$0x6], $0x20, s21, s23, $0xb8;
	[tilespmem:$0x1CC00] =	vst v63  }
0x99: {  	_ = 	snop  }
0x9a: {  	[tilespmem:s20], [sflag:$0x2] =	stream.linear.gather [hbm4b:s15+s3], $0x100, $0x38;
	[tilespmem:$0x1CC00] =	vst v63  }
0x9b: {  	_ = 	snop  }
0x9c: {  	[tilespmem:s21], [sflag:$0x2] =	stream.linear.gather [hbm4b:s14+s3], $0x100, $0x38;
	[tilespmem:$0x1CC00] =	vst v63  }
.LBB2_10:
0x9d: {  	s1 =	sadd.s32 $0x1, s1  }
0x9e: {  	p1 =	seq.s32 s1, $0xC2  }
.Ltmp11:
0x9f: {  	_ = 	snop;
	(pc) =	sbr.rel @p1 .LBB2_11-.Ltmp11, $2  }
0xa0: {  	_ =	sdelay $0x2  }
0xa1: {  	s14 =	sadd.s32 $0x20, s14;
	s15 =	sadd.s32 $0x20, s15  }
.LBB2_3:
0xa2: {  	s9 =	sand.u32 $0x1, s1  }
0xa3: {  	p1 =	seq.s32 s9, $0x1  }
.Ltmp12:
0xa4: {  	_ = 	snop;
	(pc) =	sbr.rel @p1 .LBB2_9-.Ltmp12, $1  }
0xa5: {  	_ =	sdelay $0x3  }
0xa6: {  	p1 =	seq.s32 s1, $0x0  }
.Ltmp13:
0xa7: {  	_ = 	snop;
	(pc) =	sbr.rel @p1 .LBB2_8-.Ltmp13, $4  }
0xa8: {  	_ = 	snop  }
0xa9: {  	_ =	swait.ge [sflag:s29], $0x2000  }
0xaa: {  	[sflag:s29] =	ssyncset.done $0x0  }
0xab: {  	[sflag:s29] =	ssyncadd.s32 $0xFFFFE000  }
0xac: {  	p1 =	sne.s32 s1, $0xC3  }
.Ltmp14:
0xad: {  	_ = 	snop;
	(pc) =	sbr.rel @p1 .LBB2_7-.Ltmp14, $1  }
0xae: {  	_ =	sdelay $0x3  }
.Ltmp15:
0xaf: {  	(pc) =	sbr.rel .LBB2_10-.Ltmp15, $2  }
0xb0: {  	_ =	sdelay $0x2  }
0xb1: {  	[spmem:s2] =	stream.indirect.scatter.add.f32 [tilespmem:s24], [sflag:$0x5], $0x20, s19, s23, $0xb8;
	[tilespmem:$0x1CC00] =	vst v63  }
.LBB2_7:
0xb2: {  	_ =	swait.ge [sflag:s30], $0x2000  }
0xb3: {  	[sflag:s30] =	ssyncset.done $0x0  }
0xb4: {  	[sflag:s30] =	ssyncadd.s32 $0xFFFFE000  }
.LBB2_8:
0xb5: {  	_ =	swait.ge [sflag:s31], $0x100  }
0xb6: {  	[sflag:s31] =	ssyncset.done $0x0  }
0xb7: {  	[sflag:s31] =	ssyncadd.s32 $0xFFFFFF00  }
0xb8: {  	_ =	swait.ge [sflag:s31], $0x100  }
0xb9: {  	[sflag:s31] =	ssyncset.done $0x0  }
0xba: {  	[sflag:s31] =	ssyncadd.s32 $0xFFFFFF00  }
0xbb: {  	[tilespmem:s28], [sflag:$0x4] =	stream.indirect.gather [hbm4b:s4+s23], $0x20, s20, s23, $0xb8;
	[tilespmem:$0x1CC00] =	vst v63  }
0xbc: {  	_ = 	snop  }
0xbd: {  	[spmem:s2] =	stream.indirect.scatter.add.f32 [tilespmem:s24], [sflag:$0x5], $0x20, s19, s23, $0xb8;
	[tilespmem:$0x1CC00] =	vst v63  }
.Ltmp16:
0xbe: {  	_ = 	snop;
	(pc) =	sbr.rel .LBB2_10-.Ltmp16, $4  }
0xbf: {  	_ = 	snop  }
0xc0: {  	[tilespmem:s18], [sflag:$0x1] =	stream.linear.gather [hbm4b:s15+s3], $0x100, $0x38;
	[tilespmem:$0x1CC00] =	vst v63  }
0xc1: {  	_ = 	snop  }
0xc2: {  	[tilespmem:s19], [sflag:$0x1] =	stream.linear.gather [hbm4b:s14+s3], $0x100, $0x38;
	[tilespmem:$0x1CC00] =	vst v63  }
.LBB2_11:
0xc3: {  	_ =	swait.ge [sflag:s29], $0x2000  }
0xc4: {  	[sflag:s29] =	ssyncset.done $0x0  }
0xc5: {  	[sflag:s29] =	ssyncadd.s32 $0xFFFFE000  }
0xc6: {  	_ =	swait.ge [sflag:s30], $0x2000  }
0xc7: {  	[sflag:s30] =	ssyncset.done $0x0  }
0xc8: {  	[sflag:s30] =	ssyncadd.s32 $0xFFFFE000  }
0xc9: {  	_ =	swait.ge [sflag:s31], $0x100  }
0xca: {  	[sflag:s31] =	ssyncset.done $0x0  }
0xcb: {  	[sflag:s31] =	ssyncadd.s32 $0xFFFFFF00  }
0xcc: {  	_ =	swait.ge [sflag:s31], $0x100  }
.Ltmp17:
0xcd: {  	[sflag:s31] =	ssyncset.done $0x0;
	(pc) =	sbr.rel .LBB2_22-.Ltmp17, $4  }
0xce: {  	[sflag:s31] =	ssyncadd.s32 $0xFFFFFF00  }
0xcf: {  	[tilespmem:s28], [sflag:$0x4] =	stream.indirect.gather [hbm4b:s4+s23], $0x20, s20, s23, $0xb8;
	[tilespmem:$0x1CC00] =	vst v63  }
0xd0: {  	_ = 	snop  }
0xd1: {  	[spmem:s2] =	stream.indirect.scatter.add.f32 [tilespmem:s24], [sflag:$0x5], $0x20, s19, s23, $0xb8;
	[tilespmem:$0x1CC00] =	vst v63  }
.LBB2_23:
0xd2: {  	_ =	sfence.sel $0x180000  }
0xd3: {  	[bflag:$0x0] =	sbarrier.arrive $0xFFFF  }
0xd4: {  	_ =	strace $0x9000004A  }
0xd5: {  	s0 =	stileid.u32;
	[bflag:$0x2] =	sbarrier.arrive $0xFFFF  }
0xd6: {  	p0 =	sne.s32 s0, $0x0;
	s0 =	rddreg [dreg:$0x2]  }
0xd7: {  	s0 =	sadd.s32 @!p0 $0x100000, s0  }
0xd8: {  	[sflag:s0] =	ssyncadd.tile.s32 @!p0 $0x1;
	_ =	shalt  }
.Lfunc_end2:
_tile_overlayer_lowered:
.L_overlay_start_2:
0xd9: {  	(tag) =	ssettag $0x2  }
0xda: {  	s0 =	rddreg [dreg:$0x0];
	s2 =	stileid.u32  }
0xdb: {  	s1 =	rddreg [dreg:$0x1];
	p0 =	sne.s32 s2, $0x0  }
0xdc: {  	s3 =	rddreg [dreg:$0x2];
	[bflag:$0x3] =	sbarrier.arrive $0xFFFF;
	s2 =	simm.s32 @!p0 $0x1C07  }
0xdd: {  	[timem:s3], [sflag:s2] =	dma.local @!p0 [hbm:s0], s1  }
0xde: {  	s0 =	simm.s32 @!p0 $0x7  }
0xdf: {  	_ =	swait.ge @!p0 [sflag:s0], s1  }
0xe0: {  	s1 =	ssub.s32 @!p0 $0x0, s1;
	[sflag:s0] =	ssyncset.done @!p0 $0x0  }
0xe1: {  	[sflag:s0] =	ssyncadd.s32 @!p0 s1  }
0xe2: {  	[bflag:$0x3] =	sbarrier.arrive $0xFFFF  }
0xe3: {  	_ =	shalt  }

</sc_bundles>
